<compile_context>
chip_gen: v7x
topology: tpu7x:2x2x1
jax: 0.10.2.dev20260603
libtpu: 0.0.44.dev20260713+nightly
codegen_flags: <defaults>
</compile_context>

<pallas_src>
import functools

import jax
import jax.numpy as jnp
from jax import lax
from jax.experimental import pallas as pl
from jax.experimental.pallas import tpu as pltpu
from jax.experimental.pallas import tpu_sc as plsc

NS = 16
NC = 2
LANES = 16
D = 64
NREG = D // LANES
CH = 1024
GB = 256
PEND = GB + 32
ZROWS = 64
MAX_BS = 20480


def _pick_blocks(n_dst):
    for nb in (2, 4, 6, 8, 10, 12):
        bs = -(-n_dst // nb)
        bs = -(-bs // 4096) * 4096
        if bs <= MAX_BS:
            return nb, bs
    raise ValueError(f"n_dst {n_dst} too large")


def _pad_edges(dst, src, vals, n_dst):
    e = dst.shape[0]
    e_pad = -(-e // (2 * NS * CH)) * (2 * NS * CH)
    if e_pad != e:
        pad = e_pad - e
        pdst = (jnp.arange(pad, dtype=jnp.int32) * 97) % n_dst
        psrc = (jnp.arange(pad, dtype=jnp.int32) * 89) % n_dst
        dst = jnp.concatenate([dst, pdst])
        src = jnp.concatenate([src, psrc])
        vals = jnp.concatenate([vals, jnp.zeros((pad,), jnp.float32)])
    return dst, src, vals, e_pad


@functools.partial(jax.jit, static_argnames=("n_dst",))
def _sc_bucketize(dst, src, vals, n_dst):
    dst, src, vals, e_pad = _pad_edges(dst, src, vals, n_dst)
    nb, bs = _pick_blocks(n_dst)
    nbh = nb // NC
    per = e_pad // NS
    rg = 16 + per + GB
    nw = NC * NS
    mesh = plsc.VectorSubcoreMesh(core_axis_name="c", subcore_axis_name="s")

    @functools.partial(
        pl.kernel,
        out_type=(jax.ShapeDtypeStruct((nw, nbh, rg), jnp.int32),
                  jax.ShapeDtypeStruct((nw, nbh, rg), jnp.int32),
                  jax.ShapeDtypeStruct((nw, nbh, rg), jnp.float32)),
        mesh=mesh,
        compiler_params=pltpu.CompilerParams(needs_layout_passes=False,
                                             use_tc_tiling_on_sc=False),
        scratch_types=[
            pltpu.VMEM((2, CH), jnp.int32),
            pltpu.VMEM((2, CH), jnp.int32),
            pltpu.VMEM((2, CH), jnp.float32),
            pltpu.VMEM((nbh, PEND), jnp.int32),
            pltpu.VMEM((nbh, PEND), jnp.int32),
            pltpu.VMEM((nbh, PEND), jnp.float32),
            pltpu.VMEM((16,), jnp.int32),
            pltpu.SemaphoreType.DMA,
            pltpu.SemaphoreType.DMA,
        ],
    )
    def bkt(dst_hbm, src_hbm, val_hbm, bd_hbm, bsr_hbm, bv_hbm,
            dch, sch, vch, pdst, psrc, pval, hdr, sem0, sem1):
        c = lax.axis_index("c")
        w = lax.axis_index("s")
        wid = c * NS + w
        zi = jnp.zeros((LANES,), jnp.int32)
        zf = jnp.zeros((LANES,), jnp.float32)
        sems = (sem0, sem1)

        @pl.loop(0, PEND // LANES)
        def _(i):
            sl = pl.ds(i * LANES, LANES)
            for k in range(nbh):
                pdst.at[k][sl] = zi
                psrc.at[k][sl] = zi
                pval.at[k][sl] = zf

        def start_load(ci, b):
            off = w * per + ci * CH
            pltpu.async_copy(dst_hbm.at[pl.ds(off, CH)], dch.at[b], sems[b])
            pltpu.async_copy(src_hbm.at[pl.ds(off, CH)], sch.at[b], sems[b])
            pltpu.async_copy(val_hbm.at[pl.ds(off, CH)], vch.at[b], sems[b])

        def wait_load(b):
            off = w * per
            pltpu.make_async_copy(dst_hbm.at[pl.ds(off, CH)], dch.at[b],
                                  sems[b]).wait()
            pltpu.make_async_copy(src_hbm.at[pl.ds(off, CH)], sch.at[b],
                                  sems[b]).wait()
            pltpu.make_async_copy(val_hbm.at[pl.ds(off, CH)], vch.at[b],
                                  sems[b]).wait()

        def flush(k, blk):
            off = pl.ds(16 + blk * GB, GB)
            pltpu.sync_copy(pdst.at[k, pl.ds(0, GB)], bd_hbm.at[wid, k, off])
            pltpu.sync_copy(psrc.at[k, pl.ds(0, GB)], bsr_hbm.at[wid, k, off])
            pltpu.sync_copy(pval.at[k, pl.ds(0, GB)], bv_hbm.at[wid, k, off])

        def compact(b, st):
            db, sb, vb = dch.at[b], sch.at[b], vch.at[b]

            def vec_body(i, st):
                sl = pl.ds(i * LANES, LANES)
                d = db[sl]
                s = sb[sl]
                v = vb[sl]
                nst = []
                for k in range(nbh):
                    p, blk = st[2 * k], st[2 * k + 1]
                    lo = (k * NC + c) * bs
                    m = (d >= lo) & (d < lo + bs)
                    plsc.store_compressed(pdst.at[k, pl.ds(p, LANES)],
                                          d - lo, mask=m)
                    plsc.store_compressed(psrc.at[k, pl.ds(p, LANES)],
                                          s, mask=m)
                    plsc.store_compressed(pval.at[k, pl.ds(p, LANES)],
                                          v, mask=m)
                    p = p + plsc.all_reduce_population_count(m)[0]
                    full = p >= GB

                    @pl.when(full)
                    def _(k=k, blk=blk):
                        flush(k, blk)
                        rd = pdst[k, pl.ds(GB, LANES)]
                        rs = psrc[k, pl.ds(GB, LANES)]
                        rv = pval[k, pl.ds(GB, LANES)]
                        pdst.at[k][pl.ds(0, LANES)] = rd
                        psrc.at[k][pl.ds(0, LANES)] = rs
                        pval.at[k][pl.ds(0, LANES)] = rv

                    nst.append(jnp.where(full, p - GB, p))
                    nst.append(jnp.where(full, blk + 1, blk))
                return tuple(nst)

            return lax.fori_loop(0, CH // LANES, vec_body, st)

        start_load(0, 0)

        def pair_body(gp, st):
            ci = gp * 2
            start_load(ci + 1, 1)
            wait_load(0)
            st = compact(0, st)

            @pl.when(ci + 2 < nchunks)
            def _():
                start_load(ci + 2, 0)

            wait_load(1)
            return compact(1, st)

        nchunks = per // CH
        zero = jnp.int32(0)
        st = lax.fori_loop(0, nchunks // 2, pair_body, (zero,) * (2 * nbh))

        iot = lax.broadcasted_iota(jnp.int32, (LANES,), 0)
        for k in range(nbh):
            p, blk = st[2 * k], st[2 * k + 1]
            for j in range(GB // LANES):
                sl = pl.ds(j * LANES, LANES)
                keep = (iot + j * LANES) < p
                pval.at[k][sl] = jnp.where(keep, pval[k, sl], 0.0)
            flush(k, blk)
            hdr[pl.ds(0, LANES)] = jnp.where(iot == 0, blk + 1, 0)
            pltpu.sync_copy(hdr, bd_hbm.at[wid, k, pl.ds(0, 16)])

    return bkt(dst, src, vals)


@functools.partial(jax.jit, static_argnames=("n_dst",))
def _sc_spmm_bkt(bd, bsr, bv, table, n_dst):
    nb, bs = _pick_blocks(n_dst)
    nbh = nb // NC
    rps = bs // NS
    mesh = plsc.VectorSubcoreMesh(core_axis_name="c", subcore_axis_name="s")

    @functools.partial(
        pl.kernel,
        out_type=jax.ShapeDtypeStruct((nb * bs, D), jnp.float32),
        mesh=mesh,
        compiler_params=pltpu.CompilerParams(needs_layout_passes=False,
                                             use_tc_tiling_on_sc=False),
        scratch_types=[
            pltpu.VMEM((GB,), jnp.int32),
            pltpu.VMEM((GB,), jnp.int32),
            pltpu.VMEM((GB + 16,), jnp.float32),
            pltpu.VMEM((GB,), jnp.int32),
            pltpu.VMEM((GB,), jnp.int32),
            pltpu.VMEM((GB + 16,), jnp.float32),
            pltpu.VMEM((GB, D), jnp.float32),
            pltpu.VMEM((GB, D), jnp.float32),
            pltpu.VMEM((16,), jnp.int32),
            pltpu.VMEM((ZROWS, D), jnp.float32),
            pltpu.VMEM_SHARED((bs, D), jnp.float32),
            pltpu.SemaphoreType.DMA,
            pltpu.SemaphoreType.DMA,
            pltpu.SemaphoreType.DMA,
            pltpu.SemaphoreType.DMA,
            pltpu.SemaphoreType.DMA,
            pltpu.SemaphoreType.DMA,
        ],
    )
    def spmm(bd_hbm, bsr_hbm, bv_hbm, tab_hbm, out_hbm,
             fdst0, fsrc0, fval0, fdst1, fsrc1, fval1, rows0, rows1,
             hdr, zbuf, acc, lsem0, lsem1, gsem0, gsem1, ssem0, ssem1):
        c = lax.axis_index("c")
        w = lax.axis_index("s")
        wid = c * NS + w
        zf = jnp.zeros((LANES,), jnp.float32)
        fbufs = ((fdst0, fsrc0, fval0, rows0, lsem0, gsem0, ssem0),
                 (fdst1, fsrc1, fval1, rows1, lsem1, gsem1, ssem1))

        @pl.loop(0, ZROWS)
        def _(i):
            for r in range(NREG):
                zbuf[i, pl.ds(r * LANES, LANES)] = zf

        for k in range(nbh):
            lo = (k * NC + c) * bs
            for j in range(rps // ZROWS):
                pltpu.sync_copy(zbuf, acc.at[pl.ds(w * rps + j * ZROWS,
                                                   ZROWS)])
            plsc.subcore_barrier()

            pltpu.sync_copy(bd_hbm.at[wid, k, pl.ds(0, 16)], hdr)
            nblk = hdr[pl.ds(0, LANES)][0]

            def start_loads(fb, j, nf):
                fd, fs, fv, rw, ls, gs, ss = fbufs[fb]

                @pl.when(nf >= 2)
                def _():
                    pltpu.make_async_copy(rw, acc.at[fd], ss).wait()

                off = pl.ds(16 + j * GB, GB)
                pltpu.async_copy(bd_hbm.at[wid, k, off], fd, ls)
                pltpu.async_copy(bsr_hbm.at[wid, k, off], fs, ls)
                pltpu.async_copy(bv_hbm.at[wid, k, off], fv.at[pl.ds(0, GB)],
                                 ls)

            def process(pb, nf):
                fd, fs, fv, rw, ls, gs, ss = fbufs[pb]

                @pl.when(nf >= 1)
                def _():
                    pltpu.make_async_copy(tab_hbm.at[fs], rw, gs).wait()

                    @plsc.parallel_loop(0, GB, unroll=4)
                    def _(ei):
                        v = fv[pl.ds(ei, LANES)][0]
                        for r in range(NREG):
                            sl = pl.ds(r * LANES, LANES)
                            rw[ei, sl] = rw[ei, sl] * v

                    pltpu.async_copy(rw, acc.at[fd], ss, add=True)

            def fin_gather(fb, j):
                fd, fs, fv, rw, ls, gs, ss = fbufs[fb]
                off = pl.ds(16 + j * GB, GB)
                pltpu.make_async_copy(bd_hbm.at[wid, k, off], fd, ls).wait()
                pltpu.make_async_copy(bsr_hbm.at[wid, k, off], fs, ls).wait()
                pltpu.make_async_copy(bv_hbm.at[wid, k, off],
                                      fv.at[pl.ds(0, GB)], ls).wait()
                pltpu.async_copy(tab_hbm.at[fs], rw, gs)

            def step(fb, j, nf):
                start_loads(fb, j, nf)
                process(1 - fb, nf)
                fin_gather(fb, j)

            def blk_body(j, st):
                fb, nf = st
                lax.cond(fb == 0,
                         lambda: step(0, j, nf),
                         lambda: step(1, j, nf))
                return (1 - fb, nf + 1)

            zero = jnp.int32(0)
            fb, nf = lax.fori_loop(0, nblk, blk_body, (zero, zero))

            def fin_scatter(pb, guard):
                fd, fs, fv, rw, ls, gs, ss = fbufs[pb]

                @pl.when(guard)
                def _():
                    pltpu.make_async_copy(rw, acc.at[fd], ss).wait()

            lax.cond(fb == 0,
                     lambda: (process(1, nf), fin_scatter(1, nf >= 1),
                              fin_scatter(0, nf >= 2))[0],
                     lambda: (process(0, nf), fin_scatter(0, nf >= 1),
                              fin_scatter(1, nf >= 2))[0])
            plsc.subcore_barrier()
            pltpu.sync_copy(acc.at[pl.ds(w * rps, rps)],
                            out_hbm.at[pl.ds(lo + w * rps, rps)])
            plsc.subcore_barrier()

    return spmm(bd, bsr, bv, table)


@functools.partial(jax.jit, static_argnames=("n_dst",))
def _sc_spmm(dst, src, vals, table, n_dst):
    e = dst.shape[0]
    nb, bs = _pick_blocks(n_dst)
    e_pad = -(-e // (2 * NS * CH)) * (2 * NS * CH)
    n_tab = table.shape[0]
    if e_pad != e:
        pad = e_pad - e
        pdst = (jnp.arange(pad, dtype=jnp.int32) * 97) % n_dst
        psrc = (jnp.arange(pad, dtype=jnp.int32) * 89) % n_tab
        dst = jnp.concatenate([dst, pdst])
        src = jnp.concatenate([src, psrc])
        vals = jnp.concatenate([vals, jnp.zeros((pad,), jnp.float32)])
    per = e_pad // NS
    nchunks = per // CH
    rps = bs // NS

    mesh = plsc.VectorSubcoreMesh(core_axis_name="c", subcore_axis_name="s")

    @functools.partial(
        pl.kernel,
        out_type=jax.ShapeDtypeStruct((nb * bs, D), jnp.float32),
        mesh=mesh,
        compiler_params=pltpu.CompilerParams(needs_layout_passes=False,
                                             use_tc_tiling_on_sc=False),
        scratch_types=[
            pltpu.VMEM((2, CH), jnp.int32),
            pltpu.VMEM((2, CH), jnp.int32),
            pltpu.VMEM((2, CH), jnp.float32),
            pltpu.VMEM((PEND,), jnp.int32),
            pltpu.VMEM((PEND,), jnp.int32),
            pltpu.VMEM((PEND,), jnp.float32),
            pltpu.VMEM((GB,), jnp.int32),
            pltpu.VMEM((GB,), jnp.int32),
            pltpu.VMEM((GB,), jnp.float32),
            pltpu.VMEM((GB,), jnp.int32),
            pltpu.VMEM((GB,), jnp.int32),
            pltpu.VMEM((GB,), jnp.float32),
            pltpu.VMEM((GB, D), jnp.float32),
            pltpu.VMEM((GB, D), jnp.float32),
            pltpu.VMEM((ZROWS, D), jnp.float32),
            pltpu.VMEM_SHARED((bs, D), jnp.float32),
            pltpu.SemaphoreType.DMA,
            pltpu.SemaphoreType.DMA,
            pltpu.SemaphoreType.DMA,
            pltpu.SemaphoreType.DMA,
            pltpu.SemaphoreType.DMA,
            pltpu.SemaphoreType.DMA,
        ],
    )
    def spmm(dst_hbm, src_hbm, val_hbm, tab_hbm, out_hbm,
             dch, sch, vch, pdst, psrc, pval,
             fdst0, fsrc0, fval0, fdst1, fsrc1, fval1, rows0, rows1,
             zbuf, acc, sem0, sem1, gsem0, gsem1, ssem0, ssem1):
        c = lax.axis_index("c")
        w = lax.axis_index("s")
        zi = jnp.zeros((LANES,), jnp.int32)
        zf = jnp.zeros((LANES,), jnp.float32)
        sems = (sem0, sem1)

        @pl.loop(0, ZROWS)
        def _(i):
            for r in range(NREG):
                zbuf[i, pl.ds(r * LANES, LANES)] = zf

        @pl.loop(0, PEND // LANES)
        def _(i):
            pdst[pl.ds(i * LANES, LANES)] = zi
            psrc[pl.ds(i * LANES, LANES)] = zi
            pval[pl.ds(i * LANES, LANES)] = zf

        def start_load(ci, b):
            off = w * per + ci * CH
            pltpu.async_copy(dst_hbm.at[pl.ds(off, CH)], dch.at[b], sems[b])
            pltpu.async_copy(src_hbm.at[pl.ds(off, CH)], sch.at[b], sems[b])
            pltpu.async_copy(val_hbm.at[pl.ds(off, CH)], vch.at[b], sems[b])

        def wait_load(b):
            off = w * per
            pltpu.make_async_copy(dst_hbm.at[pl.ds(off, CH)], dch.at[b],
                                  sems[b]).wait()
            pltpu.make_async_copy(src_hbm.at[pl.ds(off, CH)], sch.at[b],
                                  sems[b]).wait()
            pltpu.make_async_copy(val_hbm.at[pl.ds(off, CH)], vch.at[b],
                                  sems[b]).wait()

        fbufs = ((fdst0, fsrc0, fval0, rows0, gsem0, ssem0),
                 (fdst1, fsrc1, fval1, rows1, gsem1, ssem1))

        def _process(pb, nf):
            fd, fs, fv, rw, gs, ss = fbufs[pb]

            @pl.when(nf >= 1)
            def _():
                pltpu.make_async_copy(tab_hbm.at[fs], rw, gs).wait()

                @plsc.parallel_loop(0, GB, unroll=4)
                def _(ei):
                    v = fv[pl.ds(ei, LANES)][0]
                    for r in range(NREG):
                        sl = pl.ds(r * LANES, LANES)
                        rw[ei, sl] = rw[ei, sl] * v

                pltpu.async_copy(rw, acc.at[fd], ss, add=True)

        def _start(b, nf):
            fd, fs, fv, rw, gs, ss = fbufs[b]

            @pl.when(nf >= 2)
            def _():
                pltpu.make_async_copy(rw, acc.at[fd], ss).wait()

            for j in range(GB // LANES):
                sl = pl.ds(j * LANES, LANES)
                fs[sl] = psrc[sl]
                fd[sl] = pdst[sl]
                fv[sl] = pval[sl]
            pltpu.async_copy(tab_hbm.at[fs], rw, gs)

        def fire(fb, nf):
            lax.cond(fb == 0,
                     lambda: (_process(1, nf), _start(0, nf))[0],
                     lambda: (_process(0, nf), _start(1, nf))[0])

        def _fin(pb, guard):
            fd, fs, fv, rw, gs, ss = fbufs[pb]

            @pl.when(guard)
            def _():
                pltpu.make_async_copy(rw, acc.at[fd], ss).wait()

        def drain(fb, nf):
            lax.cond(fb == 0,
                     lambda: (_process(1, nf), _fin(1, nf >= 1),
                              _fin(0, nf >= 2))[0],
                     lambda: (_process(0, nf), _fin(0, nf >= 1),
                              _fin(1, nf >= 2))[0])

        def compact(b, lo, st):
            db, sb, vb = dch.at[b], sch.at[b], vch.at[b]

            def vec_body(i, st):
                p, fb, nf = st
                sl = pl.ds(i * LANES, LANES)
                d = db[sl]
                m = (d >= lo) & (d < lo + bs)
                plsc.store_compressed(pdst.at[pl.ds(p, LANES)], d - lo,
                                      mask=m)
                plsc.store_compressed(psrc.at[pl.ds(p, LANES)], sb[sl],
                                      mask=m)
                plsc.store_compressed(pval.at[pl.ds(p, LANES)], vb[sl],
                                      mask=m)
                p = p + plsc.all_reduce_population_count(m)[0]
                full = p >= GB

                @pl.when(full)
                def _():
                    fire(fb, nf)
                    rd = pdst[pl.ds(GB, LANES)]
                    rs = psrc[pl.ds(GB, LANES)]
                    rv = pval[pl.ds(GB, LANES)]
                    pdst[pl.ds(0, LANES)] = rd
                    psrc[pl.ds(0, LANES)] = rs
                    pval[pl.ds(0, LANES)] = rv

                return (jnp.where(full, p - GB, p),
                        jnp.where(full, 1 - fb, fb),
                        jnp.where(full, nf + 1, nf))

            return lax.fori_loop(0, CH // LANES, vec_body, st)

        for k in range(nb // NC):
            b = k * NC + c
            lo = b * bs
            for j in range(rps // ZROWS):
                pltpu.sync_copy(zbuf, acc.at[pl.ds(w * rps + j * ZROWS,
                                                   ZROWS)])
            plsc.subcore_barrier()

            start_load(0, 0)

            def pair_body(gp, st):
                ci = gp * 2
                start_load(ci + 1, 1)
                wait_load(0)
                st = compact(0, lo, st)

                @pl.when(ci + 2 < nchunks)
                def _():
                    start_load(ci + 2, 0)

                wait_load(1)
                return compact(1, lo, st)

            zero = jnp.int32(0)
            ptr, fb, nf = lax.fori_loop(0, nchunks // 2, pair_body,
                                        (zero, zero, zero))

            iot = lax.broadcasted_iota(jnp.int32, (LANES,), 0)
            for j in range(GB // LANES):
                sl = pl.ds(j * LANES, LANES)
                keep = (iot + j * LANES) < ptr
                pval[sl] = jnp.where(keep, pval[sl], 0.0)
            fire(fb, nf)
            drain(1 - fb, nf + 1)
            plsc.subcore_barrier()
            pltpu.sync_copy(acc.at[pl.ds(w * rps, rps)],
                            out_hbm.at[pl.ds(lo + w * rps, rps)])
            plsc.subcore_barrier()

    return spmm(dst, src, vals, table)


def _tc_norm(x):
    r = 1024
    assert x.shape[0] % r == 0

    def body(x_ref, o_ref):
        xb = x_ref[...]
        n = jnp.sqrt(jnp.sum(xb * xb, axis=1, keepdims=True))
        o_ref[...] = xb / jnp.maximum(n, 1e-12)

    return pl.pallas_call(
        body,
        out_shape=jax.ShapeDtypeStruct(x.shape, x.dtype),
        grid=(x.shape[0] // r,),
        in_specs=[pl.BlockSpec((r, D), lambda i: (i, 0))],
        out_specs=pl.BlockSpec((r, D), lambda i: (i, 0)),
    )(x)


def _tc_combine(f0, n1, f2, w3):
    r = 1024
    assert f0.shape[0] % r == 0

    def body(w_ref, f0_ref, n1_ref, f2_ref, o_ref):
        xb = f2_ref[...]
        n = jnp.sqrt(jnp.sum(xb * xb, axis=1, keepdims=True))
        n2 = xb / jnp.maximum(n, 1e-12)
        o_ref[...] = (w_ref[0] * f0_ref[...] + w_ref[1] * n1_ref[...]
                      + w_ref[2] * n2)

    return pl.pallas_call(
        body,
        out_shape=jax.ShapeDtypeStruct(f0.shape, f0.dtype),
        grid=(f0.shape[0] // r,),
        in_specs=[
            pl.BlockSpec(memory_space=pltpu.SMEM),
            pl.BlockSpec((r, D), lambda i: (i, 0)),
            pl.BlockSpec((r, D), lambda i: (i, 0)),
            pl.BlockSpec((r, D), lambda i: (i, 0)),
        ],
        out_specs=pl.BlockSpec((r, D), lambda i: (i, 0)),
    )(w3, f0, n1, f2)


def _tc_fuse(a, b, cc, w3):
    r = 1000
    assert a.shape[0] % r == 0

    def body(w_ref, a_ref, b_ref, c_ref, o_ref):
        o_ref[...] = (w_ref[0] * a_ref[...] + w_ref[1] * b_ref[...]
                      + w_ref[2] * c_ref[...])

    return pl.pallas_call(
        body,
        out_shape=jax.ShapeDtypeStruct(a.shape, a.dtype),
        grid=(a.shape[0] // r,),
        in_specs=[
            pl.BlockSpec(memory_space=pltpu.SMEM),
            pl.BlockSpec((r, D), lambda i: (i, 0)),
            pl.BlockSpec((r, D), lambda i: (i, 0)),
            pl.BlockSpec((r, D), lambda i: (i, 0)),
        ],
        out_specs=pl.BlockSpec((r, D), lambda i: (i, 0)),
    )(w3, a, b, cc)


def _propagate(edges, vals, a_feat, b_feat, layer_coefs):
    na, nbb = a_feat.shape[0], b_feat.shape[0]
    n = na + nbb
    nb, bs = _pick_blocks(n)
    npad = nb * bs
    f0 = jnp.zeros((npad, D), jnp.float32)
    f0 = f0.at[:na].set(a_feat).at[na:n].set(b_feat)
    dst = edges[0].astype(jnp.int32)
    src = edges[1].astype(jnp.int32)
    bd, bsr, bv = _sc_bucketize(dst, src, vals, n_dst=n)
    f1 = _sc_spmm_bkt(bd, bsr, bv, f0, n_dst=n)
    n1 = _tc_norm(f1)
    f2 = _sc_spmm_bkt(bd, bsr, bv, f1, n_dst=n)
    w3 = layer_coefs.reshape(3).astype(jnp.float32)
    comb = _tc_combine(f0, n1, f2, w3)
    return comb, na


def kernel(ub_prop_edges, ub_prop_vals, ui_prop_edges, ui_prop_vals,
           bi_prop_edges, bi_prop_vals, bi_agg_rows, bi_agg_cols, bi_agg_vals,
           ui_agg_rows, ui_agg_cols, ui_agg_vals,
           users_feature, bundles_feature, items_feature,
           modal_coefs, UB_layer_coefs, UI_layer_coefs, BI_layer_coefs):
    nu = users_feature.shape[0]
    nbun = bundles_feature.shape[0]

    ub_comb, _ = _propagate(ub_prop_edges, ub_prop_vals,
                            users_feature, bundles_feature, UB_layer_coefs)
    ui_comb, _ = _propagate(ui_prop_edges, ui_prop_vals,
                            users_feature, items_feature, UI_layer_coefs)
    bi_comb, _ = _propagate(bi_prop_edges, bi_prop_vals,
                            bundles_feature, items_feature, BI_layer_coefs)

    ui_bundles = _sc_spmm(bi_agg_rows.astype(jnp.int32),
                          bi_agg_cols.astype(jnp.int32) + nu,
                          bi_agg_vals, ui_comb, n_dst=nbun)
    bi_users = _sc_spmm(ui_agg_rows.astype(jnp.int32),
                        ui_agg_cols.astype(jnp.int32) + nbun,
                        ui_agg_vals, bi_comb, n_dst=nu)

    mc = modal_coefs.reshape(3).astype(jnp.float32)
    users_rep = _tc_fuse(ub_comb[:nu], ui_comb[:nu], bi_users[:nu], mc)
    bundles_rep = _tc_fuse(ub_comb[nu:nu + nbun], ui_bundles[:nbun],
                           bi_comb[:nbun], mc)
    return users_rep, bundles_rep

# --- scband reference (transcript-rebuilt; emitter-appended) ---
"""Pipeline reference for scband-multi-cbr-13675175871016 (READ-ONLY COPY).

The authoritative reference and input builder live on the scoring server;
editing this copy changes nothing except your own understanding.
"""

import jax, jax.numpy as jnp
import numpy as np

NUM_USERS = 50000
NUM_BUNDLES = 20000
NUM_ITEMS = 100000
EMB = 64
NUM_LAYERS = 2
UB_NNZ = 1000000
UI_NNZ = 1200000
BI_NNZ = 1000000
BI_AGG_NNZ = 500000
UI_AGG_NNZ = 600000


def setup_inputs(seed: int = 0) -> dict:
    key = jax.random.key(seed)
    ks = jax.random.split(key, 16)
    inp = {}
    inp['ub_prop_edges'] = jax.random.randint(ks[0], (2, UB_NNZ), 0, NUM_USERS + NUM_BUNDLES)
    inp['ub_prop_vals'] = jax.random.uniform(ks[1], (UB_NNZ,), dtype=jnp.float32)
    inp['ui_prop_edges'] = jax.random.randint(ks[2], (2, UI_NNZ), 0, NUM_USERS + NUM_ITEMS)
    inp['ui_prop_vals'] = jax.random.uniform(ks[3], (UI_NNZ,), dtype=jnp.float32)
    inp['bi_prop_edges'] = jax.random.randint(ks[4], (2, BI_NNZ), 0, NUM_BUNDLES + NUM_ITEMS)
    inp['bi_prop_vals'] = jax.random.uniform(ks[5], (BI_NNZ,), dtype=jnp.float32)
    inp['bi_agg_rows'] = jax.random.randint(ks[6], (BI_AGG_NNZ,), 0, NUM_BUNDLES)
    inp['bi_agg_cols'] = jax.random.randint(ks[7], (BI_AGG_NNZ,), 0, NUM_ITEMS)
    inp['bi_agg_vals'] = jax.random.uniform(ks[8], (BI_AGG_NNZ,), dtype=jnp.float32)
    inp['ui_agg_rows'] = jax.random.randint(ks[9], (UI_AGG_NNZ,), 0, NUM_USERS)
    inp['ui_agg_cols'] = jax.random.randint(ks[10], (UI_AGG_NNZ,), 0, NUM_ITEMS)
    inp['ui_agg_vals'] = jax.random.uniform(ks[11], (UI_AGG_NNZ,), dtype=jnp.float32)
    # learned parameters (xavier_normal init, per init_emb)
    def xavier(k, shape):
        std = float(np.sqrt(2.0 / (shape[0] + shape[1])))
        return jax.random.normal(k, shape, dtype=jnp.float32) * std
    inp['users_feature'] = xavier(ks[12], (NUM_USERS, EMB))
    inp['bundles_feature'] = xavier(ks[13], (NUM_BUNDLES, EMB))
    inp['items_feature'] = xavier(ks[14], (NUM_ITEMS, EMB))
    # fusion coefficients (buffers, per init_fusion_weights)
    inp['modal_coefs'] = jnp.full((3, 1, 1), 1.0 / 3.0, dtype=jnp.float32)
    layer_w = jnp.full((1, NUM_LAYERS + 1, 1), 1.0 / 3.0, dtype=jnp.float32)
    inp['UB_layer_coefs'] = layer_w
    inp['UI_layer_coefs'] = layer_w
    inp['BI_layer_coefs'] = layer_w
    return inp


def _l2_normalize(x):
    # faithful to torch.nn.functional.normalize(p=2, dim=1)
    n = jnp.linalg.norm(x, axis=1, keepdims=True)
    return x / jnp.maximum(n, 1e-12)


def _propagate(edges, vals, A_feature, B_feature, layer_coefs):
    # MultiCBR.propagate with test=True (no mess-dropout / noise)
    features = jnp.concatenate([A_feature, B_feature], axis=0)
    N = features.shape[0]
    all_features = [features]
    f = features
    for _ in range(NUM_LAYERS):
        # torch.spmm(graph, features) as gather + scatter-add (SparseCore friendly)
        f = jax.ops.segment_sum(vals[:, None] * f[edges[1]], edges[0], num_segments=N)
        all_features.append(_l2_normalize(f))
    stacked = jnp.stack(all_features, axis=1) * layer_coefs  # [N, L+1, d] * [1, L+1, 1]
    summed = jnp.sum(stacked, axis=1)
    return summed[: A_feature.shape[0]], summed[A_feature.shape[0]:]


def _aggregate(rows, cols, vals, node_feature, num_rows):
    # MultiCBR.aggregate with test=True: row-normalized agg graph @ node_feature
    return jax.ops.segment_sum(vals[:, None] * node_feature[cols], rows, num_segments=num_rows)


def reference(ub_prop_edges, ub_prop_vals, ui_prop_edges, ui_prop_vals,
              bi_prop_edges, bi_prop_vals, bi_agg_rows, bi_agg_cols, bi_agg_vals,
              ui_agg_rows, ui_agg_cols, ui_agg_vals,
              users_feature, bundles_feature, items_feature,
              modal_coefs, UB_layer_coefs, UI_layer_coefs, BI_layer_coefs):
    # UB view
    UB_users, UB_bundles = _propagate(ub_prop_edges, ub_prop_vals, users_feature, bundles_feature, UB_layer_coefs)
    # UI view: propagate users<->items, aggregate items into bundles via BI agg graph
    UI_users, UI_items = _propagate(ui_prop_edges, ui_prop_vals, users_feature, items_feature, UI_layer_coefs)
    UI_bundles = _aggregate(bi_agg_rows, bi_agg_cols, bi_agg_vals, UI_items, NUM_BUNDLES)
    # BI view: propagate bundles<->items, aggregate items into users via UI agg graph
    BI_bundles, BI_items = _propagate(bi_prop_edges, bi_prop_vals, bundles_feature, items_feature, BI_layer_coefs)
    BI_users = _aggregate(ui_agg_rows, ui_agg_cols, ui_agg_vals, BI_items, NUM_USERS)
    # modal fusion
    users_rep = jnp.sum(jnp.stack([UB_users, UI_users, BI_users], axis=0) * modal_coefs, axis=0)
    bundles_rep = jnp.sum(jnp.stack([UB_bundles, UI_bundles, BI_bundles], axis=0) * modal_coefs, axis=0)
    return users_rep, bundles_rep

if __name__ == "__main__":
    import jax
    _d = setup_inputs()
    print(jax.jit(kernel)(*tuple(_d.values())))

</pallas_src>

<mosaic_0001>
#map = affine_map<(d0, d1) -> (0)>
#map1 = affine_map<(d0, d1) -> (0, 0)>
module attributes {stable_mosaic.version = 14 : i64} {
  func.func @spmm(%arg0: i32, %arg1: i32, %arg2: memref<524288xi32, #tpu.memory_space<hbm>>, %arg3: memref<524288xi32, #tpu.memory_space<hbm>>, %arg4: memref<524288xf32, #tpu.memory_space<hbm>>, %arg5: memref<50000x64xf32, #tpu.memory_space<hbm>>, %arg6: memref<24576x64xf32, #tpu.memory_space<hbm>>, %arg7: memref<2x1024xi32, #tpu.memory_space<vmem>>, %arg8: memref<2x1024xi32, #tpu.memory_space<vmem>>, %arg9: memref<2x1024xf32, #tpu.memory_space<vmem>>, %arg10: memref<288xi32, #tpu.memory_space<vmem>>, %arg11: memref<288xi32, #tpu.memory_space<vmem>>, %arg12: memref<288xf32, #tpu.memory_space<vmem>>, %arg13: memref<256xi32, #tpu.memory_space<vmem>>, %arg14: memref<256xi32, #tpu.memory_space<vmem>>, %arg15: memref<256xf32, #tpu.memory_space<vmem>>, %arg16: memref<256xi32, #tpu.memory_space<vmem>>, %arg17: memref<256xi32, #tpu.memory_space<vmem>>, %arg18: memref<256xf32, #tpu.memory_space<vmem>>, %arg19: memref<256x64xf32, #tpu.memory_space<vmem>>, %arg20: memref<256x64xf32, #tpu.memory_space<vmem>>, %arg21: memref<64x64xf32, #tpu.memory_space<vmem>>, %arg22: memref<12288x64xf32, #tpu.memory_space<vmem_shared>>, %arg23: memref<!tpu.dma_semaphore, #tpu.memory_space<semaphore_mem>>, %arg24: memref<!tpu.dma_semaphore, #tpu.memory_space<semaphore_mem>>, %arg25: memref<!tpu.dma_semaphore, #tpu.memory_space<semaphore_mem>>, %arg26: memref<!tpu.dma_semaphore, #tpu.memory_space<semaphore_mem>>, %arg27: memref<!tpu.dma_semaphore, #tpu.memory_space<semaphore_mem>>, %arg28: memref<!tpu.dma_semaphore, #tpu.memory_space<semaphore_mem>>) attributes {dimension_semantics = [#tpu.dimension_semantics<core_parallel>, #tpu.dimension_semantics<subcore_parallel>], iteration_bounds = array<i64: 2, 16>, scalar_prefetch = 0 : i64, scratch_operands = 22 : i64, tpu.core_type = #tpu.core_type<sc_vector_subcore>, window_params = [{transform_indices = #map}, {transform_indices = #map}, {transform_indices = #map}, {transform_indices = #map1}, {transform_indices = #map1}]} {
    %broadcast_in_dim3A = arith.constant 0 : i32
    %broadcast_in_dim3A_0 = vector.broadcast %broadcast_in_dim3A : i32 to vector<16xi32>
    %broadcast_in_dim3A_1 = arith.constant 0.000000e+00 : f32
    %broadcast_in_dim3A_2 = vector.broadcast %broadcast_in_dim3A_1 : f32 to vector<16xf32>
    %scan3A = arith.constant 0 : i32
    %scan3A_3 = arith.constant 64 : i32
    %scan3A_4 = arith.addi %scan3A, %scan3A_3 : i32
    %scan3A_5 = arith.constant 1 : i32
    scf.for %scan3A_305 = %scan3A to %scan3A_4 step %scan3A_5  : i32 {
      %mul3A_306 = arith.constant 1 : i32
      %mul3A_307 = arith.muli %scan3A_305, %mul3A_306 : i32
      %add3A_308 = arith.constant 0 : i32
      %add3A_309 = arith.addi %add3A_308, %mul3A_307 : i32
      %swap3A_310 = arith.index_cast %add3A_309 : i32 to index
      %swap3A_311 = arith.constant 0 : index
      %swap3A_312 = tpu.vector_load %arg21[%swap3A_310, %swap3A_311] {strides = array<i32>} : memref<64x64xf32, #tpu.memory_space<vmem>>, vector<16xf32>,
      tpu.vector_store %arg21[%swap3A_310, %swap3A_311], %broadcast_in_dim3A_2 {strides = array<i32>} : memref<64x64xf32, #tpu.memory_space<vmem>>, vector<16xf32>,
      %swap3A_313 = arith.index_cast %add3A_309 : i32 to index
      %swap3A_314 = arith.constant 16 : index
      %swap3A_315 = tpu.vector_load %arg21[%swap3A_313, %swap3A_314] {strides = array<i32>} : memref<64x64xf32, #tpu.memory_space<vmem>>, vector<16xf32>,
      tpu.vector_store %arg21[%swap3A_313, %swap3A_314], %broadcast_in_dim3A_2 {strides = array<i32>} : memref<64x64xf32, #tpu.memory_space<vmem>>, vector<16xf32>,
      %swap3A_316 = arith.index_cast %add3A_309 : i32 to index
      %swap3A_317 = arith.constant 32 : index
      %swap3A_318 = tpu.vector_load %arg21[%swap3A_316, %swap3A_317] {strides = array<i32>} : memref<64x64xf32, #tpu.memory_space<vmem>>, vector<16xf32>,
      tpu.vector_store %arg21[%swap3A_316, %swap3A_317], %broadcast_in_dim3A_2 {strides = array<i32>} : memref<64x64xf32, #tpu.memory_space<vmem>>, vector<16xf32>,
      %swap3A_319 = arith.index_cast %add3A_309 : i32 to index
      %swap3A_320 = arith.constant 48 : index
      %swap3A_321 = tpu.vector_load %arg21[%swap3A_319, %swap3A_320] {strides = array<i32>} : memref<64x64xf32, #tpu.memory_space<vmem>>, vector<16xf32>,
      tpu.vector_store %arg21[%swap3A_319, %swap3A_320], %broadcast_in_dim3A_2 {strides = array<i32>} : memref<64x64xf32, #tpu.memory_space<vmem>>, vector<16xf32>,
    }
    %scan3A_6 = arith.constant 64 : i32
    %scan3A_7 = arith.constant 0 : i32
    %scan3A_8 = arith.constant 18 : i32
    %scan3A_9 = arith.addi %scan3A_7, %scan3A_8 : i32
    %scan3A_10 = arith.constant 1 : i32
    scf.for %scan3A_305 = %scan3A_7 to %scan3A_9 step %scan3A_10  : i32 {
      %mul3A_306 = arith.constant 1 : i32
      %mul3A_307 = arith.muli %scan3A_305, %mul3A_306 : i32
      %add3A_308 = arith.constant 0 : i32
      %add3A_309 = arith.addi %add3A_308, %mul3A_307 : i32
      %mul3A_310 = arith.constant 16 : i32
      %mul3A_311 = arith.muli %add3A_309, %mul3A_310 : i32
      %swap3A_312 = arith.index_cast %mul3A_311 : i32 to index
      %swap3A_313 = tpu.vector_load %arg10[%swap3A_312] {strides = array<i32>} : memref<288xi32, #tpu.memory_space<vmem>>, vector<16xi32>,
      tpu.vector_store %arg10[%swap3A_312], %broadcast_in_dim3A_0 {strides = array<i32>} : memref<288xi32, #tpu.memory_space<vmem>>, vector<16xi32>,
      %mul3A_314 = arith.constant 16 : i32
      %mul3A_315 = arith.muli %add3A_309, %mul3A_314 : i32
      %swap3A_316 = arith.index_cast %mul3A_315 : i32 to index
      %swap3A_317 = tpu.vector_load %arg11[%swap3A_316] {strides = array<i32>} : memref<288xi32, #tpu.memory_space<vmem>>, vector<16xi32>,
      tpu.vector_store %arg11[%swap3A_316], %broadcast_in_dim3A_0 {strides = array<i32>} : memref<288xi32, #tpu.memory_space<vmem>>, vector<16xi32>,
      %mul3A_318 = arith.constant 16 : i32
      %mul3A_319 = arith.muli %add3A_309, %mul3A_318 : i32
      %swap3A_320 = arith.index_cast %mul3A_319 : i32 to index
      %swap3A_321 = tpu.vector_load %arg12[%swap3A_320] {strides = array<i32>} : memref<288xf32, #tpu.memory_space<vmem>>, vector<16xf32>,
      tpu.vector_store %arg12[%swap3A_320], %broadcast_in_dim3A_2 {strides = array<i32>} : memref<288xf32, #tpu.memory_space<vmem>>, vector<16xf32>,
    }
    %scan3A_11 = arith.constant 18 : i32
    %add3A = arith.constant 0 : i32
    %add3A_12 = arith.addi %add3A, %arg0 : i32
    %mul3A = arith.constant 12288 : i32
    %mul3A_13 = arith.muli %add3A_12, %mul3A : i32
    %mul3A_14 = arith.constant 768 : i32
    %mul3A_15 = arith.muli %arg1, %mul3A_14 : i32
    %add3A_16 = arith.constant 0 : i32
    %add3A_17 = arith.addi %mul3A_15, %add3A_16 : i32
    "tpu.region"() ({
      %run_scoped3A = tpu.sem_alloc : memref<!tpu.dma_semaphore, #tpu.memory_space<semaphore_mem>>
      %dma_start3A_305 = arith.constant 0 : i32
      %dma_start3A_306 = tpu.memref_slice %arg22[%add3A_17, %dma_start3A_305] : memref<12288x64xf32, #tpu.memory_space<vmem_shared>> -> memref<64x64xf32, #tpu.memory_space<vmem_shared>>
      %dma_start3A_307 = arith.constant 0 : i32
      %dma_start3A_308 = tpu.memref_slice %arg22[%add3A_17, %dma_start3A_307] : memref<12288x64xf32, #tpu.memory_space<vmem_shared>> -> memref<64x64xf32, #tpu.memory_space<vmem_shared>>
      tpu.enqueue_dma source(%arg21 : memref<64x64xf32, #tpu.memory_space<vmem>>) target(%dma_start3A_308 : memref<64x64xf32, #tpu.memory_space<vmem_shared>>) target_semaphore(%run_scoped3A : memref<!tpu.dma_semaphore, #tpu.memory_space<semaphore_mem>>)
      %dma_wait3A = arith.constant 0 : i32
      %dma_wait3A_309 = tpu.memref_slice %arg22[%add3A_17, %dma_wait3A] : memref<12288x64xf32, #tpu.memory_space<vmem_shared>> -> memref<64x64xf32, #tpu.memory_space<vmem_shared>>
      %dma_wait3A_310 = arith.constant 0 : i32
      %dma_wait3A_311 = tpu.memref_slice %arg22[%add3A_17, %dma_wait3A_310] : memref<12288x64xf32, #tpu.memory_space<vmem_shared>> -> memref<64x64xf32, #tpu.memory_space<vmem_shared>>
      tpu.wait_dma2 semaphore(%run_scoped3A : memref<!tpu.dma_semaphore, #tpu.memory_space<semaphore_mem>>) src(%arg21 : memref<64x64xf32, #tpu.memory_space<vmem>>) dst(%dma_wait3A_311 : memref<64x64xf32, #tpu.memory_space<vmem_shared>>)
      tpu.yield
    }) : () -> ()
    %mul3A_18 = arith.constant 768 : i32
    %mul3A_19 = arith.muli %arg1, %mul3A_18 : i32
    %add3A_20 = arith.constant 64 : i32
    %add3A_21 = arith.addi %mul3A_19, %add3A_20 : i32
    "tpu.region"() ({
      %run_scoped3A = tpu.sem_alloc : memref<!tpu.dma_semaphore, #tpu.memory_space<semaphore_mem>>
      %dma_start3A_305 = arith.constant 0 : i32
      %dma_start3A_306 = tpu.memref_slice %arg22[%add3A_21, %dma_start3A_305] : memref<12288x64xf32, #tpu.memory_space<vmem_shared>> -> memref<64x64xf32, #tpu.memory_space<vmem_shared>>
      %dma_start3A_307 = arith.constant 0 : i32
      %dma_start3A_308 = tpu.memref_slice %arg22[%add3A_21, %dma_start3A_307] : memref<12288x64xf32, #tpu.memory_space<vmem_shared>> -> memref<64x64xf32, #tpu.memory_space<vmem_shared>>
      tpu.enqueue_dma source(%arg21 : memref<64x64xf32, #tpu.memory_space<vmem>>) target(%dma_start3A_308 : memref<64x64xf32, #tpu.memory_space<vmem_shared>>) target_semaphore(%run_scoped3A : memref<!tpu.dma_semaphore, #tpu.memory_space<semaphore_mem>>)
      %dma_wait3A = arith.constant 0 : i32
      %dma_wait3A_309 = tpu.memref_slice %arg22[%add3A_21, %dma_wait3A] : memref<12288x64xf32, #tpu.memory_space<vmem_shared>> -> memref<64x64xf32, #tpu.memory_space<vmem_shared>>
      %dma_wait3A_310 = arith.constant 0 : i32
      %dma_wait3A_311 = tpu.memref_slice %arg22[%add3A_21, %dma_wait3A_310] : memref<12288x64xf32, #tpu.memory_space<vmem_shared>> -> memref<64x64xf32, #tpu.memory_space<vmem_shared>>
      tpu.wait_dma2 semaphore(%run_scoped3A : memref<!tpu.dma_semaphore, #tpu.memory_space<semaphore_mem>>) src(%arg21 : memref<64x64xf32, #tpu.memory_space<vmem>>) dst(%dma_wait3A_311 : memref<64x64xf32, #tpu.memory_space<vmem_shared>>)
      tpu.yield
    }) : () -> ()
    %mul3A_22 = arith.constant 768 : i32
    %mul3A_23 = arith.muli %arg1, %mul3A_22 : i32
    %add3A_24 = arith.constant 128 : i32
    %add3A_25 = arith.addi %mul3A_23, %add3A_24 : i32
    "tpu.region"() ({
      %run_scoped3A = tpu.sem_alloc : memref<!tpu.dma_semaphore, #tpu.memory_space<semaphore_mem>>
      %dma_start3A_305 = arith.constant 0 : i32
      %dma_start3A_306 = tpu.memref_slice %arg22[%add3A_25, %dma_start3A_305] : memref<12288x64xf32, #tpu.memory_space<vmem_shared>> -> memref<64x64xf32, #tpu.memory_space<vmem_shared>>
      %dma_start3A_307 = arith.constant 0 : i32
      %dma_start3A_308 = tpu.memref_slice %arg22[%add3A_25, %dma_start3A_307] : memref<12288x64xf32, #tpu.memory_space<vmem_shared>> -> memref<64x64xf32, #tpu.memory_space<vmem_shared>>
      tpu.enqueue_dma source(%arg21 : memref<64x64xf32, #tpu.memory_space<vmem>>) target(%dma_start3A_308 : memref<64x64xf32, #tpu.memory_space<vmem_shared>>) target_semaphore(%run_scoped3A : memref<!tpu.dma_semaphore, #tpu.memory_space<semaphore_mem>>)
      %dma_wait3A = arith.constant 0 : i32
      %dma_wait3A_309 = tpu.memref_slice %arg22[%add3A_25, %dma_wait3A] : memref<12288x64xf32, #tpu.memory_space<vmem_shared>> -> memref<64x64xf32, #tpu.memory_space<vmem_shared>>
      %dma_wait3A_310 = arith.constant 0 : i32
      %dma_wait3A_311 = tpu.memref_slice %arg22[%add3A_25, %dma_wait3A_310] : memref<12288x64xf32, #tpu.memory_space<vmem_shared>> -> memref<64x64xf32, #tpu.memory_space<vmem_shared>>
      tpu.wait_dma2 semaphore(%run_scoped3A : memref<!tpu.dma_semaphore, #tpu.memory_space<semaphore_mem>>) src(%arg21 : memref<64x64xf32, #tpu.memory_space<vmem>>) dst(%dma_wait3A_311 : memref<64x64xf32, #tpu.memory_space<vmem_shared>>)
      tpu.yield
    }) : () -> ()
    %mul3A_26 = arith.constant 768 : i32
    %mul3A_27 = arith.muli %arg1, %mul3A_26 : i32
    %add3A_28 = arith.constant 192 : i32
    %add3A_29 = arith.addi %mul3A_27, %add3A_28 : i32
    "tpu.region"() ({
      %run_scoped3A = tpu.sem_alloc : memref<!tpu.dma_semaphore, #tpu.memory_space<semaphore_mem>>
      %dma_start3A_305 = arith.constant 0 : i32
      %dma_start3A_306 = tpu.memref_slice %arg22[%add3A_29, %dma_start3A_305] : memref<12288x64xf32, #tpu.memory_space<vmem_shared>> -> memref<64x64xf32, #tpu.memory_space<vmem_shared>>
      %dma_start3A_307 = arith.constant 0 : i32
      %dma_start3A_308 = tpu.memref_slice %arg22[%add3A_29, %dma_start3A_307] : memref<12288x64xf32, #tpu.memory_space<vmem_shared>> -> memref<64x64xf32, #tpu.memory_space<vmem_shared>>
      tpu.enqueue_dma source(%arg21 : memref<64x64xf32, #tpu.memory_space<vmem>>) target(%dma_start3A_308 : memref<64x64xf32, #tpu.memory_space<vmem_shared>>) target_semaphore(%run_scoped3A : memref<!tpu.dma_semaphore, #tpu.memory_space<semaphore_mem>>)
      %dma_wait3A = arith.constant 0 : i32
      %dma_wait3A_309 = tpu.memref_slice %arg22[%add3A_29, %dma_wait3A] : memref<12288x64xf32, #tpu.memory_space<vmem_shared>> -> memref<64x64xf32, #tpu.memory_space<vmem_shared>>
      %dma_wait3A_310 = arith.constant 0 : i32
      %dma_wait3A_311 = tpu.memref_slice %arg22[%add3A_29, %dma_wait3A_310] : memref<12288x64xf32, #tpu.memory_space<vmem_shared>> -> memref<64x64xf32, #tpu.memory_space<vmem_shared>>
      tpu.wait_dma2 semaphore(%run_scoped3A : memref<!tpu.dma_semaphore, #tpu.memory_space<semaphore_mem>>) src(%arg21 : memref<64x64xf32, #tpu.memory_space<vmem>>) dst(%dma_wait3A_311 : memref<64x64xf32, #tpu.memory_space<vmem_shared>>)
      tpu.yield
    }) : () -> ()
    %mul3A_30 = arith.constant 768 : i32
    %mul3A_31 = arith.muli %arg1, %mul3A_30 : i32
    %add3A_32 = arith.constant 256 : i32
    %add3A_33 = arith.addi %mul3A_31, %add3A_32 : i32
    "tpu.region"() ({
      %run_scoped3A = tpu.sem_alloc : memref<!tpu.dma_semaphore, #tpu.memory_space<semaphore_mem>>
      %dma_start3A_305 = arith.constant 0 : i32
      %dma_start3A_306 = tpu.memref_slice %arg22[%add3A_33, %dma_start3A_305] : memref<12288x64xf32, #tpu.memory_space<vmem_shared>> -> memref<64x64xf32, #tpu.memory_space<vmem_shared>>
      %dma_start3A_307 = arith.constant 0 : i32
      %dma_start3A_308 = tpu.memref_slice %arg22[%add3A_33, %dma_start3A_307] : memref<12288x64xf32, #tpu.memory_space<vmem_shared>> -> memref<64x64xf32, #tpu.memory_space<vmem_shared>>
      tpu.enqueue_dma source(%arg21 : memref<64x64xf32, #tpu.memory_space<vmem>>) target(%dma_start3A_308 : memref<64x64xf32, #tpu.memory_space<vmem_shared>>) target_semaphore(%run_scoped3A : memref<!tpu.dma_semaphore, #tpu.memory_space<semaphore_mem>>)
      %dma_wait3A = arith.constant 0 : i32
      %dma_wait3A_309 = tpu.memref_slice %arg22[%add3A_33, %dma_wait3A] : memref<12288x64xf32, #tpu.memory_space<vmem_shared>> -> memref<64x64xf32, #tpu.memory_space<vmem_shared>>
      %dma_wait3A_310 = arith.constant 0 : i32
      %dma_wait3A_311 = tpu.memref_slice %arg22[%add3A_33, %dma_wait3A_310] : memref<12288x64xf32, #tpu.memory_space<vmem_shared>> -> memref<64x64xf32, #tpu.memory_space<vmem_shared>>
      tpu.wait_dma2 semaphore(%run_scoped3A : memref<!tpu.dma_semaphore, #tpu.memory_space<semaphore_mem>>) src(%arg21 : memref<64x64xf32, #tpu.memory_space<vmem>>) dst(%dma_wait3A_311 : memref<64x64xf32, #tpu.memory_space<vmem_shared>>)
      tpu.yield
    }) : () -> ()
    %mul3A_34 = arith.constant 768 : i32
    %mul3A_35 = arith.muli %arg1, %mul3A_34 : i32
    %add3A_36 = arith.constant 320 : i32
    %add3A_37 = arith.addi %mul3A_35, %add3A_36 : i32
    "tpu.region"() ({
      %run_scoped3A = tpu.sem_alloc : memref<!tpu.dma_semaphore, #tpu.memory_space<semaphore_mem>>
      %dma_start3A_305 = arith.constant 0 : i32
      %dma_start3A_306 = tpu.memref_slice %arg22[%add3A_37, %dma_start3A_305] : memref<12288x64xf32, #tpu.memory_space<vmem_shared>> -> memref<64x64xf32, #tpu.memory_space<vmem_shared>>
      %dma_start3A_307 = arith.constant 0 : i32
      %dma_start3A_308 = tpu.memref_slice %arg22[%add3A_37, %dma_start3A_307] : memref<12288x64xf32, #tpu.memory_space<vmem_shared>> -> memref<64x64xf32, #tpu.memory_space<vmem_shared>>
      tpu.enqueue_dma source(%arg21 : memref<64x64xf32, #tpu.memory_space<vmem>>) target(%dma_start3A_308 : memref<64x64xf32, #tpu.memory_space<vmem_shared>>) target_semaphore(%run_scoped3A : memref<!tpu.dma_semaphore, #tpu.memory_space<semaphore_mem>>)
      %dma_wait3A = arith.constant 0 : i32
      %dma_wait3A_309 = tpu.memref_slice %arg22[%add3A_37, %dma_wait3A] : memref<12288x64xf32, #tpu.memory_space<vmem_shared>> -> memref<64x64xf32, #tpu.memory_space<vmem_shared>>
      %dma_wait3A_310 = arith.constant 0 : i32
      %dma_wait3A_311 = tpu.memref_slice %arg22[%add3A_37, %dma_wait3A_310] : memref<12288x64xf32, #tpu.memory_space<vmem_shared>> -> memref<64x64xf32, #tpu.memory_space<vmem_shared>>
      tpu.wait_dma2 semaphore(%run_scoped3A : memref<!tpu.dma_semaphore, #tpu.memory_space<semaphore_mem>>) src(%arg21 : memref<64x64xf32, #tpu.memory_space<vmem>>) dst(%dma_wait3A_311 : memref<64x64xf32, #tpu.memory_space<vmem_shared>>)
      tpu.yield
    }) : () -> ()
    %mul3A_38 = arith.constant 768 : i32
    %mul3A_39 = arith.muli %arg1, %mul3A_38 : i32
    %add3A_40 = arith.constant 384 : i32
    %add3A_41 = arith.addi %mul3A_39, %add3A_40 : i32
    "tpu.region"() ({
      %run_scoped3A = tpu.sem_alloc : memref<!tpu.dma_semaphore, #tpu.memory_space<semaphore_mem>>
      %dma_start3A_305 = arith.constant 0 : i32
      %dma_start3A_306 = tpu.memref_slice %arg22[%add3A_41, %dma_start3A_305] : memref<12288x64xf32, #tpu.memory_space<vmem_shared>> -> memref<64x64xf32, #tpu.memory_space<vmem_shared>>
      %dma_start3A_307 = arith.constant 0 : i32
      %dma_start3A_308 = tpu.memref_slice %arg22[%add3A_41, %dma_start3A_307] : memref<12288x64xf32, #tpu.memory_space<vmem_shared>> -> memref<64x64xf32, #tpu.memory_space<vmem_shared>>
      tpu.enqueue_dma source(%arg21 : memref<64x64xf32, #tpu.memory_space<vmem>>) target(%dma_start3A_308 : memref<64x64xf32, #tpu.memory_space<vmem_shared>>) target_semaphore(%run_scoped3A : memref<!tpu.dma_semaphore, #tpu.memory_space<semaphore_mem>>)
      %dma_wait3A = arith.constant 0 : i32
      %dma_wait3A_309 = tpu.memref_slice %arg22[%add3A_41, %dma_wait3A] : memref<12288x64xf32, #tpu.memory_space<vmem_shared>> -> memref<64x64xf32, #tpu.memory_space<vmem_shared>>
      %dma_wait3A_310 = arith.constant 0 : i32
      %dma_wait3A_311 = tpu.memref_slice %arg22[%add3A_41, %dma_wait3A_310] : memref<12288x64xf32, #tpu.memory_space<vmem_shared>> -> memref<64x64xf32, #tpu.memory_space<vmem_shared>>
      tpu.wait_dma2 semaphore(%run_scoped3A : memref<!tpu.dma_semaphore, #tpu.memory_space<semaphore_mem>>) src(%arg21 : memref<64x64xf32, #tpu.memory_space<vmem>>) dst(%dma_wait3A_311 : memref<64x64xf32, #tpu.memory_space<vmem_shared>>)
      tpu.yield
    }) : () -> ()
    %mul3A_42 = arith.constant 768 : i32
    %mul3A_43 = arith.muli %arg1, %mul3A_42 : i32
    %add3A_44 = arith.constant 448 : i32
    %add3A_45 = arith.addi %mul3A_43, %add3A_44 : i32
    "tpu.region"() ({
      %run_scoped3A = tpu.sem_alloc : memref<!tpu.dma_semaphore, #tpu.memory_space<semaphore_mem>>
      %dma_start3A_305 = arith.constant 0 : i32
      %dma_start3A_306 = tpu.memref_slice %arg22[%add3A_45, %dma_start3A_305] : memref<12288x64xf32, #tpu.memory_space<vmem_shared>> -> memref<64x64xf32, #tpu.memory_space<vmem_shared>>
      %dma_start3A_307 = arith.constant 0 : i32
      %dma_start3A_308 = tpu.memref_slice %arg22[%add3A_45, %dma_start3A_307] : memref<12288x64xf32, #tpu.memory_space<vmem_shared>> -> memref<64x64xf32, #tpu.memory_space<vmem_shared>>
      tpu.enqueue_dma source(%arg21 : memref<64x64xf32, #tpu.memory_space<vmem>>) target(%dma_start3A_308 : memref<64x64xf32, #tpu.memory_space<vmem_shared>>) target_semaphore(%run_scoped3A : memref<!tpu.dma_semaphore, #tpu.memory_space<semaphore_mem>>)
      %dma_wait3A = arith.constant 0 : i32
      %dma_wait3A_309 = tpu.memref_slice %arg22[%add3A_45, %dma_wait3A] : memref<12288x64xf32, #tpu.memory_space<vmem_shared>> -> memref<64x64xf32, #tpu.memory_space<vmem_shared>>
      %dma_wait3A_310 = arith.constant 0 : i32
      %dma_wait3A_311 = tpu.memref_slice %arg22[%add3A_45, %dma_wait3A_310] : memref<12288x64xf32, #tpu.memory_space<vmem_shared>> -> memref<64x64xf32, #tpu.memory_space<vmem_shared>>
      tpu.wait_dma2 semaphore(%run_scoped3A : memref<!tpu.dma_semaphore, #tpu.memory_space<semaphore_mem>>) src(%arg21 : memref<64x64xf32, #tpu.memory_space<vmem>>) dst(%dma_wait3A_311 : memref<64x64xf32, #tpu.memory_space<vmem_shared>>)
      tpu.yield
    }) : () -> ()
    %mul3A_46 = arith.constant 768 : i32
    %mul3A_47 = arith.muli %arg1, %mul3A_46 : i32
    %add3A_48 = arith.constant 512 : i32
    %add3A_49 = arith.addi %mul3A_47, %add3A_48 : i32
    "tpu.region"() ({
      %run_scoped3A = tpu.sem_alloc : memref<!tpu.dma_semaphore, #tpu.memory_space<semaphore_mem>>
      %dma_start3A_305 = arith.constant 0 : i32
      %dma_start3A_306 = tpu.memref_slice %arg22[%add3A_49, %dma_start3A_305] : memref<12288x64xf32, #tpu.memory_space<vmem_shared>> -> memref<64x64xf32, #tpu.memory_space<vmem_shared>>
      %dma_start3A_307 = arith.constant 0 : i32
      %dma_start3A_308 = tpu.memref_slice %arg22[%add3A_49, %dma_start3A_307] : memref<12288x64xf32, #tpu.memory_space<vmem_shared>> -> memref<64x64xf32, #tpu.memory_space<vmem_shared>>
      tpu.enqueue_dma source(%arg21 : memref<64x64xf32, #tpu.memory_space<vmem>>) target(%dma_start3A_308 : memref<64x64xf32, #tpu.memory_space<vmem_shared>>) target_semaphore(%run_scoped3A : memref<!tpu.dma_semaphore, #tpu.memory_space<semaphore_mem>>)
      %dma_wait3A = arith.constant 0 : i32
      %dma_wait3A_309 = tpu.memref_slice %arg22[%add3A_49, %dma_wait3A] : memref<12288x64xf32, #tpu.memory_space<vmem_shared>> -> memref<64x64xf32, #tpu.memory_space<vmem_shared>>
      %dma_wait3A_310 = arith.constant 0 : i32
      %dma_wait3A_311 = tpu.memref_slice %arg22[%add3A_49, %dma_wait3A_310] : memref<12288x64xf32, #tpu.memory_space<vmem_shared>> -> memref<64x64xf32, #tpu.memory_space<vmem_shared>>
      tpu.wait_dma2 semaphore(%run_scoped3A : memref<!tpu.dma_semaphore, #tpu.memory_space<semaphore_mem>>) src(%arg21 : memref<64x64xf32, #tpu.memory_space<vmem>>) dst(%dma_wait3A_311 : memref<64x64xf32, #tpu.memory_space<vmem_shared>>)
      tpu.yield
    }) : () -> ()
    %mul3A_50 = arith.constant 768 : i32
    %mul3A_51 = arith.muli %arg1, %mul3A_50 : i32
    %add3A_52 = arith.constant 576 : i32
    %add3A_53 = arith.addi %mul3A_51, %add3A_52 : i32
    "tpu.region"() ({
      %run_scoped3A = tpu.sem_alloc : memref<!tpu.dma_semaphore, #tpu.memory_space<semaphore_mem>>
      %dma_start3A_305 = arith.constant 0 : i32
      %dma_start3A_306 = tpu.memref_slice %arg22[%add3A_53, %dma_start3A_305] : memref<12288x64xf32, #tpu.memory_space<vmem_shared>> -> memref<64x64xf32, #tpu.memory_space<vmem_shared>>
      %dma_start3A_307 = arith.constant 0 : i32
      %dma_start3A_308 = tpu.memref_slice %arg22[%add3A_53, %dma_start3A_307] : memref<12288x64xf32, #tpu.memory_space<vmem_shared>> -> memref<64x64xf32, #tpu.memory_space<vmem_shared>>
      tpu.enqueue_dma source(%arg21 : memref<64x64xf32, #tpu.memory_space<vmem>>) target(%dma_start3A_308 : memref<64x64xf32, #tpu.memory_space<vmem_shared>>) target_semaphore(%run_scoped3A : memref<!tpu.dma_semaphore, #tpu.memory_space<semaphore_mem>>)
      %dma_wait3A = arith.constant 0 : i32
      %dma_wait3A_309 = tpu.memref_slice %arg22[%add3A_53, %dma_wait3A] : memref<12288x64xf32, #tpu.memory_space<vmem_shared>> -> memref<64x64xf32, #tpu.memory_space<vmem_shared>>
      %dma_wait3A_310 = arith.constant 0 : i32
      %dma_wait3A_311 = tpu.memref_slice %arg22[%add3A_53, %dma_wait3A_310] : memref<12288x64xf32, #tpu.memory_space<vmem_shared>> -> memref<64x64xf32, #tpu.memory_space<vmem_shared>>
      tpu.wait_dma2 semaphore(%run_scoped3A : memref<!tpu.dma_semaphore, #tpu.memory_space<semaphore_mem>>) src(%arg21 : memref<64x64xf32, #tpu.memory_space<vmem>>) dst(%dma_wait3A_311 : memref<64x64xf32, #tpu.memory_space<vmem_shared>>)
      tpu.yield
    }) : () -> ()
    %mul3A_54 = arith.constant 768 : i32
    %mul3A_55 = arith.muli %arg1, %mul3A_54 : i32
    %add3A_56 = arith.constant 640 : i32
    %add3A_57 = arith.addi %mul3A_55, %add3A_56 : i32
    "tpu.region"() ({
      %run_scoped3A = tpu.sem_alloc : memref<!tpu.dma_semaphore, #tpu.memory_space<semaphore_mem>>
      %dma_start3A_305 = arith.constant 0 : i32
      %dma_start3A_306 = tpu.memref_slice %arg22[%add3A_57, %dma_start3A_305] : memref<12288x64xf32, #tpu.memory_space<vmem_shared>> -> memref<64x64xf32, #tpu.memory_space<vmem_shared>>
      %dma_start3A_307 = arith.constant 0 : i32
      %dma_start3A_308 = tpu.memref_slice %arg22[%add3A_57, %dma_start3A_307] : memref<12288x64xf32, #tpu.memory_space<vmem_shared>> -> memref<64x64xf32, #tpu.memory_space<vmem_shared>>
      tpu.enqueue_dma source(%arg21 : memref<64x64xf32, #tpu.memory_space<vmem>>) target(%dma_start3A_308 : memref<64x64xf32, #tpu.memory_space<vmem_shared>>) target_semaphore(%run_scoped3A : memref<!tpu.dma_semaphore, #tpu.memory_space<semaphore_mem>>)
      %dma_wait3A = arith.constant 0 : i32
      %dma_wait3A_309 = tpu.memref_slice %arg22[%add3A_57, %dma_wait3A] : memref<12288x64xf32, #tpu.memory_space<vmem_shared>> -> memref<64x64xf32, #tpu.memory_space<vmem_shared>>
      %dma_wait3A_310 = arith.constant 0 : i32
      %dma_wait3A_311 = tpu.memref_slice %arg22[%add3A_57, %dma_wait3A_310] : memref<12288x64xf32, #tpu.memory_space<vmem_shared>> -> memref<64x64xf32, #tpu.memory_space<vmem_shared>>
      tpu.wait_dma2 semaphore(%run_scoped3A : memref<!tpu.dma_semaphore, #tpu.memory_space<semaphore_mem>>) src(%arg21 : memref<64x64xf32, #tpu.memory_space<vmem>>) dst(%dma_wait3A_311 : memref<64x64xf32, #tpu.memory_space<vmem_shared>>)
      tpu.yield
    }) : () -> ()
    %mul3A_58 = arith.constant 768 : i32
    %mul3A_59 = arith.muli %arg1, %mul3A_58 : i32
    %add3A_60 = arith.constant 704 : i32
    %add3A_61 = arith.addi %mul3A_59, %add3A_60 : i32
    "tpu.region"() ({
      %run_scoped3A = tpu.sem_alloc : memref<!tpu.dma_semaphore, #tpu.memory_space<semaphore_mem>>
      %dma_start3A_305 = arith.constant 0 : i32
      %dma_start3A_306 = tpu.memref_slice %arg22[%add3A_61, %dma_start3A_305] : memref<12288x64xf32, #tpu.memory_space<vmem_shared>> -> memref<64x64xf32, #tpu.memory_space<vmem_shared>>
      %dma_start3A_307 = arith.constant 0 : i32
      %dma_start3A_308 = tpu.memref_slice %arg22[%add3A_61, %dma_start3A_307] : memref<12288x64xf32, #tpu.memory_space<vmem_shared>> -> memref<64x64xf32, #tpu.memory_space<vmem_shared>>
      tpu.enqueue_dma source(%arg21 : memref<64x64xf32, #tpu.memory_space<vmem>>) target(%dma_start3A_308 : memref<64x64xf32, #tpu.memory_space<vmem_shared>>) target_semaphore(%run_scoped3A : memref<!tpu.dma_semaphore, #tpu.memory_space<semaphore_mem>>)
      %dma_wait3A = arith.constant 0 : i32
      %dma_wait3A_309 = tpu.memref_slice %arg22[%add3A_61, %dma_wait3A] : memref<12288x64xf32, #tpu.memory_space<vmem_shared>> -> memref<64x64xf32, #tpu.memory_space<vmem_shared>>
      %dma_wait3A_310 = arith.constant 0 : i32
      %dma_wait3A_311 = tpu.memref_slice %arg22[%add3A_61, %dma_wait3A_310] : memref<12288x64xf32, #tpu.memory_space<vmem_shared>> -> memref<64x64xf32, #tpu.memory_space<vmem_shared>>
      tpu.wait_dma2 semaphore(%run_scoped3A : memref<!tpu.dma_semaphore, #tpu.memory_space<semaphore_mem>>) src(%arg21 : memref<64x64xf32, #tpu.memory_space<vmem>>) dst(%dma_wait3A_311 : memref<64x64xf32, #tpu.memory_space<vmem_shared>>)
      tpu.yield
    }) : () -> ()
    %barrier3A = arith.constant 0 : index
    tpu.barrier barrier_id(%barrier3A)
    %mul3A_62 = arith.constant 32768 : i32
    %mul3A_63 = arith.muli %arg1, %mul3A_62 : i32
    %add3A_64 = arith.constant 0 : i32
    %add3A_65 = arith.addi %mul3A_63, %add3A_64 : i32
    %dma_start3A = arith.constant 0 : i32
    %dma_start3A_66 = arith.constant 0 : i32
    %dma_start3A_67 = tpu.memref_slice %arg7[%dma_start3A, %dma_start3A_66] : memref<2x1024xi32, #tpu.memory_space<vmem>> -> memref<1x1024xi32, #tpu.memory_space<vmem>>
    %dma_start3A_68 = tpu.memref_squeeze %dma_start3A_67 : memref<1x1024xi32, #tpu.memory_space<vmem>> -> memref<1024xi32, #tpu.memory_space<vmem>>
    %dma_start3A_69 = tpu.memref_slice %arg2[%add3A_65] : memref<524288xi32, #tpu.memory_space<hbm>> -> memref<1024xi32, #tpu.memory_space<hbm>>
    %dma_start3A_70 = arith.constant 0 : i32
    %dma_start3A_71 = tpu.memref_slice %arg7[%dma_start3A, %dma_start3A_70] : memref<2x1024xi32, #tpu.memory_space<vmem>> -> memref<1x1024xi32, #tpu.memory_space<vmem>>
    %dma_start3A_72 = tpu.memref_squeeze %dma_start3A_71 : memref<1x1024xi32, #tpu.memory_space<vmem>> -> memref<1024xi32, #tpu.memory_space<vmem>>
    %dma_start3A_73 = tpu.memref_slice %arg2[%add3A_65] : memref<524288xi32, #tpu.memory_space<hbm>> -> memref<1024xi32, #tpu.memory_space<hbm>>
    tpu.enqueue_dma source(%dma_start3A_73 : memref<1024xi32, #tpu.memory_space<hbm>>) target(%dma_start3A_72 : memref<1024xi32, #tpu.memory_space<vmem>>) target_semaphore(%arg23 : memref<!tpu.dma_semaphore, #tpu.memory_space<semaphore_mem>>)
    %dma_start3A_74 = arith.constant 0 : i32
    %dma_start3A_75 = arith.constant 0 : i32
    %dma_start3A_76 = tpu.memref_slice %arg8[%dma_start3A_74, %dma_start3A_75] : memref<2x1024xi32, #tpu.memory_space<vmem>> -> memref<1x1024xi32, #tpu.memory_space<vmem>>
    %dma_start3A_77 = tpu.memref_squeeze %dma_start3A_76 : memref<1x1024xi32, #tpu.memory_space<vmem>> -> memref<1024xi32, #tpu.memory_space<vmem>>
    %dma_start3A_78 = tpu.memref_slice %arg3[%add3A_65] : memref<524288xi32, #tpu.memory_space<hbm>> -> memref<1024xi32, #tpu.memory_space<hbm>>
    %dma_start3A_79 = arith.constant 0 : i32
    %dma_start3A_80 = tpu.memref_slice %arg8[%dma_start3A_74, %dma_start3A_79] : memref<2x1024xi32, #tpu.memory_space<vmem>> -> memref<1x1024xi32, #tpu.memory_space<vmem>>
    %dma_start3A_81 = tpu.memref_squeeze %dma_start3A_80 : memref<1x1024xi32, #tpu.memory_space<vmem>> -> memref<1024xi32, #tpu.memory_space<vmem>>
    %dma_start3A_82 = tpu.memref_slice %arg3[%add3A_65] : memref<524288xi32, #tpu.memory_space<hbm>> -> memref<1024xi32, #tpu.memory_space<hbm>>
    tpu.enqueue_dma source(%dma_start3A_82 : memref<1024xi32, #tpu.memory_space<hbm>>) target(%dma_start3A_81 : memref<1024xi32, #tpu.memory_space<vmem>>) target_semaphore(%arg23 : memref<!tpu.dma_semaphore, #tpu.memory_space<semaphore_mem>>)
    %dma_start3A_83 = arith.constant 0 : i32
    %dma_start3A_84 = arith.constant 0 : i32
    %dma_start3A_85 = tpu.memref_slice %arg9[%dma_start3A_83, %dma_start3A_84] : memref<2x1024xf32, #tpu.memory_space<vmem>> -> memref<1x1024xf32, #tpu.memory_space<vmem>>
    %dma_start3A_86 = tpu.memref_squeeze %dma_start3A_85 : memref<1x1024xf32, #tpu.memory_space<vmem>> -> memref<1024xf32, #tpu.memory_space<vmem>>
    %dma_start3A_87 = tpu.memref_slice %arg4[%add3A_65] : memref<524288xf32, #tpu.memory_space<hbm>> -> memref<1024xf32, #tpu.memory_space<hbm>>
    %dma_start3A_88 = arith.constant 0 : i32
    %dma_start3A_89 = tpu.memref_slice %arg9[%dma_start3A_83, %dma_start3A_88] : memref<2x1024xf32, #tpu.memory_space<vmem>> -> memref<1x1024xf32, #tpu.memory_space<vmem>>
    %dma_start3A_90 = tpu.memref_squeeze %dma_start3A_89 : memref<1x1024xf32, #tpu.memory_space<vmem>> -> memref<1024xf32, #tpu.memory_space<vmem>>
    %dma_start3A_91 = tpu.memref_slice %arg4[%add3A_65] : memref<524288xf32, #tpu.memory_space<hbm>> -> memref<1024xf32, #tpu.memory_space<hbm>>
    tpu.enqueue_dma source(%dma_start3A_91 : memref<1024xf32, #tpu.memory_space<hbm>>) target(%dma_start3A_90 : memref<1024xf32, #tpu.memory_space<vmem>>) target_semaphore(%arg23 : memref<!tpu.dma_semaphore, #tpu.memory_space<semaphore_mem>>)
    %scan3A_92 = arith.constant 0 : i32
    %scan3A_93 = arith.constant 0 : i32
    %scan3A_94 = arith.constant 0 : i32
    %scan3A_95 = arith.constant 0 : i32
    %scan3A_96 = arith.constant 16 : i32
    %scan3A_97 = arith.addi %scan3A_95, %scan3A_96 : i32
    %scan3A_98 = arith.constant 1 : i32
    %scan3A_99:3 = scf.for %scan3A_305 = %scan3A_95 to %scan3A_97 step %scan3A_98 iter_args(%scan3A_306 = %scan3A_92, %scan3A_307 = %scan3A_93, %scan3A_308 = %scan3A_94) -> (i32, i32, i32)  : i32 {
      %mul3A_309 = arith.constant 2 : i32
      %mul3A_310 = arith.muli %scan3A_305, %mul3A_309 : i32
      %add3A_311 = arith.constant 1 : i32
      %add3A_312 = arith.addi %mul3A_310, %add3A_311 : i32
      %mul3A_313 = arith.constant 32768 : i32
      %mul3A_314 = arith.muli %arg1, %mul3A_313 : i32
      %mul3A_315 = arith.constant 1024 : i32
      %mul3A_316 = arith.muli %add3A_312, %mul3A_315 : i32
      %add3A_317 = arith.addi %mul3A_314, %mul3A_316 : i32
      %dma_start3A_318 = arith.constant 1 : i32
      %dma_start3A_319 = arith.constant 0 : i32
      %dma_start3A_320 = tpu.memref_slice %arg7[%dma_start3A_318, %dma_start3A_319] : memref<2x1024xi32, #tpu.memory_space<vmem>> -> memref<1x1024xi32, #tpu.memory_space<vmem>>
      %dma_start3A_321 = tpu.memref_squeeze %dma_start3A_320 : memref<1x1024xi32, #tpu.memory_space<vmem>> -> memref<1024xi32, #tpu.memory_space<vmem>>
      %dma_start3A_322 = tpu.memref_slice %arg2[%add3A_317] : memref<524288xi32, #tpu.memory_space<hbm>> -> memref<1024xi32, #tpu.memory_space<hbm>>
      %dma_start3A_323 = arith.constant 0 : i32
      %dma_start3A_324 = tpu.memref_slice %arg7[%dma_start3A_318, %dma_start3A_323] : memref<2x1024xi32, #tpu.memory_space<vmem>> -> memref<1x1024xi32, #tpu.memory_space<vmem>>
      %dma_start3A_325 = tpu.memref_squeeze %dma_start3A_324 : memref<1x1024xi32, #tpu.memory_space<vmem>> -> memref<1024xi32, #tpu.memory_space<vmem>>
      %dma_start3A_326 = tpu.memref_slice %arg2[%add3A_317] : memref<524288xi32, #tpu.memory_space<hbm>> -> memref<1024xi32, #tpu.memory_space<hbm>>
      tpu.enqueue_dma source(%dma_start3A_326 : memref<1024xi32, #tpu.memory_space<hbm>>) target(%dma_start3A_325 : memref<1024xi32, #tpu.memory_space<vmem>>) target_semaphore(%arg24 : memref<!tpu.dma_semaphore, #tpu.memory_space<semaphore_mem>>)
      %dma_start3A_327 = arith.constant 1 : i32
      %dma_start3A_328 = arith.constant 0 : i32
      %dma_start3A_329 = tpu.memref_slice %arg8[%dma_start3A_327, %dma_start3A_328] : memref<2x1024xi32, #tpu.memory_space<vmem>> -> memref<1x1024xi32, #tpu.memory_space<vmem>>
      %dma_start3A_330 = tpu.memref_squeeze %dma_start3A_329 : memref<1x1024xi32, #tpu.memory_space<vmem>> -> memref<1024xi32, #tpu.memory_space<vmem>>
      %dma_start3A_331 = tpu.memref_slice %arg3[%add3A_317] : memref<524288xi32, #tpu.memory_space<hbm>> -> memref<1024xi32, #tpu.memory_space<hbm>>
      %dma_start3A_332 = arith.constant 0 : i32
      %dma_start3A_333 = tpu.memref_slice %arg8[%dma_start3A_327, %dma_start3A_332] : memref<2x1024xi32, #tpu.memory_space<vmem>> -> memref<1x1024xi32, #tpu.memory_space<vmem>>
      %dma_start3A_334 = tpu.memref_squeeze %dma_start3A_333 : memref<1x1024xi32, #tpu.memory_space<vmem>> -> memref<1024xi32, #tpu.memory_space<vmem>>
      %dma_start3A_335 = tpu.memref_slice %arg3[%add3A_317] : memref<524288xi32, #tpu.memory_space<hbm>> -> memref<1024xi32, #tpu.memory_space<hbm>>
      tpu.enqueue_dma source(%dma_start3A_335 : memref<1024xi32, #tpu.memory_space<hbm>>) target(%dma_start3A_334 : memref<1024xi32, #tpu.memory_space<vmem>>) target_semaphore(%arg24 : memref<!tpu.dma_semaphore, #tpu.memory_space<semaphore_mem>>)
      %dma_start3A_336 = arith.constant 1 : i32
      %dma_start3A_337 = arith.constant 0 : i32
      %dma_start3A_338 = tpu.memref_slice %arg9[%dma_start3A_336, %dma_start3A_337] : memref<2x1024xf32, #tpu.memory_space<vmem>> -> memref<1x1024xf32, #tpu.memory_space<vmem>>
      %dma_start3A_339 = tpu.memref_squeeze %dma_start3A_338 : memref<1x1024xf32, #tpu.memory_space<vmem>> -> memref<1024xf32, #tpu.memory_space<vmem>>
      %dma_start3A_340 = tpu.memref_slice %arg4[%add3A_317] : memref<524288xf32, #tpu.memory_space<hbm>> -> memref<1024xf32, #tpu.memory_space<hbm>>
      %dma_start3A_341 = arith.constant 0 : i32
      %dma_start3A_342 = tpu.memref_slice %arg9[%dma_start3A_336, %dma_start3A_341] : memref<2x1024xf32, #tpu.memory_space<vmem>> -> memref<1x1024xf32, #tpu.memory_space<vmem>>
      %dma_start3A_343 = tpu.memref_squeeze %dma_start3A_342 : memref<1x1024xf32, #tpu.memory_space<vmem>> -> memref<1024xf32, #tpu.memory_space<vmem>>
      %dma_start3A_344 = tpu.memref_slice %arg4[%add3A_317] : memref<524288xf32, #tpu.memory_space<hbm>> -> memref<1024xf32, #tpu.memory_space<hbm>>
      tpu.enqueue_dma source(%dma_start3A_344 : memref<1024xf32, #tpu.memory_space<hbm>>) target(%dma_start3A_343 : memref<1024xf32, #tpu.memory_space<vmem>>) target_semaphore(%arg24 : memref<!tpu.dma_semaphore, #tpu.memory_space<semaphore_mem>>)
      %mul3A_345 = arith.constant 32768 : i32
      %mul3A_346 = arith.muli %arg1, %mul3A_345 : i32
      %dma_wait3A = arith.constant 0 : i32
      %dma_wait3A_347 = arith.constant 0 : i32
      %dma_wait3A_348 = tpu.memref_slice %arg7[%dma_wait3A, %dma_wait3A_347] : memref<2x1024xi32, #tpu.memory_space<vmem>> -> memref<1x1024xi32, #tpu.memory_space<vmem>>
      %dma_wait3A_349 = tpu.memref_squeeze %dma_wait3A_348 : memref<1x1024xi32, #tpu.memory_space<vmem>> -> memref<1024xi32, #tpu.memory_space<vmem>>
      %dma_wait3A_350 = tpu.memref_slice %arg2[%mul3A_346] : memref<524288xi32, #tpu.memory_space<hbm>> -> memref<1024xi32, #tpu.memory_space<hbm>>
      %dma_wait3A_351 = arith.constant 0 : i32
      %dma_wait3A_352 = tpu.memref_slice %arg7[%dma_wait3A, %dma_wait3A_351] : memref<2x1024xi32, #tpu.memory_space<vmem>> -> memref<1x1024xi32, #tpu.memory_space<vmem>>
      %dma_wait3A_353 = tpu.memref_squeeze %dma_wait3A_352 : memref<1x1024xi32, #tpu.memory_space<vmem>> -> memref<1024xi32, #tpu.memory_space<vmem>>
      %dma_wait3A_354 = tpu.memref_slice %arg2[%mul3A_346] : memref<524288xi32, #tpu.memory_space<hbm>> -> memref<1024xi32, #tpu.memory_space<hbm>>
      tpu.wait_dma2 semaphore(%arg23 : memref<!tpu.dma_semaphore, #tpu.memory_space<semaphore_mem>>) src(%dma_wait3A_354 : memref<1024xi32, #tpu.memory_space<hbm>>) dst(%dma_wait3A_353 : memref<1024xi32, #tpu.memory_space<vmem>>)
      %dma_wait3A_355 = arith.constant 0 : i32
      %dma_wait3A_356 = arith.constant 0 : i32
      %dma_wait3A_357 = tpu.memref_slice %arg8[%dma_wait3A_355, %dma_wait3A_356] : memref<2x1024xi32, #tpu.memory_space<vmem>> -> memref<1x1024xi32, #tpu.memory_space<vmem>>
      %dma_wait3A_358 = tpu.memref_squeeze %dma_wait3A_357 : memref<1x1024xi32, #tpu.memory_space<vmem>> -> memref<1024xi32, #tpu.memory_space<vmem>>
      %dma_wait3A_359 = tpu.memref_slice %arg3[%mul3A_346] : memref<524288xi32, #tpu.memory_space<hbm>> -> memref<1024xi32, #tpu.memory_space<hbm>>
      %dma_wait3A_360 = arith.constant 0 : i32
      %dma_wait3A_361 = tpu.memref_slice %arg8[%dma_wait3A_355, %dma_wait3A_360] : memref<2x1024xi32, #tpu.memory_space<vmem>> -> memref<1x1024xi32, #tpu.memory_space<vmem>>
      %dma_wait3A_362 = tpu.memref_squeeze %dma_wait3A_361 : memref<1x1024xi32, #tpu.memory_space<vmem>> -> memref<1024xi32, #tpu.memory_space<vmem>>
      %dma_wait3A_363 = tpu.memref_slice %arg3[%mul3A_346] : memref<524288xi32, #tpu.memory_space<hbm>> -> memref<1024xi32, #tpu.memory_space<hbm>>
      tpu.wait_dma2 semaphore(%arg23 : memref<!tpu.dma_semaphore, #tpu.memory_space<semaphore_mem>>) src(%dma_wait3A_363 : memref<1024xi32, #tpu.memory_space<hbm>>) dst(%dma_wait3A_362 : memref<1024xi32, #tpu.memory_space<vmem>>)
      %dma_wait3A_364 = arith.constant 0 : i32
      %dma_wait3A_365 = arith.constant 0 : i32
      %dma_wait3A_366 = tpu.memref_slice %arg9[%dma_wait3A_364, %dma_wait3A_365] : memref<2x1024xf32, #tpu.memory_space<vmem>> -> memref<1x1024xf32, #tpu.memory_space<vmem>>
      %dma_wait3A_367 = tpu.memref_squeeze %dma_wait3A_366 : memref<1x1024xf32, #tpu.memory_space<vmem>> -> memref<1024xf32, #tpu.memory_space<vmem>>
      %dma_wait3A_368 = tpu.memref_slice %arg4[%mul3A_346] : memref<524288xf32, #tpu.memory_space<hbm>> -> memref<1024xf32, #tpu.memory_space<hbm>>
      %dma_wait3A_369 = arith.constant 0 : i32
      %dma_wait3A_370 = tpu.memref_slice %arg9[%dma_wait3A_364, %dma_wait3A_369] : memref<2x1024xf32, #tpu.memory_space<vmem>> -> memref<1x1024xf32, #tpu.memory_space<vmem>>
      %dma_wait3A_371 = tpu.memref_squeeze %dma_wait3A_370 : memref<1x1024xf32, #tpu.memory_space<vmem>> -> memref<1024xf32, #tpu.memory_space<vmem>>
      %dma_wait3A_372 = tpu.memref_slice %arg4[%mul3A_346] : memref<524288xf32, #tpu.memory_space<hbm>> -> memref<1024xf32, #tpu.memory_space<hbm>>
      tpu.wait_dma2 semaphore(%arg23 : memref<!tpu.dma_semaphore, #tpu.memory_space<semaphore_mem>>) src(%dma_wait3A_372 : memref<1024xf32, #tpu.memory_space<hbm>>) dst(%dma_wait3A_371 : memref<1024xf32, #tpu.memory_space<vmem>>)
      %scan3A_373 = arith.constant 0 : i32
      %scan3A_374 = arith.constant 0 : i32
      %scan3A_375 = arith.constant 0 : i32
      %scan3A_376 = arith.constant 0 : i32
      %scan3A_377 = arith.constant 64 : i32
      %scan3A_378 = arith.addi %scan3A_376, %scan3A_377 : i32
      %scan3A_379 = arith.constant 1 : i32
      %scan3A_380:3 = scf.for %scan3A_427 = %scan3A_376 to %scan3A_378 step %scan3A_379 iter_args(%scan3A_428 = %scan3A_306, %scan3A_429 = %scan3A_307, %scan3A_430 = %scan3A_308) -> (i32, i32, i32)  : i32 {
        %mul3A_431 = arith.constant 16 : i32
        %mul3A_432 = arith.muli %scan3A_427, %mul3A_431 : i32
        %get3A_433 = arith.constant 0 : i32
        %get3A_434 = tpu.memref_slice %arg7[%scan3A_373, %get3A_433] : memref<2x1024xi32, #tpu.memory_space<vmem>> -> memref<1x1024xi32, #tpu.memory_space<vmem>>
        %get3A_435 = tpu.memref_squeeze %get3A_434 : memref<1x1024xi32, #tpu.memory_space<vmem>> -> memref<1024xi32, #tpu.memory_space<vmem>>
        %get3A_436 = arith.index_cast %mul3A_432 : i32 to index
        %get3A_437 = tpu.vector_load %get3A_435[%get3A_436] {strides = array<i32>} : memref<1024xi32, #tpu.memory_space<vmem>>, vector<16xi32>,
        %ge3A = vector.broadcast %mul3A_13 : i32 to vector<16xi32>
        %ge3A_438 = arith.cmpi sge, %get3A_437, %ge3A : vector<16xi32>
        %add3A_439 = arith.constant 12288 : i32
        %add3A_440 = arith.addi %mul3A_13, %add3A_439 : i32
        %lt3A_441 = vector.broadcast %add3A_440 : i32 to vector<16xi32>
        %lt3A_442 = arith.cmpi slt, %get3A_437, %lt3A_441 : vector<16xi32>
        %and3A = arith.andi %ge3A_438, %lt3A_442 : vector<16xi1>
        %sub3A_443 = vector.broadcast %mul3A_13 : i32 to vector<16xi32>
        %sub3A_444 = arith.subi %get3A_437, %sub3A_443 : vector<16xi32>
        %swap3A_445 = arith.index_cast %scan3A_428 : i32 to index
        %swap3A_446 = tpu.vector_load %arg10[%swap3A_445] masked %and3A {strides = array<i32>} : memref<288xi32, #tpu.memory_space<vmem>>, vector<16xi32>, vector<16xi1>
        tpu.vector_store %arg10[%swap3A_445], %sub3A_444 masked %and3A {strides = array<i32>} : memref<288xi32, #tpu.memory_space<vmem>>, vector<16xi32>, vector<16xi1>
        %get3A_447 = arith.constant 0 : i32
        %get3A_448 = tpu.memref_slice %arg8[%scan3A_374, %get3A_447] : memref<2x1024xi32, #tpu.memory_space<vmem>> -> memref<1x1024xi32, #tpu.memory_space<vmem>>
        %get3A_449 = tpu.memref_squeeze %get3A_448 : memref<1x1024xi32, #tpu.memory_space<vmem>> -> memref<1024xi32, #tpu.memory_space<vmem>>
        %get3A_450 = arith.index_cast %mul3A_432 : i32 to index
        %get3A_451 = tpu.vector_load %get3A_449[%get3A_450] {strides = array<i32>} : memref<1024xi32, #tpu.memory_space<vmem>>, vector<16xi32>,
        %swap3A_452 = arith.index_cast %scan3A_428 : i32 to index
        %swap3A_453 = tpu.vector_load %arg11[%swap3A_452] masked %and3A {strides = array<i32>} : memref<288xi32, #tpu.memory_space<vmem>>, vector<16xi32>, vector<16xi1>
        tpu.vector_store %arg11[%swap3A_452], %get3A_451 masked %and3A {strides = array<i32>} : memref<288xi32, #tpu.memory_space<vmem>>, vector<16xi32>, vector<16xi1>
        %get3A_454 = arith.constant 0 : i32
        %get3A_455 = tpu.memref_slice %arg9[%scan3A_375, %get3A_454] : memref<2x1024xf32, #tpu.memory_space<vmem>> -> memref<1x1024xf32, #tpu.memory_space<vmem>>
        %get3A_456 = tpu.memref_squeeze %get3A_455 : memref<1x1024xf32, #tpu.memory_space<vmem>> -> memref<1024xf32, #tpu.memory_space<vmem>>
        %get3A_457 = arith.index_cast %mul3A_432 : i32 to index
        %get3A_458 = tpu.vector_load %get3A_456[%get3A_457] {strides = array<i32>} : memref<1024xf32, #tpu.memory_space<vmem>>, vector<16xf32>,
        %swap3A_459 = arith.index_cast %scan3A_428 : i32 to index
        %swap3A_460 = tpu.vector_load %arg12[%swap3A_459] masked %and3A {strides = array<i32>} : memref<288xf32, #tpu.memory_space<vmem>>, vector<16xf32>, vector<16xi1>
        tpu.vector_store %arg12[%swap3A_459], %get3A_458 masked %and3A {strides = array<i32>} : memref<288xf32, #tpu.memory_space<vmem>>, vector<16xf32>, vector<16xi1>
        %all_reduce_population_count3A = tpu.all_reduce %and3A {dim = 0 : i64, kind = #tpu.reduction_kind<sum>} : vector<16xi1> -> vector<16xi32>
        %slice3A = vector.extract_strided_slice %all_reduce_population_count3A {offsets = [0], sizes = [1], strides = [1]} : vector<16xi32> to vector<1xi32>
        %squeeze3A = vector.extract %slice3A[0] : i32 from vector<1xi32>
        %add3A_461 = arith.addi %scan3A_428, %squeeze3A : i32
        %ge3A_462 = arith.constant 256 : i32
        %ge3A_463 = arith.cmpi sge, %add3A_461, %ge3A_462 : i32
        %convert_element_type3A_464 = arith.extui %ge3A_463 : i1 to i32
        %cond3A_465 = arith.constant 0 : i32
        %cond3A_466 = arith.cmpi ne, %convert_element_type3A_464, %cond3A_465 : i32
        scf.if %cond3A_466 {
          %eq3A_476 = arith.constant 0 : i32
          %eq3A_477 = arith.cmpi eq, %scan3A_429, %eq3A_476 : i32
          %convert_element_type3A_478 = arith.extui %eq3A_477 : i1 to i32
          %cond3A_479 = arith.constant 0 : i32
          %cond3A_480 = arith.cmpi ne, %convert_element_type3A_478, %cond3A_479 : i32
          scf.if %cond3A_480 {
            %ge3A_493 = arith.constant 1 : i32
            %ge3A_494 = arith.cmpi sge, %scan3A_430, %ge3A_493 : i32
            %convert_element_type3A_495 = arith.extui %ge3A_494 : i1 to i32
            %cond3A_496 = arith.constant 0 : i32
            %cond3A_497 = arith.cmpi ne, %convert_element_type3A_495, %cond3A_496 : i32
            scf.if %cond3A_497 {
              %dma_wait3A_698 = arith.constant 0 : i32
              %dma_wait3A_699 = arith.constant 0 : i32
              %dma_wait3A_700 = tpu.memref_slice %arg5[%dma_wait3A_698, %dma_wait3A_699] : memref<50000x64xf32, #tpu.memory_space<hbm>> -> memref<50000x64xf32, #tpu.memory_space<hbm>>
              tpu.wait_indirect_dma semaphore(%arg26 : memref<!tpu.dma_semaphore, #tpu.memory_space<semaphore_mem>>) src(%dma_wait3A_700 : memref<50000x64xf32, #tpu.memory_space<hbm>>) dst(%arg20 : memref<256x64xf32, #tpu.memory_space<vmem>>)
              %parallel_loop3A = arith.constant 0 : i32
              %parallel_loop3A_701 = arith.constant 256 : i32
              %parallel_loop3A_702 = arith.constant 1 : i32
              scf.for %parallel_loop3A_706 = %parallel_loop3A to %parallel_loop3A_701 step %parallel_loop3A_702  : i32 {
                %parallel_loop3A_707 = arith.index_cast %parallel_loop3A_706 : i32 to index
                %parallel_loop3A_708 = tpu.vector_load %arg18[%parallel_loop3A_707] {strides = array<i32>} : memref<256xf32, #tpu.memory_space<vmem>>, vector<16xf32>,
                %parallel_loop3A_709 = vector.extract_strided_slice %parallel_loop3A_708 {offsets = [0], sizes = [1], strides = [1]} : vector<16xf32> to vector<1xf32>
                %parallel_loop3A_710 = vector.extract %parallel_loop3A_709[0] : f32 from vector<1xf32>
                %parallel_loop3A_711 = arith.index_cast %parallel_loop3A_706 : i32 to index
                %parallel_loop3A_712 = arith.constant 0 : index
                %parallel_loop3A_713 = tpu.vector_load %arg20[%parallel_loop3A_711, %parallel_loop3A_712] {strides = array<i32>} : memref<256x64xf32, #tpu.memory_space<vmem>>, vector<16xf32>,
                %parallel_loop3A_714 = vector.broadcast %parallel_loop3A_710 : f32 to vector<16xf32>
                %parallel_loop3A_715 = arith.mulf %parallel_loop3A_713, %parallel_loop3A_714 : vector<16xf32>
                %parallel_loop3A_716 = arith.index_cast %parallel_loop3A_706 : i32 to index
                %parallel_loop3A_717 = arith.constant 0 : index
                %parallel_loop3A_718 = tpu.vector_load %arg20[%parallel_loop3A_716, %parallel_loop3A_717] {strides = array<i32>} : memref<256x64xf32, #tpu.memory_space<vmem>>, vector<16xf32>,
                tpu.vector_store %arg20[%parallel_loop3A_716, %parallel_loop3A_717], %parallel_loop3A_715 {strides = array<i32>} : memref<256x64xf32, #tpu.memory_space<vmem>>, vector<16xf32>,
                %parallel_loop3A_719 = arith.index_cast %parallel_loop3A_706 : i32 to index
                %parallel_loop3A_720 = arith.constant 16 : index
                %parallel_loop3A_721 = tpu.vector_load %arg20[%parallel_loop3A_719, %parallel_loop3A_720] {strides = array<i32>} : memref<256x64xf32, #tpu.memory_space<vmem>>, vector<16xf32>,
                %parallel_loop3A_722 = vector.broadcast %parallel_loop3A_710 : f32 to vector<16xf32>
                %parallel_loop3A_723 = arith.mulf %parallel_loop3A_721, %parallel_loop3A_722 : vector<16xf32>
                %parallel_loop3A_724 = arith.index_cast %parallel_loop3A_706 : i32 to index
                %parallel_loop3A_725 = arith.constant 16 : index
                %parallel_loop3A_726 = tpu.vector_load %arg20[%parallel_loop3A_724, %parallel_loop3A_725] {strides = array<i32>} : memref<256x64xf32, #tpu.memory_space<vmem>>, vector<16xf32>,
                tpu.vector_store %arg20[%parallel_loop3A_724, %parallel_loop3A_725], %parallel_loop3A_723 {strides = array<i32>} : memref<256x64xf32, #tpu.memory_space<vmem>>, vector<16xf32>,
                %parallel_loop3A_727 = arith.index_cast %parallel_loop3A_706 : i32 to index
                %parallel_loop3A_728 = arith.constant 32 : index
                %parallel_loop3A_729 = tpu.vector_load %arg20[%parallel_loop3A_727, %parallel_loop3A_728] {strides = array<i32>} : memref<256x64xf32, #tpu.memory_space<vmem>>, vector<16xf32>,
                %parallel_loop3A_730 = vector.broadcast %parallel_loop3A_710 : f32 to vector<16xf32>
                %parallel_loop3A_731 = arith.mulf %parallel_loop3A_729, %parallel_loop3A_730 : vector<16xf32>
                %parallel_loop3A_732 = arith.index_cast %parallel_loop3A_706 : i32 to index
                %parallel_loop3A_733 = arith.constant 32 : index
                %parallel_loop3A_734 = tpu.vector_load %arg20[%parallel_loop3A_732, %parallel_loop3A_733] {strides = array<i32>} : memref<256x64xf32, #tpu.memory_space<vmem>>, vector<16xf32>,
                tpu.vector_store %arg20[%parallel_loop3A_732, %parallel_loop3A_733], %parallel_loop3A_731 {strides = array<i32>} : memref<256x64xf32, #tpu.memory_space<vmem>>, vector<16xf32>,
                %parallel_loop3A_735 = arith.index_cast %parallel_loop3A_706 : i32 to index
                %parallel_loop3A_736 = arith.constant 48 : index
                %parallel_loop3A_737 = tpu.vector_load %arg20[%parallel_loop3A_735, %parallel_loop3A_736] {strides = array<i32>} : memref<256x64xf32, #tpu.memory_space<vmem>>, vector<16xf32>,
                %parallel_loop3A_738 = vector.broadcast %parallel_loop3A_710 : f32 to vector<16xf32>
                %parallel_loop3A_739 = arith.mulf %parallel_loop3A_737, %parallel_loop3A_738 : vector<16xf32>
                %parallel_loop3A_740 = arith.index_cast %parallel_loop3A_706 : i32 to index
                %parallel_loop3A_741 = arith.constant 48 : index
                %parallel_loop3A_742 = tpu.vector_load %arg20[%parallel_loop3A_740, %parallel_loop3A_741] {strides = array<i32>} : memref<256x64xf32, #tpu.memory_space<vmem>>, vector<16xf32>,
                tpu.vector_store %arg20[%parallel_loop3A_740, %parallel_loop3A_741], %parallel_loop3A_739 {strides = array<i32>} : memref<256x64xf32, #tpu.memory_space<vmem>>, vector<16xf32>,
              } {sc.loop_unroll_factor = 4 : i64, sc.parallel_access}
              %dma_start3A_703 = arith.constant 0 : i32
              %dma_start3A_704 = arith.constant 0 : i32
              %dma_start3A_705 = tpu.memref_slice %arg22[%dma_start3A_703, %dma_start3A_704] : memref<12288x64xf32, #tpu.memory_space<vmem_shared>> -> memref<12288x64xf32, #tpu.memory_space<vmem_shared>>
              tpu.enqueue_indirect_dma source(%arg20 : memref<256x64xf32, #tpu.memory_space<vmem>>) target(%dma_start3A_705 : memref<12288x64xf32, #tpu.memory_space<vmem_shared>>) offsets(%arg16 : memref<256xi32, #tpu.memory_space<vmem>>) semaphore(%arg28 : memref<!tpu.dma_semaphore, #tpu.memory_space<semaphore_mem>>) {add = true}
            } else {
            }
            %ge3A_498 = arith.constant 2 : i32
            %ge3A_499 = arith.cmpi sge, %scan3A_430, %ge3A_498 : i32
            %convert_element_type3A_500 = arith.extui %ge3A_499 : i1 to i32
            %cond3A_501 = arith.constant 0 : i32
            %cond3A_502 = arith.cmpi ne, %convert_element_type3A_500, %cond3A_501 : i32
            scf.if %cond3A_502 {
              %dma_wait3A_698 = arith.constant 0 : i32
              %dma_wait3A_699 = arith.constant 0 : i32
              %dma_wait3A_700 = tpu.memref_slice %arg22[%dma_wait3A_698, %dma_wait3A_699] : memref<12288x64xf32, #tpu.memory_space<vmem_shared>> -> memref<12288x64xf32, #tpu.memory_space<vmem_shared>>
              tpu.wait_indirect_dma semaphore(%arg27 : memref<!tpu.dma_semaphore, #tpu.memory_space<semaphore_mem>>) src(%arg19 : memref<256x64xf32, #tpu.memory_space<vmem>>) dst(%dma_wait3A_700 : memref<12288x64xf32, #tpu.memory_space<vmem_shared>>)
            } else {
            }
            %get3A_503 = arith.constant 0 : index
            %get3A_504 = tpu.vector_load %arg11[%get3A_503] {strides = array<i32>} : memref<288xi32, #tpu.memory_space<vmem>>, vector<16xi32>,
            %swap3A_505 = arith.constant 0 : index
            %swap3A_506 = tpu.vector_load %arg14[%swap3A_505] {strides = array<i32>} : memref<256xi32, #tpu.memory_space<vmem>>, vector<16xi32>,
            tpu.vector_store %arg14[%swap3A_505], %get3A_504 {strides = array<i32>} : memref<256xi32, #tpu.memory_space<vmem>>, vector<16xi32>,
            %get3A_507 = arith.constant 0 : index
            %get3A_508 = tpu.vector_load %arg10[%get3A_507] {strides = array<i32>} : memref<288xi32, #tpu.memory_space<vmem>>, vector<16xi32>,
            %swap3A_509 = arith.constant 0 : index
            %swap3A_510 = tpu.vector_load %arg13[%swap3A_509] {strides = array<i32>} : memref<256xi32, #tpu.memory_space<vmem>>, vector<16xi32>,
            tpu.vector_store %arg13[%swap3A_509], %get3A_508 {strides = array<i32>} : memref<256xi32, #tpu.memory_space<vmem>>, vector<16xi32>,
            %get3A_511 = arith.constant 0 : index
            %get3A_512 = tpu.vector_load %arg12[%get3A_511] {strides = array<i32>} : memref<288xf32, #tpu.memory_space<vmem>>, vector<16xf32>,
            %swap3A_513 = arith.constant 0 : index
            %swap3A_514 = tpu.vector_load %arg15[%swap3A_513] {strides = array<i32>} : memref<256xf32, #tpu.memory_space<vmem>>, vector<16xf32>,
            tpu.vector_store %arg15[%swap3A_513], %get3A_512 {strides = array<i32>} : memref<256xf32, #tpu.memory_space<vmem>>, vector<16xf32>,
            %get3A_515 = arith.constant 16 : index
            %get3A_516 = tpu.vector_load %arg11[%get3A_515] {strides = array<i32>} : memref<288xi32, #tpu.memory_space<vmem>>, vector<16xi32>,
            %swap3A_517 = arith.constant 16 : index
            %swap3A_518 = tpu.vector_load %arg14[%swap3A_517] {strides = array<i32>} : memref<256xi32, #tpu.memory_space<vmem>>, vector<16xi32>,
            tpu.vector_store %arg14[%swap3A_517], %get3A_516 {strides = array<i32>} : memref<256xi32, #tpu.memory_space<vmem>>, vector<16xi32>,
            %get3A_519 = arith.constant 16 : index
            %get3A_520 = tpu.vector_load %arg10[%get3A_519] {strides = array<i32>} : memref<288xi32, #tpu.memory_space<vmem>>, vector<16xi32>,
            %swap3A_521 = arith.constant 16 : index
            %swap3A_522 = tpu.vector_load %arg13[%swap3A_521] {strides = array<i32>} : memref<256xi32, #tpu.memory_space<vmem>>, vector<16xi32>,
            tpu.vector_store %arg13[%swap3A_521], %get3A_520 {strides = array<i32>} : memref<256xi32, #tpu.memory_space<vmem>>, vector<16xi32>,
            %get3A_523 = arith.constant 16 : index
            %get3A_524 = tpu.vector_load %arg12[%get3A_523] {strides = array<i32>} : memref<288xf32, #tpu.memory_space<vmem>>, vector<16xf32>,
            %swap3A_525 = arith.constant 16 : index
            %swap3A_526 = tpu.vector_load %arg15[%swap3A_525] {strides = array<i32>} : memref<256xf32, #tpu.memory_space<vmem>>, vector<16xf32>,
            tpu.vector_store %arg15[%swap3A_525], %get3A_524 {strides = array<i32>} : memref<256xf32, #tpu.memory_space<vmem>>, vector<16xf32>,
            %get3A_527 = arith.constant 32 : index
            %get3A_528 = tpu.vector_load %arg11[%get3A_527] {strides = array<i32>} : memref<288xi32, #tpu.memory_space<vmem>>, vector<16xi32>,
            %swap3A_529 = arith.constant 32 : index
            %swap3A_530 = tpu.vector_load %arg14[%swap3A_529] {strides = array<i32>} : memref<256xi32, #tpu.memory_space<vmem>>, vector<16xi32>,
            tpu.vector_store %arg14[%swap3A_529], %get3A_528 {strides = array<i32>} : memref<256xi32, #tpu.memory_space<vmem>>, vector<16xi32>,
            %get3A_531 = arith.constant 32 : index
            %get3A_532 = tpu.vector_load %arg10[%get3A_531] {strides = array<i32>} : memref<288xi32, #tpu.memory_space<vmem>>, vector<16xi32>,
            %swap3A_533 = arith.constant 32 : index
            %swap3A_534 = tpu.vector_load %arg13[%swap3A_533] {strides = array<i32>} : memref<256xi32, #tpu.memory_space<vmem>>, vector<16xi32>,
            tpu.vector_store %arg13[%swap3A_533], %get3A_532 {strides = array<i32>} : memref<256xi32, #tpu.memory_space<vmem>>, vector<16xi32>,
            %get3A_535 = arith.constant 32 : index
            %get3A_536 = tpu.vector_load %arg12[%get3A_535] {strides = array<i32>} : memref<288xf32, #tpu.memory_space<vmem>>, vector<16xf32>,
            %swap3A_537 = arith.constant 32 : index
            %swap3A_538 = tpu.vector_load %arg15[%swap3A_537] {strides = array<i32>} : memref<256xf32, #tpu.memory_space<vmem>>, vector<16xf32>,
            tpu.vector_store %arg15[%swap3A_537], %get3A_536 {strides = array<i32>} : memref<256xf32, #tpu.memory_space<vmem>>, vector<16xf32>,
            %get3A_539 = arith.constant 48 : index
            %get3A_540 = tpu.vector_load %arg11[%get3A_539] {strides = array<i32>} : memref<288xi32, #tpu.memory_space<vmem>>, vector<16xi32>,
            %swap3A_541 = arith.constant 48 : index
            %swap3A_542 = tpu.vector_load %arg14[%swap3A_541] {strides = array<i32>} : memref<256xi32, #tpu.memory_space<vmem>>, vector<16xi32>,
            tpu.vector_store %arg14[%swap3A_541], %get3A_540 {strides = array<i32>} : memref<256xi32, #tpu.memory_space<vmem>>, vector<16xi32>,
            %get3A_543 = arith.constant 48 : index
            %get3A_544 = tpu.vector_load %arg10[%get3A_543] {strides = array<i32>} : memref<288xi32, #tpu.memory_space<vmem>>, vector<16xi32>,
            %swap3A_545 = arith.constant 48 : index
            %swap3A_546 = tpu.vector_load %arg13[%swap3A_545] {strides = array<i32>} : memref<256xi32, #tpu.memory_space<vmem>>, vector<16xi32>,
            tpu.vector_store %arg13[%swap3A_545], %get3A_544 {strides = array<i32>} : memref<256xi32, #tpu.memory_space<vmem>>, vector<16xi32>,
            %get3A_547 = arith.constant 48 : index
            %get3A_548 = tpu.vector_load %arg12[%get3A_547] {strides = array<i32>} : memref<288xf32, #tpu.memory_space<vmem>>, vector<16xf32>,
            %swap3A_549 = arith.constant 48 : index
            %swap3A_550 = tpu.vector_load %arg15[%swap3A_549] {strides = array<i32>} : memref<256xf32, #tpu.memory_space<vmem>>, vector<16xf32>,
            tpu.vector_store %arg15[%swap3A_549], %get3A_548 {strides = array<i32>} : memref<256xf32, #tpu.memory_space<vmem>>, vector<16xf32>,
            %get3A_551 = arith.constant 64 : index
            %get3A_552 = tpu.vector_load %arg11[%get3A_551] {strides = array<i32>} : memref<288xi32, #tpu.memory_space<vmem>>, vector<16xi32>,
            %swap3A_553 = arith.constant 64 : index
            %swap3A_554 = tpu.vector_load %arg14[%swap3A_553] {strides = array<i32>} : memref<256xi32, #tpu.memory_space<vmem>>, vector<16xi32>,
            tpu.vector_store %arg14[%swap3A_553], %get3A_552 {strides = array<i32>} : memref<256xi32, #tpu.memory_space<vmem>>, vector<16xi32>,
            %get3A_555 = arith.constant 64 : index
            %get3A_556 = tpu.vector_load %arg10[%get3A_555] {strides = array<i32>} : memref<288xi32, #tpu.memory_space<vmem>>, vector<16xi32>,
            %swap3A_557 = arith.constant 64 : index
            %swap3A_558 = tpu.vector_load %arg13[%swap3A_557] {strides = array<i32>} : memref<256xi32, #tpu.memory_space<vmem>>, vector<16xi32>,
            tpu.vector_store %arg13[%swap3A_557], %get3A_556 {strides = array<i32>} : memref<256xi32, #tpu.memory_space<vmem>>, vector<16xi32>,
            %get3A_559 = arith.constant 64 : index
            %get3A_560 = tpu.vector_load %arg12[%get3A_559] {strides = array<i32>} : memref<288xf32, #tpu.memory_space<vmem>>, vector<16xf32>,
            %swap3A_561 = arith.constant 64 : index
            %swap3A_562 = tpu.vector_load %arg15[%swap3A_561] {strides = array<i32>} : memref<256xf32, #tpu.memory_space<vmem>>, vector<16xf32>,
            tpu.vector_store %arg15[%swap3A_561], %get3A_560 {strides = array<i32>} : memref<256xf32, #tpu.memory_space<vmem>>, vector<16xf32>,
            %get3A_563 = arith.constant 80 : index
            %get3A_564 = tpu.vector_load %arg11[%get3A_563] {strides = array<i32>} : memref<288xi32, #tpu.memory_space<vmem>>, vector<16xi32>,
            %swap3A_565 = arith.constant 80 : index
            %swap3A_566 = tpu.vector_load %arg14[%swap3A_565] {strides = array<i32>} : memref<256xi32, #tpu.memory_space<vmem>>, vector<16xi32>,
            tpu.vector_store %arg14[%swap3A_565], %get3A_564 {strides = array<i32>} : memref<256xi32, #tpu.memory_space<vmem>>, vector<16xi32>,
            %get3A_567 = arith.constant 80 : index
            %get3A_568 = tpu.vector_load %arg10[%get3A_567] {strides = array<i32>} : memref<288xi32, #tpu.memory_space<vmem>>, vector<16xi32>,
            %swap3A_569 = arith.constant 80 : index
            %swap3A_570 = tpu.vector_load %arg13[%swap3A_569] {strides = array<i32>} : memref<256xi32, #tpu.memory_space<vmem>>, vector<16xi32>,
            tpu.vector_store %arg13[%swap3A_569], %get3A_568 {strides = array<i32>} : memref<256xi32, #tpu.memory_space<vmem>>, vector<16xi32>,
            %get3A_571 = arith.constant 80 : index
            %get3A_572 = tpu.vector_load %arg12[%get3A_571] {strides = array<i32>} : memref<288xf32, #tpu.memory_space<vmem>>, vector<16xf32>,
            %swap3A_573 = arith.constant 80 : index
            %swap3A_574 = tpu.vector_load %arg15[%swap3A_573] {strides = array<i32>} : memref<256xf32, #tpu.memory_space<vmem>>, vector<16xf32>,
            tpu.vector_store %arg15[%swap3A_573], %get3A_572 {strides = array<i32>} : memref<256xf32, #tpu.memory_space<vmem>>, vector<16xf32>,
            %get3A_575 = arith.constant 96 : index
            %get3A_576 = tpu.vector_load %arg11[%get3A_575] {strides = array<i32>} : memref<288xi32, #tpu.memory_space<vmem>>, vector<16xi32>,
            %swap3A_577 = arith.constant 96 : index
            %swap3A_578 = tpu.vector_load %arg14[%swap3A_577] {strides = array<i32>} : memref<256xi32, #tpu.memory_space<vmem>>, vector<16xi32>,
            tpu.vector_store %arg14[%swap3A_577], %get3A_576 {strides = array<i32>} : memref<256xi32, #tpu.memory_space<vmem>>, vector<16xi32>,
            %get3A_579 = arith.constant 96 : index
            %get3A_580 = tpu.vector_load %arg10[%get3A_579] {strides = array<i32>} : memref<288xi32, #tpu.memory_space<vmem>>, vector<16xi32>,
            %swap3A_581 = arith.constant 96 : index
            %swap3A_582 = tpu.vector_load %arg13[%swap3A_581] {strides = array<i32>} : memref<256xi32, #tpu.memory_space<vmem>>, vector<16xi32>,
            tpu.vector_store %arg13[%swap3A_581], %get3A_580 {strides = array<i32>} : memref<256xi32, #tpu.memory_space<vmem>>, vector<16xi32>,
            %get3A_583 = arith.constant 96 : index
            %get3A_584 = tpu.vector_load %arg12[%get3A_583] {strides = array<i32>} : memref<288xf32, #tpu.memory_space<vmem>>, vector<16xf32>,
            %swap3A_585 = arith.constant 96 : index
            %swap3A_586 = tpu.vector_load %arg15[%swap3A_585] {strides = array<i32>} : memref<256xf32, #tpu.memory_space<vmem>>, vector<16xf32>,
            tpu.vector_store %arg15[%swap3A_585], %get3A_584 {strides = array<i32>} : memref<256xf32, #tpu.memory_space<vmem>>, vector<16xf32>,
            %get3A_587 = arith.constant 112 : index
            %get3A_588 = tpu.vector_load %arg11[%get3A_587] {strides = array<i32>} : memref<288xi32, #tpu.memory_space<vmem>>, vector<16xi32>,
            %swap3A_589 = arith.constant 112 : index
            %swap3A_590 = tpu.vector_load %arg14[%swap3A_589] {strides = array<i32>} : memref<256xi32, #tpu.memory_space<vmem>>, vector<16xi32>,
            tpu.vector_store %arg14[%swap3A_589], %get3A_588 {strides = array<i32>} : memref<256xi32, #tpu.memory_space<vmem>>, vector<16xi32>,
            %get3A_591 = arith.constant 112 : index
            %get3A_592 = tpu.vector_load %arg10[%get3A_591] {strides = array<i32>} : memref<288xi32, #tpu.memory_space<vmem>>, vector<16xi32>,
            %swap3A_593 = arith.constant 112 : index
            %swap3A_594 = tpu.vector_load %arg13[%swap3A_593] {strides = array<i32>} : memref<256xi32, #tpu.memory_space<vmem>>, vector<16xi32>,
            tpu.vector_store %arg13[%swap3A_593], %get3A_592 {strides = array<i32>} : memref<256xi32, #tpu.memory_space<vmem>>, vector<16xi32>,
            %get3A_595 = arith.constant 112 : index
            %get3A_596 = tpu.vector_load %arg12[%get3A_595] {strides = array<i32>} : memref<288xf32, #tpu.memory_space<vmem>>, vector<16xf32>,
            %swap3A_597 = arith.constant 112 : index
            %swap3A_598 = tpu.vector_load %arg15[%swap3A_597] {strides = array<i32>} : memref<256xf32, #tpu.memory_space<vmem>>, vector<16xf32>,
            tpu.vector_store %arg15[%swap3A_597], %get3A_596 {strides = array<i32>} : memref<256xf32, #tpu.memory_space<vmem>>, vector<16xf32>,
            %get3A_599 = arith.constant 128 : index
            %get3A_600 = tpu.vector_load %arg11[%get3A_599] {strides = array<i32>} : memref<288xi32, #tpu.memory_space<vmem>>, vector<16xi32>,
            %swap3A_601 = arith.constant 128 : index
            %swap3A_602 = tpu.vector_load %arg14[%swap3A_601] {strides = array<i32>} : memref<256xi32, #tpu.memory_space<vmem>>, vector<16xi32>,
            tpu.vector_store %arg14[%swap3A_601], %get3A_600 {strides = array<i32>} : memref<256xi32, #tpu.memory_space<vmem>>, vector<16xi32>,
            %get3A_603 = arith.constant 128 : index
            %get3A_604 = tpu.vector_load %arg10[%get3A_603] {strides = array<i32>} : memref<288xi32, #tpu.memory_space<vmem>>, vector<16xi32>,
            %swap3A_605 = arith.constant 128 : index
            %swap3A_606 = tpu.vector_load %arg13[%swap3A_605] {strides = array<i32>} : memref<256xi32, #tpu.memory_space<vmem>>, vector<16xi32>,
            tpu.vector_store %arg13[%swap3A_605], %get3A_604 {strides = array<i32>} : memref<256xi32, #tpu.memory_space<vmem>>, vector<16xi32>,
            %get3A_607 = arith.constant 128 : index
            %get3A_608 = tpu.vector_load %arg12[%get3A_607] {strides = array<i32>} : memref<288xf32, #tpu.memory_space<vmem>>, vector<16xf32>,
            %swap3A_609 = arith.constant 128 : index
            %swap3A_610 = tpu.vector_load %arg15[%swap3A_609] {strides = array<i32>} : memref<256xf32, #tpu.memory_space<vmem>>, vector<16xf32>,
            tpu.vector_store %arg15[%swap3A_609], %get3A_608 {strides = array<i32>} : memref<256xf32, #tpu.memory_space<vmem>>, vector<16xf32>,
            %get3A_611 = arith.constant 144 : index
            %get3A_612 = tpu.vector_load %arg11[%get3A_611] {strides = array<i32>} : memref<288xi32, #tpu.memory_space<vmem>>, vector<16xi32>,
            %swap3A_613 = arith.constant 144 : index
            %swap3A_614 = tpu.vector_load %arg14[%swap3A_613] {strides = array<i32>} : memref<256xi32, #tpu.memory_space<vmem>>, vector<16xi32>,
            tpu.vector_store %arg14[%swap3A_613], %get3A_612 {strides = array<i32>} : memref<256xi32, #tpu.memory_space<vmem>>, vector<16xi32>,
            %get3A_615 = arith.constant 144 : index
            %get3A_616 = tpu.vector_load %arg10[%get3A_615] {strides = array<i32>} : memref<288xi32, #tpu.memory_space<vmem>>, vector<16xi32>,
            %swap3A_617 = arith.constant 144 : index
            %swap3A_618 = tpu.vector_load %arg13[%swap3A_617] {strides = array<i32>} : memref<256xi32, #tpu.memory_space<vmem>>, vector<16xi32>,
            tpu.vector_store %arg13[%swap3A_617], %get3A_616 {strides = array<i32>} : memref<256xi32, #tpu.memory_space<vmem>>, vector<16xi32>,
            %get3A_619 = arith.constant 144 : index
            %get3A_620 = tpu.vector_load %arg12[%get3A_619] {strides = array<i32>} : memref<288xf32, #tpu.memory_space<vmem>>, vector<16xf32>,
            %swap3A_621 = arith.constant 144 : index
            %swap3A_622 = tpu.vector_load %arg15[%swap3A_621] {strides = array<i32>} : memref<256xf32, #tpu.memory_space<vmem>>, vector<16xf32>,
            tpu.vector_store %arg15[%swap3A_621], %get3A_620 {strides = array<i32>} : memref<256xf32, #tpu.memory_space<vmem>>, vector<16xf32>,
            %get3A_623 = arith.constant 160 : index
            %get3A_624 = tpu.vector_load %arg11[%get3A_623] {strides = array<i32>} : memref<288xi32, #tpu.memory_space<vmem>>, vector<16xi32>,
            %swap3A_625 = arith.constant 160 : index
            %swap3A_626 = tpu.vector_load %arg14[%swap3A_625] {strides = array<i32>} : memref<256xi32, #tpu.memory_space<vmem>>, vector<16xi32>,
            tpu.vector_store %arg14[%swap3A_625], %get3A_624 {strides = array<i32>} : memref<256xi32, #tpu.memory_space<vmem>>, vector<16xi32>,
            %get3A_627 = arith.constant 160 : index
            %get3A_628 = tpu.vector_load %arg10[%get3A_627] {strides = array<i32>} : memref<288xi32, #tpu.memory_space<vmem>>, vector<16xi32>,
            %swap3A_629 = arith.constant 160 : index
            %swap3A_630 = tpu.vector_load %arg13[%swap3A_629] {strides = array<i32>} : memref<256xi32, #tpu.memory_space<vmem>>, vector<16xi32>,
            tpu.vector_store %arg13[%swap3A_629], %get3A_628 {strides = array<i32>} : memref<256xi32, #tpu.memory_space<vmem>>, vector<16xi32>,
            %get3A_631 = arith.constant 160 : index
            %get3A_632 = tpu.vector_load %arg12[%get3A_631] {strides = array<i32>} : memref<288xf32, #tpu.memory_space<vmem>>, vector<16xf32>,
            %swap3A_633 = arith.constant 160 : index
            %swap3A_634 = tpu.vector_load %arg15[%swap3A_633] {strides = array<i32>} : memref<256xf32, #tpu.memory_space<vmem>>, vector<16xf32>,
            tpu.vector_store %arg15[%swap3A_633], %get3A_632 {strides = array<i32>} : memref<256xf32, #tpu.memory_space<vmem>>, vector<16xf32>,
            %get3A_635 = arith.constant 176 : index
            %get3A_636 = tpu.vector_load %arg11[%get3A_635] {strides = array<i32>} : memref<288xi32, #tpu.memory_space<vmem>>, vector<16xi32>,
            %swap3A_637 = arith.constant 176 : index
            %swap3A_638 = tpu.vector_load %arg14[%swap3A_637] {strides = array<i32>} : memref<256xi32, #tpu.memory_space<vmem>>, vector<16xi32>,
            tpu.vector_store %arg14[%swap3A_637], %get3A_636 {strides = array<i32>} : memref<256xi32, #tpu.memory_space<vmem>>, vector<16xi32>,
            %get3A_639 = arith.constant 176 : index
            %get3A_640 = tpu.vector_load %arg10[%get3A_639] {strides = array<i32>} : memref<288xi32, #tpu.memory_space<vmem>>, vector<16xi32>,
            %swap3A_641 = arith.constant 176 : index
            %swap3A_642 = tpu.vector_load %arg13[%swap3A_641] {strides = array<i32>} : memref<256xi32, #tpu.memory_space<vmem>>, vector<16xi32>,
            tpu.vector_store %arg13[%swap3A_641], %get3A_640 {strides = array<i32>} : memref<256xi32, #tpu.memory_space<vmem>>, vector<16xi32>,
            %get3A_643 = arith.constant 176 : index
            %get3A_644 = tpu.vector_load %arg12[%get3A_643] {strides = array<i32>} : memref<288xf32, #tpu.memory_space<vmem>>, vector<16xf32>,
            %swap3A_645 = arith.constant 176 : index
            %swap3A_646 = tpu.vector_load %arg15[%swap3A_645] {strides = array<i32>} : memref<256xf32, #tpu.memory_space<vmem>>, vector<16xf32>,
            tpu.vector_store %arg15[%swap3A_645], %get3A_644 {strides = array<i32>} : memref<256xf32, #tpu.memory_space<vmem>>, vector<16xf32>,
            %get3A_647 = arith.constant 192 : index
            %get3A_648 = tpu.vector_load %arg11[%get3A_647] {strides = array<i32>} : memref<288xi32, #tpu.memory_space<vmem>>, vector<16xi32>,
            %swap3A_649 = arith.constant 192 : index
            %swap3A_650 = tpu.vector_load %arg14[%swap3A_649] {strides = array<i32>} : memref<256xi32, #tpu.memory_space<vmem>>, vector<16xi32>,
            tpu.vector_store %arg14[%swap3A_649], %get3A_648 {strides = array<i32>} : memref<256xi32, #tpu.memory_space<vmem>>, vector<16xi32>,
            %get3A_651 = arith.constant 192 : index
            %get3A_652 = tpu.vector_load %arg10[%get3A_651] {strides = array<i32>} : memref<288xi32, #tpu.memory_space<vmem>>, vector<16xi32>,
            %swap3A_653 = arith.constant 192 : index
            %swap3A_654 = tpu.vector_load %arg13[%swap3A_653] {strides = array<i32>} : memref<256xi32, #tpu.memory_space<vmem>>, vector<16xi32>,
            tpu.vector_store %arg13[%swap3A_653], %get3A_652 {strides = array<i32>} : memref<256xi32, #tpu.memory_space<vmem>>, vector<16xi32>,
            %get3A_655 = arith.constant 192 : index
            %get3A_656 = tpu.vector_load %arg12[%get3A_655] {strides = array<i32>} : memref<288xf32, #tpu.memory_space<vmem>>, vector<16xf32>,
            %swap3A_657 = arith.constant 192 : index
            %swap3A_658 = tpu.vector_load %arg15[%swap3A_657] {strides = array<i32>} : memref<256xf32, #tpu.memory_space<vmem>>, vector<16xf32>,
            tpu.vector_store %arg15[%swap3A_657], %get3A_656 {strides = array<i32>} : memref<256xf32, #tpu.memory_space<vmem>>, vector<16xf32>,
            %get3A_659 = arith.constant 208 : index
            %get3A_660 = tpu.vector_load %arg11[%get3A_659] {strides = array<i32>} : memref<288xi32, #tpu.memory_space<vmem>>, vector<16xi32>,
            %swap3A_661 = arith.constant 208 : index
            %swap3A_662 = tpu.vector_load %arg14[%swap3A_661] {strides = array<i32>} : memref<256xi32, #tpu.memory_space<vmem>>, vector<16xi32>,
            tpu.vector_store %arg14[%swap3A_661], %get3A_660 {strides = array<i32>} : memref<256xi32, #tpu.memory_space<vmem>>, vector<16xi32>,
            %get3A_663 = arith.constant 208 : index
            %get3A_664 = tpu.vector_load %arg10[%get3A_663] {strides = array<i32>} : memref<288xi32, #tpu.memory_space<vmem>>, vector<16xi32>,
            %swap3A_665 = arith.constant 208 : index
            %swap3A_666 = tpu.vector_load %arg13[%swap3A_665] {strides = array<i32>} : memref<256xi32, #tpu.memory_space<vmem>>, vector<16xi32>,
            tpu.vector_store %arg13[%swap3A_665], %get3A_664 {strides = array<i32>} : memref<256xi32, #tpu.memory_space<vmem>>, vector<16xi32>,
            %get3A_667 = arith.constant 208 : index
            %get3A_668 = tpu.vector_load %arg12[%get3A_667] {strides = array<i32>} : memref<288xf32, #tpu.memory_space<vmem>>, vector<16xf32>,
            %swap3A_669 = arith.constant 208 : index
            %swap3A_670 = tpu.vector_load %arg15[%swap3A_669] {strides = array<i32>} : memref<256xf32, #tpu.memory_space<vmem>>, vector<16xf32>,
            tpu.vector_store %arg15[%swap3A_669], %get3A_668 {strides = array<i32>} : memref<256xf32, #tpu.memory_space<vmem>>, vector<16xf32>,
            %get3A_671 = arith.constant 224 : index
            %get3A_672 = tpu.vector_load %arg11[%get3A_671] {strides = array<i32>} : memref<288xi32, #tpu.memory_space<vmem>>, vector<16xi32>,
            %swap3A_673 = arith.constant 224 : index
            %swap3A_674 = tpu.vector_load %arg14[%swap3A_673] {strides = array<i32>} : memref<256xi32, #tpu.memory_space<vmem>>, vector<16xi32>,
            tpu.vector_store %arg14[%swap3A_673], %get3A_672 {strides = array<i32>} : memref<256xi32, #tpu.memory_space<vmem>>, vector<16xi32>,
            %get3A_675 = arith.constant 224 : index
            %get3A_676 = tpu.vector_load %arg10[%get3A_675] {strides = array<i32>} : memref<288xi32, #tpu.memory_space<vmem>>, vector<16xi32>,
            %swap3A_677 = arith.constant 224 : index
            %swap3A_678 = tpu.vector_load %arg13[%swap3A_677] {strides = array<i32>} : memref<256xi32, #tpu.memory_space<vmem>>, vector<16xi32>,
            tpu.vector_store %arg13[%swap3A_677], %get3A_676 {strides = array<i32>} : memref<256xi32, #tpu.memory_space<vmem>>, vector<16xi32>,
            %get3A_679 = arith.constant 224 : index
            %get3A_680 = tpu.vector_load %arg12[%get3A_679] {strides = array<i32>} : memref<288xf32, #tpu.memory_space<vmem>>, vector<16xf32>,
            %swap3A_681 = arith.constant 224 : index
            %swap3A_682 = tpu.vector_load %arg15[%swap3A_681] {strides = array<i32>} : memref<256xf32, #tpu.memory_space<vmem>>, vector<16xf32>,
            tpu.vector_store %arg15[%swap3A_681], %get3A_680 {strides = array<i32>} : memref<256xf32, #tpu.memory_space<vmem>>, vector<16xf32>,
            %get3A_683 = arith.constant 240 : index
            %get3A_684 = tpu.vector_load %arg11[%get3A_683] {strides = array<i32>} : memref<288xi32, #tpu.memory_space<vmem>>, vector<16xi32>,
            %swap3A_685 = arith.constant 240 : index
            %swap3A_686 = tpu.vector_load %arg14[%swap3A_685] {strides = array<i32>} : memref<256xi32, #tpu.memory_space<vmem>>, vector<16xi32>,
            tpu.vector_store %arg14[%swap3A_685], %get3A_684 {strides = array<i32>} : memref<256xi32, #tpu.memory_space<vmem>>, vector<16xi32>,
            %get3A_687 = arith.constant 240 : index
            %get3A_688 = tpu.vector_load %arg10[%get3A_687] {strides = array<i32>} : memref<288xi32, #tpu.memory_space<vmem>>, vector<16xi32>,
            %swap3A_689 = arith.constant 240 : index
            %swap3A_690 = tpu.vector_load %arg13[%swap3A_689] {strides = array<i32>} : memref<256xi32, #tpu.memory_space<vmem>>, vector<16xi32>,
            tpu.vector_store %arg13[%swap3A_689], %get3A_688 {strides = array<i32>} : memref<256xi32, #tpu.memory_space<vmem>>, vector<16xi32>,
            %get3A_691 = arith.constant 240 : index
            %get3A_692 = tpu.vector_load %arg12[%get3A_691] {strides = array<i32>} : memref<288xf32, #tpu.memory_space<vmem>>, vector<16xf32>,
            %swap3A_693 = arith.constant 240 : index
            %swap3A_694 = tpu.vector_load %arg15[%swap3A_693] {strides = array<i32>} : memref<256xf32, #tpu.memory_space<vmem>>, vector<16xf32>,
            tpu.vector_store %arg15[%swap3A_693], %get3A_692 {strides = array<i32>} : memref<256xf32, #tpu.memory_space<vmem>>, vector<16xf32>,
            %dma_start3A_695 = arith.constant 0 : i32
            %dma_start3A_696 = arith.constant 0 : i32
            %dma_start3A_697 = tpu.memref_slice %arg5[%dma_start3A_695, %dma_start3A_696] : memref<50000x64xf32, #tpu.memory_space<hbm>> -> memref<50000x64xf32, #tpu.memory_space<hbm>>
            tpu.enqueue_indirect_dma source(%dma_start3A_697 : memref<50000x64xf32, #tpu.memory_space<hbm>>) target(%arg19 : memref<256x64xf32, #tpu.memory_space<vmem>>) offsets(%arg14 : memref<256xi32, #tpu.memory_space<vmem>>) semaphore(%arg25 : memref<!tpu.dma_semaphore, #tpu.memory_space<semaphore_mem>>)
          } else {
            %ge3A_493 = arith.constant 1 : i32
            %ge3A_494 = arith.cmpi sge, %scan3A_430, %ge3A_493 : i32
            %convert_element_type3A_495 = arith.extui %ge3A_494 : i1 to i32
            %cond3A_496 = arith.constant 0 : i32
            %cond3A_497 = arith.cmpi ne, %convert_element_type3A_495, %cond3A_496 : i32
            scf.if %cond3A_497 {
              %dma_wait3A_698 = arith.constant 0 : i32
              %dma_wait3A_699 = arith.constant 0 : i32
              %dma_wait3A_700 = tpu.memref_slice %arg5[%dma_wait3A_698, %dma_wait3A_699] : memref<50000x64xf32, #tpu.memory_space<hbm>> -> memref<50000x64xf32, #tpu.memory_space<hbm>>
              tpu.wait_indirect_dma semaphore(%arg25 : memref<!tpu.dma_semaphore, #tpu.memory_space<semaphore_mem>>) src(%dma_wait3A_700 : memref<50000x64xf32, #tpu.memory_space<hbm>>) dst(%arg19 : memref<256x64xf32, #tpu.memory_space<vmem>>)
              %parallel_loop3A = arith.constant 0 : i32
              %parallel_loop3A_701 = arith.constant 256 : i32
              %parallel_loop3A_702 = arith.constant 1 : i32
              scf.for %parallel_loop3A_706 = %parallel_loop3A to %parallel_loop3A_701 step %parallel_loop3A_702  : i32 {
                %parallel_loop3A_707 = arith.index_cast %parallel_loop3A_706 : i32 to index
                %parallel_loop3A_708 = tpu.vector_load %arg15[%parallel_loop3A_707] {strides = array<i32>} : memref<256xf32, #tpu.memory_space<vmem>>, vector<16xf32>,
                %parallel_loop3A_709 = vector.extract_strided_slice %parallel_loop3A_708 {offsets = [0], sizes = [1], strides = [1]} : vector<16xf32> to vector<1xf32>
                %parallel_loop3A_710 = vector.extract %parallel_loop3A_709[0] : f32 from vector<1xf32>
                %parallel_loop3A_711 = arith.index_cast %parallel_loop3A_706 : i32 to index
                %parallel_loop3A_712 = arith.constant 0 : index
                %parallel_loop3A_713 = tpu.vector_load %arg19[%parallel_loop3A_711, %parallel_loop3A_712] {strides = array<i32>} : memref<256x64xf32, #tpu.memory_space<vmem>>, vector<16xf32>,
                %parallel_loop3A_714 = vector.broadcast %parallel_loop3A_710 : f32 to vector<16xf32>
                %parallel_loop3A_715 = arith.mulf %parallel_loop3A_713, %parallel_loop3A_714 : vector<16xf32>
                %parallel_loop3A_716 = arith.index_cast %parallel_loop3A_706 : i32 to index
                %parallel_loop3A_717 = arith.constant 0 : index
                %parallel_loop3A_718 = tpu.vector_load %arg19[%parallel_loop3A_716, %parallel_loop3A_717] {strides = array<i32>} : memref<256x64xf32, #tpu.memory_space<vmem>>, vector<16xf32>,
                tpu.vector_store %arg19[%parallel_loop3A_716, %parallel_loop3A_717], %parallel_loop3A_715 {strides = array<i32>} : memref<256x64xf32, #tpu.memory_space<vmem>>, vector<16xf32>,
                %parallel_loop3A_719 = arith.index_cast %parallel_loop3A_706 : i32 to index
                %parallel_loop3A_720 = arith.constant 16 : index
                %parallel_loop3A_721 = tpu.vector_load %arg19[%parallel_loop3A_719, %parallel_loop3A_720] {strides = array<i32>} : memref<256x64xf32, #tpu.memory_space<vmem>>, vector<16xf32>,
                %parallel_loop3A_722 = vector.broadcast %parallel_loop3A_710 : f32 to vector<16xf32>
                %parallel_loop3A_723 = arith.mulf %parallel_loop3A_721, %parallel_loop3A_722 : vector<16xf32>
                %parallel_loop3A_724 = arith.index_cast %parallel_loop3A_706 : i32 to index
                %parallel_loop3A_725 = arith.constant 16 : index
                %parallel_loop3A_726 = tpu.vector_load %arg19[%parallel_loop3A_724, %parallel_loop3A_725] {strides = array<i32>} : memref<256x64xf32, #tpu.memory_space<vmem>>, vector<16xf32>,
                tpu.vector_store %arg19[%parallel_loop3A_724, %parallel_loop3A_725], %parallel_loop3A_723 {strides = array<i32>} : memref<256x64xf32, #tpu.memory_space<vmem>>, vector<16xf32>,
                %parallel_loop3A_727 = arith.index_cast %parallel_loop3A_706 : i32 to index
                %parallel_loop3A_728 = arith.constant 32 : index
                %parallel_loop3A_729 = tpu.vector_load %arg19[%parallel_loop3A_727, %parallel_loop3A_728] {strides = array<i32>} : memref<256x64xf32, #tpu.memory_space<vmem>>, vector<16xf32>,
                %parallel_loop3A_730 = vector.broadcast %parallel_loop3A_710 : f32 to vector<16xf32>
                %parallel_loop3A_731 = arith.mulf %parallel_loop3A_729, %parallel_loop3A_730 : vector<16xf32>
                %parallel_loop3A_732 = arith.index_cast %parallel_loop3A_706 : i32 to index
                %parallel_loop3A_733 = arith.constant 32 : index
                %parallel_loop3A_734 = tpu.vector_load %arg19[%parallel_loop3A_732, %parallel_loop3A_733] {strides = array<i32>} : memref<256x64xf32, #tpu.memory_space<vmem>>, vector<16xf32>,
                tpu.vector_store %arg19[%parallel_loop3A_732, %parallel_loop3A_733], %parallel_loop3A_731 {strides = array<i32>} : memref<256x64xf32, #tpu.memory_space<vmem>>, vector<16xf32>,
                %parallel_loop3A_735 = arith.index_cast %parallel_loop3A_706 : i32 to index
                %parallel_loop3A_736 = arith.constant 48 : index
                %parallel_loop3A_737 = tpu.vector_load %arg19[%parallel_loop3A_735, %parallel_loop3A_736] {strides = array<i32>} : memref<256x64xf32, #tpu.memory_space<vmem>>, vector<16xf32>,
                %parallel_loop3A_738 = vector.broadcast %parallel_loop3A_710 : f32 to vector<16xf32>
                %parallel_loop3A_739 = arith.mulf %parallel_loop3A_737, %parallel_loop3A_738 : vector<16xf32>
                %parallel_loop3A_740 = arith.index_cast %parallel_loop3A_706 : i32 to index
                %parallel_loop3A_741 = arith.constant 48 : index
                %parallel_loop3A_742 = tpu.vector_load %arg19[%parallel_loop3A_740, %parallel_loop3A_741] {strides = array<i32>} : memref<256x64xf32, #tpu.memory_space<vmem>>, vector<16xf32>,
                tpu.vector_store %arg19[%parallel_loop3A_740, %parallel_loop3A_741], %parallel_loop3A_739 {strides = array<i32>} : memref<256x64xf32, #tpu.memory_space<vmem>>, vector<16xf32>,
              } {sc.loop_unroll_factor = 4 : i64, sc.parallel_access}
              %dma_start3A_703 = arith.constant 0 : i32
              %dma_start3A_704 = arith.constant 0 : i32
              %dma_start3A_705 = tpu.memref_slice %arg22[%dma_start3A_703, %dma_start3A_704] : memref<12288x64xf32, #tpu.memory_space<vmem_shared>> -> memref<12288x64xf32, #tpu.memory_space<vmem_shared>>
              tpu.enqueue_indirect_dma source(%arg19 : memref<256x64xf32, #tpu.memory_space<vmem>>) target(%dma_start3A_705 : memref<12288x64xf32, #tpu.memory_space<vmem_shared>>) offsets(%arg13 : memref<256xi32, #tpu.memory_space<vmem>>) semaphore(%arg27 : memref<!tpu.dma_semaphore, #tpu.memory_space<semaphore_mem>>) {add = true}
            } else {
            }
            %ge3A_498 = arith.constant 2 : i32
            %ge3A_499 = arith.cmpi sge, %scan3A_430, %ge3A_498 : i32
            %convert_element_type3A_500 = arith.extui %ge3A_499 : i1 to i32
            %cond3A_501 = arith.constant 0 : i32
            %cond3A_502 = arith.cmpi ne, %convert_element_type3A_500, %cond3A_501 : i32
            scf.if %cond3A_502 {
              %dma_wait3A_698 = arith.constant 0 : i32
              %dma_wait3A_699 = arith.constant 0 : i32
              %dma_wait3A_700 = tpu.memref_slice %arg22[%dma_wait3A_698, %dma_wait3A_699] : memref<12288x64xf32, #tpu.memory_space<vmem_shared>> -> memref<12288x64xf32, #tpu.memory_space<vmem_shared>>
              tpu.wait_indirect_dma semaphore(%arg28 : memref<!tpu.dma_semaphore, #tpu.memory_space<semaphore_mem>>) src(%arg20 : memref<256x64xf32, #tpu.memory_space<vmem>>) dst(%dma_wait3A_700 : memref<12288x64xf32, #tpu.memory_space<vmem_shared>>)
            } else {
            }
            %get3A_503 = arith.constant 0 : index
            %get3A_504 = tpu.vector_load %arg11[%get3A_503] {strides = array<i32>} : memref<288xi32, #tpu.memory_space<vmem>>, vector<16xi32>,
            %swap3A_505 = arith.constant 0 : index
            %swap3A_506 = tpu.vector_load %arg17[%swap3A_505] {strides = array<i32>} : memref<256xi32, #tpu.memory_space<vmem>>, vector<16xi32>,
            tpu.vector_store %arg17[%swap3A_505], %get3A_504 {strides = array<i32>} : memref<256xi32, #tpu.memory_space<vmem>>, vector<16xi32>,
            %get3A_507 = arith.constant 0 : index
            %get3A_508 = tpu.vector_load %arg10[%get3A_507] {strides = array<i32>} : memref<288xi32, #tpu.memory_space<vmem>>, vector<16xi32>,
            %swap3A_509 = arith.constant 0 : index
            %swap3A_510 = tpu.vector_load %arg16[%swap3A_509] {strides = array<i32>} : memref<256xi32, #tpu.memory_space<vmem>>, vector<16xi32>,
            tpu.vector_store %arg16[%swap3A_509], %get3A_508 {strides = array<i32>} : memref<256xi32, #tpu.memory_space<vmem>>, vector<16xi32>,
            %get3A_511 = arith.constant 0 : index
            %get3A_512 = tpu.vector_load %arg12[%get3A_511] {strides = array<i32>} : memref<288xf32, #tpu.memory_space<vmem>>, vector<16xf32>,
            %swap3A_513 = arith.constant 0 : index
            %swap3A_514 = tpu.vector_load %arg18[%swap3A_513] {strides = array<i32>} : memref<256xf32, #tpu.memory_space<vmem>>, vector<16xf32>,
            tpu.vector_store %arg18[%swap3A_513], %get3A_512 {strides = array<i32>} : memref<256xf32, #tpu.memory_space<vmem>>, vector<16xf32>,
            %get3A_515 = arith.constant 16 : index
            %get3A_516 = tpu.vector_load %arg11[%get3A_515] {strides = array<i32>} : memref<288xi32, #tpu.memory_space<vmem>>, vector<16xi32>,
            %swap3A_517 = arith.constant 16 : index
            %swap3A_518 = tpu.vector_load %arg17[%swap3A_517] {strides = array<i32>} : memref<256xi32, #tpu.memory_space<vmem>>, vector<16xi32>,
            tpu.vector_store %arg17[%swap3A_517], %get3A_516 {strides = array<i32>} : memref<256xi32, #tpu.memory_space<vmem>>, vector<16xi32>,
            %get3A_519 = arith.constant 16 : index
            %get3A_520 = tpu.vector_load %arg10[%get3A_519] {strides = array<i32>} : memref<288xi32, #tpu.memory_space<vmem>>, vector<16xi32>,
            %swap3A_521 = arith.constant 16 : index
            %swap3A_522 = tpu.vector_load %arg16[%swap3A_521] {strides = array<i32>} : memref<256xi32, #tpu.memory_space<vmem>>, vector<16xi32>,
            tpu.vector_store %arg16[%swap3A_521], %get3A_520 {strides = array<i32>} : memref<256xi32, #tpu.memory_space<vmem>>, vector<16xi32>,
            %get3A_523 = arith.constant 16 : index
            %get3A_524 = tpu.vector_load %arg12[%get3A_523] {strides = array<i32>} : memref<288xf32, #tpu.memory_space<vmem>>, vector<16xf32>,
            %swap3A_525 = arith.constant 16 : index
            %swap3A_526 = tpu.vector_load %arg18[%swap3A_525] {strides = array<i32>} : memref<256xf32, #tpu.memory_space<vmem>>, vector<16xf32>,
            tpu.vector_store %arg18[%swap3A_525], %get3A_524 {strides = array<i32>} : memref<256xf32, #tpu.memory_space<vmem>>, vector<16xf32>,
            %get3A_527 = arith.constant 32 : index
            %get3A_528 = tpu.vector_load %arg11[%get3A_527] {strides = array<i32>} : memref<288xi32, #tpu.memory_space<vmem>>, vector<16xi32>,
            %swap3A_529 = arith.constant 32 : index
            %swap3A_530 = tpu.vector_load %arg17[%swap3A_529] {strides = array<i32>} : memref<256xi32, #tpu.memory_space<vmem>>, vector<16xi32>,
            tpu.vector_store %arg17[%swap3A_529], %get3A_528 {strides = array<i32>} : memref<256xi32, #tpu.memory_space<vmem>>, vector<16xi32>,
            %get3A_531 = arith.constant 32 : index
            %get3A_532 = tpu.vector_load %arg10[%get3A_531] {strides = array<i32>} : memref<288xi32, #tpu.memory_space<vmem>>, vector<16xi32>,
            %swap3A_533 = arith.constant 32 : index
            %swap3A_534 = tpu.vector_load %arg16[%swap3A_533] {strides = array<i32>} : memref<256xi32, #tpu.memory_space<vmem>>, vector<16xi32>,
            tpu.vector_store %arg16[%swap3A_533], %get3A_532 {strides = array<i32>} : memref<256xi32, #tpu.memory_space<vmem>>, vector<16xi32>,
            %get3A_535 = arith.constant 32 : index
            %get3A_536 = tpu.vector_load %arg12[%get3A_535] {strides = array<i32>} : memref<288xf32, #tpu.memory_space<vmem>>, vector<16xf32>,
            %swap3A_537 = arith.constant 32 : index
            %swap3A_538 = tpu.vector_load %arg18[%swap3A_537] {strides = array<i32>} : memref<256xf32, #tpu.memory_space<vmem>>, vector<16xf32>,
            tpu.vector_store %arg18[%swap3A_537], %get3A_536 {strides = array<i32>} : memref<256xf32, #tpu.memory_space<vmem>>, vector<16xf32>,
            %get3A_539 = arith.constant 48 : index
            %get3A_540 = tpu.vector_load %arg11[%get3A_539] {strides = array<i32>} : memref<288xi32, #tpu.memory_space<vmem>>, vector<16xi32>,
            %swap3A_541 = arith.constant 48 : index
            %swap3A_542 = tpu.vector_load %arg17[%swap3A_541] {strides = array<i32>} : memref<256xi32, #tpu.memory_space<vmem>>, vector<16xi32>,
            tpu.vector_store %arg17[%swap3A_541], %get3A_540 {strides = array<i32>} : memref<256xi32, #tpu.memory_space<vmem>>, vector<16xi32>,
            %get3A_543 = arith.constant 48 : index
            %get3A_544 = tpu.vector_load %arg10[%get3A_543] {strides = array<i32>} : memref<288xi32, #tpu.memory_space<vmem>>, vector<16xi32>,
            %swap3A_545 = arith.constant 48 : index
            %swap3A_546 = tpu.vector_load %arg16[%swap3A_545] {strides = array<i32>} : memref<256xi32, #tpu.memory_space<vmem>>, vector<16xi32>,
            tpu.vector_store %arg16[%swap3A_545], %get3A_544 {strides = array<i32>} : memref<256xi32, #tpu.memory_space<vmem>>, vector<16xi32>,
            %get3A_547 = arith.constant 48 : index
            %get3A_548 = tpu.vector_load %arg12[%get3A_547] {strides = array<i32>} : memref<288xf32, #tpu.memory_space<vmem>>, vector<16xf32>,
            %swap3A_549 = arith.constant 48 : index
            %swap3A_550 = tpu.vector_load %arg18[%swap3A_549] {strides = array<i32>} : memref<256xf32, #tpu.memory_space<vmem>>, vector<16xf32>,
            tpu.vector_store %arg18[%swap3A_549], %get3A_548 {strides = array<i32>} : memref<256xf32, #tpu.memory_space<vmem>>, vector<16xf32>,
            %get3A_551 = arith.constant 64 : index
            %get3A_552 = tpu.vector_load %arg11[%get3A_551] {strides = array<i32>} : memref<288xi32, #tpu.memory_space<vmem>>, vector<16xi32>,
            %swap3A_553 = arith.constant 64 : index
            %swap3A_554 = tpu.vector_load %arg17[%swap3A_553] {strides = array<i32>} : memref<256xi32, #tpu.memory_space<vmem>>, vector<16xi32>,
            tpu.vector_store %arg17[%swap3A_553], %get3A_552 {strides = array<i32>} : memref<256xi32, #tpu.memory_space<vmem>>, vector<16xi32>,
            %get3A_555 = arith.constant 64 : index
            %get3A_556 = tpu.vector_load %arg10[%get3A_555] {strides = array<i32>} : memref<288xi32, #tpu.memory_space<vmem>>, vector<16xi32>,
            %swap3A_557 = arith.constant 64 : index
            %swap3A_558 = tpu.vector_load %arg16[%swap3A_557] {strides = array<i32>} : memref<256xi32, #tpu.memory_space<vmem>>, vector<16xi32>,
            tpu.vector_store %arg16[%swap3A_557], %get3A_556 {strides = array<i32>} : memref<256xi32, #tpu.memory_space<vmem>>, vector<16xi32>,
            %get3A_559 = arith.constant 64 : index
            %get3A_560 = tpu.vector_load %arg12[%get3A_559] {strides = array<i32>} : memref<288xf32, #tpu.memory_space<vmem>>, vector<16xf32>,
            %swap3A_561 = arith.constant 64 : index
            %swap3A_562 = tpu.vector_load %arg18[%swap3A_561] {strides = array<i32>} : memref<256xf32, #tpu.memory_space<vmem>>, vector<16xf32>,
            tpu.vector_store %arg18[%swap3A_561], %get3A_560 {strides = array<i32>} : memref<256xf32, #tpu.memory_space<vmem>>, vector<16xf32>,
            %get3A_563 = arith.constant 80 : index
            %get3A_564 = tpu.vector_load %arg11[%get3A_563] {strides = array<i32>} : memref<288xi32, #tpu.memory_space<vmem>>, vector<16xi32>,
            %swap3A_565 = arith.constant 80 : index
            %swap3A_566 = tpu.vector_load %arg17[%swap3A_565] {strides = array<i32>} : memref<256xi32, #tpu.memory_space<vmem>>, vector<16xi32>,
            tpu.vector_store %arg17[%swap3A_565], %get3A_564 {strides = array<i32>} : memref<256xi32, #tpu.memory_space<vmem>>, vector<16xi32>,
            %get3A_567 = arith.constant 80 : index
            %get3A_568 = tpu.vector_load %arg10[%get3A_567] {strides = array<i32>} : memref<288xi32, #tpu.memory_space<vmem>>, vector<16xi32>,
            %swap3A_569 = arith.constant 80 : index
            %swap3A_570 = tpu.vector_load %arg16[%swap3A_569] {strides = array<i32>} : memref<256xi32, #tpu.memory_space<vmem>>, vector<16xi32>,
            tpu.vector_store %arg16[%swap3A_569], %get3A_568 {strides = array<i32>} : memref<256xi32, #tpu.memory_space<vmem>>, vector<16xi32>,
            %get3A_571 = arith.constant 80 : index
            %get3A_572 = tpu.vector_load %arg12[%get3A_571] {strides = array<i32>} : memref<288xf32, #tpu.memory_space<vmem>>, vector<16xf32>,
            %swap3A_573 = arith.constant 80 : index
            %swap3A_574 = tpu.vector_load %arg18[%swap3A_573] {strides = array<i32>} : memref<256xf32, #tpu.memory_space<vmem>>, vector<16xf32>,
            tpu.vector_store %arg18[%swap3A_573], %get3A_572 {strides = array<i32>} : memref<256xf32, #tpu.memory_space<vmem>>, vector<16xf32>,
            %get3A_575 = arith.constant 96 : index
            %get3A_576 = tpu.vector_load %arg11[%get3A_575] {strides = array<i32>} : memref<288xi32, #tpu.memory_space<vmem>>, vector<16xi32>,
            %swap3A_577 = arith.constant 96 : index
            %swap3A_578 = tpu.vector_load %arg17[%swap3A_577] {strides = array<i32>} : memref<256xi32, #tpu.memory_space<vmem>>, vector<16xi32>,
            tpu.vector_store %arg17[%swap3A_577], %get3A_576 {strides = array<i32>} : memref<256xi32, #tpu.memory_space<vmem>>, vector<16xi32>,
            %get3A_579 = arith.constant 96 : index
            %get3A_580 = tpu.vector_load %arg10[%get3A_579] {strides = array<i32>} : memref<288xi32, #tpu.memory_space<vmem>>, vector<16xi32>,
            %swap3A_581 = arith.constant 96 : index
            %swap3A_582 = tpu.vector_load %arg16[%swap3A_581] {strides = array<i32>} : memref<256xi32, #tpu.memory_space<vmem>>, vector<16xi32>,
            tpu.vector_store %arg16[%swap3A_581], %get3A_580 {strides = array<i32>} : memref<256xi32, #tpu.memory_space<vmem>>, vector<16xi32>,
            %get3A_583 = arith.constant 96 : index
            %get3A_584 = tpu.vector_load %arg12[%get3A_583] {strides = array<i32>} : memref<288xf32, #tpu.memory_space<vmem>>, vector<16xf32>,
            %swap3A_585 = arith.constant 96 : index
            %swap3A_586 = tpu.vector_load %arg18[%swap3A_585] {strides = array<i32>} : memref<256xf32, #tpu.memory_space<vmem>>, vector<16xf32>,
            tpu.vector_store %arg18[%swap3A_585], %get3A_584 {strides = array<i32>} : memref<256xf32, #tpu.memory_space<vmem>>, vector<16xf32>,
            %get3A_587 = arith.constant 112 : index
            %get3A_588 = tpu.vector_load %arg11[%get3A_587] {strides = array<i32>} : memref<288xi32, #tpu.memory_space<vmem>>, vector<16xi32>,
            %swap3A_589 = arith.constant 112 : index
            %swap3A_590 = tpu.vector_load %arg17[%swap3A_589] {strides = array<i32>} : memref<256xi32, #tpu.memory_space<vmem>>, vector<16xi32>,
            tpu.vector_store %arg17[%swap3A_589], %get3A_588 {strides = array<i32>} : memref<256xi32, #tpu.memory_space<vmem>>, vector<16xi32>,
            %get3A_591 = arith.constant 112 : index
            %get3A_592 = tpu.vector_load %arg10[%get3A_591] {strides = array<i32>} : memref<288xi32, #tpu.memory_space<vmem>>, vector<16xi32>,
            %swap3A_593 = arith.constant 112 : index
            %swap3A_594 = tpu.vector_load %arg16[%swap3A_593] {strides = array<i32>} : memref<256xi32, #tpu.memory_space<vmem>>, vector<16xi32>,
            tpu.vector_store %arg16[%swap3A_593], %get3A_592 {strides = array<i32>} : memref<256xi32, #tpu.memory_space<vmem>>, vector<16xi32>,
            %get3A_595 = arith.constant 112 : index
            %get3A_596 = tpu.vector_load %arg12[%get3A_595] {strides = array<i32>} : memref<288xf32, #tpu.memory_space<vmem>>, vector<16xf32>,
            %swap3A_597 = arith.constant 112 : index
            %swap3A_598 = tpu.vector_load %arg18[%swap3A_597] {strides = array<i32>} : memref<256xf32, #tpu.memory_space<vmem>>, vector<16xf32>,
            tpu.vector_store %arg18[%swap3A_597], %get3A_596 {strides = array<i32>} : memref<256xf32, #tpu.memory_space<vmem>>, vector<16xf32>,
            %get3A_599 = arith.constant 128 : index
            %get3A_600 = tpu.vector_load %arg11[%get3A_599] {strides = array<i32>} : memref<288xi32, #tpu.memory_space<vmem>>, vector<16xi32>,
            %swap3A_601 = arith.constant 128 : index
            %swap3A_602 = tpu.vector_load %arg17[%swap3A_601] {strides = array<i32>} : memref<256xi32, #tpu.memory_space<vmem>>, vector<16xi32>,
            tpu.vector_store %arg17[%swap3A_601], %get3A_600 {strides = array<i32>} : memref<256xi32, #tpu.memory_space<vmem>>, vector<16xi32>,
            %get3A_603 = arith.constant 128 : index
            %get3A_604 = tpu.vector_load %arg10[%get3A_603] {strides = array<i32>} : memref<288xi32, #tpu.memory_space<vmem>>, vector<16xi32>,
            %swap3A_605 = arith.constant 128 : index
            %swap3A_606 = tpu.vector_load %arg16[%swap3A_605] {strides = array<i32>} : memref<256xi32, #tpu.memory_space<vmem>>, vector<16xi32>,
            tpu.vector_store %arg16[%swap3A_605], %get3A_604 {strides = array<i32>} : memref<256xi32, #tpu.memory_space<vmem>>, vector<16xi32>,
            %get3A_607 = arith.constant 128 : index
            %get3A_608 = tpu.vector_load %arg12[%get3A_607] {strides = array<i32>} : memref<288xf32, #tpu.memory_space<vmem>>, vector<16xf32>,
            %swap3A_609 = arith.constant 128 : index
            %swap3A_610 = tpu.vector_load %arg18[%swap3A_609] {strides = array<i32>} : memref<256xf32, #tpu.memory_space<vmem>>, vector<16xf32>,
            tpu.vector_store %arg18[%swap3A_609], %get3A_608 {strides = array<i32>} : memref<256xf32, #tpu.memory_space<vmem>>, vector<16xf32>,
            %get3A_611 = arith.constant 144 : index
            %get3A_612 = tpu.vector_load %arg11[%get3A_611] {strides = array<i32>} : memref<288xi32, #tpu.memory_space<vmem>>, vector<16xi32>,
            %swap3A_613 = arith.constant 144 : index
            %swap3A_614 = tpu.vector_load %arg17[%swap3A_613] {strides = array<i32>} : memref<256xi32, #tpu.memory_space<vmem>>, vector<16xi32>,
            tpu.vector_store %arg17[%swap3A_613], %get3A_612 {strides = array<i32>} : memref<256xi32, #tpu.memory_space<vmem>>, vector<16xi32>,
            %get3A_615 = arith.constant 144 : index
            %get3A_616 = tpu.vector_load %arg10[%get3A_615] {strides = array<i32>} : memref<288xi32, #tpu.memory_space<vmem>>, vector<16xi32>,
            %swap3A_617 = arith.constant 144 : index
            %swap3A_618 = tpu.vector_load %arg16[%swap3A_617] {strides = array<i32>} : memref<256xi32, #tpu.memory_space<vmem>>, vector<16xi32>,
            tpu.vector_store %arg16[%swap3A_617], %get3A_616 {strides = array<i32>} : memref<256xi32, #tpu.memory_space<vmem>>, vector<16xi32>,
            %get3A_619 = arith.constant 144 : index
            %get3A_620 = tpu.vector_load %arg12[%get3A_619] {strides = array<i32>} : memref<288xf32, #tpu.memory_space<vmem>>, vector<16xf32>,
            %swap3A_621 = arith.constant 144 : index
            %swap3A_622 = tpu.vector_load %arg18[%swap3A_621] {strides = array<i32>} : memref<256xf32, #tpu.memory_space<vmem>>, vector<16xf32>,
            tpu.vector_store %arg18[%swap3A_621], %get3A_620 {strides = array<i32>} : memref<256xf32, #tpu.memory_space<vmem>>, vector<16xf32>,
            %get3A_623 = arith.constant 160 : index
            %get3A_624 = tpu.vector_load %arg11[%get3A_623] {strides = array<i32>} : memref<288xi32, #tpu.memory_space<vmem>>, vector<16xi32>,
            %swap3A_625 = arith.constant 160 : index
            %swap3A_626 = tpu.vector_load %arg17[%swap3A_625] {strides = array<i32>} : memref<256xi32, #tpu.memory_space<vmem>>, vector<16xi32>,
            tpu.vector_store %arg17[%swap3A_625], %get3A_624 {strides = array<i32>} : memref<256xi32, #tpu.memory_space<vmem>>, vector<16xi32>,
            %get3A_627 = arith.constant 160 : index
            %get3A_628 = tpu.vector_load %arg10[%get3A_627] {strides = array<i32>} : memref<288xi32, #tpu.memory_space<vmem>>, vector<16xi32>,
            %swap3A_629 = arith.constant 160 : index
            %swap3A_630 = tpu.vector_load %arg16[%swap3A_629] {strides = array<i32>} : memref<256xi32, #tpu.memory_space<vmem>>, vector<16xi32>,
            tpu.vector_store %arg16[%swap3A_629], %get3A_628 {strides = array<i32>} : memref<256xi32, #tpu.memory_space<vmem>>, vector<16xi32>,
            %get3A_631 = arith.constant 160 : index
            %get3A_632 = tpu.vector_load %arg12[%get3A_631] {strides = array<i32>} : memref<288xf32, #tpu.memory_space<vmem>>, vector<16xf32>,
            %swap3A_633 = arith.constant 160 : index
            %swap3A_634 = tpu.vector_load %arg18[%swap3A_633] {strides = array<i32>} : memref<256xf32, #tpu.memory_space<vmem>>, vector<16xf32>,
            tpu.vector_store %arg18[%swap3A_633], %get3A_632 {strides = array<i32>} : memref<256xf32, #tpu.memory_space<vmem>>, vector<16xf32>,
            %get3A_635 = arith.constant 176 : index
            %get3A_636 = tpu.vector_load %arg11[%get3A_635] {strides = array<i32>} : memref<288xi32, #tpu.memory_space<vmem>>, vector<16xi32>,
            %swap3A_637 = arith.constant 176 : index
            %swap3A_638 = tpu.vector_load %arg17[%swap3A_637] {strides = array<i32>} : memref<256xi32, #tpu.memory_space<vmem>>, vector<16xi32>,
            tpu.vector_store %arg17[%swap3A_637], %get3A_636 {strides = array<i32>} : memref<256xi32, #tpu.memory_space<vmem>>, vector<16xi32>,
            %get3A_639 = arith.constant 176 : index
            %get3A_640 = tpu.vector_load %arg10[%get3A_639] {strides = array<i32>} : memref<288xi32, #tpu.memory_space<vmem>>, vector<16xi32>,
            %swap3A_641 = arith.constant 176 : index
            %swap3A_642 = tpu.vector_load %arg16[%swap3A_641] {strides = array<i32>} : memref<256xi32, #tpu.memory_space<vmem>>, vector<16xi32>,
            tpu.vector_store %arg16[%swap3A_641], %get3A_640 {strides = array<i32>} : memref<256xi32, #tpu.memory_space<vmem>>, vector<16xi32>,
            %get3A_643 = arith.constant 176 : index
            %get3A_644 = tpu.vector_load %arg12[%get3A_643] {strides = array<i32>} : memref<288xf32, #tpu.memory_space<vmem>>, vector<16xf32>,
            %swap3A_645 = arith.constant 176 : index
            %swap3A_646 = tpu.vector_load %arg18[%swap3A_645] {strides = array<i32>} : memref<256xf32, #tpu.memory_space<vmem>>, vector<16xf32>,
            tpu.vector_store %arg18[%swap3A_645], %get3A_644 {strides = array<i32>} : memref<256xf32, #tpu.memory_space<vmem>>, vector<16xf32>,
            %get3A_647 = arith.constant 192 : index
            %get3A_648 = tpu.vector_load %arg11[%get3A_647] {strides = array<i32>} : memref<288xi32, #tpu.memory_space<vmem>>, vector<16xi32>,
            %swap3A_649 = arith.constant 192 : index
            %swap3A_650 = tpu.vector_load %arg17[%swap3A_649] {strides = array<i32>} : memref<256xi32, #tpu.memory_space<vmem>>, vector<16xi32>,
            tpu.vector_store %arg17[%swap3A_649], %get3A_648 {strides = array<i32>} : memref<256xi32, #tpu.memory_space<vmem>>, vector<16xi32>,
            %get3A_651 = arith.constant 192 : index
            %get3A_652 = tpu.vector_load %arg10[%get3A_651] {strides = array<i32>} : memref<288xi32, #tpu.memory_space<vmem>>, vector<16xi32>,
            %swap3A_653 = arith.constant 192 : index
            %swap3A_654 = tpu.vector_load %arg16[%swap3A_653] {strides = array<i32>} : memref<256xi32, #tpu.memory_space<vmem>>, vector<16xi32>,
            tpu.vector_store %arg16[%swap3A_653], %get3A_652 {strides = array<i32>} : memref<256xi32, #tpu.memory_space<vmem>>, vector<16xi32>,
            %get3A_655 = arith.constant 192 : index
            %get3A_656 = tpu.vector_load %arg12[%get3A_655] {strides = array<i32>} : memref<288xf32, #tpu.memory_space<vmem>>, vector<16xf32>,
            %swap3A_657 = arith.constant 192 : index
            %swap3A_658 = tpu.vector_load %arg18[%swap3A_657] {strides = array<i32>} : memref<256xf32, #tpu.memory_space<vmem>>, vector<16xf32>,
            tpu.vector_store %arg18[%swap3A_657], %get3A_656 {strides = array<i32>} : memref<256xf32, #tpu.memory_space<vmem>>, vector<16xf32>,
            %get3A_659 = arith.constant 208 : index
            %get3A_660 = tpu.vector_load %arg11[%get3A_659] {strides = array<i32>} : memref<288xi32, #tpu.memory_space<vmem>>, vector<16xi32>,
            %swap3A_661 = arith.constant 208 : index
            %swap3A_662 = tpu.vector_load %arg17[%swap3A_661] {strides = array<i32>} : memref<256xi32, #tpu.memory_space<vmem>>, vector<16xi32>,
            tpu.vector_store %arg17[%swap3A_661], %get3A_660 {strides = array<i32>} : memref<256xi32, #tpu.memory_space<vmem>>, vector<16xi32>,
            %get3A_663 = arith.constant 208 : index
            %get3A_664 = tpu.vector_load %arg10[%get3A_663] {strides = array<i32>} : memref<288xi32, #tpu.memory_space<vmem>>, vector<16xi32>,
            %swap3A_665 = arith.constant 208 : index
            %swap3A_666 = tpu.vector_load %arg16[%swap3A_665] {strides = array<i32>} : memref<256xi32, #tpu.memory_space<vmem>>, vector<16xi32>,
            tpu.vector_store %arg16[%swap3A_665], %get3A_664 {strides = array<i32>} : memref<256xi32, #tpu.memory_space<vmem>>, vector<16xi32>,
            %get3A_667 = arith.constant 208 : index
            %get3A_668 = tpu.vector_load %arg12[%get3A_667] {strides = array<i32>} : memref<288xf32, #tpu.memory_space<vmem>>, vector<16xf32>,
            %swap3A_669 = arith.constant 208 : index
            %swap3A_670 = tpu.vector_load %arg18[%swap3A_669] {strides = array<i32>} : memref<256xf32, #tpu.memory_space<vmem>>, vector<16xf32>,
            tpu.vector_store %arg18[%swap3A_669], %get3A_668 {strides = array<i32>} : memref<256xf32, #tpu.memory_space<vmem>>, vector<16xf32>,
            %get3A_671 = arith.constant 224 : index
            %get3A_672 = tpu.vector_load %arg11[%get3A_671] {strides = array<i32>} : memref<288xi32, #tpu.memory_space<vmem>>, vector<16xi32>,
            %swap3A_673 = arith.constant 224 : index
            %swap3A_674 = tpu.vector_load %arg17[%swap3A_673] {strides = array<i32>} : memref<256xi32, #tpu.memory_space<vmem>>, vector<16xi32>,
            tpu.vector_store %arg17[%swap3A_673], %get3A_672 {strides = array<i32>} : memref<256xi32, #tpu.memory_space<vmem>>, vector<16xi32>,
            %get3A_675 = arith.constant 224 : index
            %get3A_676 = tpu.vector_load %arg10[%get3A_675] {strides = array<i32>} : memref<288xi32, #tpu.memory_space<vmem>>, vector<16xi32>,
            %swap3A_677 = arith.constant 224 : index
            %swap3A_678 = tpu.vector_load %arg16[%swap3A_677] {strides = array<i32>} : memref<256xi32, #tpu.memory_space<vmem>>, vector<16xi32>,
            tpu.vector_store %arg16[%swap3A_677], %get3A_676 {strides = array<i32>} : memref<256xi32, #tpu.memory_space<vmem>>, vector<16xi32>,
            %get3A_679 = arith.constant 224 : index
            %get3A_680 = tpu.vector_load %arg12[%get3A_679] {strides = array<i32>} : memref<288xf32, #tpu.memory_space<vmem>>, vector<16xf32>,
            %swap3A_681 = arith.constant 224 : index
            %swap3A_682 = tpu.vector_load %arg18[%swap3A_681] {strides = array<i32>} : memref<256xf32, #tpu.memory_space<vmem>>, vector<16xf32>,
            tpu.vector_store %arg18[%swap3A_681], %get3A_680 {strides = array<i32>} : memref<256xf32, #tpu.memory_space<vmem>>, vector<16xf32>,
            %get3A_683 = arith.constant 240 : index
            %get3A_684 = tpu.vector_load %arg11[%get3A_683] {strides = array<i32>} : memref<288xi32, #tpu.memory_space<vmem>>, vector<16xi32>,
            %swap3A_685 = arith.constant 240 : index
            %swap3A_686 = tpu.vector_load %arg17[%swap3A_685] {strides = array<i32>} : memref<256xi32, #tpu.memory_space<vmem>>, vector<16xi32>,
            tpu.vector_store %arg17[%swap3A_685], %get3A_684 {strides = array<i32>} : memref<256xi32, #tpu.memory_space<vmem>>, vector<16xi32>,
            %get3A_687 = arith.constant 240 : index
            %get3A_688 = tpu.vector_load %arg10[%get3A_687] {strides = array<i32>} : memref<288xi32, #tpu.memory_space<vmem>>, vector<16xi32>,
            %swap3A_689 = arith.constant 240 : index
            %swap3A_690 = tpu.vector_load %arg16[%swap3A_689] {strides = array<i32>} : memref<256xi32, #tpu.memory_space<vmem>>, vector<16xi32>,
            tpu.vector_store %arg16[%swap3A_689], %get3A_688 {strides = array<i32>} : memref<256xi32, #tpu.memory_space<vmem>>, vector<16xi32>,
            %get3A_691 = arith.constant 240 : index
            %get3A_692 = tpu.vector_load %arg12[%get3A_691] {strides = array<i32>} : memref<288xf32, #tpu.memory_space<vmem>>, vector<16xf32>,
            %swap3A_693 = arith.constant 240 : index
            %swap3A_694 = tpu.vector_load %arg18[%swap3A_693] {strides = array<i32>} : memref<256xf32, #tpu.memory_space<vmem>>, vector<16xf32>,
            tpu.vector_store %arg18[%swap3A_693], %get3A_692 {strides = array<i32>} : memref<256xf32, #tpu.memory_space<vmem>>, vector<16xf32>,
            %dma_start3A_695 = arith.constant 0 : i32
            %dma_start3A_696 = arith.constant 0 : i32
            %dma_start3A_697 = tpu.memref_slice %arg5[%dma_start3A_695, %dma_start3A_696] : memref<50000x64xf32, #tpu.memory_space<hbm>> -> memref<50000x64xf32, #tpu.memory_space<hbm>>
            tpu.enqueue_indirect_dma source(%dma_start3A_697 : memref<50000x64xf32, #tpu.memory_space<hbm>>) target(%arg20 : memref<256x64xf32, #tpu.memory_space<vmem>>) offsets(%arg17 : memref<256xi32, #tpu.memory_space<vmem>>) semaphore(%arg26 : memref<!tpu.dma_semaphore, #tpu.memory_space<semaphore_mem>>)
          }
          %get3A_481 = arith.constant 256 : index
          %get3A_482 = tpu.vector_load %arg10[%get3A_481] {strides = array<i32>} : memref<288xi32, #tpu.memory_space<vmem>>, vector<16xi32>,
          %get3A_483 = arith.constant 256 : index
          %get3A_484 = tpu.vector_load %arg11[%get3A_483] {strides = array<i32>} : memref<288xi32, #tpu.memory_space<vmem>>, vector<16xi32>,
          %get3A_485 = arith.constant 256 : index
          %get3A_486 = tpu.vector_load %arg12[%get3A_485] {strides = array<i32>} : memref<288xf32, #tpu.memory_space<vmem>>, vector<16xf32>,
          %swap3A_487 = arith.constant 0 : index
          %swap3A_488 = tpu.vector_load %arg10[%swap3A_487] {strides = array<i32>} : memref<288xi32, #tpu.memory_space<vmem>>, vector<16xi32>,
          tpu.vector_store %arg10[%swap3A_487], %get3A_482 {strides = array<i32>} : memref<288xi32, #tpu.memory_space<vmem>>, vector<16xi32>,
          %swap3A_489 = arith.constant 0 : index
          %swap3A_490 = tpu.vector_load %arg11[%swap3A_489] {strides = array<i32>} : memref<288xi32, #tpu.memory_space<vmem>>, vector<16xi32>,
          tpu.vector_store %arg11[%swap3A_489], %get3A_484 {strides = array<i32>} : memref<288xi32, #tpu.memory_space<vmem>>, vector<16xi32>,
          %swap3A_491 = arith.constant 0 : index
          %swap3A_492 = tpu.vector_load %arg12[%swap3A_491] {strides = array<i32>} : memref<288xf32, #tpu.memory_space<vmem>>, vector<16xf32>,
          tpu.vector_store %arg12[%swap3A_491], %get3A_486 {strides = array<i32>} : memref<288xf32, #tpu.memory_space<vmem>>, vector<16xf32>,
        } else {
        }
        %sub3A_467 = arith.constant 256 : i32
        %sub3A_468 = arith.subi %add3A_461, %sub3A_467 : i32
        %select_n3A_469 = arith.select %ge3A_463, %sub3A_468, %add3A_461 : i32
        %sub3A_470 = arith.constant 1 : i32
        %sub3A_471 = arith.subi %sub3A_470, %scan3A_429 : i32
        %select_n3A_472 = arith.select %ge3A_463, %sub3A_471, %scan3A_429 : i32
        %add3A_473 = arith.constant 1 : i32
        %add3A_474 = arith.addi %scan3A_430, %add3A_473 : i32
        %select_n3A_475 = arith.select %ge3A_463, %add3A_474, %scan3A_430 : i32
        scf.yield %select_n3A_469, %select_n3A_472, %select_n3A_475 : i32, i32, i32
      }
      %scan3A_381 = arith.constant 64 : i32
      %add3A_382 = arith.constant 2 : i32
      %add3A_383 = arith.addi %mul3A_310, %add3A_382 : i32
      %lt3A_384 = arith.constant 32 : i32
      %lt3A_385 = arith.cmpi slt, %add3A_383, %lt3A_384 : i32
      %convert_element_type3A_386 = arith.extui %lt3A_385 : i1 to i32
      %cond3A_387 = arith.constant 0 : i32
      %cond3A_388 = arith.cmpi ne, %convert_element_type3A_386, %cond3A_387 : i32
      scf.if %cond3A_388 {
        %add3A_427 = arith.constant 2 : i32
        %add3A_428 = arith.addi %mul3A_310, %add3A_427 : i32
        %mul3A_429 = arith.constant 32768 : i32
        %mul3A_430 = arith.muli %arg1, %mul3A_429 : i32
        %mul3A_431 = arith.constant 1024 : i32
        %mul3A_432 = arith.muli %add3A_428, %mul3A_431 : i32
        %add3A_433 = arith.addi %mul3A_430, %mul3A_432 : i32
        %dma_start3A_434 = arith.constant 0 : i32
        %dma_start3A_435 = arith.constant 0 : i32
        %dma_start3A_436 = tpu.memref_slice %arg7[%dma_start3A_434, %dma_start3A_435] : memref<2x1024xi32, #tpu.memory_space<vmem>> -> memref<1x1024xi32, #tpu.memory_space<vmem>>
        %dma_start3A_437 = tpu.memref_squeeze %dma_start3A_436 : memref<1x1024xi32, #tpu.memory_space<vmem>> -> memref<1024xi32, #tpu.memory_space<vmem>>
        %dma_start3A_438 = tpu.memref_slice %arg2[%add3A_433] : memref<524288xi32, #tpu.memory_space<hbm>> -> memref<1024xi32, #tpu.memory_space<hbm>>
        %dma_start3A_439 = arith.constant 0 : i32
        %dma_start3A_440 = tpu.memref_slice %arg7[%dma_start3A_434, %dma_start3A_439] : memref<2x1024xi32, #tpu.memory_space<vmem>> -> memref<1x1024xi32, #tpu.memory_space<vmem>>
        %dma_start3A_441 = tpu.memref_squeeze %dma_start3A_440 : memref<1x1024xi32, #tpu.memory_space<vmem>> -> memref<1024xi32, #tpu.memory_space<vmem>>
        %dma_start3A_442 = tpu.memref_slice %arg2[%add3A_433] : memref<524288xi32, #tpu.memory_space<hbm>> -> memref<1024xi32, #tpu.memory_space<hbm>>
        tpu.enqueue_dma source(%dma_start3A_442 : memref<1024xi32, #tpu.memory_space<hbm>>) target(%dma_start3A_441 : memref<1024xi32, #tpu.memory_space<vmem>>) target_semaphore(%arg23 : memref<!tpu.dma_semaphore, #tpu.memory_space<semaphore_mem>>)
        %dma_start3A_443 = arith.constant 0 : i32
        %dma_start3A_444 = arith.constant 0 : i32
        %dma_start3A_445 = tpu.memref_slice %arg8[%dma_start3A_443, %dma_start3A_444] : memref<2x1024xi32, #tpu.memory_space<vmem>> -> memref<1x1024xi32, #tpu.memory_space<vmem>>
        %dma_start3A_446 = tpu.memref_squeeze %dma_start3A_445 : memref<1x1024xi32, #tpu.memory_space<vmem>> -> memref<1024xi32, #tpu.memory_space<vmem>>
        %dma_start3A_447 = tpu.memref_slice %arg3[%add3A_433] : memref<524288xi32, #tpu.memory_space<hbm>> -> memref<1024xi32, #tpu.memory_space<hbm>>
        %dma_start3A_448 = arith.constant 0 : i32
        %dma_start3A_449 = tpu.memref_slice %arg8[%dma_start3A_443, %dma_start3A_448] : memref<2x1024xi32, #tpu.memory_space<vmem>> -> memref<1x1024xi32, #tpu.memory_space<vmem>>
        %dma_start3A_450 = tpu.memref_squeeze %dma_start3A_449 : memref<1x1024xi32, #tpu.memory_space<vmem>> -> memref<1024xi32, #tpu.memory_space<vmem>>
        %dma_start3A_451 = tpu.memref_slice %arg3[%add3A_433] : memref<524288xi32, #tpu.memory_space<hbm>> -> memref<1024xi32, #tpu.memory_space<hbm>>
        tpu.enqueue_dma source(%dma_start3A_451 : memref<1024xi32, #tpu.memory_space<hbm>>) target(%dma_start3A_450 : memref<1024xi32, #tpu.memory_space<vmem>>) target_semaphore(%arg23 : memref<!tpu.dma_semaphore, #tpu.memory_space<semaphore_mem>>)
        %dma_start3A_452 = arith.constant 0 : i32
        %dma_start3A_453 = arith.constant 0 : i32
        %dma_start3A_454 = tpu.memref_slice %arg9[%dma_start3A_452, %dma_start3A_453] : memref<2x1024xf32, #tpu.memory_space<vmem>> -> memref<1x1024xf32, #tpu.memory_space<vmem>>
        %dma_start3A_455 = tpu.memref_squeeze %dma_start3A_454 : memref<1x1024xf32, #tpu.memory_space<vmem>> -> memref<1024xf32, #tpu.memory_space<vmem>>
        %dma_start3A_456 = tpu.memref_slice %arg4[%add3A_433] : memref<524288xf32, #tpu.memory_space<hbm>> -> memref<1024xf32, #tpu.memory_space<hbm>>
        %dma_start3A_457 = arith.constant 0 : i32
        %dma_start3A_458 = tpu.memref_slice %arg9[%dma_start3A_452, %dma_start3A_457] : memref<2x1024xf32, #tpu.memory_space<vmem>> -> memref<1x1024xf32, #tpu.memory_space<vmem>>
        %dma_start3A_459 = tpu.memref_squeeze %dma_start3A_458 : memref<1x1024xf32, #tpu.memory_space<vmem>> -> memref<1024xf32, #tpu.memory_space<vmem>>
        %dma_start3A_460 = tpu.memref_slice %arg4[%add3A_433] : memref<524288xf32, #tpu.memory_space<hbm>> -> memref<1024xf32, #tpu.memory_space<hbm>>
        tpu.enqueue_dma source(%dma_start3A_460 : memref<1024xf32, #tpu.memory_space<hbm>>) target(%dma_start3A_459 : memref<1024xf32, #tpu.memory_space<vmem>>) target_semaphore(%arg23 : memref<!tpu.dma_semaphore, #tpu.memory_space<semaphore_mem>>)
      } else {
      }
      %mul3A_389 = arith.constant 32768 : i32
      %mul3A_390 = arith.muli %arg1, %mul3A_389 : i32
      %dma_wait3A_391 = arith.constant 1 : i32
      %dma_wait3A_392 = arith.constant 0 : i32
      %dma_wait3A_393 = tpu.memref_slice %arg7[%dma_wait3A_391, %dma_wait3A_392] : memref<2x1024xi32, #tpu.memory_space<vmem>> -> memref<1x1024xi32, #tpu.memory_space<vmem>>
      %dma_wait3A_394 = tpu.memref_squeeze %dma_wait3A_393 : memref<1x1024xi32, #tpu.memory_space<vmem>> -> memref<1024xi32, #tpu.memory_space<vmem>>
      %dma_wait3A_395 = tpu.memref_slice %arg2[%mul3A_390] : memref<524288xi32, #tpu.memory_space<hbm>> -> memref<1024xi32, #tpu.memory_space<hbm>>
      %dma_wait3A_396 = arith.constant 0 : i32
      %dma_wait3A_397 = tpu.memref_slice %arg7[%dma_wait3A_391, %dma_wait3A_396] : memref<2x1024xi32, #tpu.memory_space<vmem>> -> memref<1x1024xi32, #tpu.memory_space<vmem>>
      %dma_wait3A_398 = tpu.memref_squeeze %dma_wait3A_397 : memref<1x1024xi32, #tpu.memory_space<vmem>> -> memref<1024xi32, #tpu.memory_space<vmem>>
      %dma_wait3A_399 = tpu.memref_slice %arg2[%mul3A_390] : memref<524288xi32, #tpu.memory_space<hbm>> -> memref<1024xi32, #tpu.memory_space<hbm>>
      tpu.wait_dma2 semaphore(%arg24 : memref<!tpu.dma_semaphore, #tpu.memory_space<semaphore_mem>>) src(%dma_wait3A_399 : memref<1024xi32, #tpu.memory_space<hbm>>) dst(%dma_wait3A_398 : memref<1024xi32, #tpu.memory_space<vmem>>)
      %dma_wait3A_400 = arith.constant 1 : i32
      %dma_wait3A_401 = arith.constant 0 : i32
      %dma_wait3A_402 = tpu.memref_slice %arg8[%dma_wait3A_400, %dma_wait3A_401] : memref<2x1024xi32, #tpu.memory_space<vmem>> -> memref<1x1024xi32, #tpu.memory_space<vmem>>
      %dma_wait3A_403 = tpu.memref_squeeze %dma_wait3A_402 : memref<1x1024xi32, #tpu.memory_space<vmem>> -> memref<1024xi32, #tpu.memory_space<vmem>>
      %dma_wait3A_404 = tpu.memref_slice %arg3[%mul3A_390] : memref<524288xi32, #tpu.memory_space<hbm>> -> memref<1024xi32, #tpu.memory_space<hbm>>
      %dma_wait3A_405 = arith.constant 0 : i32
      %dma_wait3A_406 = tpu.memref_slice %arg8[%dma_wait3A_400, %dma_wait3A_405] : memref<2x1024xi32, #tpu.memory_space<vmem>> -> memref<1x1024xi32, #tpu.memory_space<vmem>>
      %dma_wait3A_407 = tpu.memref_squeeze %dma_wait3A_406 : memref<1x1024xi32, #tpu.memory_space<vmem>> -> memref<1024xi32, #tpu.memory_space<vmem>>
      %dma_wait3A_408 = tpu.memref_slice %arg3[%mul3A_390] : memref<524288xi32, #tpu.memory_space<hbm>> -> memref<1024xi32, #tpu.memory_space<hbm>>
      tpu.wait_dma2 semaphore(%arg24 : memref<!tpu.dma_semaphore, #tpu.memory_space<semaphore_mem>>) src(%dma_wait3A_408 : memref<1024xi32, #tpu.memory_space<hbm>>) dst(%dma_wait3A_407 : memref<1024xi32, #tpu.memory_space<vmem>>)
      %dma_wait3A_409 = arith.constant 1 : i32
      %dma_wait3A_410 = arith.constant 0 : i32
      %dma_wait3A_411 = tpu.memref_slice %arg9[%dma_wait3A_409, %dma_wait3A_410] : memref<2x1024xf32, #tpu.memory_space<vmem>> -> memref<1x1024xf32, #tpu.memory_space<vmem>>
      %dma_wait3A_412 = tpu.memref_squeeze %dma_wait3A_411 : memref<1x1024xf32, #tpu.memory_space<vmem>> -> memref<1024xf32, #tpu.memory_space<vmem>>
      %dma_wait3A_413 = tpu.memref_slice %arg4[%mul3A_390] : memref<524288xf32, #tpu.memory_space<hbm>> -> memref<1024xf32, #tpu.memory_space<hbm>>
      %dma_wait3A_414 = arith.constant 0 : i32
      %dma_wait3A_415 = tpu.memref_slice %arg9[%dma_wait3A_409, %dma_wait3A_414] : memref<2x1024xf32, #tpu.memory_space<vmem>> -> memref<1x1024xf32, #tpu.memory_space<vmem>>
      %dma_wait3A_416 = tpu.memref_squeeze %dma_wait3A_415 : memref<1x1024xf32, #tpu.memory_space<vmem>> -> memref<1024xf32, #tpu.memory_space<vmem>>
      %dma_wait3A_417 = tpu.memref_slice %arg4[%mul3A_390] : memref<524288xf32, #tpu.memory_space<hbm>> -> memref<1024xf32, #tpu.memory_space<hbm>>
      tpu.wait_dma2 semaphore(%arg24 : memref<!tpu.dma_semaphore, #tpu.memory_space<semaphore_mem>>) src(%dma_wait3A_417 : memref<1024xf32, #tpu.memory_space<hbm>>) dst(%dma_wait3A_416 : memref<1024xf32, #tpu.memory_space<vmem>>)
      %scan3A_418 = arith.constant 1 : i32
      %scan3A_419 = arith.constant 1 : i32
      %scan3A_420 = arith.constant 1 : i32
      %scan3A_421 = arith.constant 0 : i32
      %scan3A_422 = arith.constant 64 : i32
      %scan3A_423 = arith.addi %scan3A_421, %scan3A_422 : i32
      %scan3A_424 = arith.constant 1 : i32
      %scan3A_425:3 = scf.for %scan3A_427 = %scan3A_421 to %scan3A_423 step %scan3A_424 iter_args(%scan3A_428 = %scan3A_380#0, %scan3A_429 = %scan3A_380#1, %scan3A_430 = %scan3A_380#2) -> (i32, i32, i32)  : i32 {
        %mul3A_431 = arith.constant 16 : i32
        %mul3A_432 = arith.muli %scan3A_427, %mul3A_431 : i32
        %get3A_433 = arith.constant 0 : i32
        %get3A_434 = tpu.memref_slice %arg7[%scan3A_418, %get3A_433] : memref<2x1024xi32, #tpu.memory_space<vmem>> -> memref<1x1024xi32, #tpu.memory_space<vmem>>
        %get3A_435 = tpu.memref_squeeze %get3A_434 : memref<1x1024xi32, #tpu.memory_space<vmem>> -> memref<1024xi32, #tpu.memory_space<vmem>>
        %get3A_436 = arith.index_cast %mul3A_432 : i32 to index
        %get3A_437 = tpu.vector_load %get3A_435[%get3A_436] {strides = array<i32>} : memref<1024xi32, #tpu.memory_space<vmem>>, vector<16xi32>,
        %ge3A = vector.broadcast %mul3A_13 : i32 to vector<16xi32>
        %ge3A_438 = arith.cmpi sge, %get3A_437, %ge3A : vector<16xi32>
        %add3A_439 = arith.constant 12288 : i32
        %add3A_440 = arith.addi %mul3A_13, %add3A_439 : i32
        %lt3A_441 = vector.broadcast %add3A_440 : i32 to vector<16xi32>
        %lt3A_442 = arith.cmpi slt, %get3A_437, %lt3A_441 : vector<16xi32>
        %and3A = arith.andi %ge3A_438, %lt3A_442 : vector<16xi1>
        %sub3A_443 = vector.broadcast %mul3A_13 : i32 to vector<16xi32>
        %sub3A_444 = arith.subi %get3A_437, %sub3A_443 : vector<16xi32>
        %swap3A_445 = arith.index_cast %scan3A_428 : i32 to index
        %swap3A_446 = tpu.vector_load %arg10[%swap3A_445] masked %and3A {strides = array<i32>} : memref<288xi32, #tpu.memory_space<vmem>>, vector<16xi32>, vector<16xi1>
        tpu.vector_store %arg10[%swap3A_445], %sub3A_444 masked %and3A {strides = array<i32>} : memref<288xi32, #tpu.memory_space<vmem>>, vector<16xi32>, vector<16xi1>
        %get3A_447 = arith.constant 0 : i32
        %get3A_448 = tpu.memref_slice %arg8[%scan3A_419, %get3A_447] : memref<2x1024xi32, #tpu.memory_space<vmem>> -> memref<1x1024xi32, #tpu.memory_space<vmem>>
        %get3A_449 = tpu.memref_squeeze %get3A_448 : memref<1x1024xi32, #tpu.memory_space<vmem>> -> memref<1024xi32, #tpu.memory_space<vmem>>
        %get3A_450 = arith.index_cast %mul3A_432 : i32 to index
        %get3A_451 = tpu.vector_load %get3A_449[%get3A_450] {strides = array<i32>} : memref<1024xi32, #tpu.memory_space<vmem>>, vector<16xi32>,
        %swap3A_452 = arith.index_cast %scan3A_428 : i32 to index
        %swap3A_453 = tpu.vector_load %arg11[%swap3A_452] masked %and3A {strides = array<i32>} : memref<288xi32, #tpu.memory_space<vmem>>, vector<16xi32>, vector<16xi1>
        tpu.vector_store %arg11[%swap3A_452], %get3A_451 masked %and3A {strides = array<i32>} : memref<288xi32, #tpu.memory_space<vmem>>, vector<16xi32>, vector<16xi1>
        %get3A_454 = arith.constant 0 : i32
        %get3A_455 = tpu.memref_slice %arg9[%scan3A_420, %get3A_454] : memref<2x1024xf32, #tpu.memory_space<vmem>> -> memref<1x1024xf32, #tpu.memory_space<vmem>>
        %get3A_456 = tpu.memref_squeeze %get3A_455 : memref<1x1024xf32, #tpu.memory_space<vmem>> -> memref<1024xf32, #tpu.memory_space<vmem>>
        %get3A_457 = arith.index_cast %mul3A_432 : i32 to index
        %get3A_458 = tpu.vector_load %get3A_456[%get3A_457] {strides = array<i32>} : memref<1024xf32, #tpu.memory_space<vmem>>, vector<16xf32>,
        %swap3A_459 = arith.index_cast %scan3A_428 : i32 to index
        %swap3A_460 = tpu.vector_load %arg12[%swap3A_459] masked %and3A {strides = array<i32>} : memref<288xf32, #tpu.memory_space<vmem>>, vector<16xf32>, vector<16xi1>
        tpu.vector_store %arg12[%swap3A_459], %get3A_458 masked %and3A {strides = array<i32>} : memref<288xf32, #tpu.memory_space<vmem>>, vector<16xf32>, vector<16xi1>
        %all_reduce_population_count3A = tpu.all_reduce %and3A {dim = 0 : i64, kind = #tpu.reduction_kind<sum>} : vector<16xi1> -> vector<16xi32>
        %slice3A = vector.extract_strided_slice %all_reduce_population_count3A {offsets = [0], sizes = [1], strides = [1]} : vector<16xi32> to vector<1xi32>
        %squeeze3A = vector.extract %slice3A[0] : i32 from vector<1xi32>
        %add3A_461 = arith.addi %scan3A_428, %squeeze3A : i32
        %ge3A_462 = arith.constant 256 : i32
        %ge3A_463 = arith.cmpi sge, %add3A_461, %ge3A_462 : i32
        %convert_element_type3A_464 = arith.extui %ge3A_463 : i1 to i32
        %cond3A_465 = arith.constant 0 : i32
        %cond3A_466 = arith.cmpi ne, %convert_element_type3A_464, %cond3A_465 : i32
        scf.if %cond3A_466 {
          %eq3A_476 = arith.constant 0 : i32
          %eq3A_477 = arith.cmpi eq, %scan3A_429, %eq3A_476 : i32
          %convert_element_type3A_478 = arith.extui %eq3A_477 : i1 to i32
          %cond3A_479 = arith.constant 0 : i32
          %cond3A_480 = arith.cmpi ne, %convert_element_type3A_478, %cond3A_479 : i32
          scf.if %cond3A_480 {
            %ge3A_493 = arith.constant 1 : i32
            %ge3A_494 = arith.cmpi sge, %scan3A_430, %ge3A_493 : i32
            %convert_element_type3A_495 = arith.extui %ge3A_494 : i1 to i32
            %cond3A_496 = arith.constant 0 : i32
            %cond3A_497 = arith.cmpi ne, %convert_element_type3A_495, %cond3A_496 : i32
            scf.if %cond3A_497 {
              %dma_wait3A_698 = arith.constant 0 : i32
              %dma_wait3A_699 = arith.constant 0 : i32
              %dma_wait3A_700 = tpu.memref_slice %arg5[%dma_wait3A_698, %dma_wait3A_699] : memref<50000x64xf32, #tpu.memory_space<hbm>> -> memref<50000x64xf32, #tpu.memory_space<hbm>>
              tpu.wait_indirect_dma semaphore(%arg26 : memref<!tpu.dma_semaphore, #tpu.memory_space<semaphore_mem>>) src(%dma_wait3A_700 : memref<50000x64xf32, #tpu.memory_space<hbm>>) dst(%arg20 : memref<256x64xf32, #tpu.memory_space<vmem>>)
              %parallel_loop3A = arith.constant 0 : i32
              %parallel_loop3A_701 = arith.constant 256 : i32
              %parallel_loop3A_702 = arith.constant 1 : i32
              scf.for %parallel_loop3A_706 = %parallel_loop3A to %parallel_loop3A_701 step %parallel_loop3A_702  : i32 {
                %parallel_loop3A_707 = arith.index_cast %parallel_loop3A_706 : i32 to index
                %parallel_loop3A_708 = tpu.vector_load %arg18[%parallel_loop3A_707] {strides = array<i32>} : memref<256xf32, #tpu.memory_space<vmem>>, vector<16xf32>,
                %parallel_loop3A_709 = vector.extract_strided_slice %parallel_loop3A_708 {offsets = [0], sizes = [1], strides = [1]} : vector<16xf32> to vector<1xf32>
                %parallel_loop3A_710 = vector.extract %parallel_loop3A_709[0] : f32 from vector<1xf32>
                %parallel_loop3A_711 = arith.index_cast %parallel_loop3A_706 : i32 to index
                %parallel_loop3A_712 = arith.constant 0 : index
                %parallel_loop3A_713 = tpu.vector_load %arg20[%parallel_loop3A_711, %parallel_loop3A_712] {strides = array<i32>} : memref<256x64xf32, #tpu.memory_space<vmem>>, vector<16xf32>,
                %parallel_loop3A_714 = vector.broadcast %parallel_loop3A_710 : f32 to vector<16xf32>
                %parallel_loop3A_715 = arith.mulf %parallel_loop3A_713, %parallel_loop3A_714 : vector<16xf32>
                %parallel_loop3A_716 = arith.index_cast %parallel_loop3A_706 : i32 to index
                %parallel_loop3A_717 = arith.constant 0 : index
                %parallel_loop3A_718 = tpu.vector_load %arg20[%parallel_loop3A_716, %parallel_loop3A_717] {strides = array<i32>} : memref<256x64xf32, #tpu.memory_space<vmem>>, vector<16xf32>,
                tpu.vector_store %arg20[%parallel_loop3A_716, %parallel_loop3A_717], %parallel_loop3A_715 {strides = array<i32>} : memref<256x64xf32, #tpu.memory_space<vmem>>, vector<16xf32>,
                %parallel_loop3A_719 = arith.index_cast %parallel_loop3A_706 : i32 to index
                %parallel_loop3A_720 = arith.constant 16 : index
                %parallel_loop3A_721 = tpu.vector_load %arg20[%parallel_loop3A_719, %parallel_loop3A_720] {strides = array<i32>} : memref<256x64xf32, #tpu.memory_space<vmem>>, vector<16xf32>,
                %parallel_loop3A_722 = vector.broadcast %parallel_loop3A_710 : f32 to vector<16xf32>
                %parallel_loop3A_723 = arith.mulf %parallel_loop3A_721, %parallel_loop3A_722 : vector<16xf32>
                %parallel_loop3A_724 = arith.index_cast %parallel_loop3A_706 : i32 to index
                %parallel_loop3A_725 = arith.constant 16 : index
                %parallel_loop3A_726 = tpu.vector_load %arg20[%parallel_loop3A_724, %parallel_loop3A_725] {strides = array<i32>} : memref<256x64xf32, #tpu.memory_space<vmem>>, vector<16xf32>,
                tpu.vector_store %arg20[%parallel_loop3A_724, %parallel_loop3A_725], %parallel_loop3A_723 {strides = array<i32>} : memref<256x64xf32, #tpu.memory_space<vmem>>, vector<16xf32>,
                %parallel_loop3A_727 = arith.index_cast %parallel_loop3A_706 : i32 to index
                %parallel_loop3A_728 = arith.constant 32 : index
                %parallel_loop3A_729 = tpu.vector_load %arg20[%parallel_loop3A_727, %parallel_loop3A_728] {strides = array<i32>} : memref<256x64xf32, #tpu.memory_space<vmem>>, vector<16xf32>,
                %parallel_loop3A_730 = vector.broadcast %parallel_loop3A_710 : f32 to vector<16xf32>
                %parallel_loop3A_731 = arith.mulf %parallel_loop3A_729, %parallel_loop3A_730 : vector<16xf32>
                %parallel_loop3A_732 = arith.index_cast %parallel_loop3A_706 : i32 to index
                %parallel_loop3A_733 = arith.constant 32 : index
                %parallel_loop3A_734 = tpu.vector_load %arg20[%parallel_loop3A_732, %parallel_loop3A_733] {strides = array<i32>} : memref<256x64xf32, #tpu.memory_space<vmem>>, vector<16xf32>,
                tpu.vector_store %arg20[%parallel_loop3A_732, %parallel_loop3A_733], %parallel_loop3A_731 {strides = array<i32>} : memref<256x64xf32, #tpu.memory_space<vmem>>, vector<16xf32>,
                %parallel_loop3A_735 = arith.index_cast %parallel_loop3A_706 : i32 to index
                %parallel_loop3A_736 = arith.constant 48 : index
                %parallel_loop3A_737 = tpu.vector_load %arg20[%parallel_loop3A_735, %parallel_loop3A_736] {strides = array<i32>} : memref<256x64xf32, #tpu.memory_space<vmem>>, vector<16xf32>,
                %parallel_loop3A_738 = vector.broadcast %parallel_loop3A_710 : f32 to vector<16xf32>
                %parallel_loop3A_739 = arith.mulf %parallel_loop3A_737, %parallel_loop3A_738 : vector<16xf32>
                %parallel_loop3A_740 = arith.index_cast %parallel_loop3A_706 : i32 to index
                %parallel_loop3A_741 = arith.constant 48 : index
                %parallel_loop3A_742 = tpu.vector_load %arg20[%parallel_loop3A_740, %parallel_loop3A_741] {strides = array<i32>} : memref<256x64xf32, #tpu.memory_space<vmem>>, vector<16xf32>,
                tpu.vector_store %arg20[%parallel_loop3A_740, %parallel_loop3A_741], %parallel_loop3A_739 {strides = array<i32>} : memref<256x64xf32, #tpu.memory_space<vmem>>, vector<16xf32>,
              } {sc.loop_unroll_factor = 4 : i64, sc.parallel_access}
              %dma_start3A_703 = arith.constant 0 : i32
              %dma_start3A_704 = arith.constant 0 : i32
              %dma_start3A_705 = tpu.memref_slice %arg22[%dma_start3A_703, %dma_start3A_704] : memref<12288x64xf32, #tpu.memory_space<vmem_shared>> -> memref<12288x64xf32, #tpu.memory_space<vmem_shared>>
              tpu.enqueue_indirect_dma source(%arg20 : memref<256x64xf32, #tpu.memory_space<vmem>>) target(%dma_start3A_705 : memref<12288x64xf32, #tpu.memory_space<vmem_shared>>) offsets(%arg16 : memref<256xi32, #tpu.memory_space<vmem>>) semaphore(%arg28 : memref<!tpu.dma_semaphore, #tpu.memory_space<semaphore_mem>>) {add = true}
            } else {
            }
            %ge3A_498 = arith.constant 2 : i32
            %ge3A_499 = arith.cmpi sge, %scan3A_430, %ge3A_498 : i32
            %convert_element_type3A_500 = arith.extui %ge3A_499 : i1 to i32
            %cond3A_501 = arith.constant 0 : i32
            %cond3A_502 = arith.cmpi ne, %convert_element_type3A_500, %cond3A_501 : i32
            scf.if %cond3A_502 {
              %dma_wait3A_698 = arith.constant 0 : i32
              %dma_wait3A_699 = arith.constant 0 : i32
              %dma_wait3A_700 = tpu.memref_slice %arg22[%dma_wait3A_698, %dma_wait3A_699] : memref<12288x64xf32, #tpu.memory_space<vmem_shared>> -> memref<12288x64xf32, #tpu.memory_space<vmem_shared>>
              tpu.wait_indirect_dma semaphore(%arg27 : memref<!tpu.dma_semaphore, #tpu.memory_space<semaphore_mem>>) src(%arg19 : memref<256x64xf32, #tpu.memory_space<vmem>>) dst(%dma_wait3A_700 : memref<12288x64xf32, #tpu.memory_space<vmem_shared>>)
            } else {
            }
            %get3A_503 = arith.constant 0 : index
            %get3A_504 = tpu.vector_load %arg11[%get3A_503] {strides = array<i32>} : memref<288xi32, #tpu.memory_space<vmem>>, vector<16xi32>,
            %swap3A_505 = arith.constant 0 : index
            %swap3A_506 = tpu.vector_load %arg14[%swap3A_505] {strides = array<i32>} : memref<256xi32, #tpu.memory_space<vmem>>, vector<16xi32>,
            tpu.vector_store %arg14[%swap3A_505], %get3A_504 {strides = array<i32>} : memref<256xi32, #tpu.memory_space<vmem>>, vector<16xi32>,
            %get3A_507 = arith.constant 0 : index
            %get3A_508 = tpu.vector_load %arg10[%get3A_507] {strides = array<i32>} : memref<288xi32, #tpu.memory_space<vmem>>, vector<16xi32>,
            %swap3A_509 = arith.constant 0 : index
            %swap3A_510 = tpu.vector_load %arg13[%swap3A_509] {strides = array<i32>} : memref<256xi32, #tpu.memory_space<vmem>>, vector<16xi32>,
            tpu.vector_store %arg13[%swap3A_509], %get3A_508 {strides = array<i32>} : memref<256xi32, #tpu.memory_space<vmem>>, vector<16xi32>,
            %get3A_511 = arith.constant 0 : index
            %get3A_512 = tpu.vector_load %arg12[%get3A_511] {strides = array<i32>} : memref<288xf32, #tpu.memory_space<vmem>>, vector<16xf32>,
            %swap3A_513 = arith.constant 0 : index
            %swap3A_514 = tpu.vector_load %arg15[%swap3A_513] {strides = array<i32>} : memref<256xf32, #tpu.memory_space<vmem>>, vector<16xf32>,
            tpu.vector_store %arg15[%swap3A_513], %get3A_512 {strides = array<i32>} : memref<256xf32, #tpu.memory_space<vmem>>, vector<16xf32>,
            %get3A_515 = arith.constant 16 : index
            %get3A_516 = tpu.vector_load %arg11[%get3A_515] {strides = array<i32>} : memref<288xi32, #tpu.memory_space<vmem>>, vector<16xi32>,
            %swap3A_517 = arith.constant 16 : index
            %swap3A_518 = tpu.vector_load %arg14[%swap3A_517] {strides = array<i32>} : memref<256xi32, #tpu.memory_space<vmem>>, vector<16xi32>,
            tpu.vector_store %arg14[%swap3A_517], %get3A_516 {strides = array<i32>} : memref<256xi32, #tpu.memory_space<vmem>>, vector<16xi32>,
            %get3A_519 = arith.constant 16 : index
            %get3A_520 = tpu.vector_load %arg10[%get3A_519] {strides = array<i32>} : memref<288xi32, #tpu.memory_space<vmem>>, vector<16xi32>,
            %swap3A_521 = arith.constant 16 : index
            %swap3A_522 = tpu.vector_load %arg13[%swap3A_521] {strides = array<i32>} : memref<256xi32, #tpu.memory_space<vmem>>, vector<16xi32>,
            tpu.vector_store %arg13[%swap3A_521], %get3A_520 {strides = array<i32>} : memref<256xi32, #tpu.memory_space<vmem>>, vector<16xi32>,
            %get3A_523 = arith.constant 16 : index
            %get3A_524 = tpu.vector_load %arg12[%get3A_523] {strides = array<i32>} : memref<288xf32, #tpu.memory_space<vmem>>, vector<16xf32>,
            %swap3A_525 = arith.constant 16 : index
            %swap3A_526 = tpu.vector_load %arg15[%swap3A_525] {strides = array<i32>} : memref<256xf32, #tpu.memory_space<vmem>>, vector<16xf32>,
            tpu.vector_store %arg15[%swap3A_525], %get3A_524 {strides = array<i32>} : memref<256xf32, #tpu.memory_space<vmem>>, vector<16xf32>,
            %get3A_527 = arith.constant 32 : index
            %get3A_528 = tpu.vector_load %arg11[%get3A_527] {strides = array<i32>} : memref<288xi32, #tpu.memory_space<vmem>>, vector<16xi32>,
            %swap3A_529 = arith.constant 32 : index
            %swap3A_530 = tpu.vector_load %arg14[%swap3A_529] {strides = array<i32>} : memref<256xi32, #tpu.memory_space<vmem>>, vector<16xi32>,
            tpu.vector_store %arg14[%swap3A_529], %get3A_528 {strides = array<i32>} : memref<256xi32, #tpu.memory_space<vmem>>, vector<16xi32>,
            %get3A_531 = arith.constant 32 : index
            %get3A_532 = tpu.vector_load %arg10[%get3A_531] {strides = array<i32>} : memref<288xi32, #tpu.memory_space<vmem>>, vector<16xi32>,
            %swap3A_533 = arith.constant 32 : index
            %swap3A_534 = tpu.vector_load %arg13[%swap3A_533] {strides = array<i32>} : memref<256xi32, #tpu.memory_space<vmem>>, vector<16xi32>,
            tpu.vector_store %arg13[%swap3A_533], %get3A_532 {strides = array<i32>} : memref<256xi32, #tpu.memory_space<vmem>>, vector<16xi32>,
            %get3A_535 = arith.constant 32 : index
            %get3A_536 = tpu.vector_load %arg12[%get3A_535] {strides = array<i32>} : memref<288xf32, #tpu.memory_space<vmem>>, vector<16xf32>,
            %swap3A_537 = arith.constant 32 : index
            %swap3A_538 = tpu.vector_load %arg15[%swap3A_537] {strides = array<i32>} : memref<256xf32, #tpu.memory_space<vmem>>, vector<16xf32>,
            tpu.vector_store %arg15[%swap3A_537], %get3A_536 {strides = array<i32>} : memref<256xf32, #tpu.memory_space<vmem>>, vector<16xf32>,
            %get3A_539 = arith.constant 48 : index
            %get3A_540 = tpu.vector_load %arg11[%get3A_539] {strides = array<i32>} : memref<288xi32, #tpu.memory_space<vmem>>, vector<16xi32>,
            %swap3A_541 = arith.constant 48 : index
            %swap3A_542 = tpu.vector_load %arg14[%swap3A_541] {strides = array<i32>} : memref<256xi32, #tpu.memory_space<vmem>>, vector<16xi32>,
            tpu.vector_store %arg14[%swap3A_541], %get3A_540 {strides = array<i32>} : memref<256xi32, #tpu.memory_space<vmem>>, vector<16xi32>,
            %get3A_543 = arith.constant 48 : index
            %get3A_544 = tpu.vector_load %arg10[%get3A_543] {strides = array<i32>} : memref<288xi32, #tpu.memory_space<vmem>>, vector<16xi32>,
            %swap3A_545 = arith.constant 48 : index
            %swap3A_546 = tpu.vector_load %arg13[%swap3A_545] {strides = array<i32>} : memref<256xi32, #tpu.memory_space<vmem>>, vector<16xi32>,
            tpu.vector_store %arg13[%swap3A_545], %get3A_544 {strides = array<i32>} : memref<256xi32, #tpu.memory_space<vmem>>, vector<16xi32>,
            %get3A_547 = arith.constant 48 : index
            %get3A_548 = tpu.vector_load %arg12[%get3A_547] {strides = array<i32>} : memref<288xf32, #tpu.memory_space<vmem>>, vector<16xf32>,
            %swap3A_549 = arith.constant 48 : index
            %swap3A_550 = tpu.vector_load %arg15[%swap3A_549] {strides = array<i32>} : memref<256xf32, #tpu.memory_space<vmem>>, vector<16xf32>,
            tpu.vector_store %arg15[%swap3A_549], %get3A_548 {strides = array<i32>} : memref<256xf32, #tpu.memory_space<vmem>>, vector<16xf32>,
            %get3A_551 = arith.constant 64 : index
            %get3A_552 = tpu.vector_load %arg11[%get3A_551] {strides = array<i32>} : memref<288xi32, #tpu.memory_space<vmem>>, vector<16xi32>,
            %swap3A_553 = arith.constant 64 : index
            %swap3A_554 = tpu.vector_load %arg14[%swap3A_553] {strides = array<i32>} : memref<256xi32, #tpu.memory_space<vmem>>, vector<16xi32>,
            tpu.vector_store %arg14[%swap3A_553], %get3A_552 {strides = array<i32>} : memref<256xi32, #tpu.memory_space<vmem>>, vector<16xi32>,
            %get3A_555 = arith.constant 64 : index
            %get3A_556 = tpu.vector_load %arg10[%get3A_555] {strides = array<i32>} : memref<288xi32, #tpu.memory_space<vmem>>, vector<16xi32>,
            %swap3A_557 = arith.constant 64 : index
            %swap3A_558 = tpu.vector_load %arg13[%swap3A_557] {strides = array<i32>} : memref<256xi32, #tpu.memory_space<vmem>>, vector<16xi32>,
            tpu.vector_store %arg13[%swap3A_557], %get3A_556 {strides = array<i32>} : memref<256xi32, #tpu.memory_space<vmem>>, vector<16xi32>,
            %get3A_559 = arith.constant 64 : index
            %get3A_560 = tpu.vector_load %arg12[%get3A_559] {strides = array<i32>} : memref<288xf32, #tpu.memory_space<vmem>>, vector<16xf32>,
            %swap3A_561 = arith.constant 64 : index
            %swap3A_562 = tpu.vector_load %arg15[%swap3A_561] {strides = array<i32>} : memref<256xf32, #tpu.memory_space<vmem>>, vector<16xf32>,
            tpu.vector_store %arg15[%swap3A_561], %get3A_560 {strides = array<i32>} : memref<256xf32, #tpu.memory_space<vmem>>, vector<16xf32>,
            %get3A_563 = arith.constant 80 : index
            %get3A_564 = tpu.vector_load %arg11[%get3A_563] {strides = array<i32>} : memref<288xi32, #tpu.memory_space<vmem>>, vector<16xi32>,
            %swap3A_565 = arith.constant 80 : index
            %swap3A_566 = tpu.vector_load %arg14[%swap3A_565] {strides = array<i32>} : memref<256xi32, #tpu.memory_space<vmem>>, vector<16xi32>,
            tpu.vector_store %arg14[%swap3A_565], %get3A_564 {strides = array<i32>} : memref<256xi32, #tpu.memory_space<vmem>>, vector<16xi32>,
            %get3A_567 = arith.constant 80 : index
            %get3A_568 = tpu.vector_load %arg10[%get3A_567] {strides = array<i32>} : memref<288xi32, #tpu.memory_space<vmem>>, vector<16xi32>,
            %swap3A_569 = arith.constant 80 : index
            %swap3A_570 = tpu.vector_load %arg13[%swap3A_569] {strides = array<i32>} : memref<256xi32, #tpu.memory_space<vmem>>, vector<16xi32>,
            tpu.vector_store %arg13[%swap3A_569], %get3A_568 {strides = array<i32>} : memref<256xi32, #tpu.memory_space<vmem>>, vector<16xi32>,
            %get3A_571 = arith.constant 80 : index
            %get3A_572 = tpu.vector_load %arg12[%get3A_571] {strides = array<i32>} : memref<288xf32, #tpu.memory_space<vmem>>, vector<16xf32>,
            %swap3A_573 = arith.constant 80 : index
            %swap3A_574 = tpu.vector_load %arg15[%swap3A_573] {strides = array<i32>} : memref<256xf32, #tpu.memory_space<vmem>>, vector<16xf32>,
            tpu.vector_store %arg15[%swap3A_573], %get3A_572 {strides = array<i32>} : memref<256xf32, #tpu.memory_space<vmem>>, vector<16xf32>,
            %get3A_575 = arith.constant 96 : index
            %get3A_576 = tpu.vector_load %arg11[%get3A_575] {strides = array<i32>} : memref<288xi32, #tpu.memory_space<vmem>>, vector<16xi32>,
            %swap3A_577 = arith.constant 96 : index
            %swap3A_578 = tpu.vector_load %arg14[%swap3A_577] {strides = array<i32>} : memref<256xi32, #tpu.memory_space<vmem>>, vector<16xi32>,
            tpu.vector_store %arg14[%swap3A_577], %get3A_576 {strides = array<i32>} : memref<256xi32, #tpu.memory_space<vmem>>, vector<16xi32>,
            %get3A_579 = arith.constant 96 : index
            %get3A_580 = tpu.vector_load %arg10[%get3A_579] {strides = array<i32>} : memref<288xi32, #tpu.memory_space<vmem>>, vector<16xi32>,
            %swap3A_581 = arith.constant 96 : index
            %swap3A_582 = tpu.vector_load %arg13[%swap3A_581] {strides = array<i32>} : memref<256xi32, #tpu.memory_space<vmem>>, vector<16xi32>,
            tpu.vector_store %arg13[%swap3A_581], %get3A_580 {strides = array<i32>} : memref<256xi32, #tpu.memory_space<vmem>>, vector<16xi32>,
            %get3A_583 = arith.constant 96 : index
            %get3A_584 = tpu.vector_load %arg12[%get3A_583] {strides = array<i32>} : memref<288xf32, #tpu.memory_space<vmem>>, vector<16xf32>,
            %swap3A_585 = arith.constant 96 : index
            %swap3A_586 = tpu.vector_load %arg15[%swap3A_585] {strides = array<i32>} : memref<256xf32, #tpu.memory_space<vmem>>, vector<16xf32>,
            tpu.vector_store %arg15[%swap3A_585], %get3A_584 {strides = array<i32>} : memref<256xf32, #tpu.memory_space<vmem>>, vector<16xf32>,
            %get3A_587 = arith.constant 112 : index
            %get3A_588 = tpu.vector_load %arg11[%get3A_587] {strides = array<i32>} : memref<288xi32, #tpu.memory_space<vmem>>, vector<16xi32>,
            %swap3A_589 = arith.constant 112 : index
            %swap3A_590 = tpu.vector_load %arg14[%swap3A_589] {strides = array<i32>} : memref<256xi32, #tpu.memory_space<vmem>>, vector<16xi32>,
            tpu.vector_store %arg14[%swap3A_589], %get3A_588 {strides = array<i32>} : memref<256xi32, #tpu.memory_space<vmem>>, vector<16xi32>,
            %get3A_591 = arith.constant 112 : index
            %get3A_592 = tpu.vector_load %arg10[%get3A_591] {strides = array<i32>} : memref<288xi32, #tpu.memory_space<vmem>>, vector<16xi32>,
            %swap3A_593 = arith.constant 112 : index
            %swap3A_594 = tpu.vector_load %arg13[%swap3A_593] {strides = array<i32>} : memref<256xi32, #tpu.memory_space<vmem>>, vector<16xi32>,
            tpu.vector_store %arg13[%swap3A_593], %get3A_592 {strides = array<i32>} : memref<256xi32, #tpu.memory_space<vmem>>, vector<16xi32>,
            %get3A_595 = arith.constant 112 : index
            %get3A_596 = tpu.vector_load %arg12[%get3A_595] {strides = array<i32>} : memref<288xf32, #tpu.memory_space<vmem>>, vector<16xf32>,
            %swap3A_597 = arith.constant 112 : index
            %swap3A_598 = tpu.vector_load %arg15[%swap3A_597] {strides = array<i32>} : memref<256xf32, #tpu.memory_space<vmem>>, vector<16xf32>,
            tpu.vector_store %arg15[%swap3A_597], %get3A_596 {strides = array<i32>} : memref<256xf32, #tpu.memory_space<vmem>>, vector<16xf32>,
            %get3A_599 = arith.constant 128 : index
            %get3A_600 = tpu.vector_load %arg11[%get3A_599] {strides = array<i32>} : memref<288xi32, #tpu.memory_space<vmem>>, vector<16xi32>,
            %swap3A_601 = arith.constant 128 : index
            %swap3A_602 = tpu.vector_load %arg14[%swap3A_601] {strides = array<i32>} : memref<256xi32, #tpu.memory_space<vmem>>, vector<16xi32>,
            tpu.vector_store %arg14[%swap3A_601], %get3A_600 {strides = array<i32>} : memref<256xi32, #tpu.memory_space<vmem>>, vector<16xi32>,
            %get3A_603 = arith.constant 128 : index
            %get3A_604 = tpu.vector_load %arg10[%get3A_603] {strides = array<i32>} : memref<288xi32, #tpu.memory_space<vmem>>, vector<16xi32>,
            %swap3A_605 = arith.constant 128 : index
            %swap3A_606 = tpu.vector_load %arg13[%swap3A_605] {strides = array<i32>} : memref<256xi32, #tpu.memory_space<vmem>>, vector<16xi32>,
            tpu.vector_store %arg13[%swap3A_605], %get3A_604 {strides = array<i32>} : memref<256xi32, #tpu.memory_space<vmem>>, vector<16xi32>,
            %get3A_607 = arith.constant 128 : index
            %get3A_608 = tpu.vector_load %arg12[%get3A_607] {strides = array<i32>} : memref<288xf32, #tpu.memory_space<vmem>>, vector<16xf32>,
            %swap3A_609 = arith.constant 128 : index
            %swap3A_610 = tpu.vector_load %arg15[%swap3A_609] {strides = array<i32>} : memref<256xf32, #tpu.memory_space<vmem>>, vector<16xf32>,
            tpu.vector_store %arg15[%swap3A_609], %get3A_608 {strides = array<i32>} : memref<256xf32, #tpu.memory_space<vmem>>, vector<16xf32>,
            %get3A_611 = arith.constant 144 : index
            %get3A_612 = tpu.vector_load %arg11[%get3A_611] {strides = array<i32>} : memref<288xi32, #tpu.memory_space<vmem>>, vector<16xi32>,
            %swap3A_613 = arith.constant 144 : index
            %swap3A_614 = tpu.vector_load %arg14[%swap3A_613] {strides = array<i32>} : memref<256xi32, #tpu.memory_space<vmem>>, vector<16xi32>,
            tpu.vector_store %arg14[%swap3A_613], %get3A_612 {strides = array<i32>} : memref<256xi32, #tpu.memory_space<vmem>>, vector<16xi32>,
            %get3A_615 = arith.constant 144 : index
            %get3A_616 = tpu.vector_load %arg10[%get3A_615] {strides = array<i32>} : memref<288xi32, #tpu.memory_space<vmem>>, vector<16xi32>,
            %swap3A_617 = arith.constant 144 : index
            %swap3A_618 = tpu.vector_load %arg13[%swap3A_617] {strides = array<i32>} : memref<256xi32, #tpu.memory_space<vmem>>, vector<16xi32>,
            tpu.vector_store %arg13[%swap3A_617], %get3A_616 {strides = array<i32>} : memref<256xi32, #tpu.memory_space<vmem>>, vector<16xi32>,
            %get3A_619 = arith.constant 144 : index
            %get3A_620 = tpu.vector_load %arg12[%get3A_619] {strides = array<i32>} : memref<288xf32, #tpu.memory_space<vmem>>, vector<16xf32>,
            %swap3A_621 = arith.constant 144 : index
            %swap3A_622 = tpu.vector_load %arg15[%swap3A_621] {strides = array<i32>} : memref<256xf32, #tpu.memory_space<vmem>>, vector<16xf32>,
            tpu.vector_store %arg15[%swap3A_621], %get3A_620 {strides = array<i32>} : memref<256xf32, #tpu.memory_space<vmem>>, vector<16xf32>,
            %get3A_623 = arith.constant 160 : index
            %get3A_624 = tpu.vector_load %arg11[%get3A_623] {strides = array<i32>} : memref<288xi32, #tpu.memory_space<vmem>>, vector<16xi32>,
            %swap3A_625 = arith.constant 160 : index
            %swap3A_626 = tpu.vector_load %arg14[%swap3A_625] {strides = array<i32>} : memref<256xi32, #tpu.memory_space<vmem>>, vector<16xi32>,
            tpu.vector_store %arg14[%swap3A_625], %get3A_624 {strides = array<i32>} : memref<256xi32, #tpu.memory_space<vmem>>, vector<16xi32>,
            %get3A_627 = arith.constant 160 : index
            %get3A_628 = tpu.vector_load %arg10[%get3A_627] {strides = array<i32>} : memref<288xi32, #tpu.memory_space<vmem>>, vector<16xi32>,
            %swap3A_629 = arith.constant 160 : index
            %swap3A_630 = tpu.vector_load %arg13[%swap3A_629] {strides = array<i32>} : memref<256xi32, #tpu.memory_space<vmem>>, vector<16xi32>,
            tpu.vector_store %arg13[%swap3A_629], %get3A_628 {strides = array<i32>} : memref<256xi32, #tpu.memory_space<vmem>>, vector<16xi32>,
            %get3A_631 = arith.constant 160 : index
            %get3A_632 = tpu.vector_load %arg12[%get3A_631] {strides = array<i32>} : memref<288xf32, #tpu.memory_space<vmem>>, vector<16xf32>,
            %swap3A_633 = arith.constant 160 : index
            %swap3A_634 = tpu.vector_load %arg15[%swap3A_633] {strides = array<i32>} : memref<256xf32, #tpu.memory_space<vmem>>, vector<16xf32>,
            tpu.vector_store %arg15[%swap3A_633], %get3A_632 {strides = array<i32>} : memref<256xf32, #tpu.memory_space<vmem>>, vector<16xf32>,
            %get3A_635 = arith.constant 176 : index
            %get3A_636 = tpu.vector_load %arg11[%get3A_635] {strides = array<i32>} : memref<288xi32, #tpu.memory_space<vmem>>, vector<16xi32>,
            %swap3A_637 = arith.constant 176 : index
            %swap3A_638 = tpu.vector_load %arg14[%swap3A_637] {strides = array<i32>} : memref<256xi32, #tpu.memory_space<vmem>>, vector<16xi32>,
            tpu.vector_store %arg14[%swap3A_637], %get3A_636 {strides = array<i32>} : memref<256xi32, #tpu.memory_space<vmem>>, vector<16xi32>,
            %get3A_639 = arith.constant 176 : index
            %get3A_640 = tpu.vector_load %arg10[%get3A_639] {strides = array<i32>} : memref<288xi32, #tpu.memory_space<vmem>>, vector<16xi32>,
            %swap3A_641 = arith.constant 176 : index
            %swap3A_642 = tpu.vector_load %arg13[%swap3A_641] {strides = array<i32>} : memref<256xi32, #tpu.memory_space<vmem>>, vector<16xi32>,
            tpu.vector_store %arg13[%swap3A_641], %get3A_640 {strides = array<i32>} : memref<256xi32, #tpu.memory_space<vmem>>, vector<16xi32>,
            %get3A_643 = arith.constant 176 : index
            %get3A_644 = tpu.vector_load %arg12[%get3A_643] {strides = array<i32>} : memref<288xf32, #tpu.memory_space<vmem>>, vector<16xf32>,
            %swap3A_645 = arith.constant 176 : index
            %swap3A_646 = tpu.vector_load %arg15[%swap3A_645] {strides = array<i32>} : memref<256xf32, #tpu.memory_space<vmem>>, vector<16xf32>,
            tpu.vector_store %arg15[%swap3A_645], %get3A_644 {strides = array<i32>} : memref<256xf32, #tpu.memory_space<vmem>>, vector<16xf32>,
            %get3A_647 = arith.constant 192 : index
            %get3A_648 = tpu.vector_load %arg11[%get3A_647] {strides = array<i32>} : memref<288xi32, #tpu.memory_space<vmem>>, vector<16xi32>,
            %swap3A_649 = arith.constant 192 : index
            %swap3A_650 = tpu.vector_load %arg14[%swap3A_649] {strides = array<i32>} : memref<256xi32, #tpu.memory_space<vmem>>, vector<16xi32>,
            tpu.vector_store %arg14[%swap3A_649], %get3A_648 {strides = array<i32>} : memref<256xi32, #tpu.memory_space<vmem>>, vector<16xi32>,
            %get3A_651 = arith.constant 192 : index
            %get3A_652 = tpu.vector_load %arg10[%get3A_651] {strides = array<i32>} : memref<288xi32, #tpu.memory_space<vmem>>, vector<16xi32>,
            %swap3A_653 = arith.constant 192 : index
            %swap3A_654 = tpu.vector_load %arg13[%swap3A_653] {strides = array<i32>} : memref<256xi32, #tpu.memory_space<vmem>>, vector<16xi32>,
            tpu.vector_store %arg13[%swap3A_653], %get3A_652 {strides = array<i32>} : memref<256xi32, #tpu.memory_space<vmem>>, vector<16xi32>,
            %get3A_655 = arith.constant 192 : index
            %get3A_656 = tpu.vector_load %arg12[%get3A_655] {strides = array<i32>} : memref<288xf32, #tpu.memory_space<vmem>>, vector<16xf32>,
            %swap3A_657 = arith.constant 192 : index
            %swap3A_658 = tpu.vector_load %arg15[%swap3A_657] {strides = array<i32>} : memref<256xf32, #tpu.memory_space<vmem>>, vector<16xf32>,
            tpu.vector_store %arg15[%swap3A_657], %get3A_656 {strides = array<i32>} : memref<256xf32, #tpu.memory_space<vmem>>, vector<16xf32>,
            %get3A_659 = arith.constant 208 : index
            %get3A_660 = tpu.vector_load %arg11[%get3A_659] {strides = array<i32>} : memref<288xi32, #tpu.memory_space<vmem>>, vector<16xi32>,
            %swap3A_661 = arith.constant 208 : index
            %swap3A_662 = tpu.vector_load %arg14[%swap3A_661] {strides = array<i32>} : memref<256xi32, #tpu.memory_space<vmem>>, vector<16xi32>,
            tpu.vector_store %arg14[%swap3A_661], %get3A_660 {strides = array<i32>} : memref<256xi32, #tpu.memory_space<vmem>>, vector<16xi32>,
            %get3A_663 = arith.constant 208 : index
            %get3A_664 = tpu.vector_load %arg10[%get3A_663] {strides = array<i32>} : memref<288xi32, #tpu.memory_space<vmem>>, vector<16xi32>,
            %swap3A_665 = arith.constant 208 : index
            %swap3A_666 = tpu.vector_load %arg13[%swap3A_665] {strides = array<i32>} : memref<256xi32, #tpu.memory_space<vmem>>, vector<16xi32>,
            tpu.vector_store %arg13[%swap3A_665], %get3A_664 {strides = array<i32>} : memref<256xi32, #tpu.memory_space<vmem>>, vector<16xi32>,
            %get3A_667 = arith.constant 208 : index
            %get3A_668 = tpu.vector_load %arg12[%get3A_667] {strides = array<i32>} : memref<288xf32, #tpu.memory_space<vmem>>, vector<16xf32>,
            %swap3A_669 = arith.constant 208 : index
            %swap3A_670 = tpu.vector_load %arg15[%swap3A_669] {strides = array<i32>} : memref<256xf32, #tpu.memory_space<vmem>>, vector<16xf32>,
            tpu.vector_store %arg15[%swap3A_669], %get3A_668 {strides = array<i32>} : memref<256xf32, #tpu.memory_space<vmem>>, vector<16xf32>,
            %get3A_671 = arith.constant 224 : index
            %get3A_672 = tpu.vector_load %arg11[%get3A_671] {strides = array<i32>} : memref<288xi32, #tpu.memory_space<vmem>>, vector<16xi32>,
            %swap3A_673 = arith.constant 224 : index
            %swap3A_674 = tpu.vector_load %arg14[%swap3A_673] {strides = array<i32>} : memref<256xi32, #tpu.memory_space<vmem>>, vector<16xi32>,
            tpu.vector_store %arg14[%swap3A_673], %get3A_672 {strides = array<i32>} : memref<256xi32, #tpu.memory_space<vmem>>, vector<16xi32>,
            %get3A_675 = arith.constant 224 : index
            %get3A_676 = tpu.vector_load %arg10[%get3A_675] {strides = array<i32>} : memref<288xi32, #tpu.memory_space<vmem>>, vector<16xi32>,
            %swap3A_677 = arith.constant 224 : index
            %swap3A_678 = tpu.vector_load %arg13[%swap3A_677] {strides = array<i32>} : memref<256xi32, #tpu.memory_space<vmem>>, vector<16xi32>,
            tpu.vector_store %arg13[%swap3A_677], %get3A_676 {strides = array<i32>} : memref<256xi32, #tpu.memory_space<vmem>>, vector<16xi32>,
            %get3A_679 = arith.constant 224 : index
            %get3A_680 = tpu.vector_load %arg12[%get3A_679] {strides = array<i32>} : memref<288xf32, #tpu.memory_space<vmem>>, vector<16xf32>,
            %swap3A_681 = arith.constant 224 : index
            %swap3A_682 = tpu.vector_load %arg15[%swap3A_681] {strides = array<i32>} : memref<256xf32, #tpu.memory_space<vmem>>, vector<16xf32>,
            tpu.vector_store %arg15[%swap3A_681], %get3A_680 {strides = array<i32>} : memref<256xf32, #tpu.memory_space<vmem>>, vector<16xf32>,
            %get3A_683 = arith.constant 240 : index
            %get3A_684 = tpu.vector_load %arg11[%get3A_683] {strides = array<i32>} : memref<288xi32, #tpu.memory_space<vmem>>, vector<16xi32>,
            %swap3A_685 = arith.constant 240 : index
            %swap3A_686 = tpu.vector_load %arg14[%swap3A_685] {strides = array<i32>} : memref<256xi32, #tpu.memory_space<vmem>>, vector<16xi32>,
            tpu.vector_store %arg14[%swap3A_685], %get3A_684 {strides = array<i32>} : memref<256xi32, #tpu.memory_space<vmem>>, vector<16xi32>,
            %get3A_687 = arith.constant 240 : index
            %get3A_688 = tpu.vector_load %arg10[%get3A_687] {strides = array<i32>} : memref<288xi32, #tpu.memory_space<vmem>>, vector<16xi32>,
            %swap3A_689 = arith.constant 240 : index
            %swap3A_690 = tpu.vector_load %arg13[%swap3A_689] {strides = array<i32>} : memref<256xi32, #tpu.memory_space<vmem>>, vector<16xi32>,
            tpu.vector_store %arg13[%swap3A_689], %get3A_688 {strides = array<i32>} : memref<256xi32, #tpu.memory_space<vmem>>, vector<16xi32>,
            %get3A_691 = arith.constant 240 : index
            %get3A_692 = tpu.vector_load %arg12[%get3A_691] {strides = array<i32>} : memref<288xf32, #tpu.memory_space<vmem>>, vector<16xf32>,
            %swap3A_693 = arith.constant 240 : index
            %swap3A_694 = tpu.vector_load %arg15[%swap3A_693] {strides = array<i32>} : memref<256xf32, #tpu.memory_space<vmem>>, vector<16xf32>,
            tpu.vector_store %arg15[%swap3A_693], %get3A_692 {strides = array<i32>} : memref<256xf32, #tpu.memory_space<vmem>>, vector<16xf32>,
            %dma_start3A_695 = arith.constant 0 : i32
            %dma_start3A_696 = arith.constant 0 : i32
            %dma_start3A_697 = tpu.memref_slice %arg5[%dma_start3A_695, %dma_start3A_696] : memref<50000x64xf32, #tpu.memory_space<hbm>> -> memref<50000x64xf32, #tpu.memory_space<hbm>>
            tpu.enqueue_indirect_dma source(%dma_start3A_697 : memref<50000x64xf32, #tpu.memory_space<hbm>>) target(%arg19 : memref<256x64xf32, #tpu.memory_space<vmem>>) offsets(%arg14 : memref<256xi32, #tpu.memory_space<vmem>>) semaphore(%arg25 : memref<!tpu.dma_semaphore, #tpu.memory_space<semaphore_mem>>)
          } else {
            %ge3A_493 = arith.constant 1 : i32
            %ge3A_494 = arith.cmpi sge, %scan3A_430, %ge3A_493 : i32
            %convert_element_type3A_495 = arith.extui %ge3A_494 : i1 to i32
            %cond3A_496 = arith.constant 0 : i32
            %cond3A_497 = arith.cmpi ne, %convert_element_type3A_495, %cond3A_496 : i32
            scf.if %cond3A_497 {
              %dma_wait3A_698 = arith.constant 0 : i32
              %dma_wait3A_699 = arith.constant 0 : i32
              %dma_wait3A_700 = tpu.memref_slice %arg5[%dma_wait3A_698, %dma_wait3A_699] : memref<50000x64xf32, #tpu.memory_space<hbm>> -> memref<50000x64xf32, #tpu.memory_space<hbm>>
              tpu.wait_indirect_dma semaphore(%arg25 : memref<!tpu.dma_semaphore, #tpu.memory_space<semaphore_mem>>) src(%dma_wait3A_700 : memref<50000x64xf32, #tpu.memory_space<hbm>>) dst(%arg19 : memref<256x64xf32, #tpu.memory_space<vmem>>)
              %parallel_loop3A = arith.constant 0 : i32
              %parallel_loop3A_701 = arith.constant 256 : i32
              %parallel_loop3A_702 = arith.constant 1 : i32
              scf.for %parallel_loop3A_706 = %parallel_loop3A to %parallel_loop3A_701 step %parallel_loop3A_702  : i32 {
                %parallel_loop3A_707 = arith.index_cast %parallel_loop3A_706 : i32 to index
                %parallel_loop3A_708 = tpu.vector_load %arg15[%parallel_loop3A_707] {strides = array<i32>} : memref<256xf32, #tpu.memory_space<vmem>>, vector<16xf32>,
                %parallel_loop3A_709 = vector.extract_strided_slice %parallel_loop3A_708 {offsets = [0], sizes = [1], strides = [1]} : vector<16xf32> to vector<1xf32>
                %parallel_loop3A_710 = vector.extract %parallel_loop3A_709[0] : f32 from vector<1xf32>
                %parallel_loop3A_711 = arith.index_cast %parallel_loop3A_706 : i32 to index
                %parallel_loop3A_712 = arith.constant 0 : index
                %parallel_loop3A_713 = tpu.vector_load %arg19[%parallel_loop3A_711, %parallel_loop3A_712] {strides = array<i32>} : memref<256x64xf32, #tpu.memory_space<vmem>>, vector<16xf32>,
                %parallel_loop3A_714 = vector.broadcast %parallel_loop3A_710 : f32 to vector<16xf32>
                %parallel_loop3A_715 = arith.mulf %parallel_loop3A_713, %parallel_loop3A_714 : vector<16xf32>
                %parallel_loop3A_716 = arith.index_cast %parallel_loop3A_706 : i32 to index
                %parallel_loop3A_717 = arith.constant 0 : index
                %parallel_loop3A_718 = tpu.vector_load %arg19[%parallel_loop3A_716, %parallel_loop3A_717] {strides = array<i32>} : memref<256x64xf32, #tpu.memory_space<vmem>>, vector<16xf32>,
                tpu.vector_store %arg19[%parallel_loop3A_716, %parallel_loop3A_717], %parallel_loop3A_715 {strides = array<i32>} : memref<256x64xf32, #tpu.memory_space<vmem>>, vector<16xf32>,
                %parallel_loop3A_719 = arith.index_cast %parallel_loop3A_706 : i32 to index
                %parallel_loop3A_720 = arith.constant 16 : index
                %parallel_loop3A_721 = tpu.vector_load %arg19[%parallel_loop3A_719, %parallel_loop3A_720] {strides = array<i32>} : memref<256x64xf32, #tpu.memory_space<vmem>>, vector<16xf32>,
                %parallel_loop3A_722 = vector.broadcast %parallel_loop3A_710 : f32 to vector<16xf32>
                %parallel_loop3A_723 = arith.mulf %parallel_loop3A_721, %parallel_loop3A_722 : vector<16xf32>
                %parallel_loop3A_724 = arith.index_cast %parallel_loop3A_706 : i32 to index
                %parallel_loop3A_725 = arith.constant 16 : index
                %parallel_loop3A_726 = tpu.vector_load %arg19[%parallel_loop3A_724, %parallel_loop3A_725] {strides = array<i32>} : memref<256x64xf32, #tpu.memory_space<vmem>>, vector<16xf32>,
                tpu.vector_store %arg19[%parallel_loop3A_724, %parallel_loop3A_725], %parallel_loop3A_723 {strides = array<i32>} : memref<256x64xf32, #tpu.memory_space<vmem>>, vector<16xf32>,
                %parallel_loop3A_727 = arith.index_cast %parallel_loop3A_706 : i32 to index
                %parallel_loop3A_728 = arith.constant 32 : index
                %parallel_loop3A_729 = tpu.vector_load %arg19[%parallel_loop3A_727, %parallel_loop3A_728] {strides = array<i32>} : memref<256x64xf32, #tpu.memory_space<vmem>>, vector<16xf32>,
                %parallel_loop3A_730 = vector.broadcast %parallel_loop3A_710 : f32 to vector<16xf32>
                %parallel_loop3A_731 = arith.mulf %parallel_loop3A_729, %parallel_loop3A_730 : vector<16xf32>
                %parallel_loop3A_732 = arith.index_cast %parallel_loop3A_706 : i32 to index
                %parallel_loop3A_733 = arith.constant 32 : index
                %parallel_loop3A_734 = tpu.vector_load %arg19[%parallel_loop3A_732, %parallel_loop3A_733] {strides = array<i32>} : memref<256x64xf32, #tpu.memory_space<vmem>>, vector<16xf32>,
                tpu.vector_store %arg19[%parallel_loop3A_732, %parallel_loop3A_733], %parallel_loop3A_731 {strides = array<i32>} : memref<256x64xf32, #tpu.memory_space<vmem>>, vector<16xf32>,
                %parallel_loop3A_735 = arith.index_cast %parallel_loop3A_706 : i32 to index
                %parallel_loop3A_736 = arith.constant 48 : index
                %parallel_loop3A_737 = tpu.vector_load %arg19[%parallel_loop3A_735, %parallel_loop3A_736] {strides = array<i32>} : memref<256x64xf32, #tpu.memory_space<vmem>>, vector<16xf32>,
                %parallel_loop3A_738 = vector.broadcast %parallel_loop3A_710 : f32 to vector<16xf32>
                %parallel_loop3A_739 = arith.mulf %parallel_loop3A_737, %parallel_loop3A_738 : vector<16xf32>
                %parallel_loop3A_740 = arith.index_cast %parallel_loop3A_706 : i32 to index
                %parallel_loop3A_741 = arith.constant 48 : index
                %parallel_loop3A_742 = tpu.vector_load %arg19[%parallel_loop3A_740, %parallel_loop3A_741] {strides = array<i32>} : memref<256x64xf32, #tpu.memory_space<vmem>>, vector<16xf32>,
                tpu.vector_store %arg19[%parallel_loop3A_740, %parallel_loop3A_741], %parallel_loop3A_739 {strides = array<i32>} : memref<256x64xf32, #tpu.memory_space<vmem>>, vector<16xf32>,
              } {sc.loop_unroll_factor = 4 : i64, sc.parallel_access}
              %dma_start3A_703 = arith.constant 0 : i32
              %dma_start3A_704 = arith.constant 0 : i32
              %dma_start3A_705 = tpu.memref_slice %arg22[%dma_start3A_703, %dma_start3A_704] : memref<12288x64xf32, #tpu.memory_space<vmem_shared>> -> memref<12288x64xf32, #tpu.memory_space<vmem_shared>>
              tpu.enqueue_indirect_dma source(%arg19 : memref<256x64xf32, #tpu.memory_space<vmem>>) target(%dma_start3A_705 : memref<12288x64xf32, #tpu.memory_space<vmem_shared>>) offsets(%arg13 : memref<256xi32, #tpu.memory_space<vmem>>) semaphore(%arg27 : memref<!tpu.dma_semaphore, #tpu.memory_space<semaphore_mem>>) {add = true}
            } else {
            }
            %ge3A_498 = arith.constant 2 : i32
            %ge3A_499 = arith.cmpi sge, %scan3A_430, %ge3A_498 : i32
            %convert_element_type3A_500 = arith.extui %ge3A_499 : i1 to i32
            %cond3A_501 = arith.constant 0 : i32
            %cond3A_502 = arith.cmpi ne, %convert_element_type3A_500, %cond3A_501 : i32
            scf.if %cond3A_502 {
              %dma_wait3A_698 = arith.constant 0 : i32
              %dma_wait3A_699 = arith.constant 0 : i32
              %dma_wait3A_700 = tpu.memref_slice %arg22[%dma_wait3A_698, %dma_wait3A_699] : memref<12288x64xf32, #tpu.memory_space<vmem_shared>> -> memref<12288x64xf32, #tpu.memory_space<vmem_shared>>
              tpu.wait_indirect_dma semaphore(%arg28 : memref<!tpu.dma_semaphore, #tpu.memory_space<semaphore_mem>>) src(%arg20 : memref<256x64xf32, #tpu.memory_space<vmem>>) dst(%dma_wait3A_700 : memref<12288x64xf32, #tpu.memory_space<vmem_shared>>)
            } else {
            }
            %get3A_503 = arith.constant 0 : index
            %get3A_504 = tpu.vector_load %arg11[%get3A_503] {strides = array<i32>} : memref<288xi32, #tpu.memory_space<vmem>>, vector<16xi32>,
            %swap3A_505 = arith.constant 0 : index
            %swap3A_506 = tpu.vector_load %arg17[%swap3A_505] {strides = array<i32>} : memref<256xi32, #tpu.memory_space<vmem>>, vector<16xi32>,
            tpu.vector_store %arg17[%swap3A_505], %get3A_504 {strides = array<i32>} : memref<256xi32, #tpu.memory_space<vmem>>, vector<16xi32>,
            %get3A_507 = arith.constant 0 : index
            %get3A_508 = tpu.vector_load %arg10[%get3A_507] {strides = array<i32>} : memref<288xi32, #tpu.memory_space<vmem>>, vector<16xi32>,
            %swap3A_509 = arith.constant 0 : index
            %swap3A_510 = tpu.vector_load %arg16[%swap3A_509] {strides = array<i32>} : memref<256xi32, #tpu.memory_space<vmem>>, vector<16xi32>,
            tpu.vector_store %arg16[%swap3A_509], %get3A_508 {strides = array<i32>} : memref<256xi32, #tpu.memory_space<vmem>>, vector<16xi32>,
            %get3A_511 = arith.constant 0 : index
            %get3A_512 = tpu.vector_load %arg12[%get3A_511] {strides = array<i32>} : memref<288xf32, #tpu.memory_space<vmem>>, vector<16xf32>,
            %swap3A_513 = arith.constant 0 : index
            %swap3A_514 = tpu.vector_load %arg18[%swap3A_513] {strides = array<i32>} : memref<256xf32, #tpu.memory_space<vmem>>, vector<16xf32>,
            tpu.vector_store %arg18[%swap3A_513], %get3A_512 {strides = array<i32>} : memref<256xf32, #tpu.memory_space<vmem>>, vector<16xf32>,
            %get3A_515 = arith.constant 16 : index
            %get3A_516 = tpu.vector_load %arg11[%get3A_515] {strides = array<i32>} : memref<288xi32, #tpu.memory_space<vmem>>, vector<16xi32>,
            %swap3A_517 = arith.constant 16 : index
            %swap3A_518 = tpu.vector_load %arg17[%swap3A_517] {strides = array<i32>} : memref<256xi32, #tpu.memory_space<vmem>>, vector<16xi32>,
            tpu.vector_store %arg17[%swap3A_517], %get3A_516 {strides = array<i32>} : memref<256xi32, #tpu.memory_space<vmem>>, vector<16xi32>,
            %get3A_519 = arith.constant 16 : index
            %get3A_520 = tpu.vector_load %arg10[%get3A_519] {strides = array<i32>} : memref<288xi32, #tpu.memory_space<vmem>>, vector<16xi32>,
            %swap3A_521 = arith.constant 16 : index
            %swap3A_522 = tpu.vector_load %arg16[%swap3A_521] {strides = array<i32>} : memref<256xi32, #tpu.memory_space<vmem>>, vector<16xi32>,
            tpu.vector_store %arg16[%swap3A_521], %get3A_520 {strides = array<i32>} : memref<256xi32, #tpu.memory_space<vmem>>, vector<16xi32>,
            %get3A_523 = arith.constant 16 : index
            %get3A_524 = tpu.vector_load %arg12[%get3A_523] {strides = array<i32>} : memref<288xf32, #tpu.memory_space<vmem>>, vector<16xf32>,
            %swap3A_525 = arith.constant 16 : index
            %swap3A_526 = tpu.vector_load %arg18[%swap3A_525] {strides = array<i32>} : memref<256xf32, #tpu.memory_space<vmem>>, vector<16xf32>,
            tpu.vector_store %arg18[%swap3A_525], %get3A_524 {strides = array<i32>} : memref<256xf32, #tpu.memory_space<vmem>>, vector<16xf32>,
            %get3A_527 = arith.constant 32 : index
            %get3A_528 = tpu.vector_load %arg11[%get3A_527] {strides = array<i32>} : memref<288xi32, #tpu.memory_space<vmem>>, vector<16xi32>,
            %swap3A_529 = arith.constant 32 : index
            %swap3A_530 = tpu.vector_load %arg17[%swap3A_529] {strides = array<i32>} : memref<256xi32, #tpu.memory_space<vmem>>, vector<16xi32>,
            tpu.vector_store %arg17[%swap3A_529], %get3A_528 {strides = array<i32>} : memref<256xi32, #tpu.memory_space<vmem>>, vector<16xi32>,
            %get3A_531 = arith.constant 32 : index
            %get3A_532 = tpu.vector_load %arg10[%get3A_531] {strides = array<i32>} : memref<288xi32, #tpu.memory_space<vmem>>, vector<16xi32>,
            %swap3A_533 = arith.constant 32 : index
            %swap3A_534 = tpu.vector_load %arg16[%swap3A_533] {strides = array<i32>} : memref<256xi32, #tpu.memory_space<vmem>>, vector<16xi32>,
            tpu.vector_store %arg16[%swap3A_533], %get3A_532 {strides = array<i32>} : memref<256xi32, #tpu.memory_space<vmem>>, vector<16xi32>,
            %get3A_535 = arith.constant 32 : index
            %get3A_536 = tpu.vector_load %arg12[%get3A_535] {strides = array<i32>} : memref<288xf32, #tpu.memory_space<vmem>>, vector<16xf32>,
            %swap3A_537 = arith.constant 32 : index
            %swap3A_538 = tpu.vector_load %arg18[%swap3A_537] {strides = array<i32>} : memref<256xf32, #tpu.memory_space<vmem>>, vector<16xf32>,
            tpu.vector_store %arg18[%swap3A_537], %get3A_536 {strides = array<i32>} : memref<256xf32, #tpu.memory_space<vmem>>, vector<16xf32>,
            %get3A_539 = arith.constant 48 : index
            %get3A_540 = tpu.vector_load %arg11[%get3A_539] {strides = array<i32>} : memref<288xi32, #tpu.memory_space<vmem>>, vector<16xi32>,
            %swap3A_541 = arith.constant 48 : index
            %swap3A_542 = tpu.vector_load %arg17[%swap3A_541] {strides = array<i32>} : memref<256xi32, #tpu.memory_space<vmem>>, vector<16xi32>,
            tpu.vector_store %arg17[%swap3A_541], %get3A_540 {strides = array<i32>} : memref<256xi32, #tpu.memory_space<vmem>>, vector<16xi32>,
            %get3A_543 = arith.constant 48 : index
            %get3A_544 = tpu.vector_load %arg10[%get3A_543] {strides = array<i32>} : memref<288xi32, #tpu.memory_space<vmem>>, vector<16xi32>,
            %swap3A_545 = arith.constant 48 : index
            %swap3A_546 = tpu.vector_load %arg16[%swap3A_545] {strides = array<i32>} : memref<256xi32, #tpu.memory_space<vmem>>, vector<16xi32>,
            tpu.vector_store %arg16[%swap3A_545], %get3A_544 {strides = array<i32>} : memref<256xi32, #tpu.memory_space<vmem>>, vector<16xi32>,
            %get3A_547 = arith.constant 48 : index
            %get3A_548 = tpu.vector_load %arg12[%get3A_547] {strides = array<i32>} : memref<288xf32, #tpu.memory_space<vmem>>, vector<16xf32>,
            %swap3A_549 = arith.constant 48 : index
            %swap3A_550 = tpu.vector_load %arg18[%swap3A_549] {strides = array<i32>} : memref<256xf32, #tpu.memory_space<vmem>>, vector<16xf32>,
            tpu.vector_store %arg18[%swap3A_549], %get3A_548 {strides = array<i32>} : memref<256xf32, #tpu.memory_space<vmem>>, vector<16xf32>,
            %get3A_551 = arith.constant 64 : index
            %get3A_552 = tpu.vector_load %arg11[%get3A_551] {strides = array<i32>} : memref<288xi32, #tpu.memory_space<vmem>>, vector<16xi32>,
            %swap3A_553 = arith.constant 64 : index
            %swap3A_554 = tpu.vector_load %arg17[%swap3A_553] {strides = array<i32>} : memref<256xi32, #tpu.memory_space<vmem>>, vector<16xi32>,
            tpu.vector_store %arg17[%swap3A_553], %get3A_552 {strides = array<i32>} : memref<256xi32, #tpu.memory_space<vmem>>, vector<16xi32>,
            %get3A_555 = arith.constant 64 : index
            %get3A_556 = tpu.vector_load %arg10[%get3A_555] {strides = array<i32>} : memref<288xi32, #tpu.memory_space<vmem>>, vector<16xi32>,
            %swap3A_557 = arith.constant 64 : index
            %swap3A_558 = tpu.vector_load %arg16[%swap3A_557] {strides = array<i32>} : memref<256xi32, #tpu.memory_space<vmem>>, vector<16xi32>,
            tpu.vector_store %arg16[%swap3A_557], %get3A_556 {strides = array<i32>} : memref<256xi32, #tpu.memory_space<vmem>>, vector<16xi32>,
            %get3A_559 = arith.constant 64 : index
            %get3A_560 = tpu.vector_load %arg12[%get3A_559] {strides = array<i32>} : memref<288xf32, #tpu.memory_space<vmem>>, vector<16xf32>,
            %swap3A_561 = arith.constant 64 : index
            %swap3A_562 = tpu.vector_load %arg18[%swap3A_561] {strides = array<i32>} : memref<256xf32, #tpu.memory_space<vmem>>, vector<16xf32>,
            tpu.vector_store %arg18[%swap3A_561], %get3A_560 {strides = array<i32>} : memref<256xf32, #tpu.memory_space<vmem>>, vector<16xf32>,
            %get3A_563 = arith.constant 80 : index
            %get3A_564 = tpu.vector_load %arg11[%get3A_563] {strides = array<i32>} : memref<288xi32, #tpu.memory_space<vmem>>, vector<16xi32>,
            %swap3A_565 = arith.constant 80 : index
            %swap3A_566 = tpu.vector_load %arg17[%swap3A_565] {strides = array<i32>} : memref<256xi32, #tpu.memory_space<vmem>>, vector<16xi32>,
            tpu.vector_store %arg17[%swap3A_565], %get3A_564 {strides = array<i32>} : memref<256xi32, #tpu.memory_space<vmem>>, vector<16xi32>,
            %get3A_567 = arith.constant 80 : index
            %get3A_568 = tpu.vector_load %arg10[%get3A_567] {strides = array<i32>} : memref<288xi32, #tpu.memory_space<vmem>>, vector<16xi32>,
            %swap3A_569 = arith.constant 80 : index
            %swap3A_570 = tpu.vector_load %arg16[%swap3A_569] {strides = array<i32>} : memref<256xi32, #tpu.memory_space<vmem>>, vector<16xi32>,
            tpu.vector_store %arg16[%swap3A_569], %get3A_568 {strides = array<i32>} : memref<256xi32, #tpu.memory_space<vmem>>, vector<16xi32>,
            %get3A_571 = arith.constant 80 : index
            %get3A_572 = tpu.vector_load %arg12[%get3A_571] {strides = array<i32>} : memref<288xf32, #tpu.memory_space<vmem>>, vector<16xf32>,
            %swap3A_573 = arith.constant 80 : index
            %swap3A_574 = tpu.vector_load %arg18[%swap3A_573] {strides = array<i32>} : memref<256xf32, #tpu.memory_space<vmem>>, vector<16xf32>,
            tpu.vector_store %arg18[%swap3A_573], %get3A_572 {strides = array<i32>} : memref<256xf32, #tpu.memory_space<vmem>>, vector<16xf32>,
            %get3A_575 = arith.constant 96 : index
            %get3A_576 = tpu.vector_load %arg11[%get3A_575] {strides = array<i32>} : memref<288xi32, #tpu.memory_space<vmem>>, vector<16xi32>,
            %swap3A_577 = arith.constant 96 : index
            %swap3A_578 = tpu.vector_load %arg17[%swap3A_577] {strides = array<i32>} : memref<256xi32, #tpu.memory_space<vmem>>, vector<16xi32>,
            tpu.vector_store %arg17[%swap3A_577], %get3A_576 {strides = array<i32>} : memref<256xi32, #tpu.memory_space<vmem>>, vector<16xi32>,
            %get3A_579 = arith.constant 96 : index
            %get3A_580 = tpu.vector_load %arg10[%get3A_579] {strides = array<i32>} : memref<288xi32, #tpu.memory_space<vmem>>, vector<16xi32>,
            %swap3A_581 = arith.constant 96 : index
            %swap3A_582 = tpu.vector_load %arg16[%swap3A_581] {strides = array<i32>} : memref<256xi32, #tpu.memory_space<vmem>>, vector<16xi32>,
            tpu.vector_store %arg16[%swap3A_581], %get3A_580 {strides = array<i32>} : memref<256xi32, #tpu.memory_space<vmem>>, vector<16xi32>,
            %get3A_583 = arith.constant 96 : index
            %get3A_584 = tpu.vector_load %arg12[%get3A_583] {strides = array<i32>} : memref<288xf32, #tpu.memory_space<vmem>>, vector<16xf32>,
            %swap3A_585 = arith.constant 96 : index
            %swap3A_586 = tpu.vector_load %arg18[%swap3A_585] {strides = array<i32>} : memref<256xf32, #tpu.memory_space<vmem>>, vector<16xf32>,
            tpu.vector_store %arg18[%swap3A_585], %get3A_584 {strides = array<i32>} : memref<256xf32, #tpu.memory_space<vmem>>, vector<16xf32>,
            %get3A_587 = arith.constant 112 : index
            %get3A_588 = tpu.vector_load %arg11[%get3A_587] {strides = array<i32>} : memref<288xi32, #tpu.memory_space<vmem>>, vector<16xi32>,
            %swap3A_589 = arith.constant 112 : index
            %swap3A_590 = tpu.vector_load %arg17[%swap3A_589] {strides = array<i32>} : memref<256xi32, #tpu.memory_space<vmem>>, vector<16xi32>,
            tpu.vector_store %arg17[%swap3A_589], %get3A_588 {strides = array<i32>} : memref<256xi32, #tpu.memory_space<vmem>>, vector<16xi32>,
            %get3A_591 = arith.constant 112 : index
            %get3A_592 = tpu.vector_load %arg10[%get3A_591] {strides = array<i32>} : memref<288xi32, #tpu.memory_space<vmem>>, vector<16xi32>,
            %swap3A_593 = arith.constant 112 : index
            %swap3A_594 = tpu.vector_load %arg16[%swap3A_593] {strides = array<i32>} : memref<256xi32, #tpu.memory_space<vmem>>, vector<16xi32>,
            tpu.vector_store %arg16[%swap3A_593], %get3A_592 {strides = array<i32>} : memref<256xi32, #tpu.memory_space<vmem>>, vector<16xi32>,
            %get3A_595 = arith.constant 112 : index
            %get3A_596 = tpu.vector_load %arg12[%get3A_595] {strides = array<i32>} : memref<288xf32, #tpu.memory_space<vmem>>, vector<16xf32>,
            %swap3A_597 = arith.constant 112 : index
            %swap3A_598 = tpu.vector_load %arg18[%swap3A_597] {strides = array<i32>} : memref<256xf32, #tpu.memory_space<vmem>>, vector<16xf32>,
            tpu.vector_store %arg18[%swap3A_597], %get3A_596 {strides = array<i32>} : memref<256xf32, #tpu.memory_space<vmem>>, vector<16xf32>,
            %get3A_599 = arith.constant 128 : index
            %get3A_600 = tpu.vector_load %arg11[%get3A_599] {strides = array<i32>} : memref<288xi32, #tpu.memory_space<vmem>>, vector<16xi32>,
            %swap3A_601 = arith.constant 128 : index
            %swap3A_602 = tpu.vector_load %arg17[%swap3A_601] {strides = array<i32>} : memref<256xi32, #tpu.memory_space<vmem>>, vector<16xi32>,
            tpu.vector_store %arg17[%swap3A_601], %get3A_600 {strides = array<i32>} : memref<256xi32, #tpu.memory_space<vmem>>, vector<16xi32>,
            %get3A_603 = arith.constant 128 : index
            %get3A_604 = tpu.vector_load %arg10[%get3A_603] {strides = array<i32>} : memref<288xi32, #tpu.memory_space<vmem>>, vector<16xi32>,
            %swap3A_605 = arith.constant 128 : index
            %swap3A_606 = tpu.vector_load %arg16[%swap3A_605] {strides = array<i32>} : memref<256xi32, #tpu.memory_space<vmem>>, vector<16xi32>,
            tpu.vector_store %arg16[%swap3A_605], %get3A_604 {strides = array<i32>} : memref<256xi32, #tpu.memory_space<vmem>>, vector<16xi32>,
            %get3A_607 = arith.constant 128 : index
            %get3A_608 = tpu.vector_load %arg12[%get3A_607] {strides = array<i32>} : memref<288xf32, #tpu.memory_space<vmem>>, vector<16xf32>,
            %swap3A_609 = arith.constant 128 : index
            %swap3A_610 = tpu.vector_load %arg18[%swap3A_609] {strides = array<i32>} : memref<256xf32, #tpu.memory_space<vmem>>, vector<16xf32>,
            tpu.vector_store %arg18[%swap3A_609], %get3A_608 {strides = array<i32>} : memref<256xf32, #tpu.memory_space<vmem>>, vector<16xf32>,
            %get3A_611 = arith.constant 144 : index
            %get3A_612 = tpu.vector_load %arg11[%get3A_611] {strides = array<i32>} : memref<288xi32, #tpu.memory_space<vmem>>, vector<16xi32>,
            %swap3A_613 = arith.constant 144 : index
            %swap3A_614 = tpu.vector_load %arg17[%swap3A_613] {strides = array<i32>} : memref<256xi32, #tpu.memory_space<vmem>>, vector<16xi32>,
            tpu.vector_store %arg17[%swap3A_613], %get3A_612 {strides = array<i32>} : memref<256xi32, #tpu.memory_space<vmem>>, vector<16xi32>,
            %get3A_615 = arith.constant 144 : index
            %get3A_616 = tpu.vector_load %arg10[%get3A_615] {strides = array<i32>} : memref<288xi32, #tpu.memory_space<vmem>>, vector<16xi32>,
            %swap3A_617 = arith.constant 144 : index
            %swap3A_618 = tpu.vector_load %arg16[%swap3A_617] {strides = array<i32>} : memref<256xi32, #tpu.memory_space<vmem>>, vector<16xi32>,
            tpu.vector_store %arg16[%swap3A_617], %get3A_616 {strides = array<i32>} : memref<256xi32, #tpu.memory_space<vmem>>, vector<16xi32>,
            %get3A_619 = arith.constant 144 : index
            %get3A_620 = tpu.vector_load %arg12[%get3A_619] {strides = array<i32>} : memref<288xf32, #tpu.memory_space<vmem>>, vector<16xf32>,
            %swap3A_621 = arith.constant 144 : index
            %swap3A_622 = tpu.vector_load %arg18[%swap3A_621] {strides = array<i32>} : memref<256xf32, #tpu.memory_space<vmem>>, vector<16xf32>,
            tpu.vector_store %arg18[%swap3A_621], %get3A_620 {strides = array<i32>} : memref<256xf32, #tpu.memory_space<vmem>>, vector<16xf32>,
            %get3A_623 = arith.constant 160 : index
            %get3A_624 = tpu.vector_load %arg11[%get3A_623] {strides = array<i32>} : memref<288xi32, #tpu.memory_space<vmem>>, vector<16xi32>,
            %swap3A_625 = arith.constant 160 : index
            %swap3A_626 = tpu.vector_load %arg17[%swap3A_625] {strides = array<i32>} : memref<256xi32, #tpu.memory_space<vmem>>, vector<16xi32>,
            tpu.vector_store %arg17[%swap3A_625], %get3A_624 {strides = array<i32>} : memref<256xi32, #tpu.memory_space<vmem>>, vector<16xi32>,
            %get3A_627 = arith.constant 160 : index
            %get3A_628 = tpu.vector_load %arg10[%get3A_627] {strides = array<i32>} : memref<288xi32, #tpu.memory_space<vmem>>, vector<16xi32>,
            %swap3A_629 = arith.constant 160 : index
            %swap3A_630 = tpu.vector_load %arg16[%swap3A_629] {strides = array<i32>} : memref<256xi32, #tpu.memory_space<vmem>>, vector<16xi32>,
            tpu.vector_store %arg16[%swap3A_629], %get3A_628 {strides = array<i32>} : memref<256xi32, #tpu.memory_space<vmem>>, vector<16xi32>,
            %get3A_631 = arith.constant 160 : index
            %get3A_632 = tpu.vector_load %arg12[%get3A_631] {strides = array<i32>} : memref<288xf32, #tpu.memory_space<vmem>>, vector<16xf32>,
            %swap3A_633 = arith.constant 160 : index
            %swap3A_634 = tpu.vector_load %arg18[%swap3A_633] {strides = array<i32>} : memref<256xf32, #tpu.memory_space<vmem>>, vector<16xf32>,
            tpu.vector_store %arg18[%swap3A_633], %get3A_632 {strides = array<i32>} : memref<256xf32, #tpu.memory_space<vmem>>, vector<16xf32>,
            %get3A_635 = arith.constant 176 : index
            %get3A_636 = tpu.vector_load %arg11[%get3A_635] {strides = array<i32>} : memref<288xi32, #tpu.memory_space<vmem>>, vector<16xi32>,
            %swap3A_637 = arith.constant 176 : index
            %swap3A_638 = tpu.vector_load %arg17[%swap3A_637] {strides = array<i32>} : memref<256xi32, #tpu.memory_space<vmem>>, vector<16xi32>,
            tpu.vector_store %arg17[%swap3A_637], %get3A_636 {strides = array<i32>} : memref<256xi32, #tpu.memory_space<vmem>>, vector<16xi32>,
            %get3A_639 = arith.constant 176 : index
            %get3A_640 = tpu.vector_load %arg10[%get3A_639] {strides = array<i32>} : memref<288xi32, #tpu.memory_space<vmem>>, vector<16xi32>,
            %swap3A_641 = arith.constant 176 : index
            %swap3A_642 = tpu.vector_load %arg16[%swap3A_641] {strides = array<i32>} : memref<256xi32, #tpu.memory_space<vmem>>, vector<16xi32>,
            tpu.vector_store %arg16[%swap3A_641], %get3A_640 {strides = array<i32>} : memref<256xi32, #tpu.memory_space<vmem>>, vector<16xi32>,
            %get3A_643 = arith.constant 176 : index
            %get3A_644 = tpu.vector_load %arg12[%get3A_643] {strides = array<i32>} : memref<288xf32, #tpu.memory_space<vmem>>, vector<16xf32>,
            %swap3A_645 = arith.constant 176 : index
            %swap3A_646 = tpu.vector_load %arg18[%swap3A_645] {strides = array<i32>} : memref<256xf32, #tpu.memory_space<vmem>>, vector<16xf32>,
            tpu.vector_store %arg18[%swap3A_645], %get3A_644 {strides = array<i32>} : memref<256xf32, #tpu.memory_space<vmem>>, vector<16xf32>,
            %get3A_647 = arith.constant 192 : index
            %get3A_648 = tpu.vector_load %arg11[%get3A_647] {strides = array<i32>} : memref<288xi32, #tpu.memory_space<vmem>>, vector<16xi32>,
            %swap3A_649 = arith.constant 192 : index
            %swap3A_650 = tpu.vector_load %arg17[%swap3A_649] {strides = array<i32>} : memref<256xi32, #tpu.memory_space<vmem>>, vector<16xi32>,
            tpu.vector_store %arg17[%swap3A_649], %get3A_648 {strides = array<i32>} : memref<256xi32, #tpu.memory_space<vmem>>, vector<16xi32>,
            %get3A_651 = arith.constant 192 : index
            %get3A_652 = tpu.vector_load %arg10[%get3A_651] {strides = array<i32>} : memref<288xi32, #tpu.memory_space<vmem>>, vector<16xi32>,
            %swap3A_653 = arith.constant 192 : index
            %swap3A_654 = tpu.vector_load %arg16[%swap3A_653] {strides = array<i32>} : memref<256xi32, #tpu.memory_space<vmem>>, vector<16xi32>,
            tpu.vector_store %arg16[%swap3A_653], %get3A_652 {strides = array<i32>} : memref<256xi32, #tpu.memory_space<vmem>>, vector<16xi32>,
            %get3A_655 = arith.constant 192 : index
            %get3A_656 = tpu.vector_load %arg12[%get3A_655] {strides = array<i32>} : memref<288xf32, #tpu.memory_space<vmem>>, vector<16xf32>,
            %swap3A_657 = arith.constant 192 : index
            %swap3A_658 = tpu.vector_load %arg18[%swap3A_657] {strides = array<i32>} : memref<256xf32, #tpu.memory_space<vmem>>, vector<16xf32>,
            tpu.vector_store %arg18[%swap3A_657], %get3A_656 {strides = array<i32>} : memref<256xf32, #tpu.memory_space<vmem>>, vector<16xf32>,
            %get3A_659 = arith.constant 208 : index
            %get3A_660 = tpu.vector_load %arg11[%get3A_659] {strides = array<i32>} : memref<288xi32, #tpu.memory_space<vmem>>, vector<16xi32>,
            %swap3A_661 = arith.constant 208 : index
            %swap3A_662 = tpu.vector_load %arg17[%swap3A_661] {strides = array<i32>} : memref<256xi32, #tpu.memory_space<vmem>>, vector<16xi32>,
            tpu.vector_store %arg17[%swap3A_661], %get3A_660 {strides = array<i32>} : memref<256xi32, #tpu.memory_space<vmem>>, vector<16xi32>,
            %get3A_663 = arith.constant 208 : index
            %get3A_664 = tpu.vector_load %arg10[%get3A_663] {strides = array<i32>} : memref<288xi32, #tpu.memory_space<vmem>>, vector<16xi32>,
            %swap3A_665 = arith.constant 208 : index
            %swap3A_666 = tpu.vector_load %arg16[%swap3A_665] {strides = array<i32>} : memref<256xi32, #tpu.memory_space<vmem>>, vector<16xi32>,
            tpu.vector_store %arg16[%swap3A_665], %get3A_664 {strides = array<i32>} : memref<256xi32, #tpu.memory_space<vmem>>, vector<16xi32>,
            %get3A_667 = arith.constant 208 : index
            %get3A_668 = tpu.vector_load %arg12[%get3A_667] {strides = array<i32>} : memref<288xf32, #tpu.memory_space<vmem>>, vector<16xf32>,
            %swap3A_669 = arith.constant 208 : index
            %swap3A_670 = tpu.vector_load %arg18[%swap3A_669] {strides = array<i32>} : memref<256xf32, #tpu.memory_space<vmem>>, vector<16xf32>,
            tpu.vector_store %arg18[%swap3A_669], %get3A_668 {strides = array<i32>} : memref<256xf32, #tpu.memory_space<vmem>>, vector<16xf32>,
            %get3A_671 = arith.constant 224 : index
            %get3A_672 = tpu.vector_load %arg11[%get3A_671] {strides = array<i32>} : memref<288xi32, #tpu.memory_space<vmem>>, vector<16xi32>,
            %swap3A_673 = arith.constant 224 : index
            %swap3A_674 = tpu.vector_load %arg17[%swap3A_673] {strides = array<i32>} : memref<256xi32, #tpu.memory_space<vmem>>, vector<16xi32>,
            tpu.vector_store %arg17[%swap3A_673], %get3A_672 {strides = array<i32>} : memref<256xi32, #tpu.memory_space<vmem>>, vector<16xi32>,
            %get3A_675 = arith.constant 224 : index
            %get3A_676 = tpu.vector_load %arg10[%get3A_675] {strides = array<i32>} : memref<288xi32, #tpu.memory_space<vmem>>, vector<16xi32>,
            %swap3A_677 = arith.constant 224 : index
            %swap3A_678 = tpu.vector_load %arg16[%swap3A_677] {strides = array<i32>} : memref<256xi32, #tpu.memory_space<vmem>>, vector<16xi32>,
            tpu.vector_store %arg16[%swap3A_677], %get3A_676 {strides = array<i32>} : memref<256xi32, #tpu.memory_space<vmem>>, vector<16xi32>,
            %get3A_679 = arith.constant 224 : index
            %get3A_680 = tpu.vector_load %arg12[%get3A_679] {strides = array<i32>} : memref<288xf32, #tpu.memory_space<vmem>>, vector<16xf32>,
            %swap3A_681 = arith.constant 224 : index
            %swap3A_682 = tpu.vector_load %arg18[%swap3A_681] {strides = array<i32>} : memref<256xf32, #tpu.memory_space<vmem>>, vector<16xf32>,
            tpu.vector_store %arg18[%swap3A_681], %get3A_680 {strides = array<i32>} : memref<256xf32, #tpu.memory_space<vmem>>, vector<16xf32>,
            %get3A_683 = arith.constant 240 : index
            %get3A_684 = tpu.vector_load %arg11[%get3A_683] {strides = array<i32>} : memref<288xi32, #tpu.memory_space<vmem>>, vector<16xi32>,
            %swap3A_685 = arith.constant 240 : index
            %swap3A_686 = tpu.vector_load %arg17[%swap3A_685] {strides = array<i32>} : memref<256xi32, #tpu.memory_space<vmem>>, vector<16xi32>,
            tpu.vector_store %arg17[%swap3A_685], %get3A_684 {strides = array<i32>} : memref<256xi32, #tpu.memory_space<vmem>>, vector<16xi32>,
            %get3A_687 = arith.constant 240 : index
            %get3A_688 = tpu.vector_load %arg10[%get3A_687] {strides = array<i32>} : memref<288xi32, #tpu.memory_space<vmem>>, vector<16xi32>,
            %swap3A_689 = arith.constant 240 : index
            %swap3A_690 = tpu.vector_load %arg16[%swap3A_689] {strides = array<i32>} : memref<256xi32, #tpu.memory_space<vmem>>, vector<16xi32>,
            tpu.vector_store %arg16[%swap3A_689], %get3A_688 {strides = array<i32>} : memref<256xi32, #tpu.memory_space<vmem>>, vector<16xi32>,
            %get3A_691 = arith.constant 240 : index
            %get3A_692 = tpu.vector_load %arg12[%get3A_691] {strides = array<i32>} : memref<288xf32, #tpu.memory_space<vmem>>, vector<16xf32>,
            %swap3A_693 = arith.constant 240 : index
            %swap3A_694 = tpu.vector_load %arg18[%swap3A_693] {strides = array<i32>} : memref<256xf32, #tpu.memory_space<vmem>>, vector<16xf32>,
            tpu.vector_store %arg18[%swap3A_693], %get3A_692 {strides = array<i32>} : memref<256xf32, #tpu.memory_space<vmem>>, vector<16xf32>,
            %dma_start3A_695 = arith.constant 0 : i32
            %dma_start3A_696 = arith.constant 0 : i32
            %dma_start3A_697 = tpu.memref_slice %arg5[%dma_start3A_695, %dma_start3A_696] : memref<50000x64xf32, #tpu.memory_space<hbm>> -> memref<50000x64xf32, #tpu.memory_space<hbm>>
            tpu.enqueue_indirect_dma source(%dma_start3A_697 : memref<50000x64xf32, #tpu.memory_space<hbm>>) target(%arg20 : memref<256x64xf32, #tpu.memory_space<vmem>>) offsets(%arg17 : memref<256xi32, #tpu.memory_space<vmem>>) semaphore(%arg26 : memref<!tpu.dma_semaphore, #tpu.memory_space<semaphore_mem>>)
          }
          %get3A_481 = arith.constant 256 : index
          %get3A_482 = tpu.vector_load %arg10[%get3A_481] {strides = array<i32>} : memref<288xi32, #tpu.memory_space<vmem>>, vector<16xi32>,
          %get3A_483 = arith.constant 256 : index
          %get3A_484 = tpu.vector_load %arg11[%get3A_483] {strides = array<i32>} : memref<288xi32, #tpu.memory_space<vmem>>, vector<16xi32>,
          %get3A_485 = arith.constant 256 : index
          %get3A_486 = tpu.vector_load %arg12[%get3A_485] {strides = array<i32>} : memref<288xf32, #tpu.memory_space<vmem>>, vector<16xf32>,
          %swap3A_487 = arith.constant 0 : index
          %swap3A_488 = tpu.vector_load %arg10[%swap3A_487] {strides = array<i32>} : memref<288xi32, #tpu.memory_space<vmem>>, vector<16xi32>,
          tpu.vector_store %arg10[%swap3A_487], %get3A_482 {strides = array<i32>} : memref<288xi32, #tpu.memory_space<vmem>>, vector<16xi32>,
          %swap3A_489 = arith.constant 0 : index
          %swap3A_490 = tpu.vector_load %arg11[%swap3A_489] {strides = array<i32>} : memref<288xi32, #tpu.memory_space<vmem>>, vector<16xi32>,
          tpu.vector_store %arg11[%swap3A_489], %get3A_484 {strides = array<i32>} : memref<288xi32, #tpu.memory_space<vmem>>, vector<16xi32>,
          %swap3A_491 = arith.constant 0 : index
          %swap3A_492 = tpu.vector_load %arg12[%swap3A_491] {strides = array<i32>} : memref<288xf32, #tpu.memory_space<vmem>>, vector<16xf32>,
          tpu.vector_store %arg12[%swap3A_491], %get3A_486 {strides = array<i32>} : memref<288xf32, #tpu.memory_space<vmem>>, vector<16xf32>,
        } else {
        }
        %sub3A_467 = arith.constant 256 : i32
        %sub3A_468 = arith.subi %add3A_461, %sub3A_467 : i32
        %select_n3A_469 = arith.select %ge3A_463, %sub3A_468, %add3A_461 : i32
        %sub3A_470 = arith.constant 1 : i32
        %sub3A_471 = arith.subi %sub3A_470, %scan3A_429 : i32
        %select_n3A_472 = arith.select %ge3A_463, %sub3A_471, %scan3A_429 : i32
        %add3A_473 = arith.constant 1 : i32
        %add3A_474 = arith.addi %scan3A_430, %add3A_473 : i32
        %select_n3A_475 = arith.select %ge3A_463, %add3A_474, %scan3A_430 : i32
        scf.yield %select_n3A_469, %select_n3A_472, %select_n3A_475 : i32, i32, i32
      }
      %scan3A_426 = arith.constant 64 : i32
      scf.yield %scan3A_425#0, %scan3A_425#1, %scan3A_425#2 : i32, i32, i32
    }
    %scan3A_100 = arith.constant 16 : i32
    %iota3A = tpu.iota {dimensions = array<i32: 0>} : vector<16xi32>
    %add3A_101 = arith.constant 0 : i32
    %add3A_102 = vector.broadcast %add3A_101 : i32 to vector<16xi32>
    %add3A_103 = arith.addi %iota3A, %add3A_102 : vector<16xi32>
    %lt3A = vector.broadcast %scan3A_99#0 : i32 to vector<16xi32>
    %lt3A_104 = arith.cmpi slt, %add3A_103, %lt3A : vector<16xi32>
    %get3A = arith.constant 0 : index
    %get3A_105 = tpu.vector_load %arg12[%get3A] {strides = array<i32>} : memref<288xf32, #tpu.memory_space<vmem>>, vector<16xf32>,
    %jit3A = arith.constant 0.000000e+00 : f32
    %broadcast_in_dim3A_106 = vector.broadcast %jit3A : f32 to vector<16xf32>
    %select_n3A = arith.select %lt3A_104, %get3A_105, %broadcast_in_dim3A_106 : vector<16xi1>, vector<16xf32>
    %swap3A = arith.constant 0 : index
    %swap3A_107 = tpu.vector_load %arg12[%swap3A] {strides = array<i32>} : memref<288xf32, #tpu.memory_space<vmem>>, vector<16xf32>,
    tpu.vector_store %arg12[%swap3A], %select_n3A {strides = array<i32>} : memref<288xf32, #tpu.memory_space<vmem>>, vector<16xf32>,
    %add3A_108 = arith.constant 16 : i32
    %add3A_109 = vector.broadcast %add3A_108 : i32 to vector<16xi32>
    %add3A_110 = arith.addi %iota3A, %add3A_109 : vector<16xi32>
    %lt3A_111 = vector.broadcast %scan3A_99#0 : i32 to vector<16xi32>
    %lt3A_112 = arith.cmpi slt, %add3A_110, %lt3A_111 : vector<16xi32>
    %get3A_113 = arith.constant 16 : index
    %get3A_114 = tpu.vector_load %arg12[%get3A_113] {strides = array<i32>} : memref<288xf32, #tpu.memory_space<vmem>>, vector<16xf32>,
    %jit3A_115 = arith.constant 0.000000e+00 : f32
    %broadcast_in_dim3A_116 = vector.broadcast %jit3A_115 : f32 to vector<16xf32>
    %select_n3A_117 = arith.select %lt3A_112, %get3A_114, %broadcast_in_dim3A_116 : vector<16xi1>, vector<16xf32>
    %swap3A_118 = arith.constant 16 : index
    %swap3A_119 = tpu.vector_load %arg12[%swap3A_118] {strides = array<i32>} : memref<288xf32, #tpu.memory_space<vmem>>, vector<16xf32>,
    tpu.vector_store %arg12[%swap3A_118], %select_n3A_117 {strides = array<i32>} : memref<288xf32, #tpu.memory_space<vmem>>, vector<16xf32>,
    %add3A_120 = arith.constant 32 : i32
    %add3A_121 = vector.broadcast %add3A_120 : i32 to vector<16xi32>
    %add3A_122 = arith.addi %iota3A, %add3A_121 : vector<16xi32>
    %lt3A_123 = vector.broadcast %scan3A_99#0 : i32 to vector<16xi32>
    %lt3A_124 = arith.cmpi slt, %add3A_122, %lt3A_123 : vector<16xi32>
    %get3A_125 = arith.constant 32 : index
    %get3A_126 = tpu.vector_load %arg12[%get3A_125] {strides = array<i32>} : memref<288xf32, #tpu.memory_space<vmem>>, vector<16xf32>,
    %jit3A_127 = arith.constant 0.000000e+00 : f32
    %broadcast_in_dim3A_128 = vector.broadcast %jit3A_127 : f32 to vector<16xf32>
    %select_n3A_129 = arith.select %lt3A_124, %get3A_126, %broadcast_in_dim3A_128 : vector<16xi1>, vector<16xf32>
    %swap3A_130 = arith.constant 32 : index
    %swap3A_131 = tpu.vector_load %arg12[%swap3A_130] {strides = array<i32>} : memref<288xf32, #tpu.memory_space<vmem>>, vector<16xf32>,
    tpu.vector_store %arg12[%swap3A_130], %select_n3A_129 {strides = array<i32>} : memref<288xf32, #tpu.memory_space<vmem>>, vector<16xf32>,
    %add3A_132 = arith.constant 48 : i32
    %add3A_133 = vector.broadcast %add3A_132 : i32 to vector<16xi32>
    %add3A_134 = arith.addi %iota3A, %add3A_133 : vector<16xi32>
    %lt3A_135 = vector.broadcast %scan3A_99#0 : i32 to vector<16xi32>
    %lt3A_136 = arith.cmpi slt, %add3A_134, %lt3A_135 : vector<16xi32>
    %get3A_137 = arith.constant 48 : index
    %get3A_138 = tpu.vector_load %arg12[%get3A_137] {strides = array<i32>} : memref<288xf32, #tpu.memory_space<vmem>>, vector<16xf32>,
    %jit3A_139 = arith.constant 0.000000e+00 : f32
    %broadcast_in_dim3A_140 = vector.broadcast %jit3A_139 : f32 to vector<16xf32>
    %select_n3A_141 = arith.select %lt3A_136, %get3A_138, %broadcast_in_dim3A_140 : vector<16xi1>, vector<16xf32>
    %swap3A_142 = arith.constant 48 : index
    %swap3A_143 = tpu.vector_load %arg12[%swap3A_142] {strides = array<i32>} : memref<288xf32, #tpu.memory_space<vmem>>, vector<16xf32>,
    tpu.vector_store %arg12[%swap3A_142], %select_n3A_141 {strides = array<i32>} : memref<288xf32, #tpu.memory_space<vmem>>, vector<16xf32>,
    %add3A_144 = arith.constant 64 : i32
    %add3A_145 = vector.broadcast %add3A_144 : i32 to vector<16xi32>
    %add3A_146 = arith.addi %iota3A, %add3A_145 : vector<16xi32>
    %lt3A_147 = vector.broadcast %scan3A_99#0 : i32 to vector<16xi32>
    %lt3A_148 = arith.cmpi slt, %add3A_146, %lt3A_147 : vector<16xi32>
    %get3A_149 = arith.constant 64 : index
    %get3A_150 = tpu.vector_load %arg12[%get3A_149] {strides = array<i32>} : memref<288xf32, #tpu.memory_space<vmem>>, vector<16xf32>,
    %jit3A_151 = arith.constant 0.000000e+00 : f32
    %broadcast_in_dim3A_152 = vector.broadcast %jit3A_151 : f32 to vector<16xf32>
    %select_n3A_153 = arith.select %lt3A_148, %get3A_150, %broadcast_in_dim3A_152 : vector<16xi1>, vector<16xf32>
    %swap3A_154 = arith.constant 64 : index
    %swap3A_155 = tpu.vector_load %arg12[%swap3A_154] {strides = array<i32>} : memref<288xf32, #tpu.memory_space<vmem>>, vector<16xf32>,
    tpu.vector_store %arg12[%swap3A_154], %select_n3A_153 {strides = array<i32>} : memref<288xf32, #tpu.memory_space<vmem>>, vector<16xf32>,
    %add3A_156 = arith.constant 80 : i32
    %add3A_157 = vector.broadcast %add3A_156 : i32 to vector<16xi32>
    %add3A_158 = arith.addi %iota3A, %add3A_157 : vector<16xi32>
    %lt3A_159 = vector.broadcast %scan3A_99#0 : i32 to vector<16xi32>
    %lt3A_160 = arith.cmpi slt, %add3A_158, %lt3A_159 : vector<16xi32>
    %get3A_161 = arith.constant 80 : index
    %get3A_162 = tpu.vector_load %arg12[%get3A_161] {strides = array<i32>} : memref<288xf32, #tpu.memory_space<vmem>>, vector<16xf32>,
    %jit3A_163 = arith.constant 0.000000e+00 : f32
    %broadcast_in_dim3A_164 = vector.broadcast %jit3A_163 : f32 to vector<16xf32>
    %select_n3A_165 = arith.select %lt3A_160, %get3A_162, %broadcast_in_dim3A_164 : vector<16xi1>, vector<16xf32>
    %swap3A_166 = arith.constant 80 : index
    %swap3A_167 = tpu.vector_load %arg12[%swap3A_166] {strides = array<i32>} : memref<288xf32, #tpu.memory_space<vmem>>, vector<16xf32>,
    tpu.vector_store %arg12[%swap3A_166], %select_n3A_165 {strides = array<i32>} : memref<288xf32, #tpu.memory_space<vmem>>, vector<16xf32>,
    %add3A_168 = arith.constant 96 : i32
    %add3A_169 = vector.broadcast %add3A_168 : i32 to vector<16xi32>
    %add3A_170 = arith.addi %iota3A, %add3A_169 : vector<16xi32>
    %lt3A_171 = vector.broadcast %scan3A_99#0 : i32 to vector<16xi32>
    %lt3A_172 = arith.cmpi slt, %add3A_170, %lt3A_171 : vector<16xi32>
    %get3A_173 = arith.constant 96 : index
    %get3A_174 = tpu.vector_load %arg12[%get3A_173] {strides = array<i32>} : memref<288xf32, #tpu.memory_space<vmem>>, vector<16xf32>,
    %jit3A_175 = arith.constant 0.000000e+00 : f32
    %broadcast_in_dim3A_176 = vector.broadcast %jit3A_175 : f32 to vector<16xf32>
    %select_n3A_177 = arith.select %lt3A_172, %get3A_174, %broadcast_in_dim3A_176 : vector<16xi1>, vector<16xf32>
    %swap3A_178 = arith.constant 96 : index
    %swap3A_179 = tpu.vector_load %arg12[%swap3A_178] {strides = array<i32>} : memref<288xf32, #tpu.memory_space<vmem>>, vector<16xf32>,
    tpu.vector_store %arg12[%swap3A_178], %select_n3A_177 {strides = array<i32>} : memref<288xf32, #tpu.memory_space<vmem>>, vector<16xf32>,
    %add3A_180 = arith.constant 112 : i32
    %add3A_181 = vector.broadcast %add3A_180 : i32 to vector<16xi32>
    %add3A_182 = arith.addi %iota3A, %add3A_181 : vector<16xi32>
    %lt3A_183 = vector.broadcast %scan3A_99#0 : i32 to vector<16xi32>
    %lt3A_184 = arith.cmpi slt, %add3A_182, %lt3A_183 : vector<16xi32>
    %get3A_185 = arith.constant 112 : index
    %get3A_186 = tpu.vector_load %arg12[%get3A_185] {strides = array<i32>} : memref<288xf32, #tpu.memory_space<vmem>>, vector<16xf32>,
    %jit3A_187 = arith.constant 0.000000e+00 : f32
    %broadcast_in_dim3A_188 = vector.broadcast %jit3A_187 : f32 to vector<16xf32>
    %select_n3A_189 = arith.select %lt3A_184, %get3A_186, %broadcast_in_dim3A_188 : vector<16xi1>, vector<16xf32>
    %swap3A_190 = arith.constant 112 : index
    %swap3A_191 = tpu.vector_load %arg12[%swap3A_190] {strides = array<i32>} : memref<288xf32, #tpu.memory_space<vmem>>, vector<16xf32>,
    tpu.vector_store %arg12[%swap3A_190], %select_n3A_189 {strides = array<i32>} : memref<288xf32, #tpu.memory_space<vmem>>, vector<16xf32>,
    %add3A_192 = arith.constant 128 : i32
    %add3A_193 = vector.broadcast %add3A_192 : i32 to vector<16xi32>
    %add3A_194 = arith.addi %iota3A, %add3A_193 : vector<16xi32>
    %lt3A_195 = vector.broadcast %scan3A_99#0 : i32 to vector<16xi32>
    %lt3A_196 = arith.cmpi slt, %add3A_194, %lt3A_195 : vector<16xi32>
    %get3A_197 = arith.constant 128 : index
    %get3A_198 = tpu.vector_load %arg12[%get3A_197] {strides = array<i32>} : memref<288xf32, #tpu.memory_space<vmem>>, vector<16xf32>,
    %jit3A_199 = arith.constant 0.000000e+00 : f32
    %broadcast_in_dim3A_200 = vector.broadcast %jit3A_199 : f32 to vector<16xf32>
    %select_n3A_201 = arith.select %lt3A_196, %get3A_198, %broadcast_in_dim3A_200 : vector<16xi1>, vector<16xf32>
    %swap3A_202 = arith.constant 128 : index
    %swap3A_203 = tpu.vector_load %arg12[%swap3A_202] {strides = array<i32>} : memref<288xf32, #tpu.memory_space<vmem>>, vector<16xf32>,
    tpu.vector_store %arg12[%swap3A_202], %select_n3A_201 {strides = array<i32>} : memref<288xf32, #tpu.memory_space<vmem>>, vector<16xf32>,
    %add3A_204 = arith.constant 144 : i32
    %add3A_205 = vector.broadcast %add3A_204 : i32 to vector<16xi32>
    %add3A_206 = arith.addi %iota3A, %add3A_205 : vector<16xi32>
    %lt3A_207 = vector.broadcast %scan3A_99#0 : i32 to vector<16xi32>
    %lt3A_208 = arith.cmpi slt, %add3A_206, %lt3A_207 : vector<16xi32>
    %get3A_209 = arith.constant 144 : index
    %get3A_210 = tpu.vector_load %arg12[%get3A_209] {strides = array<i32>} : memref<288xf32, #tpu.memory_space<vmem>>, vector<16xf32>,
    %jit3A_211 = arith.constant 0.000000e+00 : f32
    %broadcast_in_dim3A_212 = vector.broadcast %jit3A_211 : f32 to vector<16xf32>
    %select_n3A_213 = arith.select %lt3A_208, %get3A_210, %broadcast_in_dim3A_212 : vector<16xi1>, vector<16xf32>
    %swap3A_214 = arith.constant 144 : index
    %swap3A_215 = tpu.vector_load %arg12[%swap3A_214] {strides = array<i32>} : memref<288xf32, #tpu.memory_space<vmem>>, vector<16xf32>,
    tpu.vector_store %arg12[%swap3A_214], %select_n3A_213 {strides = array<i32>} : memref<288xf32, #tpu.memory_space<vmem>>, vector<16xf32>,
    %add3A_216 = arith.constant 160 : i32
    %add3A_217 = vector.broadcast %add3A_216 : i32 to vector<16xi32>
    %add3A_218 = arith.addi %iota3A, %add3A_217 : vector<16xi32>
    %lt3A_219 = vector.broadcast %scan3A_99#0 : i32 to vector<16xi32>
    %lt3A_220 = arith.cmpi slt, %add3A_218, %lt3A_219 : vector<16xi32>
    %get3A_221 = arith.constant 160 : index
    %get3A_222 = tpu.vector_load %arg12[%get3A_221] {strides = array<i32>} : memref<288xf32, #tpu.memory_space<vmem>>, vector<16xf32>,
    %jit3A_223 = arith.constant 0.000000e+00 : f32
    %broadcast_in_dim3A_224 = vector.broadcast %jit3A_223 : f32 to vector<16xf32>
    %select_n3A_225 = arith.select %lt3A_220, %get3A_222, %broadcast_in_dim3A_224 : vector<16xi1>, vector<16xf32>
    %swap3A_226 = arith.constant 160 : index
    %swap3A_227 = tpu.vector_load %arg12[%swap3A_226] {strides = array<i32>} : memref<288xf32, #tpu.memory_space<vmem>>, vector<16xf32>,
    tpu.vector_store %arg12[%swap3A_226], %select_n3A_225 {strides = array<i32>} : memref<288xf32, #tpu.memory_space<vmem>>, vector<16xf32>,
    %add3A_228 = arith.constant 176 : i32
    %add3A_229 = vector.broadcast %add3A_228 : i32 to vector<16xi32>
    %add3A_230 = arith.addi %iota3A, %add3A_229 : vector<16xi32>
    %lt3A_231 = vector.broadcast %scan3A_99#0 : i32 to vector<16xi32>
    %lt3A_232 = arith.cmpi slt, %add3A_230, %lt3A_231 : vector<16xi32>
    %get3A_233 = arith.constant 176 : index
    %get3A_234 = tpu.vector_load %arg12[%get3A_233] {strides = array<i32>} : memref<288xf32, #tpu.memory_space<vmem>>, vector<16xf32>,
    %jit3A_235 = arith.constant 0.000000e+00 : f32
    %broadcast_in_dim3A_236 = vector.broadcast %jit3A_235 : f32 to vector<16xf32>
    %select_n3A_237 = arith.select %lt3A_232, %get3A_234, %broadcast_in_dim3A_236 : vector<16xi1>, vector<16xf32>
    %swap3A_238 = arith.constant 176 : index
    %swap3A_239 = tpu.vector_load %arg12[%swap3A_238] {strides = array<i32>} : memref<288xf32, #tpu.memory_space<vmem>>, vector<16xf32>,
    tpu.vector_store %arg12[%swap3A_238], %select_n3A_237 {strides = array<i32>} : memref<288xf32, #tpu.memory_space<vmem>>, vector<16xf32>,
    %add3A_240 = arith.constant 192 : i32
    %add3A_241 = vector.broadcast %add3A_240 : i32 to vector<16xi32>
    %add3A_242 = arith.addi %iota3A, %add3A_241 : vector<16xi32>
    %lt3A_243 = vector.broadcast %scan3A_99#0 : i32 to vector<16xi32>
    %lt3A_244 = arith.cmpi slt, %add3A_242, %lt3A_243 : vector<16xi32>
    %get3A_245 = arith.constant 192 : index
    %get3A_246 = tpu.vector_load %arg12[%get3A_245] {strides = array<i32>} : memref<288xf32, #tpu.memory_space<vmem>>, vector<16xf32>,
    %jit3A_247 = arith.constant 0.000000e+00 : f32
    %broadcast_in_dim3A_248 = vector.broadcast %jit3A_247 : f32 to vector<16xf32>
    %select_n3A_249 = arith.select %lt3A_244, %get3A_246, %broadcast_in_dim3A_248 : vector<16xi1>, vector<16xf32>
    %swap3A_250 = arith.constant 192 : index
    %swap3A_251 = tpu.vector_load %arg12[%swap3A_250] {strides = array<i32>} : memref<288xf32, #tpu.memory_space<vmem>>, vector<16xf32>,
    tpu.vector_store %arg12[%swap3A_250], %select_n3A_249 {strides = array<i32>} : memref<288xf32, #tpu.memory_space<vmem>>, vector<16xf32>,
    %add3A_252 = arith.constant 208 : i32
    %add3A_253 = vector.broadcast %add3A_252 : i32 to vector<16xi32>
    %add3A_254 = arith.addi %iota3A, %add3A_253 : vector<16xi32>
    %lt3A_255 = vector.broadcast %scan3A_99#0 : i32 to vector<16xi32>
    %lt3A_256 = arith.cmpi slt, %add3A_254, %lt3A_255 : vector<16xi32>
    %get3A_257 = arith.constant 208 : index
    %get3A_258 = tpu.vector_load %arg12[%get3A_257] {strides = array<i32>} : memref<288xf32, #tpu.memory_space<vmem>>, vector<16xf32>,
    %jit3A_259 = arith.constant 0.000000e+00 : f32
    %broadcast_in_dim3A_260 = vector.broadcast %jit3A_259 : f32 to vector<16xf32>
    %select_n3A_261 = arith.select %lt3A_256, %get3A_258, %broadcast_in_dim3A_260 : vector<16xi1>, vector<16xf32>
    %swap3A_262 = arith.constant 208 : index
    %swap3A_263 = tpu.vector_load %arg12[%swap3A_262] {strides = array<i32>} : memref<288xf32, #tpu.memory_space<vmem>>, vector<16xf32>,
    tpu.vector_store %arg12[%swap3A_262], %select_n3A_261 {strides = array<i32>} : memref<288xf32, #tpu.memory_space<vmem>>, vector<16xf32>,
    %add3A_264 = arith.constant 224 : i32
    %add3A_265 = vector.broadcast %add3A_264 : i32 to vector<16xi32>
    %add3A_266 = arith.addi %iota3A, %add3A_265 : vector<16xi32>
    %lt3A_267 = vector.broadcast %scan3A_99#0 : i32 to vector<16xi32>
    %lt3A_268 = arith.cmpi slt, %add3A_266, %lt3A_267 : vector<16xi32>
    %get3A_269 = arith.constant 224 : index
    %get3A_270 = tpu.vector_load %arg12[%get3A_269] {strides = array<i32>} : memref<288xf32, #tpu.memory_space<vmem>>, vector<16xf32>,
    %jit3A_271 = arith.constant 0.000000e+00 : f32
    %broadcast_in_dim3A_272 = vector.broadcast %jit3A_271 : f32 to vector<16xf32>
    %select_n3A_273 = arith.select %lt3A_268, %get3A_270, %broadcast_in_dim3A_272 : vector<16xi1>, vector<16xf32>
    %swap3A_274 = arith.constant 224 : index
    %swap3A_275 = tpu.vector_load %arg12[%swap3A_274] {strides = array<i32>} : memref<288xf32, #tpu.memory_space<vmem>>, vector<16xf32>,
    tpu.vector_store %arg12[%swap3A_274], %select_n3A_273 {strides = array<i32>} : memref<288xf32, #tpu.memory_space<vmem>>, vector<16xf32>,
    %add3A_276 = arith.constant 240 : i32
    %add3A_277 = vector.broadcast %add3A_276 : i32 to vector<16xi32>
    %add3A_278 = arith.addi %iota3A, %add3A_277 : vector<16xi32>
    %lt3A_279 = vector.broadcast %scan3A_99#0 : i32 to vector<16xi32>
    %lt3A_280 = arith.cmpi slt, %add3A_278, %lt3A_279 : vector<16xi32>
    %get3A_281 = arith.constant 240 : index
    %get3A_282 = tpu.vector_load %arg12[%get3A_281] {strides = array<i32>} : memref<288xf32, #tpu.memory_space<vmem>>, vector<16xf32>,
    %jit3A_283 = arith.constant 0.000000e+00 : f32
    %broadcast_in_dim3A_284 = vector.broadcast %jit3A_283 : f32 to vector<16xf32>
    %select_n3A_285 = arith.select %lt3A_280, %get3A_282, %broadcast_in_dim3A_284 : vector<16xi1>, vector<16xf32>
    %swap3A_286 = arith.constant 240 : index
    %swap3A_287 = tpu.vector_load %arg12[%swap3A_286] {strides = array<i32>} : memref<288xf32, #tpu.memory_space<vmem>>, vector<16xf32>,
    tpu.vector_store %arg12[%swap3A_286], %select_n3A_285 {strides = array<i32>} : memref<288xf32, #tpu.memory_space<vmem>>, vector<16xf32>,
    %eq3A = arith.constant 0 : i32
    %eq3A_288 = arith.cmpi eq, %scan3A_99#1, %eq3A : i32
    %convert_element_type3A = arith.extui %eq3A_288 : i1 to i32
    %cond3A = arith.constant 0 : i32
    %cond3A_289 = arith.cmpi ne, %convert_element_type3A, %cond3A : i32
    scf.if %cond3A_289 {
      %ge3A = arith.constant 1 : i32
      %ge3A_305 = arith.cmpi sge, %scan3A_99#2, %ge3A : i32
      %convert_element_type3A_306 = arith.extui %ge3A_305 : i1 to i32
      %cond3A_307 = arith.constant 0 : i32
      %cond3A_308 = arith.cmpi ne, %convert_element_type3A_306, %cond3A_307 : i32
      scf.if %cond3A_308 {
        %dma_wait3A = arith.constant 0 : i32
        %dma_wait3A_509 = arith.constant 0 : i32
        %dma_wait3A_510 = tpu.memref_slice %arg5[%dma_wait3A, %dma_wait3A_509] : memref<50000x64xf32, #tpu.memory_space<hbm>> -> memref<50000x64xf32, #tpu.memory_space<hbm>>
        tpu.wait_indirect_dma semaphore(%arg26 : memref<!tpu.dma_semaphore, #tpu.memory_space<semaphore_mem>>) src(%dma_wait3A_510 : memref<50000x64xf32, #tpu.memory_space<hbm>>) dst(%arg20 : memref<256x64xf32, #tpu.memory_space<vmem>>)
        %parallel_loop3A = arith.constant 0 : i32
        %parallel_loop3A_511 = arith.constant 256 : i32
        %parallel_loop3A_512 = arith.constant 1 : i32
        scf.for %parallel_loop3A_516 = %parallel_loop3A to %parallel_loop3A_511 step %parallel_loop3A_512  : i32 {
          %parallel_loop3A_517 = arith.index_cast %parallel_loop3A_516 : i32 to index
          %parallel_loop3A_518 = tpu.vector_load %arg18[%parallel_loop3A_517] {strides = array<i32>} : memref<256xf32, #tpu.memory_space<vmem>>, vector<16xf32>,
          %parallel_loop3A_519 = vector.extract_strided_slice %parallel_loop3A_518 {offsets = [0], sizes = [1], strides = [1]} : vector<16xf32> to vector<1xf32>
          %parallel_loop3A_520 = vector.extract %parallel_loop3A_519[0] : f32 from vector<1xf32>
          %parallel_loop3A_521 = arith.index_cast %parallel_loop3A_516 : i32 to index
          %parallel_loop3A_522 = arith.constant 0 : index
          %parallel_loop3A_523 = tpu.vector_load %arg20[%parallel_loop3A_521, %parallel_loop3A_522] {strides = array<i32>} : memref<256x64xf32, #tpu.memory_space<vmem>>, vector<16xf32>,
          %parallel_loop3A_524 = vector.broadcast %parallel_loop3A_520 : f32 to vector<16xf32>
          %parallel_loop3A_525 = arith.mulf %parallel_loop3A_523, %parallel_loop3A_524 : vector<16xf32>
          %parallel_loop3A_526 = arith.index_cast %parallel_loop3A_516 : i32 to index
          %parallel_loop3A_527 = arith.constant 0 : index
          %parallel_loop3A_528 = tpu.vector_load %arg20[%parallel_loop3A_526, %parallel_loop3A_527] {strides = array<i32>} : memref<256x64xf32, #tpu.memory_space<vmem>>, vector<16xf32>,
          tpu.vector_store %arg20[%parallel_loop3A_526, %parallel_loop3A_527], %parallel_loop3A_525 {strides = array<i32>} : memref<256x64xf32, #tpu.memory_space<vmem>>, vector<16xf32>,
          %parallel_loop3A_529 = arith.index_cast %parallel_loop3A_516 : i32 to index
          %parallel_loop3A_530 = arith.constant 16 : index
          %parallel_loop3A_531 = tpu.vector_load %arg20[%parallel_loop3A_529, %parallel_loop3A_530] {strides = array<i32>} : memref<256x64xf32, #tpu.memory_space<vmem>>, vector<16xf32>,
          %parallel_loop3A_532 = vector.broadcast %parallel_loop3A_520 : f32 to vector<16xf32>
          %parallel_loop3A_533 = arith.mulf %parallel_loop3A_531, %parallel_loop3A_532 : vector<16xf32>
          %parallel_loop3A_534 = arith.index_cast %parallel_loop3A_516 : i32 to index
          %parallel_loop3A_535 = arith.constant 16 : index
          %parallel_loop3A_536 = tpu.vector_load %arg20[%parallel_loop3A_534, %parallel_loop3A_535] {strides = array<i32>} : memref<256x64xf32, #tpu.memory_space<vmem>>, vector<16xf32>,
          tpu.vector_store %arg20[%parallel_loop3A_534, %parallel_loop3A_535], %parallel_loop3A_533 {strides = array<i32>} : memref<256x64xf32, #tpu.memory_space<vmem>>, vector<16xf32>,
          %parallel_loop3A_537 = arith.index_cast %parallel_loop3A_516 : i32 to index
          %parallel_loop3A_538 = arith.constant 32 : index
          %parallel_loop3A_539 = tpu.vector_load %arg20[%parallel_loop3A_537, %parallel_loop3A_538] {strides = array<i32>} : memref<256x64xf32, #tpu.memory_space<vmem>>, vector<16xf32>,
          %parallel_loop3A_540 = vector.broadcast %parallel_loop3A_520 : f32 to vector<16xf32>
          %parallel_loop3A_541 = arith.mulf %parallel_loop3A_539, %parallel_loop3A_540 : vector<16xf32>
          %parallel_loop3A_542 = arith.index_cast %parallel_loop3A_516 : i32 to index
          %parallel_loop3A_543 = arith.constant 32 : index
          %parallel_loop3A_544 = tpu.vector_load %arg20[%parallel_loop3A_542, %parallel_loop3A_543] {strides = array<i32>} : memref<256x64xf32, #tpu.memory_space<vmem>>, vector<16xf32>,
          tpu.vector_store %arg20[%parallel_loop3A_542, %parallel_loop3A_543], %parallel_loop3A_541 {strides = array<i32>} : memref<256x64xf32, #tpu.memory_space<vmem>>, vector<16xf32>,
          %parallel_loop3A_545 = arith.index_cast %parallel_loop3A_516 : i32 to index
          %parallel_loop3A_546 = arith.constant 48 : index
          %parallel_loop3A_547 = tpu.vector_load %arg20[%parallel_loop3A_545, %parallel_loop3A_546] {strides = array<i32>} : memref<256x64xf32, #tpu.memory_space<vmem>>, vector<16xf32>,
          %parallel_loop3A_548 = vector.broadcast %parallel_loop3A_520 : f32 to vector<16xf32>
          %parallel_loop3A_549 = arith.mulf %parallel_loop3A_547, %parallel_loop3A_548 : vector<16xf32>
          %parallel_loop3A_550 = arith.index_cast %parallel_loop3A_516 : i32 to index
          %parallel_loop3A_551 = arith.constant 48 : index
          %parallel_loop3A_552 = tpu.vector_load %arg20[%parallel_loop3A_550, %parallel_loop3A_551] {strides = array<i32>} : memref<256x64xf32, #tpu.memory_space<vmem>>, vector<16xf32>,
          tpu.vector_store %arg20[%parallel_loop3A_550, %parallel_loop3A_551], %parallel_loop3A_549 {strides = array<i32>} : memref<256x64xf32, #tpu.memory_space<vmem>>, vector<16xf32>,
        } {sc.loop_unroll_factor = 4 : i64, sc.parallel_access}
        %dma_start3A_513 = arith.constant 0 : i32
        %dma_start3A_514 = arith.constant 0 : i32
        %dma_start3A_515 = tpu.memref_slice %arg22[%dma_start3A_513, %dma_start3A_514] : memref<12288x64xf32, #tpu.memory_space<vmem_shared>> -> memref<12288x64xf32, #tpu.memory_space<vmem_shared>>
        tpu.enqueue_indirect_dma source(%arg20 : memref<256x64xf32, #tpu.memory_space<vmem>>) target(%dma_start3A_515 : memref<12288x64xf32, #tpu.memory_space<vmem_shared>>) offsets(%arg16 : memref<256xi32, #tpu.memory_space<vmem>>) semaphore(%arg28 : memref<!tpu.dma_semaphore, #tpu.memory_space<semaphore_mem>>) {add = true}
      } else {
      }
      %ge3A_309 = arith.constant 2 : i32
      %ge3A_310 = arith.cmpi sge, %scan3A_99#2, %ge3A_309 : i32
      %convert_element_type3A_311 = arith.extui %ge3A_310 : i1 to i32
      %cond3A_312 = arith.constant 0 : i32
      %cond3A_313 = arith.cmpi ne, %convert_element_type3A_311, %cond3A_312 : i32
      scf.if %cond3A_313 {
        %dma_wait3A = arith.constant 0 : i32
        %dma_wait3A_509 = arith.constant 0 : i32
        %dma_wait3A_510 = tpu.memref_slice %arg22[%dma_wait3A, %dma_wait3A_509] : memref<12288x64xf32, #tpu.memory_space<vmem_shared>> -> memref<12288x64xf32, #tpu.memory_space<vmem_shared>>
        tpu.wait_indirect_dma semaphore(%arg27 : memref<!tpu.dma_semaphore, #tpu.memory_space<semaphore_mem>>) src(%arg19 : memref<256x64xf32, #tpu.memory_space<vmem>>) dst(%dma_wait3A_510 : memref<12288x64xf32, #tpu.memory_space<vmem_shared>>)
      } else {
      }
      %get3A_314 = arith.constant 0 : index
      %get3A_315 = tpu.vector_load %arg11[%get3A_314] {strides = array<i32>} : memref<288xi32, #tpu.memory_space<vmem>>, vector<16xi32>,
      %swap3A_316 = arith.constant 0 : index
      %swap3A_317 = tpu.vector_load %arg14[%swap3A_316] {strides = array<i32>} : memref<256xi32, #tpu.memory_space<vmem>>, vector<16xi32>,
      tpu.vector_store %arg14[%swap3A_316], %get3A_315 {strides = array<i32>} : memref<256xi32, #tpu.memory_space<vmem>>, vector<16xi32>,
      %get3A_318 = arith.constant 0 : index
      %get3A_319 = tpu.vector_load %arg10[%get3A_318] {strides = array<i32>} : memref<288xi32, #tpu.memory_space<vmem>>, vector<16xi32>,
      %swap3A_320 = arith.constant 0 : index
      %swap3A_321 = tpu.vector_load %arg13[%swap3A_320] {strides = array<i32>} : memref<256xi32, #tpu.memory_space<vmem>>, vector<16xi32>,
      tpu.vector_store %arg13[%swap3A_320], %get3A_319 {strides = array<i32>} : memref<256xi32, #tpu.memory_space<vmem>>, vector<16xi32>,
      %get3A_322 = arith.constant 0 : index
      %get3A_323 = tpu.vector_load %arg12[%get3A_322] {strides = array<i32>} : memref<288xf32, #tpu.memory_space<vmem>>, vector<16xf32>,
      %swap3A_324 = arith.constant 0 : index
      %swap3A_325 = tpu.vector_load %arg15[%swap3A_324] {strides = array<i32>} : memref<256xf32, #tpu.memory_space<vmem>>, vector<16xf32>,
      tpu.vector_store %arg15[%swap3A_324], %get3A_323 {strides = array<i32>} : memref<256xf32, #tpu.memory_space<vmem>>, vector<16xf32>,
      %get3A_326 = arith.constant 16 : index
      %get3A_327 = tpu.vector_load %arg11[%get3A_326] {strides = array<i32>} : memref<288xi32, #tpu.memory_space<vmem>>, vector<16xi32>,
      %swap3A_328 = arith.constant 16 : index
      %swap3A_329 = tpu.vector_load %arg14[%swap3A_328] {strides = array<i32>} : memref<256xi32, #tpu.memory_space<vmem>>, vector<16xi32>,
      tpu.vector_store %arg14[%swap3A_328], %get3A_327 {strides = array<i32>} : memref<256xi32, #tpu.memory_space<vmem>>, vector<16xi32>,
      %get3A_330 = arith.constant 16 : index
      %get3A_331 = tpu.vector_load %arg10[%get3A_330] {strides = array<i32>} : memref<288xi32, #tpu.memory_space<vmem>>, vector<16xi32>,
      %swap3A_332 = arith.constant 16 : index
      %swap3A_333 = tpu.vector_load %arg13[%swap3A_332] {strides = array<i32>} : memref<256xi32, #tpu.memory_space<vmem>>, vector<16xi32>,
      tpu.vector_store %arg13[%swap3A_332], %get3A_331 {strides = array<i32>} : memref<256xi32, #tpu.memory_space<vmem>>, vector<16xi32>,
      %get3A_334 = arith.constant 16 : index
      %get3A_335 = tpu.vector_load %arg12[%get3A_334] {strides = array<i32>} : memref<288xf32, #tpu.memory_space<vmem>>, vector<16xf32>,
      %swap3A_336 = arith.constant 16 : index
      %swap3A_337 = tpu.vector_load %arg15[%swap3A_336] {strides = array<i32>} : memref<256xf32, #tpu.memory_space<vmem>>, vector<16xf32>,
      tpu.vector_store %arg15[%swap3A_336], %get3A_335 {strides = array<i32>} : memref<256xf32, #tpu.memory_space<vmem>>, vector<16xf32>,
      %get3A_338 = arith.constant 32 : index
      %get3A_339 = tpu.vector_load %arg11[%get3A_338] {strides = array<i32>} : memref<288xi32, #tpu.memory_space<vmem>>, vector<16xi32>,
      %swap3A_340 = arith.constant 32 : index
      %swap3A_341 = tpu.vector_load %arg14[%swap3A_340] {strides = array<i32>} : memref<256xi32, #tpu.memory_space<vmem>>, vector<16xi32>,
      tpu.vector_store %arg14[%swap3A_340], %get3A_339 {strides = array<i32>} : memref<256xi32, #tpu.memory_space<vmem>>, vector<16xi32>,
      %get3A_342 = arith.constant 32 : index
      %get3A_343 = tpu.vector_load %arg10[%get3A_342] {strides = array<i32>} : memref<288xi32, #tpu.memory_space<vmem>>, vector<16xi32>,
      %swap3A_344 = arith.constant 32 : index
      %swap3A_345 = tpu.vector_load %arg13[%swap3A_344] {strides = array<i32>} : memref<256xi32, #tpu.memory_space<vmem>>, vector<16xi32>,
      tpu.vector_store %arg13[%swap3A_344], %get3A_343 {strides = array<i32>} : memref<256xi32, #tpu.memory_space<vmem>>, vector<16xi32>,
      %get3A_346 = arith.constant 32 : index
      %get3A_347 = tpu.vector_load %arg12[%get3A_346] {strides = array<i32>} : memref<288xf32, #tpu.memory_space<vmem>>, vector<16xf32>,
      %swap3A_348 = arith.constant 32 : index
      %swap3A_349 = tpu.vector_load %arg15[%swap3A_348] {strides = array<i32>} : memref<256xf32, #tpu.memory_space<vmem>>, vector<16xf32>,
      tpu.vector_store %arg15[%swap3A_348], %get3A_347 {strides = array<i32>} : memref<256xf32, #tpu.memory_space<vmem>>, vector<16xf32>,
      %get3A_350 = arith.constant 48 : index
      %get3A_351 = tpu.vector_load %arg11[%get3A_350] {strides = array<i32>} : memref<288xi32, #tpu.memory_space<vmem>>, vector<16xi32>,
      %swap3A_352 = arith.constant 48 : index
      %swap3A_353 = tpu.vector_load %arg14[%swap3A_352] {strides = array<i32>} : memref<256xi32, #tpu.memory_space<vmem>>, vector<16xi32>,
      tpu.vector_store %arg14[%swap3A_352], %get3A_351 {strides = array<i32>} : memref<256xi32, #tpu.memory_space<vmem>>, vector<16xi32>,
      %get3A_354 = arith.constant 48 : index
      %get3A_355 = tpu.vector_load %arg10[%get3A_354] {strides = array<i32>} : memref<288xi32, #tpu.memory_space<vmem>>, vector<16xi32>,
      %swap3A_356 = arith.constant 48 : index
      %swap3A_357 = tpu.vector_load %arg13[%swap3A_356] {strides = array<i32>} : memref<256xi32, #tpu.memory_space<vmem>>, vector<16xi32>,
      tpu.vector_store %arg13[%swap3A_356], %get3A_355 {strides = array<i32>} : memref<256xi32, #tpu.memory_space<vmem>>, vector<16xi32>,
      %get3A_358 = arith.constant 48 : index
      %get3A_359 = tpu.vector_load %arg12[%get3A_358] {strides = array<i32>} : memref<288xf32, #tpu.memory_space<vmem>>, vector<16xf32>,
      %swap3A_360 = arith.constant 48 : index
      %swap3A_361 = tpu.vector_load %arg15[%swap3A_360] {strides = array<i32>} : memref<256xf32, #tpu.memory_space<vmem>>, vector<16xf32>,
      tpu.vector_store %arg15[%swap3A_360], %get3A_359 {strides = array<i32>} : memref<256xf32, #tpu.memory_space<vmem>>, vector<16xf32>,
      %get3A_362 = arith.constant 64 : index
      %get3A_363 = tpu.vector_load %arg11[%get3A_362] {strides = array<i32>} : memref<288xi32, #tpu.memory_space<vmem>>, vector<16xi32>,
      %swap3A_364 = arith.constant 64 : index
      %swap3A_365 = tpu.vector_load %arg14[%swap3A_364] {strides = array<i32>} : memref<256xi32, #tpu.memory_space<vmem>>, vector<16xi32>,
      tpu.vector_store %arg14[%swap3A_364], %get3A_363 {strides = array<i32>} : memref<256xi32, #tpu.memory_space<vmem>>, vector<16xi32>,
      %get3A_366 = arith.constant 64 : index
      %get3A_367 = tpu.vector_load %arg10[%get3A_366] {strides = array<i32>} : memref<288xi32, #tpu.memory_space<vmem>>, vector<16xi32>,
      %swap3A_368 = arith.constant 64 : index
      %swap3A_369 = tpu.vector_load %arg13[%swap3A_368] {strides = array<i32>} : memref<256xi32, #tpu.memory_space<vmem>>, vector<16xi32>,
      tpu.vector_store %arg13[%swap3A_368], %get3A_367 {strides = array<i32>} : memref<256xi32, #tpu.memory_space<vmem>>, vector<16xi32>,
      %get3A_370 = arith.constant 64 : index
      %get3A_371 = tpu.vector_load %arg12[%get3A_370] {strides = array<i32>} : memref<288xf32, #tpu.memory_space<vmem>>, vector<16xf32>,
      %swap3A_372 = arith.constant 64 : index
      %swap3A_373 = tpu.vector_load %arg15[%swap3A_372] {strides = array<i32>} : memref<256xf32, #tpu.memory_space<vmem>>, vector<16xf32>,
      tpu.vector_store %arg15[%swap3A_372], %get3A_371 {strides = array<i32>} : memref<256xf32, #tpu.memory_space<vmem>>, vector<16xf32>,
      %get3A_374 = arith.constant 80 : index
      %get3A_375 = tpu.vector_load %arg11[%get3A_374] {strides = array<i32>} : memref<288xi32, #tpu.memory_space<vmem>>, vector<16xi32>,
      %swap3A_376 = arith.constant 80 : index
      %swap3A_377 = tpu.vector_load %arg14[%swap3A_376] {strides = array<i32>} : memref<256xi32, #tpu.memory_space<vmem>>, vector<16xi32>,
      tpu.vector_store %arg14[%swap3A_376], %get3A_375 {strides = array<i32>} : memref<256xi32, #tpu.memory_space<vmem>>, vector<16xi32>,
      %get3A_378 = arith.constant 80 : index
      %get3A_379 = tpu.vector_load %arg10[%get3A_378] {strides = array<i32>} : memref<288xi32, #tpu.memory_space<vmem>>, vector<16xi32>,
      %swap3A_380 = arith.constant 80 : index
      %swap3A_381 = tpu.vector_load %arg13[%swap3A_380] {strides = array<i32>} : memref<256xi32, #tpu.memory_space<vmem>>, vector<16xi32>,
      tpu.vector_store %arg13[%swap3A_380], %get3A_379 {strides = array<i32>} : memref<256xi32, #tpu.memory_space<vmem>>, vector<16xi32>,
      %get3A_382 = arith.constant 80 : index
      %get3A_383 = tpu.vector_load %arg12[%get3A_382] {strides = array<i32>} : memref<288xf32, #tpu.memory_space<vmem>>, vector<16xf32>,
      %swap3A_384 = arith.constant 80 : index
      %swap3A_385 = tpu.vector_load %arg15[%swap3A_384] {strides = array<i32>} : memref<256xf32, #tpu.memory_space<vmem>>, vector<16xf32>,
      tpu.vector_store %arg15[%swap3A_384], %get3A_383 {strides = array<i32>} : memref<256xf32, #tpu.memory_space<vmem>>, vector<16xf32>,
      %get3A_386 = arith.constant 96 : index
      %get3A_387 = tpu.vector_load %arg11[%get3A_386] {strides = array<i32>} : memref<288xi32, #tpu.memory_space<vmem>>, vector<16xi32>,
      %swap3A_388 = arith.constant 96 : index
      %swap3A_389 = tpu.vector_load %arg14[%swap3A_388] {strides = array<i32>} : memref<256xi32, #tpu.memory_space<vmem>>, vector<16xi32>,
      tpu.vector_store %arg14[%swap3A_388], %get3A_387 {strides = array<i32>} : memref<256xi32, #tpu.memory_space<vmem>>, vector<16xi32>,
      %get3A_390 = arith.constant 96 : index
      %get3A_391 = tpu.vector_load %arg10[%get3A_390] {strides = array<i32>} : memref<288xi32, #tpu.memory_space<vmem>>, vector<16xi32>,
      %swap3A_392 = arith.constant 96 : index
      %swap3A_393 = tpu.vector_load %arg13[%swap3A_392] {strides = array<i32>} : memref<256xi32, #tpu.memory_space<vmem>>, vector<16xi32>,
      tpu.vector_store %arg13[%swap3A_392], %get3A_391 {strides = array<i32>} : memref<256xi32, #tpu.memory_space<vmem>>, vector<16xi32>,
      %get3A_394 = arith.constant 96 : index
      %get3A_395 = tpu.vector_load %arg12[%get3A_394] {strides = array<i32>} : memref<288xf32, #tpu.memory_space<vmem>>, vector<16xf32>,
      %swap3A_396 = arith.constant 96 : index
      %swap3A_397 = tpu.vector_load %arg15[%swap3A_396] {strides = array<i32>} : memref<256xf32, #tpu.memory_space<vmem>>, vector<16xf32>,
      tpu.vector_store %arg15[%swap3A_396], %get3A_395 {strides = array<i32>} : memref<256xf32, #tpu.memory_space<vmem>>, vector<16xf32>,
      %get3A_398 = arith.constant 112 : index
      %get3A_399 = tpu.vector_load %arg11[%get3A_398] {strides = array<i32>} : memref<288xi32, #tpu.memory_space<vmem>>, vector<16xi32>,
      %swap3A_400 = arith.constant 112 : index
      %swap3A_401 = tpu.vector_load %arg14[%swap3A_400] {strides = array<i32>} : memref<256xi32, #tpu.memory_space<vmem>>, vector<16xi32>,
      tpu.vector_store %arg14[%swap3A_400], %get3A_399 {strides = array<i32>} : memref<256xi32, #tpu.memory_space<vmem>>, vector<16xi32>,
      %get3A_402 = arith.constant 112 : index
      %get3A_403 = tpu.vector_load %arg10[%get3A_402] {strides = array<i32>} : memref<288xi32, #tpu.memory_space<vmem>>, vector<16xi32>,
      %swap3A_404 = arith.constant 112 : index
      %swap3A_405 = tpu.vector_load %arg13[%swap3A_404] {strides = array<i32>} : memref<256xi32, #tpu.memory_space<vmem>>, vector<16xi32>,
      tpu.vector_store %arg13[%swap3A_404], %get3A_403 {strides = array<i32>} : memref<256xi32, #tpu.memory_space<vmem>>, vector<16xi32>,
      %get3A_406 = arith.constant 112 : index
      %get3A_407 = tpu.vector_load %arg12[%get3A_406] {strides = array<i32>} : memref<288xf32, #tpu.memory_space<vmem>>, vector<16xf32>,
      %swap3A_408 = arith.constant 112 : index
      %swap3A_409 = tpu.vector_load %arg15[%swap3A_408] {strides = array<i32>} : memref<256xf32, #tpu.memory_space<vmem>>, vector<16xf32>,
      tpu.vector_store %arg15[%swap3A_408], %get3A_407 {strides = array<i32>} : memref<256xf32, #tpu.memory_space<vmem>>, vector<16xf32>,
      %get3A_410 = arith.constant 128 : index
      %get3A_411 = tpu.vector_load %arg11[%get3A_410] {strides = array<i32>} : memref<288xi32, #tpu.memory_space<vmem>>, vector<16xi32>,
      %swap3A_412 = arith.constant 128 : index
      %swap3A_413 = tpu.vector_load %arg14[%swap3A_412] {strides = array<i32>} : memref<256xi32, #tpu.memory_space<vmem>>, vector<16xi32>,
      tpu.vector_store %arg14[%swap3A_412], %get3A_411 {strides = array<i32>} : memref<256xi32, #tpu.memory_space<vmem>>, vector<16xi32>,
      %get3A_414 = arith.constant 128 : index
      %get3A_415 = tpu.vector_load %arg10[%get3A_414] {strides = array<i32>} : memref<288xi32, #tpu.memory_space<vmem>>, vector<16xi32>,
      %swap3A_416 = arith.constant 128 : index
      %swap3A_417 = tpu.vector_load %arg13[%swap3A_416] {strides = array<i32>} : memref<256xi32, #tpu.memory_space<vmem>>, vector<16xi32>,
      tpu.vector_store %arg13[%swap3A_416], %get3A_415 {strides = array<i32>} : memref<256xi32, #tpu.memory_space<vmem>>, vector<16xi32>,
      %get3A_418 = arith.constant 128 : index
      %get3A_419 = tpu.vector_load %arg12[%get3A_418] {strides = array<i32>} : memref<288xf32, #tpu.memory_space<vmem>>, vector<16xf32>,
      %swap3A_420 = arith.constant 128 : index
      %swap3A_421 = tpu.vector_load %arg15[%swap3A_420] {strides = array<i32>} : memref<256xf32, #tpu.memory_space<vmem>>, vector<16xf32>,
      tpu.vector_store %arg15[%swap3A_420], %get3A_419 {strides = array<i32>} : memref<256xf32, #tpu.memory_space<vmem>>, vector<16xf32>,
      %get3A_422 = arith.constant 144 : index
      %get3A_423 = tpu.vector_load %arg11[%get3A_422] {strides = array<i32>} : memref<288xi32, #tpu.memory_space<vmem>>, vector<16xi32>,
      %swap3A_424 = arith.constant 144 : index
      %swap3A_425 = tpu.vector_load %arg14[%swap3A_424] {strides = array<i32>} : memref<256xi32, #tpu.memory_space<vmem>>, vector<16xi32>,
      tpu.vector_store %arg14[%swap3A_424], %get3A_423 {strides = array<i32>} : memref<256xi32, #tpu.memory_space<vmem>>, vector<16xi32>,
      %get3A_426 = arith.constant 144 : index
      %get3A_427 = tpu.vector_load %arg10[%get3A_426] {strides = array<i32>} : memref<288xi32, #tpu.memory_space<vmem>>, vector<16xi32>,
      %swap3A_428 = arith.constant 144 : index
      %swap3A_429 = tpu.vector_load %arg13[%swap3A_428] {strides = array<i32>} : memref<256xi32, #tpu.memory_space<vmem>>, vector<16xi32>,
      tpu.vector_store %arg13[%swap3A_428], %get3A_427 {strides = array<i32>} : memref<256xi32, #tpu.memory_space<vmem>>, vector<16xi32>,
      %get3A_430 = arith.constant 144 : index
      %get3A_431 = tpu.vector_load %arg12[%get3A_430] {strides = array<i32>} : memref<288xf32, #tpu.memory_space<vmem>>, vector<16xf32>,
      %swap3A_432 = arith.constant 144 : index
      %swap3A_433 = tpu.vector_load %arg15[%swap3A_432] {strides = array<i32>} : memref<256xf32, #tpu.memory_space<vmem>>, vector<16xf32>,
      tpu.vector_store %arg15[%swap3A_432], %get3A_431 {strides = array<i32>} : memref<256xf32, #tpu.memory_space<vmem>>, vector<16xf32>,
      %get3A_434 = arith.constant 160 : index
      %get3A_435 = tpu.vector_load %arg11[%get3A_434] {strides = array<i32>} : memref<288xi32, #tpu.memory_space<vmem>>, vector<16xi32>,
      %swap3A_436 = arith.constant 160 : index
      %swap3A_437 = tpu.vector_load %arg14[%swap3A_436] {strides = array<i32>} : memref<256xi32, #tpu.memory_space<vmem>>, vector<16xi32>,
      tpu.vector_store %arg14[%swap3A_436], %get3A_435 {strides = array<i32>} : memref<256xi32, #tpu.memory_space<vmem>>, vector<16xi32>,
      %get3A_438 = arith.constant 160 : index
      %get3A_439 = tpu.vector_load %arg10[%get3A_438] {strides = array<i32>} : memref<288xi32, #tpu.memory_space<vmem>>, vector<16xi32>,
      %swap3A_440 = arith.constant 160 : index
      %swap3A_441 = tpu.vector_load %arg13[%swap3A_440] {strides = array<i32>} : memref<256xi32, #tpu.memory_space<vmem>>, vector<16xi32>,
      tpu.vector_store %arg13[%swap3A_440], %get3A_439 {strides = array<i32>} : memref<256xi32, #tpu.memory_space<vmem>>, vector<16xi32>,
      %get3A_442 = arith.constant 160 : index
      %get3A_443 = tpu.vector_load %arg12[%get3A_442] {strides = array<i32>} : memref<288xf32, #tpu.memory_space<vmem>>, vector<16xf32>,
      %swap3A_444 = arith.constant 160 : index
      %swap3A_445 = tpu.vector_load %arg15[%swap3A_444] {strides = array<i32>} : memref<256xf32, #tpu.memory_space<vmem>>, vector<16xf32>,
      tpu.vector_store %arg15[%swap3A_444], %get3A_443 {strides = array<i32>} : memref<256xf32, #tpu.memory_space<vmem>>, vector<16xf32>,
      %get3A_446 = arith.constant 176 : index
      %get3A_447 = tpu.vector_load %arg11[%get3A_446] {strides = array<i32>} : memref<288xi32, #tpu.memory_space<vmem>>, vector<16xi32>,
      %swap3A_448 = arith.constant 176 : index
      %swap3A_449 = tpu.vector_load %arg14[%swap3A_448] {strides = array<i32>} : memref<256xi32, #tpu.memory_space<vmem>>, vector<16xi32>,
      tpu.vector_store %arg14[%swap3A_448], %get3A_447 {strides = array<i32>} : memref<256xi32, #tpu.memory_space<vmem>>, vector<16xi32>,
      %get3A_450 = arith.constant 176 : index
      %get3A_451 = tpu.vector_load %arg10[%get3A_450] {strides = array<i32>} : memref<288xi32, #tpu.memory_space<vmem>>, vector<16xi32>,
      %swap3A_452 = arith.constant 176 : index
      %swap3A_453 = tpu.vector_load %arg13[%swap3A_452] {strides = array<i32>} : memref<256xi32, #tpu.memory_space<vmem>>, vector<16xi32>,
      tpu.vector_store %arg13[%swap3A_452], %get3A_451 {strides = array<i32>} : memref<256xi32, #tpu.memory_space<vmem>>, vector<16xi32>,
      %get3A_454 = arith.constant 176 : index
      %get3A_455 = tpu.vector_load %arg12[%get3A_454] {strides = array<i32>} : memref<288xf32, #tpu.memory_space<vmem>>, vector<16xf32>,
      %swap3A_456 = arith.constant 176 : index
      %swap3A_457 = tpu.vector_load %arg15[%swap3A_456] {strides = array<i32>} : memref<256xf32, #tpu.memory_space<vmem>>, vector<16xf32>,
      tpu.vector_store %arg15[%swap3A_456], %get3A_455 {strides = array<i32>} : memref<256xf32, #tpu.memory_space<vmem>>, vector<16xf32>,
      %get3A_458 = arith.constant 192 : index
      %get3A_459 = tpu.vector_load %arg11[%get3A_458] {strides = array<i32>} : memref<288xi32, #tpu.memory_space<vmem>>, vector<16xi32>,
      %swap3A_460 = arith.constant 192 : index
      %swap3A_461 = tpu.vector_load %arg14[%swap3A_460] {strides = array<i32>} : memref<256xi32, #tpu.memory_space<vmem>>, vector<16xi32>,
      tpu.vector_store %arg14[%swap3A_460], %get3A_459 {strides = array<i32>} : memref<256xi32, #tpu.memory_space<vmem>>, vector<16xi32>,
      %get3A_462 = arith.constant 192 : index
      %get3A_463 = tpu.vector_load %arg10[%get3A_462] {strides = array<i32>} : memref<288xi32, #tpu.memory_space<vmem>>, vector<16xi32>,
      %swap3A_464 = arith.constant 192 : index
      %swap3A_465 = tpu.vector_load %arg13[%swap3A_464] {strides = array<i32>} : memref<256xi32, #tpu.memory_space<vmem>>, vector<16xi32>,
      tpu.vector_store %arg13[%swap3A_464], %get3A_463 {strides = array<i32>} : memref<256xi32, #tpu.memory_space<vmem>>, vector<16xi32>,
      %get3A_466 = arith.constant 192 : index
      %get3A_467 = tpu.vector_load %arg12[%get3A_466] {strides = array<i32>} : memref<288xf32, #tpu.memory_space<vmem>>, vector<16xf32>,
      %swap3A_468 = arith.constant 192 : index
      %swap3A_469 = tpu.vector_load %arg15[%swap3A_468] {strides = array<i32>} : memref<256xf32, #tpu.memory_space<vmem>>, vector<16xf32>,
      tpu.vector_store %arg15[%swap3A_468], %get3A_467 {strides = array<i32>} : memref<256xf32, #tpu.memory_space<vmem>>, vector<16xf32>,
      %get3A_470 = arith.constant 208 : index
      %get3A_471 = tpu.vector_load %arg11[%get3A_470] {strides = array<i32>} : memref<288xi32, #tpu.memory_space<vmem>>, vector<16xi32>,
      %swap3A_472 = arith.constant 208 : index
      %swap3A_473 = tpu.vector_load %arg14[%swap3A_472] {strides = array<i32>} : memref<256xi32, #tpu.memory_space<vmem>>, vector<16xi32>,
      tpu.vector_store %arg14[%swap3A_472], %get3A_471 {strides = array<i32>} : memref<256xi32, #tpu.memory_space<vmem>>, vector<16xi32>,
      %get3A_474 = arith.constant 208 : index
      %get3A_475 = tpu.vector_load %arg10[%get3A_474] {strides = array<i32>} : memref<288xi32, #tpu.memory_space<vmem>>, vector<16xi32>,
      %swap3A_476 = arith.constant 208 : index
      %swap3A_477 = tpu.vector_load %arg13[%swap3A_476] {strides = array<i32>} : memref<256xi32, #tpu.memory_space<vmem>>, vector<16xi32>,
      tpu.vector_store %arg13[%swap3A_476], %get3A_475 {strides = array<i32>} : memref<256xi32, #tpu.memory_space<vmem>>, vector<16xi32>,
      %get3A_478 = arith.constant 208 : index
      %get3A_479 = tpu.vector_load %arg12[%get3A_478] {strides = array<i32>} : memref<288xf32, #tpu.memory_space<vmem>>, vector<16xf32>,
      %swap3A_480 = arith.constant 208 : index
      %swap3A_481 = tpu.vector_load %arg15[%swap3A_480] {strides = array<i32>} : memref<256xf32, #tpu.memory_space<vmem>>, vector<16xf32>,
      tpu.vector_store %arg15[%swap3A_480], %get3A_479 {strides = array<i32>} : memref<256xf32, #tpu.memory_space<vmem>>, vector<16xf32>,
      %get3A_482 = arith.constant 224 : index
      %get3A_483 = tpu.vector_load %arg11[%get3A_482] {strides = array<i32>} : memref<288xi32, #tpu.memory_space<vmem>>, vector<16xi32>,
      %swap3A_484 = arith.constant 224 : index
      %swap3A_485 = tpu.vector_load %arg14[%swap3A_484] {strides = array<i32>} : memref<256xi32, #tpu.memory_space<vmem>>, vector<16xi32>,
      tpu.vector_store %arg14[%swap3A_484], %get3A_483 {strides = array<i32>} : memref<256xi32, #tpu.memory_space<vmem>>, vector<16xi32>,
      %get3A_486 = arith.constant 224 : index
      %get3A_487 = tpu.vector_load %arg10[%get3A_486] {strides = array<i32>} : memref<288xi32, #tpu.memory_space<vmem>>, vector<16xi32>,
      %swap3A_488 = arith.constant 224 : index
      %swap3A_489 = tpu.vector_load %arg13[%swap3A_488] {strides = array<i32>} : memref<256xi32, #tpu.memory_space<vmem>>, vector<16xi32>,
      tpu.vector_store %arg13[%swap3A_488], %get3A_487 {strides = array<i32>} : memref<256xi32, #tpu.memory_space<vmem>>, vector<16xi32>,
      %get3A_490 = arith.constant 224 : index
      %get3A_491 = tpu.vector_load %arg12[%get3A_490] {strides = array<i32>} : memref<288xf32, #tpu.memory_space<vmem>>, vector<16xf32>,
      %swap3A_492 = arith.constant 224 : index
      %swap3A_493 = tpu.vector_load %arg15[%swap3A_492] {strides = array<i32>} : memref<256xf32, #tpu.memory_space<vmem>>, vector<16xf32>,
      tpu.vector_store %arg15[%swap3A_492], %get3A_491 {strides = array<i32>} : memref<256xf32, #tpu.memory_space<vmem>>, vector<16xf32>,
      %get3A_494 = arith.constant 240 : index
      %get3A_495 = tpu.vector_load %arg11[%get3A_494] {strides = array<i32>} : memref<288xi32, #tpu.memory_space<vmem>>, vector<16xi32>,
      %swap3A_496 = arith.constant 240 : index
      %swap3A_497 = tpu.vector_load %arg14[%swap3A_496] {strides = array<i32>} : memref<256xi32, #tpu.memory_space<vmem>>, vector<16xi32>,
      tpu.vector_store %arg14[%swap3A_496], %get3A_495 {strides = array<i32>} : memref<256xi32, #tpu.memory_space<vmem>>, vector<16xi32>,
      %get3A_498 = arith.constant 240 : index
      %get3A_499 = tpu.vector_load %arg10[%get3A_498] {strides = array<i32>} : memref<288xi32, #tpu.memory_space<vmem>>, vector<16xi32>,
      %swap3A_500 = arith.constant 240 : index
      %swap3A_501 = tpu.vector_load %arg13[%swap3A_500] {strides = array<i32>} : memref<256xi32, #tpu.memory_space<vmem>>, vector<16xi32>,
      tpu.vector_store %arg13[%swap3A_500], %get3A_499 {strides = array<i32>} : memref<256xi32, #tpu.memory_space<vmem>>, vector<16xi32>,
      %get3A_502 = arith.constant 240 : index
      %get3A_503 = tpu.vector_load %arg12[%get3A_502] {strides = array<i32>} : memref<288xf32, #tpu.memory_space<vmem>>, vector<16xf32>,
      %swap3A_504 = arith.constant 240 : index
      %swap3A_505 = tpu.vector_load %arg15[%swap3A_504] {strides = array<i32>} : memref<256xf32, #tpu.memory_space<vmem>>, vector<16xf32>,
      tpu.vector_store %arg15[%swap3A_504], %get3A_503 {strides = array<i32>} : memref<256xf32, #tpu.memory_space<vmem>>, vector<16xf32>,
      %dma_start3A_506 = arith.constant 0 : i32
      %dma_start3A_507 = arith.constant 0 : i32
      %dma_start3A_508 = tpu.memref_slice %arg5[%dma_start3A_506, %dma_start3A_507] : memref<50000x64xf32, #tpu.memory_space<hbm>> -> memref<50000x64xf32, #tpu.memory_space<hbm>>
      tpu.enqueue_indirect_dma source(%dma_start3A_508 : memref<50000x64xf32, #tpu.memory_space<hbm>>) target(%arg19 : memref<256x64xf32, #tpu.memory_space<vmem>>) offsets(%arg14 : memref<256xi32, #tpu.memory_space<vmem>>) semaphore(%arg25 : memref<!tpu.dma_semaphore, #tpu.memory_space<semaphore_mem>>)
    } else {
      %ge3A = arith.constant 1 : i32
      %ge3A_305 = arith.cmpi sge, %scan3A_99#2, %ge3A : i32
      %convert_element_type3A_306 = arith.extui %ge3A_305 : i1 to i32
      %cond3A_307 = arith.constant 0 : i32
      %cond3A_308 = arith.cmpi ne, %convert_element_type3A_306, %cond3A_307 : i32
      scf.if %cond3A_308 {
        %dma_wait3A = arith.constant 0 : i32
        %dma_wait3A_509 = arith.constant 0 : i32
        %dma_wait3A_510 = tpu.memref_slice %arg5[%dma_wait3A, %dma_wait3A_509] : memref<50000x64xf32, #tpu.memory_space<hbm>> -> memref<50000x64xf32, #tpu.memory_space<hbm>>
        tpu.wait_indirect_dma semaphore(%arg25 : memref<!tpu.dma_semaphore, #tpu.memory_space<semaphore_mem>>) src(%dma_wait3A_510 : memref<50000x64xf32, #tpu.memory_space<hbm>>) dst(%arg19 : memref<256x64xf32, #tpu.memory_space<vmem>>)
        %parallel_loop3A = arith.constant 0 : i32
        %parallel_loop3A_511 = arith.constant 256 : i32
        %parallel_loop3A_512 = arith.constant 1 : i32
        scf.for %parallel_loop3A_516 = %parallel_loop3A to %parallel_loop3A_511 step %parallel_loop3A_512  : i32 {
          %parallel_loop3A_517 = arith.index_cast %parallel_loop3A_516 : i32 to index
          %parallel_loop3A_518 = tpu.vector_load %arg15[%parallel_loop3A_517] {strides = array<i32>} : memref<256xf32, #tpu.memory_space<vmem>>, vector<16xf32>,
          %parallel_loop3A_519 = vector.extract_strided_slice %parallel_loop3A_518 {offsets = [0], sizes = [1], strides = [1]} : vector<16xf32> to vector<1xf32>
          %parallel_loop3A_520 = vector.extract %parallel_loop3A_519[0] : f32 from vector<1xf32>
          %parallel_loop3A_521 = arith.index_cast %parallel_loop3A_516 : i32 to index
          %parallel_loop3A_522 = arith.constant 0 : index
          %parallel_loop3A_523 = tpu.vector_load %arg19[%parallel_loop3A_521, %parallel_loop3A_522] {strides = array<i32>} : memref<256x64xf32, #tpu.memory_space<vmem>>, vector<16xf32>,
          %parallel_loop3A_524 = vector.broadcast %parallel_loop3A_520 : f32 to vector<16xf32>
          %parallel_loop3A_525 = arith.mulf %parallel_loop3A_523, %parallel_loop3A_524 : vector<16xf32>
          %parallel_loop3A_526 = arith.index_cast %parallel_loop3A_516 : i32 to index
          %parallel_loop3A_527 = arith.constant 0 : index
          %parallel_loop3A_528 = tpu.vector_load %arg19[%parallel_loop3A_526, %parallel_loop3A_527] {strides = array<i32>} : memref<256x64xf32, #tpu.memory_space<vmem>>, vector<16xf32>,
          tpu.vector_store %arg19[%parallel_loop3A_526, %parallel_loop3A_527], %parallel_loop3A_525 {strides = array<i32>} : memref<256x64xf32, #tpu.memory_space<vmem>>, vector<16xf32>,
          %parallel_loop3A_529 = arith.index_cast %parallel_loop3A_516 : i32 to index
          %parallel_loop3A_530 = arith.constant 16 : index
          %parallel_loop3A_531 = tpu.vector_load %arg19[%parallel_loop3A_529, %parallel_loop3A_530] {strides = array<i32>} : memref<256x64xf32, #tpu.memory_space<vmem>>, vector<16xf32>,
          %parallel_loop3A_532 = vector.broadcast %parallel_loop3A_520 : f32 to vector<16xf32>
          %parallel_loop3A_533 = arith.mulf %parallel_loop3A_531, %parallel_loop3A_532 : vector<16xf32>
          %parallel_loop3A_534 = arith.index_cast %parallel_loop3A_516 : i32 to index
          %parallel_loop3A_535 = arith.constant 16 : index
          %parallel_loop3A_536 = tpu.vector_load %arg19[%parallel_loop3A_534, %parallel_loop3A_535] {strides = array<i32>} : memref<256x64xf32, #tpu.memory_space<vmem>>, vector<16xf32>,
          tpu.vector_store %arg19[%parallel_loop3A_534, %parallel_loop3A_535], %parallel_loop3A_533 {strides = array<i32>} : memref<256x64xf32, #tpu.memory_space<vmem>>, vector<16xf32>,
          %parallel_loop3A_537 = arith.index_cast %parallel_loop3A_516 : i32 to index
          %parallel_loop3A_538 = arith.constant 32 : index
          %parallel_loop3A_539 = tpu.vector_load %arg19[%parallel_loop3A_537, %parallel_loop3A_538] {strides = array<i32>} : memref<256x64xf32, #tpu.memory_space<vmem>>, vector<16xf32>,
          %parallel_loop3A_540 = vector.broadcast %parallel_loop3A_520 : f32 to vector<16xf32>
          %parallel_loop3A_541 = arith.mulf %parallel_loop3A_539, %parallel_loop3A_540 : vector<16xf32>
          %parallel_loop3A_542 = arith.index_cast %parallel_loop3A_516 : i32 to index
          %parallel_loop3A_543 = arith.constant 32 : index
          %parallel_loop3A_544 = tpu.vector_load %arg19[%parallel_loop3A_542, %parallel_loop3A_543] {strides = array<i32>} : memref<256x64xf32, #tpu.memory_space<vmem>>, vector<16xf32>,
          tpu.vector_store %arg19[%parallel_loop3A_542, %parallel_loop3A_543], %parallel_loop3A_541 {strides = array<i32>} : memref<256x64xf32, #tpu.memory_space<vmem>>, vector<16xf32>,
          %parallel_loop3A_545 = arith.index_cast %parallel_loop3A_516 : i32 to index
          %parallel_loop3A_546 = arith.constant 48 : index
          %parallel_loop3A_547 = tpu.vector_load %arg19[%parallel_loop3A_545, %parallel_loop3A_546] {strides = array<i32>} : memref<256x64xf32, #tpu.memory_space<vmem>>, vector<16xf32>,
          %parallel_loop3A_548 = vector.broadcast %parallel_loop3A_520 : f32 to vector<16xf32>
          %parallel_loop3A_549 = arith.mulf %parallel_loop3A_547, %parallel_loop3A_548 : vector<16xf32>
          %parallel_loop3A_550 = arith.index_cast %parallel_loop3A_516 : i32 to index
          %parallel_loop3A_551 = arith.constant 48 : index
          %parallel_loop3A_552 = tpu.vector_load %arg19[%parallel_loop3A_550, %parallel_loop3A_551] {strides = array<i32>} : memref<256x64xf32, #tpu.memory_space<vmem>>, vector<16xf32>,
          tpu.vector_store %arg19[%parallel_loop3A_550, %parallel_loop3A_551], %parallel_loop3A_549 {strides = array<i32>} : memref<256x64xf32, #tpu.memory_space<vmem>>, vector<16xf32>,
        } {sc.loop_unroll_factor = 4 : i64, sc.parallel_access}
        %dma_start3A_513 = arith.constant 0 : i32
        %dma_start3A_514 = arith.constant 0 : i32
        %dma_start3A_515 = tpu.memref_slice %arg22[%dma_start3A_513, %dma_start3A_514] : memref<12288x64xf32, #tpu.memory_space<vmem_shared>> -> memref<12288x64xf32, #tpu.memory_space<vmem_shared>>
        tpu.enqueue_indirect_dma source(%arg19 : memref<256x64xf32, #tpu.memory_space<vmem>>) target(%dma_start3A_515 : memref<12288x64xf32, #tpu.memory_space<vmem_shared>>) offsets(%arg13 : memref<256xi32, #tpu.memory_space<vmem>>) semaphore(%arg27 : memref<!tpu.dma_semaphore, #tpu.memory_space<semaphore_mem>>) {add = true}
      } else {
      }
      %ge3A_309 = arith.constant 2 : i32
      %ge3A_310 = arith.cmpi sge, %scan3A_99#2, %ge3A_309 : i32
      %convert_element_type3A_311 = arith.extui %ge3A_310 : i1 to i32
      %cond3A_312 = arith.constant 0 : i32
      %cond3A_313 = arith.cmpi ne, %convert_element_type3A_311, %cond3A_312 : i32
      scf.if %cond3A_313 {
        %dma_wait3A = arith.constant 0 : i32
        %dma_wait3A_509 = arith.constant 0 : i32
        %dma_wait3A_510 = tpu.memref_slice %arg22[%dma_wait3A, %dma_wait3A_509] : memref<12288x64xf32, #tpu.memory_space<vmem_shared>> -> memref<12288x64xf32, #tpu.memory_space<vmem_shared>>
        tpu.wait_indirect_dma semaphore(%arg28 : memref<!tpu.dma_semaphore, #tpu.memory_space<semaphore_mem>>) src(%arg20 : memref<256x64xf32, #tpu.memory_space<vmem>>) dst(%dma_wait3A_510 : memref<12288x64xf32, #tpu.memory_space<vmem_shared>>)
      } else {
      }
      %get3A_314 = arith.constant 0 : index
      %get3A_315 = tpu.vector_load %arg11[%get3A_314] {strides = array<i32>} : memref<288xi32, #tpu.memory_space<vmem>>, vector<16xi32>,
      %swap3A_316 = arith.constant 0 : index
      %swap3A_317 = tpu.vector_load %arg17[%swap3A_316] {strides = array<i32>} : memref<256xi32, #tpu.memory_space<vmem>>, vector<16xi32>,
      tpu.vector_store %arg17[%swap3A_316], %get3A_315 {strides = array<i32>} : memref<256xi32, #tpu.memory_space<vmem>>, vector<16xi32>,
      %get3A_318 = arith.constant 0 : index
      %get3A_319 = tpu.vector_load %arg10[%get3A_318] {strides = array<i32>} : memref<288xi32, #tpu.memory_space<vmem>>, vector<16xi32>,
      %swap3A_320 = arith.constant 0 : index
      %swap3A_321 = tpu.vector_load %arg16[%swap3A_320] {strides = array<i32>} : memref<256xi32, #tpu.memory_space<vmem>>, vector<16xi32>,
      tpu.vector_store %arg16[%swap3A_320], %get3A_319 {strides = array<i32>} : memref<256xi32, #tpu.memory_space<vmem>>, vector<16xi32>,
      %get3A_322 = arith.constant 0 : index
      %get3A_323 = tpu.vector_load %arg12[%get3A_322] {strides = array<i32>} : memref<288xf32, #tpu.memory_space<vmem>>, vector<16xf32>,
      %swap3A_324 = arith.constant 0 : index
      %swap3A_325 = tpu.vector_load %arg18[%swap3A_324] {strides = array<i32>} : memref<256xf32, #tpu.memory_space<vmem>>, vector<16xf32>,
      tpu.vector_store %arg18[%swap3A_324], %get3A_323 {strides = array<i32>} : memref<256xf32, #tpu.memory_space<vmem>>, vector<16xf32>,
      %get3A_326 = arith.constant 16 : index
      %get3A_327 = tpu.vector_load %arg11[%get3A_326] {strides = array<i32>} : memref<288xi32, #tpu.memory_space<vmem>>, vector<16xi32>,
      %swap3A_328 = arith.constant 16 : index
      %swap3A_329 = tpu.vector_load %arg17[%swap3A_328] {strides = array<i32>} : memref<256xi32, #tpu.memory_space<vmem>>, vector<16xi32>,
      tpu.vector_store %arg17[%swap3A_328], %get3A_327 {strides = array<i32>} : memref<256xi32, #tpu.memory_space<vmem>>, vector<16xi32>,
      %get3A_330 = arith.constant 16 : index
      %get3A_331 = tpu.vector_load %arg10[%get3A_330] {strides = array<i32>} : memref<288xi32, #tpu.memory_space<vmem>>, vector<16xi32>,
      %swap3A_332 = arith.constant 16 : index
      %swap3A_333 = tpu.vector_load %arg16[%swap3A_332] {strides = array<i32>} : memref<256xi32, #tpu.memory_space<vmem>>, vector<16xi32>,
      tpu.vector_store %arg16[%swap3A_332], %get3A_331 {strides = array<i32>} : memref<256xi32, #tpu.memory_space<vmem>>, vector<16xi32>,
      %get3A_334 = arith.constant 16 : index
      %get3A_335 = tpu.vector_load %arg12[%get3A_334] {strides = array<i32>} : memref<288xf32, #tpu.memory_space<vmem>>, vector<16xf32>,
      %swap3A_336 = arith.constant 16 : index
      %swap3A_337 = tpu.vector_load %arg18[%swap3A_336] {strides = array<i32>} : memref<256xf32, #tpu.memory_space<vmem>>, vector<16xf32>,
      tpu.vector_store %arg18[%swap3A_336], %get3A_335 {strides = array<i32>} : memref<256xf32, #tpu.memory_space<vmem>>, vector<16xf32>,
      %get3A_338 = arith.constant 32 : index
      %get3A_339 = tpu.vector_load %arg11[%get3A_338] {strides = array<i32>} : memref<288xi32, #tpu.memory_space<vmem>>, vector<16xi32>,
      %swap3A_340 = arith.constant 32 : index
      %swap3A_341 = tpu.vector_load %arg17[%swap3A_340] {strides = array<i32>} : memref<256xi32, #tpu.memory_space<vmem>>, vector<16xi32>,
      tpu.vector_store %arg17[%swap3A_340], %get3A_339 {strides = array<i32>} : memref<256xi32, #tpu.memory_space<vmem>>, vector<16xi32>,
      %get3A_342 = arith.constant 32 : index
      %get3A_343 = tpu.vector_load %arg10[%get3A_342] {strides = array<i32>} : memref<288xi32, #tpu.memory_space<vmem>>, vector<16xi32>,
      %swap3A_344 = arith.constant 32 : index
      %swap3A_345 = tpu.vector_load %arg16[%swap3A_344] {strides = array<i32>} : memref<256xi32, #tpu.memory_space<vmem>>, vector<16xi32>,
      tpu.vector_store %arg16[%swap3A_344], %get3A_343 {strides = array<i32>} : memref<256xi32, #tpu.memory_space<vmem>>, vector<16xi32>,
      %get3A_346 = arith.constant 32 : index
      %get3A_347 = tpu.vector_load %arg12[%get3A_346] {strides = array<i32>} : memref<288xf32, #tpu.memory_space<vmem>>, vector<16xf32>,
      %swap3A_348 = arith.constant 32 : index
      %swap3A_349 = tpu.vector_load %arg18[%swap3A_348] {strides = array<i32>} : memref<256xf32, #tpu.memory_space<vmem>>, vector<16xf32>,
      tpu.vector_store %arg18[%swap3A_348], %get3A_347 {strides = array<i32>} : memref<256xf32, #tpu.memory_space<vmem>>, vector<16xf32>,
      %get3A_350 = arith.constant 48 : index
      %get3A_351 = tpu.vector_load %arg11[%get3A_350] {strides = array<i32>} : memref<288xi32, #tpu.memory_space<vmem>>, vector<16xi32>,
      %swap3A_352 = arith.constant 48 : index
      %swap3A_353 = tpu.vector_load %arg17[%swap3A_352] {strides = array<i32>} : memref<256xi32, #tpu.memory_space<vmem>>, vector<16xi32>,
      tpu.vector_store %arg17[%swap3A_352], %get3A_351 {strides = array<i32>} : memref<256xi32, #tpu.memory_space<vmem>>, vector<16xi32>,
      %get3A_354 = arith.constant 48 : index
      %get3A_355 = tpu.vector_load %arg10[%get3A_354] {strides = array<i32>} : memref<288xi32, #tpu.memory_space<vmem>>, vector<16xi32>,
      %swap3A_356 = arith.constant 48 : index
      %swap3A_357 = tpu.vector_load %arg16[%swap3A_356] {strides = array<i32>} : memref<256xi32, #tpu.memory_space<vmem>>, vector<16xi32>,
      tpu.vector_store %arg16[%swap3A_356], %get3A_355 {strides = array<i32>} : memref<256xi32, #tpu.memory_space<vmem>>, vector<16xi32>,
      %get3A_358 = arith.constant 48 : index
      %get3A_359 = tpu.vector_load %arg12[%get3A_358] {strides = array<i32>} : memref<288xf32, #tpu.memory_space<vmem>>, vector<16xf32>,
      %swap3A_360 = arith.constant 48 : index
      %swap3A_361 = tpu.vector_load %arg18[%swap3A_360] {strides = array<i32>} : memref<256xf32, #tpu.memory_space<vmem>>, vector<16xf32>,
      tpu.vector_store %arg18[%swap3A_360], %get3A_359 {strides = array<i32>} : memref<256xf32, #tpu.memory_space<vmem>>, vector<16xf32>,
      %get3A_362 = arith.constant 64 : index
      %get3A_363 = tpu.vector_load %arg11[%get3A_362] {strides = array<i32>} : memref<288xi32, #tpu.memory_space<vmem>>, vector<16xi32>,
      %swap3A_364 = arith.constant 64 : index
      %swap3A_365 = tpu.vector_load %arg17[%swap3A_364] {strides = array<i32>} : memref<256xi32, #tpu.memory_space<vmem>>, vector<16xi32>,
      tpu.vector_store %arg17[%swap3A_364], %get3A_363 {strides = array<i32>} : memref<256xi32, #tpu.memory_space<vmem>>, vector<16xi32>,
      %get3A_366 = arith.constant 64 : index
      %get3A_367 = tpu.vector_load %arg10[%get3A_366] {strides = array<i32>} : memref<288xi32, #tpu.memory_space<vmem>>, vector<16xi32>,
      %swap3A_368 = arith.constant 64 : index
      %swap3A_369 = tpu.vector_load %arg16[%swap3A_368] {strides = array<i32>} : memref<256xi32, #tpu.memory_space<vmem>>, vector<16xi32>,
      tpu.vector_store %arg16[%swap3A_368], %get3A_367 {strides = array<i32>} : memref<256xi32, #tpu.memory_space<vmem>>, vector<16xi32>,
      %get3A_370 = arith.constant 64 : index
      %get3A_371 = tpu.vector_load %arg12[%get3A_370] {strides = array<i32>} : memref<288xf32, #tpu.memory_space<vmem>>, vector<16xf32>,
      %swap3A_372 = arith.constant 64 : index
      %swap3A_373 = tpu.vector_load %arg18[%swap3A_372] {strides = array<i32>} : memref<256xf32, #tpu.memory_space<vmem>>, vector<16xf32>,
      tpu.vector_store %arg18[%swap3A_372], %get3A_371 {strides = array<i32>} : memref<256xf32, #tpu.memory_space<vmem>>, vector<16xf32>,
      %get3A_374 = arith.constant 80 : index
      %get3A_375 = tpu.vector_load %arg11[%get3A_374] {strides = array<i32>} : memref<288xi32, #tpu.memory_space<vmem>>, vector<16xi32>,
      %swap3A_376 = arith.constant 80 : index
      %swap3A_377 = tpu.vector_load %arg17[%swap3A_376] {strides = array<i32>} : memref<256xi32, #tpu.memory_space<vmem>>, vector<16xi32>,
      tpu.vector_store %arg17[%swap3A_376], %get3A_375 {strides = array<i32>} : memref<256xi32, #tpu.memory_space<vmem>>, vector<16xi32>,
      %get3A_378 = arith.constant 80 : index
      %get3A_379 = tpu.vector_load %arg10[%get3A_378] {strides = array<i32>} : memref<288xi32, #tpu.memory_space<vmem>>, vector<16xi32>,
      %swap3A_380 = arith.constant 80 : index
      %swap3A_381 = tpu.vector_load %arg16[%swap3A_380] {strides = array<i32>} : memref<256xi32, #tpu.memory_space<vmem>>, vector<16xi32>,
      tpu.vector_store %arg16[%swap3A_380], %get3A_379 {strides = array<i32>} : memref<256xi32, #tpu.memory_space<vmem>>, vector<16xi32>,
      %get3A_382 = arith.constant 80 : index
      %get3A_383 = tpu.vector_load %arg12[%get3A_382] {strides = array<i32>} : memref<288xf32, #tpu.memory_space<vmem>>, vector<16xf32>,
      %swap3A_384 = arith.constant 80 : index
      %swap3A_385 = tpu.vector_load %arg18[%swap3A_384] {strides = array<i32>} : memref<256xf32, #tpu.memory_space<vmem>>, vector<16xf32>,
      tpu.vector_store %arg18[%swap3A_384], %get3A_383 {strides = array<i32>} : memref<256xf32, #tpu.memory_space<vmem>>, vector<16xf32>,
      %get3A_386 = arith.constant 96 : index
      %get3A_387 = tpu.vector_load %arg11[%get3A_386] {strides = array<i32>} : memref<288xi32, #tpu.memory_space<vmem>>, vector<16xi32>,
      %swap3A_388 = arith.constant 96 : index
      %swap3A_389 = tpu.vector_load %arg17[%swap3A_388] {strides = array<i32>} : memref<256xi32, #tpu.memory_space<vmem>>, vector<16xi32>,
      tpu.vector_store %arg17[%swap3A_388], %get3A_387 {strides = array<i32>} : memref<256xi32, #tpu.memory_space<vmem>>, vector<16xi32>,
      %get3A_390 = arith.constant 96 : index
      %get3A_391 = tpu.vector_load %arg10[%get3A_390] {strides = array<i32>} : memref<288xi32, #tpu.memory_space<vmem>>, vector<16xi32>,
      %swap3A_392 = arith.constant 96 : index
      %swap3A_393 = tpu.vector_load %arg16[%swap3A_392] {strides = array<i32>} : memref<256xi32, #tpu.memory_space<vmem>>, vector<16xi32>,
      tpu.vector_store %arg16[%swap3A_392], %get3A_391 {strides = array<i32>} : memref<256xi32, #tpu.memory_space<vmem>>, vector<16xi32>,
      %get3A_394 = arith.constant 96 : index
      %get3A_395 = tpu.vector_load %arg12[%get3A_394] {strides = array<i32>} : memref<288xf32, #tpu.memory_space<vmem>>, vector<16xf32>,
      %swap3A_396 = arith.constant 96 : index
      %swap3A_397 = tpu.vector_load %arg18[%swap3A_396] {strides = array<i32>} : memref<256xf32, #tpu.memory_space<vmem>>, vector<16xf32>,
      tpu.vector_store %arg18[%swap3A_396], %get3A_395 {strides = array<i32>} : memref<256xf32, #tpu.memory_space<vmem>>, vector<16xf32>,
      %get3A_398 = arith.constant 112 : index
      %get3A_399 = tpu.vector_load %arg11[%get3A_398] {strides = array<i32>} : memref<288xi32, #tpu.memory_space<vmem>>, vector<16xi32>,
      %swap3A_400 = arith.constant 112 : index
      %swap3A_401 = tpu.vector_load %arg17[%swap3A_400] {strides = array<i32>} : memref<256xi32, #tpu.memory_space<vmem>>, vector<16xi32>,
      tpu.vector_store %arg17[%swap3A_400], %get3A_399 {strides = array<i32>} : memref<256xi32, #tpu.memory_space<vmem>>, vector<16xi32>,
      %get3A_402 = arith.constant 112 : index
      %get3A_403 = tpu.vector_load %arg10[%get3A_402] {strides = array<i32>} : memref<288xi32, #tpu.memory_space<vmem>>, vector<16xi32>,
      %swap3A_404 = arith.constant 112 : index
      %swap3A_405 = tpu.vector_load %arg16[%swap3A_404] {strides = array<i32>} : memref<256xi32, #tpu.memory_space<vmem>>, vector<16xi32>,
      tpu.vector_store %arg16[%swap3A_404], %get3A_403 {strides = array<i32>} : memref<256xi32, #tpu.memory_space<vmem>>, vector<16xi32>,
      %get3A_406 = arith.constant 112 : index
      %get3A_407 = tpu.vector_load %arg12[%get3A_406] {strides = array<i32>} : memref<288xf32, #tpu.memory_space<vmem>>, vector<16xf32>,
      %swap3A_408 = arith.constant 112 : index
      %swap3A_409 = tpu.vector_load %arg18[%swap3A_408] {strides = array<i32>} : memref<256xf32, #tpu.memory_space<vmem>>, vector<16xf32>,
      tpu.vector_store %arg18[%swap3A_408], %get3A_407 {strides = array<i32>} : memref<256xf32, #tpu.memory_space<vmem>>, vector<16xf32>,
      %get3A_410 = arith.constant 128 : index
      %get3A_411 = tpu.vector_load %arg11[%get3A_410] {strides = array<i32>} : memref<288xi32, #tpu.memory_space<vmem>>, vector<16xi32>,
      %swap3A_412 = arith.constant 128 : index
      %swap3A_413 = tpu.vector_load %arg17[%swap3A_412] {strides = array<i32>} : memref<256xi32, #tpu.memory_space<vmem>>, vector<16xi32>,
      tpu.vector_store %arg17[%swap3A_412], %get3A_411 {strides = array<i32>} : memref<256xi32, #tpu.memory_space<vmem>>, vector<16xi32>,
      %get3A_414 = arith.constant 128 : index
      %get3A_415 = tpu.vector_load %arg10[%get3A_414] {strides = array<i32>} : memref<288xi32, #tpu.memory_space<vmem>>, vector<16xi32>,
      %swap3A_416 = arith.constant 128 : index
      %swap3A_417 = tpu.vector_load %arg16[%swap3A_416] {strides = array<i32>} : memref<256xi32, #tpu.memory_space<vmem>>, vector<16xi32>,
      tpu.vector_store %arg16[%swap3A_416], %get3A_415 {strides = array<i32>} : memref<256xi32, #tpu.memory_space<vmem>>, vector<16xi32>,
      %get3A_418 = arith.constant 128 : index
      %get3A_419 = tpu.vector_load %arg12[%get3A_418] {strides = array<i32>} : memref<288xf32, #tpu.memory_space<vmem>>, vector<16xf32>,
      %swap3A_420 = arith.constant 128 : index
      %swap3A_421 = tpu.vector_load %arg18[%swap3A_420] {strides = array<i32>} : memref<256xf32, #tpu.memory_space<vmem>>, vector<16xf32>,
      tpu.vector_store %arg18[%swap3A_420], %get3A_419 {strides = array<i32>} : memref<256xf32, #tpu.memory_space<vmem>>, vector<16xf32>,
      %get3A_422 = arith.constant 144 : index
      %get3A_423 = tpu.vector_load %arg11[%get3A_422] {strides = array<i32>} : memref<288xi32, #tpu.memory_space<vmem>>, vector<16xi32>,
      %swap3A_424 = arith.constant 144 : index
      %swap3A_425 = tpu.vector_load %arg17[%swap3A_424] {strides = array<i32>} : memref<256xi32, #tpu.memory_space<vmem>>, vector<16xi32>,
      tpu.vector_store %arg17[%swap3A_424], %get3A_423 {strides = array<i32>} : memref<256xi32, #tpu.memory_space<vmem>>, vector<16xi32>,
      %get3A_426 = arith.constant 144 : index
      %get3A_427 = tpu.vector_load %arg10[%get3A_426] {strides = array<i32>} : memref<288xi32, #tpu.memory_space<vmem>>, vector<16xi32>,
      %swap3A_428 = arith.constant 144 : index
      %swap3A_429 = tpu.vector_load %arg16[%swap3A_428] {strides = array<i32>} : memref<256xi32, #tpu.memory_space<vmem>>, vector<16xi32>,
      tpu.vector_store %arg16[%swap3A_428], %get3A_427 {strides = array<i32>} : memref<256xi32, #tpu.memory_space<vmem>>, vector<16xi32>,
      %get3A_430 = arith.constant 144 : index
      %get3A_431 = tpu.vector_load %arg12[%get3A_430] {strides = array<i32>} : memref<288xf32, #tpu.memory_space<vmem>>, vector<16xf32>,
      %swap3A_432 = arith.constant 144 : index
      %swap3A_433 = tpu.vector_load %arg18[%swap3A_432] {strides = array<i32>} : memref<256xf32, #tpu.memory_space<vmem>>, vector<16xf32>,
      tpu.vector_store %arg18[%swap3A_432], %get3A_431 {strides = array<i32>} : memref<256xf32, #tpu.memory_space<vmem>>, vector<16xf32>,
      %get3A_434 = arith.constant 160 : index
      %get3A_435 = tpu.vector_load %arg11[%get3A_434] {strides = array<i32>} : memref<288xi32, #tpu.memory_space<vmem>>, vector<16xi32>,
      %swap3A_436 = arith.constant 160 : index
      %swap3A_437 = tpu.vector_load %arg17[%swap3A_436] {strides = array<i32>} : memref<256xi32, #tpu.memory_space<vmem>>, vector<16xi32>,
      tpu.vector_store %arg17[%swap3A_436], %get3A_435 {strides = array<i32>} : memref<256xi32, #tpu.memory_space<vmem>>, vector<16xi32>,
      %get3A_438 = arith.constant 160 : index
      %get3A_439 = tpu.vector_load %arg10[%get3A_438] {strides = array<i32>} : memref<288xi32, #tpu.memory_space<vmem>>, vector<16xi32>,
      %swap3A_440 = arith.constant 160 : index
      %swap3A_441 = tpu.vector_load %arg16[%swap3A_440] {strides = array<i32>} : memref<256xi32, #tpu.memory_space<vmem>>, vector<16xi32>,
      tpu.vector_store %arg16[%swap3A_440], %get3A_439 {strides = array<i32>} : memref<256xi32, #tpu.memory_space<vmem>>, vector<16xi32>,
      %get3A_442 = arith.constant 160 : index
      %get3A_443 = tpu.vector_load %arg12[%get3A_442] {strides = array<i32>} : memref<288xf32, #tpu.memory_space<vmem>>, vector<16xf32>,
      %swap3A_444 = arith.constant 160 : index
      %swap3A_445 = tpu.vector_load %arg18[%swap3A_444] {strides = array<i32>} : memref<256xf32, #tpu.memory_space<vmem>>, vector<16xf32>,
      tpu.vector_store %arg18[%swap3A_444], %get3A_443 {strides = array<i32>} : memref<256xf32, #tpu.memory_space<vmem>>, vector<16xf32>,
      %get3A_446 = arith.constant 176 : index
      %get3A_447 = tpu.vector_load %arg11[%get3A_446] {strides = array<i32>} : memref<288xi32, #tpu.memory_space<vmem>>, vector<16xi32>,
      %swap3A_448 = arith.constant 176 : index
      %swap3A_449 = tpu.vector_load %arg17[%swap3A_448] {strides = array<i32>} : memref<256xi32, #tpu.memory_space<vmem>>, vector<16xi32>,
      tpu.vector_store %arg17[%swap3A_448], %get3A_447 {strides = array<i32>} : memref<256xi32, #tpu.memory_space<vmem>>, vector<16xi32>,
      %get3A_450 = arith.constant 176 : index
      %get3A_451 = tpu.vector_load %arg10[%get3A_450] {strides = array<i32>} : memref<288xi32, #tpu.memory_space<vmem>>, vector<16xi32>,
      %swap3A_452 = arith.constant 176 : index
      %swap3A_453 = tpu.vector_load %arg16[%swap3A_452] {strides = array<i32>} : memref<256xi32, #tpu.memory_space<vmem>>, vector<16xi32>,
      tpu.vector_store %arg16[%swap3A_452], %get3A_451 {strides = array<i32>} : memref<256xi32, #tpu.memory_space<vmem>>, vector<16xi32>,
      %get3A_454 = arith.constant 176 : index
      %get3A_455 = tpu.vector_load %arg12[%get3A_454] {strides = array<i32>} : memref<288xf32, #tpu.memory_space<vmem>>, vector<16xf32>,
      %swap3A_456 = arith.constant 176 : index
      %swap3A_457 = tpu.vector_load %arg18[%swap3A_456] {strides = array<i32>} : memref<256xf32, #tpu.memory_space<vmem>>, vector<16xf32>,
      tpu.vector_store %arg18[%swap3A_456], %get3A_455 {strides = array<i32>} : memref<256xf32, #tpu.memory_space<vmem>>, vector<16xf32>,
      %get3A_458 = arith.constant 192 : index
      %get3A_459 = tpu.vector_load %arg11[%get3A_458] {strides = array<i32>} : memref<288xi32, #tpu.memory_space<vmem>>, vector<16xi32>,
      %swap3A_460 = arith.constant 192 : index
      %swap3A_461 = tpu.vector_load %arg17[%swap3A_460] {strides = array<i32>} : memref<256xi32, #tpu.memory_space<vmem>>, vector<16xi32>,
      tpu.vector_store %arg17[%swap3A_460], %get3A_459 {strides = array<i32>} : memref<256xi32, #tpu.memory_space<vmem>>, vector<16xi32>,
      %get3A_462 = arith.constant 192 : index
      %get3A_463 = tpu.vector_load %arg10[%get3A_462] {strides = array<i32>} : memref<288xi32, #tpu.memory_space<vmem>>, vector<16xi32>,
      %swap3A_464 = arith.constant 192 : index
      %swap3A_465 = tpu.vector_load %arg16[%swap3A_464] {strides = array<i32>} : memref<256xi32, #tpu.memory_space<vmem>>, vector<16xi32>,
      tpu.vector_store %arg16[%swap3A_464], %get3A_463 {strides = array<i32>} : memref<256xi32, #tpu.memory_space<vmem>>, vector<16xi32>,
      %get3A_466 = arith.constant 192 : index
      %get3A_467 = tpu.vector_load %arg12[%get3A_466] {strides = array<i32>} : memref<288xf32, #tpu.memory_space<vmem>>, vector<16xf32>,
      %swap3A_468 = arith.constant 192 : index
      %swap3A_469 = tpu.vector_load %arg18[%swap3A_468] {strides = array<i32>} : memref<256xf32, #tpu.memory_space<vmem>>, vector<16xf32>,
      tpu.vector_store %arg18[%swap3A_468], %get3A_467 {strides = array<i32>} : memref<256xf32, #tpu.memory_space<vmem>>, vector<16xf32>,
      %get3A_470 = arith.constant 208 : index
      %get3A_471 = tpu.vector_load %arg11[%get3A_470] {strides = array<i32>} : memref<288xi32, #tpu.memory_space<vmem>>, vector<16xi32>,
      %swap3A_472 = arith.constant 208 : index
      %swap3A_473 = tpu.vector_load %arg17[%swap3A_472] {strides = array<i32>} : memref<256xi32, #tpu.memory_space<vmem>>, vector<16xi32>,
      tpu.vector_store %arg17[%swap3A_472], %get3A_471 {strides = array<i32>} : memref<256xi32, #tpu.memory_space<vmem>>, vector<16xi32>,
      %get3A_474 = arith.constant 208 : index
      %get3A_475 = tpu.vector_load %arg10[%get3A_474] {strides = array<i32>} : memref<288xi32, #tpu.memory_space<vmem>>, vector<16xi32>,
      %swap3A_476 = arith.constant 208 : index
      %swap3A_477 = tpu.vector_load %arg16[%swap3A_476] {strides = array<i32>} : memref<256xi32, #tpu.memory_space<vmem>>, vector<16xi32>,
      tpu.vector_store %arg16[%swap3A_476], %get3A_475 {strides = array<i32>} : memref<256xi32, #tpu.memory_space<vmem>>, vector<16xi32>,
      %get3A_478 = arith.constant 208 : index
      %get3A_479 = tpu.vector_load %arg12[%get3A_478] {strides = array<i32>} : memref<288xf32, #tpu.memory_space<vmem>>, vector<16xf32>,
      %swap3A_480 = arith.constant 208 : index
      %swap3A_481 = tpu.vector_load %arg18[%swap3A_480] {strides = array<i32>} : memref<256xf32, #tpu.memory_space<vmem>>, vector<16xf32>,
      tpu.vector_store %arg18[%swap3A_480], %get3A_479 {strides = array<i32>} : memref<256xf32, #tpu.memory_space<vmem>>, vector<16xf32>,
      %get3A_482 = arith.constant 224 : index
      %get3A_483 = tpu.vector_load %arg11[%get3A_482] {strides = array<i32>} : memref<288xi32, #tpu.memory_space<vmem>>, vector<16xi32>,
      %swap3A_484 = arith.constant 224 : index
      %swap3A_485 = tpu.vector_load %arg17[%swap3A_484] {strides = array<i32>} : memref<256xi32, #tpu.memory_space<vmem>>, vector<16xi32>,
      tpu.vector_store %arg17[%swap3A_484], %get3A_483 {strides = array<i32>} : memref<256xi32, #tpu.memory_space<vmem>>, vector<16xi32>,
      %get3A_486 = arith.constant 224 : index
      %get3A_487 = tpu.vector_load %arg10[%get3A_486] {strides = array<i32>} : memref<288xi32, #tpu.memory_space<vmem>>, vector<16xi32>,
      %swap3A_488 = arith.constant 224 : index
      %swap3A_489 = tpu.vector_load %arg16[%swap3A_488] {strides = array<i32>} : memref<256xi32, #tpu.memory_space<vmem>>, vector<16xi32>,
      tpu.vector_store %arg16[%swap3A_488], %get3A_487 {strides = array<i32>} : memref<256xi32, #tpu.memory_space<vmem>>, vector<16xi32>,
      %get3A_490 = arith.constant 224 : index
      %get3A_491 = tpu.vector_load %arg12[%get3A_490] {strides = array<i32>} : memref<288xf32, #tpu.memory_space<vmem>>, vector<16xf32>,
      %swap3A_492 = arith.constant 224 : index
      %swap3A_493 = tpu.vector_load %arg18[%swap3A_492] {strides = array<i32>} : memref<256xf32, #tpu.memory_space<vmem>>, vector<16xf32>,
      tpu.vector_store %arg18[%swap3A_492], %get3A_491 {strides = array<i32>} : memref<256xf32, #tpu.memory_space<vmem>>, vector<16xf32>,
      %get3A_494 = arith.constant 240 : index
      %get3A_495 = tpu.vector_load %arg11[%get3A_494] {strides = array<i32>} : memref<288xi32, #tpu.memory_space<vmem>>, vector<16xi32>,
      %swap3A_496 = arith.constant 240 : index
      %swap3A_497 = tpu.vector_load %arg17[%swap3A_496] {strides = array<i32>} : memref<256xi32, #tpu.memory_space<vmem>>, vector<16xi32>,
      tpu.vector_store %arg17[%swap3A_496], %get3A_495 {strides = array<i32>} : memref<256xi32, #tpu.memory_space<vmem>>, vector<16xi32>,
      %get3A_498 = arith.constant 240 : index
      %get3A_499 = tpu.vector_load %arg10[%get3A_498] {strides = array<i32>} : memref<288xi32, #tpu.memory_space<vmem>>, vector<16xi32>,
      %swap3A_500 = arith.constant 240 : index
      %swap3A_501 = tpu.vector_load %arg16[%swap3A_500] {strides = array<i32>} : memref<256xi32, #tpu.memory_space<vmem>>, vector<16xi32>,
      tpu.vector_store %arg16[%swap3A_500], %get3A_499 {strides = array<i32>} : memref<256xi32, #tpu.memory_space<vmem>>, vector<16xi32>,
      %get3A_502 = arith.constant 240 : index
      %get3A_503 = tpu.vector_load %arg12[%get3A_502] {strides = array<i32>} : memref<288xf32, #tpu.memory_space<vmem>>, vector<16xf32>,
      %swap3A_504 = arith.constant 240 : index
      %swap3A_505 = tpu.vector_load %arg18[%swap3A_504] {strides = array<i32>} : memref<256xf32, #tpu.memory_space<vmem>>, vector<16xf32>,
      tpu.vector_store %arg18[%swap3A_504], %get3A_503 {strides = array<i32>} : memref<256xf32, #tpu.memory_space<vmem>>, vector<16xf32>,
      %dma_start3A_506 = arith.constant 0 : i32
      %dma_start3A_507 = arith.constant 0 : i32
      %dma_start3A_508 = tpu.memref_slice %arg5[%dma_start3A_506, %dma_start3A_507] : memref<50000x64xf32, #tpu.memory_space<hbm>> -> memref<50000x64xf32, #tpu.memory_space<hbm>>
      tpu.enqueue_indirect_dma source(%dma_start3A_508 : memref<50000x64xf32, #tpu.memory_space<hbm>>) target(%arg20 : memref<256x64xf32, #tpu.memory_space<vmem>>) offsets(%arg17 : memref<256xi32, #tpu.memory_space<vmem>>) semaphore(%arg26 : memref<!tpu.dma_semaphore, #tpu.memory_space<semaphore_mem>>)
    }
    %sub3A = arith.constant 1 : i32
    %sub3A_290 = arith.subi %sub3A, %scan3A_99#1 : i32
    %add3A_291 = arith.constant 1 : i32
    %add3A_292 = arith.addi %scan3A_99#2, %add3A_291 : i32
    %eq3A_293 = arith.constant 0 : i32
    %eq3A_294 = arith.cmpi eq, %sub3A_290, %eq3A_293 : i32
    %convert_element_type3A_295 = arith.extui %eq3A_294 : i1 to i32
    %cond3A_296 = arith.constant 0 : i32
    %cond3A_297 = arith.cmpi ne, %convert_element_type3A_295, %cond3A_296 : i32
    scf.if %cond3A_297 {
      %ge3A = arith.constant 1 : i32
      %ge3A_305 = arith.cmpi sge, %add3A_292, %ge3A : i32
      %convert_element_type3A_306 = arith.extui %ge3A_305 : i1 to i32
      %cond3A_307 = arith.constant 0 : i32
      %cond3A_308 = arith.cmpi ne, %convert_element_type3A_306, %cond3A_307 : i32
      scf.if %cond3A_308 {
        %dma_wait3A = arith.constant 0 : i32
        %dma_wait3A_319 = arith.constant 0 : i32
        %dma_wait3A_320 = tpu.memref_slice %arg5[%dma_wait3A, %dma_wait3A_319] : memref<50000x64xf32, #tpu.memory_space<hbm>> -> memref<50000x64xf32, #tpu.memory_space<hbm>>
        tpu.wait_indirect_dma semaphore(%arg26 : memref<!tpu.dma_semaphore, #tpu.memory_space<semaphore_mem>>) src(%dma_wait3A_320 : memref<50000x64xf32, #tpu.memory_space<hbm>>) dst(%arg20 : memref<256x64xf32, #tpu.memory_space<vmem>>)
        %parallel_loop3A = arith.constant 0 : i32
        %parallel_loop3A_321 = arith.constant 256 : i32
        %parallel_loop3A_322 = arith.constant 1 : i32
        scf.for %parallel_loop3A_326 = %parallel_loop3A to %parallel_loop3A_321 step %parallel_loop3A_322  : i32 {
          %parallel_loop3A_327 = arith.index_cast %parallel_loop3A_326 : i32 to index
          %parallel_loop3A_328 = tpu.vector_load %arg18[%parallel_loop3A_327] {strides = array<i32>} : memref<256xf32, #tpu.memory_space<vmem>>, vector<16xf32>,
          %parallel_loop3A_329 = vector.extract_strided_slice %parallel_loop3A_328 {offsets = [0], sizes = [1], strides = [1]} : vector<16xf32> to vector<1xf32>
          %parallel_loop3A_330 = vector.extract %parallel_loop3A_329[0] : f32 from vector<1xf32>
          %parallel_loop3A_331 = arith.index_cast %parallel_loop3A_326 : i32 to index
          %parallel_loop3A_332 = arith.constant 0 : index
          %parallel_loop3A_333 = tpu.vector_load %arg20[%parallel_loop3A_331, %parallel_loop3A_332] {strides = array<i32>} : memref<256x64xf32, #tpu.memory_space<vmem>>, vector<16xf32>,
          %parallel_loop3A_334 = vector.broadcast %parallel_loop3A_330 : f32 to vector<16xf32>
          %parallel_loop3A_335 = arith.mulf %parallel_loop3A_333, %parallel_loop3A_334 : vector<16xf32>
          %parallel_loop3A_336 = arith.index_cast %parallel_loop3A_326 : i32 to index
          %parallel_loop3A_337 = arith.constant 0 : index
          %parallel_loop3A_338 = tpu.vector_load %arg20[%parallel_loop3A_336, %parallel_loop3A_337] {strides = array<i32>} : memref<256x64xf32, #tpu.memory_space<vmem>>, vector<16xf32>,
          tpu.vector_store %arg20[%parallel_loop3A_336, %parallel_loop3A_337], %parallel_loop3A_335 {strides = array<i32>} : memref<256x64xf32, #tpu.memory_space<vmem>>, vector<16xf32>,
          %parallel_loop3A_339 = arith.index_cast %parallel_loop3A_326 : i32 to index
          %parallel_loop3A_340 = arith.constant 16 : index
          %parallel_loop3A_341 = tpu.vector_load %arg20[%parallel_loop3A_339, %parallel_loop3A_340] {strides = array<i32>} : memref<256x64xf32, #tpu.memory_space<vmem>>, vector<16xf32>,
          %parallel_loop3A_342 = vector.broadcast %parallel_loop3A_330 : f32 to vector<16xf32>
          %parallel_loop3A_343 = arith.mulf %parallel_loop3A_341, %parallel_loop3A_342 : vector<16xf32>
          %parallel_loop3A_344 = arith.index_cast %parallel_loop3A_326 : i32 to index
          %parallel_loop3A_345 = arith.constant 16 : index
          %parallel_loop3A_346 = tpu.vector_load %arg20[%parallel_loop3A_344, %parallel_loop3A_345] {strides = array<i32>} : memref<256x64xf32, #tpu.memory_space<vmem>>, vector<16xf32>,
          tpu.vector_store %arg20[%parallel_loop3A_344, %parallel_loop3A_345], %parallel_loop3A_343 {strides = array<i32>} : memref<256x64xf32, #tpu.memory_space<vmem>>, vector<16xf32>,
          %parallel_loop3A_347 = arith.index_cast %parallel_loop3A_326 : i32 to index
          %parallel_loop3A_348 = arith.constant 32 : index
          %parallel_loop3A_349 = tpu.vector_load %arg20[%parallel_loop3A_347, %parallel_loop3A_348] {strides = array<i32>} : memref<256x64xf32, #tpu.memory_space<vmem>>, vector<16xf32>,
          %parallel_loop3A_350 = vector.broadcast %parallel_loop3A_330 : f32 to vector<16xf32>
          %parallel_loop3A_351 = arith.mulf %parallel_loop3A_349, %parallel_loop3A_350 : vector<16xf32>
          %parallel_loop3A_352 = arith.index_cast %parallel_loop3A_326 : i32 to index
          %parallel_loop3A_353 = arith.constant 32 : index
          %parallel_loop3A_354 = tpu.vector_load %arg20[%parallel_loop3A_352, %parallel_loop3A_353] {strides = array<i32>} : memref<256x64xf32, #tpu.memory_space<vmem>>, vector<16xf32>,
          tpu.vector_store %arg20[%parallel_loop3A_352, %parallel_loop3A_353], %parallel_loop3A_351 {strides = array<i32>} : memref<256x64xf32, #tpu.memory_space<vmem>>, vector<16xf32>,
          %parallel_loop3A_355 = arith.index_cast %parallel_loop3A_326 : i32 to index
          %parallel_loop3A_356 = arith.constant 48 : index
          %parallel_loop3A_357 = tpu.vector_load %arg20[%parallel_loop3A_355, %parallel_loop3A_356] {strides = array<i32>} : memref<256x64xf32, #tpu.memory_space<vmem>>, vector<16xf32>,
          %parallel_loop3A_358 = vector.broadcast %parallel_loop3A_330 : f32 to vector<16xf32>
          %parallel_loop3A_359 = arith.mulf %parallel_loop3A_357, %parallel_loop3A_358 : vector<16xf32>
          %parallel_loop3A_360 = arith.index_cast %parallel_loop3A_326 : i32 to index
          %parallel_loop3A_361 = arith.constant 48 : index
          %parallel_loop3A_362 = tpu.vector_load %arg20[%parallel_loop3A_360, %parallel_loop3A_361] {strides = array<i32>} : memref<256x64xf32, #tpu.memory_space<vmem>>, vector<16xf32>,
          tpu.vector_store %arg20[%parallel_loop3A_360, %parallel_loop3A_361], %parallel_loop3A_359 {strides = array<i32>} : memref<256x64xf32, #tpu.memory_space<vmem>>, vector<16xf32>,
        } {sc.loop_unroll_factor = 4 : i64, sc.parallel_access}
        %dma_start3A_323 = arith.constant 0 : i32
        %dma_start3A_324 = arith.constant 0 : i32
        %dma_start3A_325 = tpu.memref_slice %arg22[%dma_start3A_323, %dma_start3A_324] : memref<12288x64xf32, #tpu.memory_space<vmem_shared>> -> memref<12288x64xf32, #tpu.memory_space<vmem_shared>>
        tpu.enqueue_indirect_dma source(%arg20 : memref<256x64xf32, #tpu.memory_space<vmem>>) target(%dma_start3A_325 : memref<12288x64xf32, #tpu.memory_space<vmem_shared>>) offsets(%arg16 : memref<256xi32, #tpu.memory_space<vmem>>) semaphore(%arg28 : memref<!tpu.dma_semaphore, #tpu.memory_space<semaphore_mem>>) {add = true}
      } else {
      }
      %ge3A_309 = arith.constant 1 : i32
      %ge3A_310 = arith.cmpi sge, %add3A_292, %ge3A_309 : i32
      %convert_element_type3A_311 = arith.extui %ge3A_310 : i1 to i32
      %cond3A_312 = arith.constant 0 : i32
      %cond3A_313 = arith.cmpi ne, %convert_element_type3A_311, %cond3A_312 : i32
      scf.if %cond3A_313 {
        %dma_wait3A = arith.constant 0 : i32
        %dma_wait3A_319 = arith.constant 0 : i32
        %dma_wait3A_320 = tpu.memref_slice %arg22[%dma_wait3A, %dma_wait3A_319] : memref<12288x64xf32, #tpu.memory_space<vmem_shared>> -> memref<12288x64xf32, #tpu.memory_space<vmem_shared>>
        tpu.wait_indirect_dma semaphore(%arg28 : memref<!tpu.dma_semaphore, #tpu.memory_space<semaphore_mem>>) src(%arg20 : memref<256x64xf32, #tpu.memory_space<vmem>>) dst(%dma_wait3A_320 : memref<12288x64xf32, #tpu.memory_space<vmem_shared>>)
      } else {
      }
      %ge3A_314 = arith.constant 2 : i32
      %ge3A_315 = arith.cmpi sge, %add3A_292, %ge3A_314 : i32
      %convert_element_type3A_316 = arith.extui %ge3A_315 : i1 to i32
      %cond3A_317 = arith.constant 0 : i32
      %cond3A_318 = arith.cmpi ne, %convert_element_type3A_316, %cond3A_317 : i32
      scf.if %cond3A_318 {
        %dma_wait3A = arith.constant 0 : i32
        %dma_wait3A_319 = arith.constant 0 : i32
        %dma_wait3A_320 = tpu.memref_slice %arg22[%dma_wait3A, %dma_wait3A_319] : memref<12288x64xf32, #tpu.memory_space<vmem_shared>> -> memref<12288x64xf32, #tpu.memory_space<vmem_shared>>
        tpu.wait_indirect_dma semaphore(%arg27 : memref<!tpu.dma_semaphore, #tpu.memory_space<semaphore_mem>>) src(%arg19 : memref<256x64xf32, #tpu.memory_space<vmem>>) dst(%dma_wait3A_320 : memref<12288x64xf32, #tpu.memory_space<vmem_shared>>)
      } else {
      }
    } else {
      %ge3A = arith.constant 1 : i32
      %ge3A_305 = arith.cmpi sge, %add3A_292, %ge3A : i32
      %convert_element_type3A_306 = arith.extui %ge3A_305 : i1 to i32
      %cond3A_307 = arith.constant 0 : i32
      %cond3A_308 = arith.cmpi ne, %convert_element_type3A_306, %cond3A_307 : i32
      scf.if %cond3A_308 {
        %dma_wait3A = arith.constant 0 : i32
        %dma_wait3A_319 = arith.constant 0 : i32
        %dma_wait3A_320 = tpu.memref_slice %arg5[%dma_wait3A, %dma_wait3A_319] : memref<50000x64xf32, #tpu.memory_space<hbm>> -> memref<50000x64xf32, #tpu.memory_space<hbm>>
        tpu.wait_indirect_dma semaphore(%arg25 : memref<!tpu.dma_semaphore, #tpu.memory_space<semaphore_mem>>) src(%dma_wait3A_320 : memref<50000x64xf32, #tpu.memory_space<hbm>>) dst(%arg19 : memref<256x64xf32, #tpu.memory_space<vmem>>)
        %parallel_loop3A = arith.constant 0 : i32
        %parallel_loop3A_321 = arith.constant 256 : i32
        %parallel_loop3A_322 = arith.constant 1 : i32
        scf.for %parallel_loop3A_326 = %parallel_loop3A to %parallel_loop3A_321 step %parallel_loop3A_322  : i32 {
          %parallel_loop3A_327 = arith.index_cast %parallel_loop3A_326 : i32 to index
          %parallel_loop3A_328 = tpu.vector_load %arg15[%parallel_loop3A_327] {strides = array<i32>} : memref<256xf32, #tpu.memory_space<vmem>>, vector<16xf32>,
          %parallel_loop3A_329 = vector.extract_strided_slice %parallel_loop3A_328 {offsets = [0], sizes = [1], strides = [1]} : vector<16xf32> to vector<1xf32>
          %parallel_loop3A_330 = vector.extract %parallel_loop3A_329[0] : f32 from vector<1xf32>
          %parallel_loop3A_331 = arith.index_cast %parallel_loop3A_326 : i32 to index
          %parallel_loop3A_332 = arith.constant 0 : index
          %parallel_loop3A_333 = tpu.vector_load %arg19[%parallel_loop3A_331, %parallel_loop3A_332] {strides = array<i32>} : memref<256x64xf32, #tpu.memory_space<vmem>>, vector<16xf32>,
          %parallel_loop3A_334 = vector.broadcast %parallel_loop3A_330 : f32 to vector<16xf32>
          %parallel_loop3A_335 = arith.mulf %parallel_loop3A_333, %parallel_loop3A_334 : vector<16xf32>
          %parallel_loop3A_336 = arith.index_cast %parallel_loop3A_326 : i32 to index
          %parallel_loop3A_337 = arith.constant 0 : index
          %parallel_loop3A_338 = tpu.vector_load %arg19[%parallel_loop3A_336, %parallel_loop3A_337] {strides = array<i32>} : memref<256x64xf32, #tpu.memory_space<vmem>>, vector<16xf32>,
          tpu.vector_store %arg19[%parallel_loop3A_336, %parallel_loop3A_337], %parallel_loop3A_335 {strides = array<i32>} : memref<256x64xf32, #tpu.memory_space<vmem>>, vector<16xf32>,
          %parallel_loop3A_339 = arith.index_cast %parallel_loop3A_326 : i32 to index
          %parallel_loop3A_340 = arith.constant 16 : index
          %parallel_loop3A_341 = tpu.vector_load %arg19[%parallel_loop3A_339, %parallel_loop3A_340] {strides = array<i32>} : memref<256x64xf32, #tpu.memory_space<vmem>>, vector<16xf32>,
          %parallel_loop3A_342 = vector.broadcast %parallel_loop3A_330 : f32 to vector<16xf32>
          %parallel_loop3A_343 = arith.mulf %parallel_loop3A_341, %parallel_loop3A_342 : vector<16xf32>
          %parallel_loop3A_344 = arith.index_cast %parallel_loop3A_326 : i32 to index
          %parallel_loop3A_345 = arith.constant 16 : index
          %parallel_loop3A_346 = tpu.vector_load %arg19[%parallel_loop3A_344, %parallel_loop3A_345] {strides = array<i32>} : memref<256x64xf32, #tpu.memory_space<vmem>>, vector<16xf32>,
          tpu.vector_store %arg19[%parallel_loop3A_344, %parallel_loop3A_345], %parallel_loop3A_343 {strides = array<i32>} : memref<256x64xf32, #tpu.memory_space<vmem>>, vector<16xf32>,
          %parallel_loop3A_347 = arith.index_cast %parallel_loop3A_326 : i32 to index
          %parallel_loop3A_348 = arith.constant 32 : index
          %parallel_loop3A_349 = tpu.vector_load %arg19[%parallel_loop3A_347, %parallel_loop3A_348] {strides = array<i32>} : memref<256x64xf32, #tpu.memory_space<vmem>>, vector<16xf32>,
          %parallel_loop3A_350 = vector.broadcast %parallel_loop3A_330 : f32 to vector<16xf32>
          %parallel_loop3A_351 = arith.mulf %parallel_loop3A_349, %parallel_loop3A_350 : vector<16xf32>
          %parallel_loop3A_352 = arith.index_cast %parallel_loop3A_326 : i32 to index
          %parallel_loop3A_353 = arith.constant 32 : index
          %parallel_loop3A_354 = tpu.vector_load %arg19[%parallel_loop3A_352, %parallel_loop3A_353] {strides = array<i32>} : memref<256x64xf32, #tpu.memory_space<vmem>>, vector<16xf32>,
          tpu.vector_store %arg19[%parallel_loop3A_352, %parallel_loop3A_353], %parallel_loop3A_351 {strides = array<i32>} : memref<256x64xf32, #tpu.memory_space<vmem>>, vector<16xf32>,
          %parallel_loop3A_355 = arith.index_cast %parallel_loop3A_326 : i32 to index
          %parallel_loop3A_356 = arith.constant 48 : index
          %parallel_loop3A_357 = tpu.vector_load %arg19[%parallel_loop3A_355, %parallel_loop3A_356] {strides = array<i32>} : memref<256x64xf32, #tpu.memory_space<vmem>>, vector<16xf32>,
          %parallel_loop3A_358 = vector.broadcast %parallel_loop3A_330 : f32 to vector<16xf32>
          %parallel_loop3A_359 = arith.mulf %parallel_loop3A_357, %parallel_loop3A_358 : vector<16xf32>
          %parallel_loop3A_360 = arith.index_cast %parallel_loop3A_326 : i32 to index
          %parallel_loop3A_361 = arith.constant 48 : index
          %parallel_loop3A_362 = tpu.vector_load %arg19[%parallel_loop3A_360, %parallel_loop3A_361] {strides = array<i32>} : memref<256x64xf32, #tpu.memory_space<vmem>>, vector<16xf32>,
          tpu.vector_store %arg19[%parallel_loop3A_360, %parallel_loop3A_361], %parallel_loop3A_359 {strides = array<i32>} : memref<256x64xf32, #tpu.memory_space<vmem>>, vector<16xf32>,
        } {sc.loop_unroll_factor = 4 : i64, sc.parallel_access}
        %dma_start3A_323 = arith.constant 0 : i32
        %dma_start3A_324 = arith.constant 0 : i32
        %dma_start3A_325 = tpu.memref_slice %arg22[%dma_start3A_323, %dma_start3A_324] : memref<12288x64xf32, #tpu.memory_space<vmem_shared>> -> memref<12288x64xf32, #tpu.memory_space<vmem_shared>>
        tpu.enqueue_indirect_dma source(%arg19 : memref<256x64xf32, #tpu.memory_space<vmem>>) target(%dma_start3A_325 : memref<12288x64xf32, #tpu.memory_space<vmem_shared>>) offsets(%arg13 : memref<256xi32, #tpu.memory_space<vmem>>) semaphore(%arg27 : memref<!tpu.dma_semaphore, #tpu.memory_space<semaphore_mem>>) {add = true}
      } else {
      }
      %ge3A_309 = arith.constant 1 : i32
      %ge3A_310 = arith.cmpi sge, %add3A_292, %ge3A_309 : i32
      %convert_element_type3A_311 = arith.extui %ge3A_310 : i1 to i32
      %cond3A_312 = arith.constant 0 : i32
      %cond3A_313 = arith.cmpi ne, %convert_element_type3A_311, %cond3A_312 : i32
      scf.if %cond3A_313 {
        %dma_wait3A = arith.constant 0 : i32
        %dma_wait3A_319 = arith.constant 0 : i32
        %dma_wait3A_320 = tpu.memref_slice %arg22[%dma_wait3A, %dma_wait3A_319] : memref<12288x64xf32, #tpu.memory_space<vmem_shared>> -> memref<12288x64xf32, #tpu.memory_space<vmem_shared>>
        tpu.wait_indirect_dma semaphore(%arg27 : memref<!tpu.dma_semaphore, #tpu.memory_space<semaphore_mem>>) src(%arg19 : memref<256x64xf32, #tpu.memory_space<vmem>>) dst(%dma_wait3A_320 : memref<12288x64xf32, #tpu.memory_space<vmem_shared>>)
      } else {
      }
      %ge3A_314 = arith.constant 2 : i32
      %ge3A_315 = arith.cmpi sge, %add3A_292, %ge3A_314 : i32
      %convert_element_type3A_316 = arith.extui %ge3A_315 : i1 to i32
      %cond3A_317 = arith.constant 0 : i32
      %cond3A_318 = arith.cmpi ne, %convert_element_type3A_316, %cond3A_317 : i32
      scf.if %cond3A_318 {
        %dma_wait3A = arith.constant 0 : i32
        %dma_wait3A_319 = arith.constant 0 : i32
        %dma_wait3A_320 = tpu.memref_slice %arg22[%dma_wait3A, %dma_wait3A_319] : memref<12288x64xf32, #tpu.memory_space<vmem_shared>> -> memref<12288x64xf32, #tpu.memory_space<vmem_shared>>
        tpu.wait_indirect_dma semaphore(%arg28 : memref<!tpu.dma_semaphore, #tpu.memory_space<semaphore_mem>>) src(%arg20 : memref<256x64xf32, #tpu.memory_space<vmem>>) dst(%dma_wait3A_320 : memref<12288x64xf32, #tpu.memory_space<vmem_shared>>)
      } else {
      }
    }
    %barrier3A_298 = arith.constant 0 : index
    tpu.barrier barrier_id(%barrier3A_298)
    %mul3A_299 = arith.constant 768 : i32
    %mul3A_300 = arith.muli %arg1, %mul3A_299 : i32
    %mul3A_301 = arith.constant 768 : i32
    %mul3A_302 = arith.muli %arg1, %mul3A_301 : i32
    %add3A_303 = arith.addi %mul3A_13, %mul3A_302 : i32
    "tpu.region"() ({
      %run_scoped3A = tpu.sem_alloc : memref<!tpu.dma_semaphore, #tpu.memory_space<semaphore_mem>>
      %dma_start3A_305 = arith.constant 0 : i32
      %dma_start3A_306 = tpu.memref_slice %arg6[%add3A_303, %dma_start3A_305] : memref<24576x64xf32, #tpu.memory_space<hbm>> -> memref<768x64xf32, #tpu.memory_space<hbm>>
      %dma_start3A_307 = arith.constant 0 : i32
      %dma_start3A_308 = tpu.memref_slice %arg22[%mul3A_300, %dma_start3A_307] : memref<12288x64xf32, #tpu.memory_space<vmem_shared>> -> memref<768x64xf32, #tpu.memory_space<vmem_shared>>
      tpu.enqueue_dma source(%dma_start3A_308 : memref<768x64xf32, #tpu.memory_space<vmem_shared>>) target(%dma_start3A_306 : memref<768x64xf32, #tpu.memory_space<hbm>>) target_semaphore(%run_scoped3A : memref<!tpu.dma_semaphore, #tpu.memory_space<semaphore_mem>>)
      %dma_wait3A = arith.constant 0 : i32
      %dma_wait3A_309 = tpu.memref_slice %arg6[%add3A_303, %dma_wait3A] : memref<24576x64xf32, #tpu.memory_space<hbm>> -> memref<768x64xf32, #tpu.memory_space<hbm>>
      %dma_wait3A_310 = arith.constant 0 : i32
      %dma_wait3A_311 = tpu.memref_slice %arg22[%mul3A_300, %dma_wait3A_310] : memref<12288x64xf32, #tpu.memory_space<vmem_shared>> -> memref<768x64xf32, #tpu.memory_space<vmem_shared>>
      tpu.wait_dma2 semaphore(%run_scoped3A : memref<!tpu.dma_semaphore, #tpu.memory_space<semaphore_mem>>) src(%dma_wait3A_311 : memref<768x64xf32, #tpu.memory_space<vmem_shared>>) dst(%dma_wait3A_309 : memref<768x64xf32, #tpu.memory_space<hbm>>)
      tpu.yield
    }) : () -> ()
    %barrier3A_304 = arith.constant 0 : index
    tpu.barrier barrier_id(%barrier3A_304)
    return
  }
}

</mosaic_0001>

<sc_bundles>
// kernel: _sc_spmm.3.cloned.1.call-start
scs
__scs_entry_jumppad:
0x0: {  	(pc) =	sbr.rel $0x88, $3  }
0x1: {  	(tag) =	ssettag $0x0;
	lr =	simm.s32 $0x1  }
0x2: {  	[smem:$0x3F9D] =	sst lr;
	_ =	strace $0xD0000000  }
0x3: {  	_ = 	snop  }
0x4: {  	_ = 	snop  }
0x5: {  	_ = 	snop  }
0x6: {  	_ = 	snop  }
0x7: {  	_ = 	snop  }
__scs_overlays_trampoline_lowered:
0x8: {  	[smem:$0x3FAC] =	sst s0  }
0x9: {  	[smem:$0x3FAD] =	sst s1  }
0xa: {  	[smem:$0x3FAE] =	sst s2  }
0xb: {  	[smem:$0x3FAF] =	sst s3  }
0xc: {  	[smem:$0x3FB0] =	sst s4  }
0xd: {  	[smem:$0x3FB1] =	sst s5  }
0xe: {  	[smem:$0x3FB2] =	sst s6  }
0xf: {  	[smem:$0x3FB3] =	sst s7  }
0x10: {  	[smem:$0x3FB4] =	sst s8  }
0x11: {  	[smem:$0x3FB5] =	sst s9;
	s0 =	simm.s32 @!p0 $0x0  }
0x12: {  	s1 =	sld [smem:$0x3F9B];
	s0 =	simm.s32 @p0 $0x1  }
0x13: {  	[smem:$0x3FB6] =	sst s0;
	s0 =	simm.s32 @!p1 $0x0  }
0x14: {  	s2 =	sld [smem:$0x3F9A];
	s0 =	simm.s32 @p1 $0x1  }
0x15: {  	[smem:$0x3FB7] =	sst s0;
	s0 =	simm.s32 @!p2 $0x0  }
0x16: {  	s3 =	sld [smem:$0x3FDB];
	s0 =	simm.s32 @p2 $0x1  }
0x17: {  	s4 =	simm.s32 $0x1BF5;
	[smem:$0x3FB9] =	sst s0  }
0x18: {  	s0 =	sld [smem:$0x3F9C];
	_ =	swait.ge [sflag:s4], $0x0  }
0x19: {  	s7 =	sld [smem:$0x3F9D]  }
0x1a: {  	s8 =	sadd.s32 $0xFFFFE003, lr  }
0x1b: {  	s9 =	sadd.s32 $0xFFFFFEF7, lr;
	s5 =	simm.s32 $0xFFFFFFFF;
	p2 =	slt.u32 s8, $0xFFFFF086  }
0x1c: {  	p1 =	slt.u32 s9, $0xF7A;
	s5 =	simm.s32 @!p2 $0x0  }
0x1d: {  	s5 =	simm.s32 @p1 $0x1;
	p0 =	seq.s32 s7, s2  }
0x1e: {  	s7 =	smul.u32 @!p0 $0xF7A, s2;
	p2 =	seq.s32 @!p0 s5, $0x0  }
0x1f: {  	s9 =	smul.u32 $0xF7A, s1;
	s8 =	simm.s32 @!p0 $0x1BF5;
	p2 =	por !p2, p0  }
0x20: {  	[sflag:s8] =	ssyncset.s32 @!p0 $0xFFFFF086;
	s6 =	sadd.s32 @!p0 s3, s7;
	s7 =	simm.s32 @!p0 $0x108  }
0x21: {  	s3 =	sadd.s32 s3, s9;
	s6 =	sadd.s32 @!p0 $0x88, s6;
	s7 =	simm.s32 @p2 $0x1082  }
0x22: {  	[simem:s7], [sflag:s8] =	dma.local @!p0 [hbm:s6], $0xF7A  }
0x23: {  	s9 =	sor.u32 $0xD0000000, s2;
	s6 =	simm.s32 $0x108;
	_ =	swait.ge @!p0 [sflag:s8], $0x0  }
0x24: {  	s3 =	sadd.s32 $0x88, s3;
	s6 =	simm.s32 @!p1 $0x1082;
	[sflag:s4] =	ssyncset.s32 $0xFFFFF086  }
0x25: {  	[simem:s6], [sflag:s4] =	dma.local [hbm:s3], $0xF7A  }
0x26: {  	[smem:$0x3F9D] =	sst s1;
	(tag) =	ssettag s2;
	_ =	strace s9  }
0x27: {  	s1 =	sld [smem:$0x3FAD]  }
0x28: {  	s2 =	sld [smem:$0x3FAE]  }
0x29: {  	s4 =	sld [smem:$0x3FB0]  }
0x2a: {  	p0 =	seq.s32 s5, $0x0;
	s5 =	sld [smem:$0x3FB1]  }
0x2b: {  	s6 =	sld [smem:$0x3FB2]  }
0x2c: {  	s7 =	sld [smem:$0x3FB3]  }
0x2d: {  	s3 =	simm.s32 $0x108;
	s8 =	sld [smem:$0x3FB4]  }
0x2e: {  	s3 =	simm.s32 @!p0 $0x1082;
	s9 =	sld [smem:$0x3FB5]  }
0x2f: {  	lr =	sadd.s32 s0, s3;
	s0 =	sld [smem:$0x3FAC]  }
0x30: {  	s3 =	sld [smem:$0x3FAF]  }
0x31: {  	[smem:$0x3FB8] =	sst s10  }
0x32: {  	s10 =	sld [smem:$0x3FB6];
	_ =	sdelay $0x3  }
0x33: {  	p0 =	seq.s32 s10, $0x1;
	s10 =	sld [smem:$0x3FB8];
	_ =	sdelay $0x3  }
0x34: {  	[smem:$0x3FB8] =	sst s10  }
0x35: {  	s10 =	sld [smem:$0x3FB7];
	_ =	sdelay $0x3  }
0x36: {  	p1 =	seq.s32 s10, $0x1;
	s10 =	sld [smem:$0x3FB8];
	_ =	sdelay $0x3  }
0x37: {  	[smem:$0x3FB8] =	sst s10  }
0x38: {  	s10 =	sld [smem:$0x3FB9]  }
0x39: {  	_ = 	snop;
	(pc) =	sbr.ind lr, $3  }
0x3a: {  	_ = 	snop  }
0x3b: {  	_ = 	snop  }
0x3c: {  	p2 =	seq.s32 s10, $0x1;
	s10 =	sld [smem:$0x3FB8]  }
0x3d: {  	_ =	shalt  }
0x3e: {  	_ =	shalt  }
0x3f: {  	_ =	shalt  }
0x40: {  	_ =	shalt  }
0x41: {  	_ =	shalt  }
0x42: {  	_ =	shalt  }
0x43: {  	_ =	shalt  }
0x44: {  	_ =	shalt  }
0x45: {  	_ =	shalt  }
0x46: {  	_ =	shalt  }
0x47: {  	_ =	shalt  }
0x48: {  	_ =	shalt  }
0x49: {  	_ =	shalt  }
0x4a: {  	_ =	shalt  }
0x4b: {  	_ =	shalt  }
0x4c: {  	_ =	shalt  }
0x4d: {  	_ =	shalt  }
0x4e: {  	_ =	shalt  }
0x4f: {  	_ =	shalt  }
0x50: {  	_ =	shalt  }
0x51: {  	_ =	shalt  }
0x52: {  	_ =	shalt  }
0x53: {  	_ =	shalt  }
0x54: {  	_ =	shalt  }
0x55: {  	_ =	shalt  }
0x56: {  	_ =	shalt  }
0x57: {  	_ =	shalt  }
0x58: {  	_ =	shalt  }
0x59: {  	_ =	shalt  }
0x5a: {  	_ =	shalt  }
0x5b: {  	_ =	shalt  }
0x5c: {  	_ =	shalt  }
0x5d: {  	_ =	shalt  }
0x5e: {  	_ =	shalt  }
0x5f: {  	_ =	shalt  }
0x60: {  	_ =	shalt  }
0x61: {  	_ =	shalt  }
0x62: {  	_ =	shalt  }
0x63: {  	_ =	shalt  }
0x64: {  	_ =	shalt  }
0x65: {  	_ =	shalt  }
0x66: {  	_ =	shalt  }
0x67: {  	_ =	shalt  }
0x68: {  	_ =	shalt  }
0x69: {  	_ =	shalt  }
0x6a: {  	_ =	shalt  }
0x6b: {  	_ =	shalt  }
0x6c: {  	_ =	shalt  }
0x6d: {  	_ =	shalt  }
0x6e: {  	_ =	shalt  }
0x6f: {  	_ =	shalt  }
0x70: {  	_ =	shalt  }
0x71: {  	_ =	shalt  }
0x72: {  	_ =	shalt  }
0x73: {  	_ =	shalt  }
0x74: {  	_ =	shalt  }
0x75: {  	_ =	shalt  }
0x76: {  	_ =	shalt  }
0x77: {  	_ =	shalt  }
0x78: {  	_ =	shalt  }
0x79: {  	_ =	shalt  }
0x7a: {  	_ =	shalt  }
0x7b: {  	_ =	shalt  }
0x7c: {  	_ =	shalt  }
0x7d: {  	_ =	shalt  }
0x7e: {  	_ =	shalt  }
0x7f: {  	_ =	shalt  }
0x80: {  	_ =	shalt  }
0x81: {  	_ =	shalt  }
0x82: {  	_ =	shalt  }
0x83: {  	_ =	shalt  }
0x84: {  	_ =	shalt  }
0x85: {  	_ =	shalt  }
0x86: {  	_ =	shalt  }
0x87: {  	_ =	shalt  }
.Lfunc_end0:
.L_simem_size_0:
called_computation_lowered:
.L_overlay_start_0:
0x88: {  	s2 =	sld [smem:$0x3FD9]  }
0x89: {  	s3 =	sld [smem:$0x3FFE];
	_ =	sdelay $0x1  }
0x8a: {  	s1 =	srdreg.scid  }
0x8b: {  	s0 =	sand.u32 $0x1, s1  }
0x8c: {  	s17 =	sshll.u32 s0, $0xA;
	s2 =	sadd.s32 s3, s2  }
0x8d: {  	s2 =	sadd.s32 s2, s17  }
0x8e: {  	[smem:$0x3FC4] =	sst s2  }
0x8f: {  	_ = 	snop  }
0x90: {  	s2 =	sld [smem:$0x3FD0];
	(tm) =	ssettm $0x1  }
0x91: {  	s18 =	sld [smem:$0x3FFB];
	_ =	sdelay $0x3  }
0x92: {  	_ =	strace s18  }
0x93: {  	s3 =	sld [smem:$0x3FFC];
	_ =	sdelay $0x3  }
0x94: {  	_ =	strace s3  }
0x95: {  	s3 =	sld [smem:$0x3FFD];
	_ =	sdelay $0x3  }
0x96: {  	_ =	strace s3  }
0x97: {  	_ =	strace $0x8FFFFFFF  }
0x98: {  	s19 =	sld [smem:$0x3FDB];
	_ =	sdelay $0x1  }
0x99: {  	s4 =	simm.s32 $_scs_section_size  }
0x9a: {  	s5 =	simm.s32 $_size__tile_overlayer_lowered;
	s6 =	simm.s32 $_tile_overlayer_lowered  }
0x9b: {  	s22 =	simm.s32 $0x1BFF;
	s21 =	sshll.u32 s6, $0x1;
	s3 =	sadd.s32 s4, s19  }
0x9c: {  	s7 =	simm.s32 $0x0;
	s20 =	sshll.u32 s5, $0x1;
	s5 =	sadd.s32 s21, s3  }
0x9d: {  	[timem:s7], [sflag:s22] =	dma.local [hbm:s5], s20  }
0x9e: {  	_ =	swait.ge [sflag:s22], s20  }
0x9f: {  	s4 =	ssub.s32 $0x0, s20;
	[sflag:s22] =	ssyncset.done $0x0  }
0xa0: {  	[sflag:s22] =	ssyncadd.s32 s4;
	_ =	sdelay $0x1  }
0xa1: {  	s23 =	simm.s32 $0x1B8B  }
0xa2: {  	_ =	swait.ge [sflag:s23], $0x1  }
0xa3: {  	[sflag:s23] =	ssyncset.done $0x0  }
0xa4: {  	s25 =	simm.s32 $0x1B8E;
	s24 =	sld [smem:$0x3FFE];
	[sflag:s23] =	ssyncadd.s32 $0xFFFFFFFF  }
0xa5: {  	s26 =	simm.s32 $execute0_lowered;
	[smem:$0x3FD2] =	sst s25  }
0xa6: {  	s5 =	sshll.u32 s26, $0x1;
	_ =	strace $0x80000046;
	[dreg:$0x1] =	wrdreg $0xFFFFFFFF  }
0xa7: {  	s28 =	simm.s32 $_size_execute0_lowered;
	s3 =	sadd.s32 s3, s5;
	[dreg:$0x0] =	wrdreg $0x0  }
0xa8: {  	s5 =	sshll.u32 s28, $0x1;
	[dreg:$0x2] =	wrdreg s3  }
0xa9: {  	[dreg:$0x3] =	wrdreg s5  }
0xaa: {  	[dreg:$0x4] =	wrdreg $0xC0  }
0xab: {  	_ =	task [dreg:s7], $0x5FFFF  }
0xac: {  	[dreg:$0x1] =	wrdreg $0xFFFFFFFF  }
0xad: {  	[dreg:$0x0] =	wrdreg $0x60  }
0xae: {  	[dreg:$0x2] =	wrdreg s24  }
0xaf: {  	[dreg:$0x3] =	wrdreg s2  }
0xb0: {  	[dreg:$0x4] =	wrdreg $0xB1600  }
0xb1: {  	[dreg:$0x5] =	wrdreg $0x9  }
0xb2: {  	_ =	task.clear_ibuf [dreg:s7], $0x6FFFF;
	_ =	strace $0x90000046  }
0xb3: {  	s29 =	simm.s32 $0x9;
	_ =	strace $0x80000048  }
0xb4: {  	_ =	swait.ge [sflag:s29], $0x1  }
0xb5: {  	[sflag:s29] =	ssyncadd.s32 $0xFFFFFFFF  }
0xb6: {  	_ =	strace $0x90000048  }
0xb7: {  	_ =	sfence  }
0xb8: {  	s30 =	sld [smem:$0x0];
	_ =	sdelay $0x2  }
0xb9: {  	s31 =	sshll.u32 s1, $0xD;
	s1 =	sshrl.u32 s1, $0x2  }
0xba: {  	s3 =	sand.u32 $0x4000, s31;
	s1 =	sadd.s32 s1, s30  }
0xbb: {  	s0 =	sor.u32 s3, s0;
	s1 =	sshll.u32 s1, $0x11  }
0xbc: {  	s0 =	sor.u32 s1, s0  }
0xbd: {  	s0 =	sadd.s32 $0x8F2B, s0  }
0xbe: {  	[sflag:s0] =	ssyncadd.remote.s32 $0x1  }
0xbf: {  	_ =	sfence.sel $0xFFFF  }
0xc0: {  	[dreg:$0x0] =	wrdreg $0xFFFFFFFF;
	(pc) =	sbr.abs _section_cstart, $3  }
0xc1: {  	[dreg:$0x1] =	wrdreg $0xFFFFFFFF  }
0xc2: {  	_ =	task.clear_ibuf [dreg:s7], $0x2FFFF;
	_ =	strace $0x9FFFFFFF  }
0xc3: {  	(tm) =	ssettm $0x7FFFFFFF  }
tec
execute0_lowered:
.L_overlay_start_1:
0x0: {  	(tag) =	ssettag $0x1  }
0x1: {  	s0 =	rddreg [dreg:$0x0]  }
0x2: {  	s2 =	rddreg [dreg:$0x1]  }
0x3: {  	s1 =	rddreg [dreg:$0x2];
	s21 =	simm.s32 $0x0;
	s3 =	srdreg.scid  }
0x4: {  	s10 =	stileid.u32;
	s29 =	simm.s32 $0x7;
	s31 =	simm.s32 $0x1400  }
0x5: {  	[smem:$0x7FF] =	sst s21;
	s4 =	sadd.s32 $0x72600, s0;
	s5 =	sadd.s32 $0x62600, s0  }
0x6: {  	s3 =	sand.u32 $0x1, s3;
	s8 =	smul.u32 $0x30000, s10;
	s24 =	sshll.u32 s10, $0xC  }
0x7: {  	s6 =	sadd.s32 $0x82600, s0;
	s7 =	sadd.s32 $0xA00, s0;
	s25 =	sadd.s32 s4, s24  }
0x8: {  	_ =	strace $0x80000047;
	s26 =	sadd.s32 s5, s24;
	[dreg:$0x11] =	wrdreg s25  }
0x9: {  	s28 =	sadd.s32 s6, s24;
	s8 =	sshrl.u32 s8, $0x2;
	[dreg:$0x13] =	wrdreg s26  }
0xa: {  	s12 =	smul.u32 $0x300, s10;
	[dreg:$0x14] =	wrdreg s28;
	s22 =	sadd.s32 s8, s1  }
0xb: {  	s11 =	ssub.s32 $0x2, s3;
	s8 =	sadd.s32 $0x1000, s22;
	[dreg:$0x5] =	wrdreg s22  }
0xc: {  	s3 =	smul.u32 $0x3000, s3;
	s13 =	sadd.s32 $0x2000, s22;
	[dreg:$0x6] =	wrdreg s8  }
0xd: {  	s9 =	sshrl.u32 s11, $0x1;
	s14 =	sadd.s32 $0x3000, s22;
	[dreg:$0x7] =	wrdreg s13  }
0xe: {  	s25 =	sshll.u32 s10, $0xF;
	s15 =	sadd.s32 $0x4000, s22;
	[dreg:$0x8] =	wrdreg s14  }
0xf: {  	s10 =	simm.s32 $0x100;
	s16 =	sadd.s32 $0x5000, s22;
	[dreg:$0x9] =	wrdreg s15  }
0x10: {  	s0 =	ssub.s32 s11, s9;
	s17 =	sadd.s32 $0x6000, s22;
	[dreg:$0xa] =	wrdreg s16  }
0x11: {  	s9 =	sadd.s32 s12, s3;
	s18 =	sadd.s32 $0x7000, s22;
	[dreg:$0xb] =	wrdreg s17  }
0x12: {  	s30 =	sadd.s32 $0x3000, s3;
	s19 =	sadd.s32 $0x8000, s22;
	[dreg:$0xc] =	wrdreg s18  }
0x13: {  	s26 =	sor.u32 $0x800, s25;
	s20 =	sadd.s32 $0x9000, s22;
	[dreg:$0xd] =	wrdreg s19  }
0x14: {  	v4 =	vlaneseq.u32;
	v0 =	vmov s3;
	s3 =	simm.s32 $0x1;
	s23 =	sadd.s32 $0xA000, s22;
	[dreg:$0xe] =	wrdreg s20  }
0x15: {  	v2 =	vimm.f32 $0.0e+00;
	v3 =	vimm.s32 $0x0;
	v5 =	vor.u32 $0x10, v4;
	s11 =	sadd.s32 $0xB000, s22;
	s9 =	sshll.u32 s9, $0x3;
	[dreg:$0xf] =	wrdreg s23  }
.Ltmp0:
0x16: {  	v6 =	vor.u32 $0x20, v4;
	v7 =	vor.u32 $0x30, v4;
	v8 =	vor.u32 $0x40, v4;
	s0 =	smax.u32 s0, $0x1;
	[dreg:$0x10] =	wrdreg s11;
	(pc) =	sbr.rel .LBB2_1-.Ltmp0, $4  }
0x17: {  	v9 =	vor.u32 $0x50, v4;
	v10 =	vor.u32 $0x60, v4;
	v11 =	vor.u32 $0x70, v4;
	s12 =	simm.s32 $0x6160;
	s2 =	sadd.s32 s2, s9;
	[dreg:$0x15] =	wrdreg s0  }
0x18: {  	v12 =	vor.u32 $0x80, v4;
	v13 =	vor.u32 $0x90, v4;
	v14 =	vor.u32 $0xA0, v4;
	s9 =	simm.s32 $0x4;
	s11 =	simm.s32 $0x1E60;
	s13 =	simm.s32 $0x1C60  }
0x19: {  	v15 =	vor.u32 $0xB0, v4;
	v16 =	vor.u32 $0xC0, v4;
	v17 =	vor.u32 $0xD0, v4;
	s14 =	simm.s32 $0x2160;
	s15 =	simm.s32 $0x3;
	s16 =	simm.s32 $0x1B60  }
0x1a: {  	v18 =	vor.u32 $0xE0, v4;
	v19 =	vor.u32 $0xF0, v4;
	v1 =	vmov s30;
	s17 =	simm.s32 $0x1F60;
	s18 =	simm.s32 $0x2;
	[dreg:$0x12] =	wrdreg s2  }
.LBB2_55:
0x1b: {  	_ =	swait.ge [sflag:s0], $0x4000  }
0x1c: {  	[sflag:s0] =	ssyncset.done $0x0  }
0x1d: {  	[sflag:s0] =	ssyncadd.s32 $0xFFFFC000  }
.LBB2_56:
0x1e: {  	s0 =	stileid.u32  }
0x1f: {  	[bflag:$0x0] =	sbarrier.arrive $0xFFFF;
	s0 =	sshll.u32 s0, $0x6  }
0x20: {  	s2 =	sshrl.u32 s22, $0x3;
	s8 =	rddreg [dreg:$0x12];
	s0 =	sor.u32 $0x1C07, s0  }
0x21: {  	[hbm:s8], [sflag:s0] =	dma.local [spmem:s2], $0x1800  }
0x22: {  	_ =	swait.ge [sflag:s29], $0x1800  }
0x23: {  	s21 =	sadd.s32 $0x1, s21;
	s30 =	rddreg [dreg:$0x15]  }
0x24: {  	p0 =	sne.s32 s21, s30  }
.Ltmp1:
0x25: {  	_ = 	snop;
	(pc) =	sbr.rel @!p0 .LBB2_57-.Ltmp1, $3  }
0x26: {  	[sflag:s29] =	ssyncset.done $0x0  }
0x27: {  	[sflag:s29] =	ssyncadd.s32 $0xFFFFE800  }
0x28: {  	[bflag:$0x0] =	sbarrier.arrive $0xFFFF;
	_ =	sdelay $0x1  }
.LBB2_1:
0x29: {  	[dreg:$0x4] =	wrdreg s21;
	s2 =	simm.s32 $0x100;
	s0 =	simm.s32 $0x0  }
.LBB2_2:
0x2a: {  	p0 =	sne.s32 s2, $0x3F00;
	[tilespmem:s0+$0xA190] =	vst v2;
	s8 =	smov.u32 s2;
	s2 =	sadd.s32 $0x100, s2  }
.Ltmp2:
0x2b: {  	[tilespmem:s0+$0xA180] =	vst v2;
	(pc) =	sbr.rel @p0 .LBB2_2-.Ltmp2, $3  }
0x2c: {  	[tilespmem:s0+$0xA160] =	vst v2  }
0x2d: {  	[tilespmem:s0+$0xA170] =	vst v2;
	_ =	sdelay $0x1  }
0x2e: {  	s0 =	sshra.s32 s8, $0x2  }
0x2f: {  	[tilespmem:s0+$0xA190] =	vst v2  }
0x30: {  	[tilespmem:s0+$0xA180] =	vst v2  }
0x31: {  	[tilespmem:s0+$0xA160] =	vst v2  }
0x32: {  	[tilespmem:s0+$0xA170] =	vst v2  }
0x33: {  	[tilespmem:$0x1800] =	vst v3  }
0x34: {  	[tilespmem:$0x1920] =	vst v3  }
0x35: {  	[tilespmem:$0x1A40] =	vst v2  }
0x36: {  	[tilespmem:$0x1810] =	vst v3  }
0x37: {  	[tilespmem:$0x1930] =	vst v3  }
0x38: {  	[tilespmem:$0x1A50] =	vst v2  }
0x39: {  	[tilespmem:$0x1820] =	vst v3  }
0x3a: {  	[tilespmem:$0x1940] =	vst v3  }
0x3b: {  	[tilespmem:$0x1A60] =	vst v2  }
0x3c: {  	[tilespmem:$0x1830] =	vst v3  }
0x3d: {  	[tilespmem:$0x1950] =	vst v3  }
0x3e: {  	[tilespmem:$0x1A70] =	vst v2  }
0x3f: {  	[tilespmem:$0x1840] =	vst v3  }
0x40: {  	[tilespmem:$0x1960] =	vst v3  }
0x41: {  	[tilespmem:$0x1A80] =	vst v2  }
0x42: {  	[tilespmem:$0x1850] =	vst v3  }
0x43: {  	[tilespmem:$0x1970] =	vst v3  }
0x44: {  	[tilespmem:$0x1A90] =	vst v2  }
0x45: {  	[tilespmem:$0x1860] =	vst v3  }
0x46: {  	[tilespmem:$0x1980] =	vst v3  }
0x47: {  	[tilespmem:$0x1AA0] =	vst v2  }
0x48: {  	[tilespmem:$0x1870] =	vst v3  }
0x49: {  	[tilespmem:$0x1990] =	vst v3  }
0x4a: {  	[tilespmem:$0x1AB0] =	vst v2  }
0x4b: {  	[tilespmem:$0x1880] =	vst v3  }
0x4c: {  	[tilespmem:$0x19A0] =	vst v3  }
0x4d: {  	[tilespmem:$0x1AC0] =	vst v2  }
0x4e: {  	[tilespmem:$0x1890] =	vst v3  }
0x4f: {  	[tilespmem:$0x19B0] =	vst v3  }
0x50: {  	[tilespmem:$0x1AD0] =	vst v2  }
0x51: {  	[tilespmem:$0x18A0] =	vst v3  }
0x52: {  	[tilespmem:$0x19C0] =	vst v3  }
0x53: {  	[tilespmem:$0x1AE0] =	vst v2  }
0x54: {  	[tilespmem:$0x18B0] =	vst v3  }
0x55: {  	[tilespmem:$0x19D0] =	vst v3  }
0x56: {  	[tilespmem:$0x1AF0] =	vst v2  }
0x57: {  	[tilespmem:$0x18C0] =	vst v3  }
0x58: {  	[tilespmem:$0x19E0] =	vst v3  }
0x59: {  	[tilespmem:$0x1B00] =	vst v2  }
0x5a: {  	[tilespmem:$0x18D0] =	vst v3  }
0x5b: {  	[tilespmem:$0x19F0] =	vst v3  }
0x5c: {  	[tilespmem:$0x1B10] =	vst v2  }
0x5d: {  	[tilespmem:$0x18E0] =	vst v3  }
0x5e: {  	[tilespmem:$0x1A00] =	vst v3  }
0x5f: {  	[tilespmem:$0x1B20] =	vst v2  }
0x60: {  	[tilespmem:$0x18F0] =	vst v3  }
0x61: {  	[tilespmem:$0x1A10] =	vst v3  }
0x62: {  	[tilespmem:$0x1B30] =	vst v2  }
0x63: {  	[tilespmem:$0x1900] =	vst v3  }
0x64: {  	[tilespmem:$0x1A20] =	vst v3  }
0x65: {  	[tilespmem:$0x1B40] =	vst v2  }
0x66: {  	[tilespmem:$0x1910] =	vst v3  }
0x67: {  	[tilespmem:$0x1A30] =	vst v3  }
0x68: {  	s2 =	simm.s32 $0xA160;
	[tilespmem:$0x1B50] =	vst v2  }
0x69: {  	[spmem:s22] =	stream.linear.scatter [tilespmem:s2], [sflag:$0x7], $0x1000, $0x38;
	[tilespmem:$0x17160] =	vst v63  }
0x6a: {  	_ =	swait.ge [sflag:s29], $0x1000  }
0x6b: {  	[sflag:s29] =	ssyncset.done $0x0  }
0x6c: {  	s20 =	rddreg [dreg:$0x6];
	[sflag:s29] =	ssyncadd.s32 $0xFFFFF000  }
0x6d: {  	[spmem:s20] =	stream.linear.scatter [tilespmem:s2], [sflag:$0x7], $0x1000, $0x38;
	[tilespmem:$0x17160] =	vst v63  }
0x6e: {  	_ =	swait.ge [sflag:s29], $0x1000  }
0x6f: {  	[sflag:s29] =	ssyncset.done $0x0  }
0x70: {  	s21 =	rddreg [dreg:$0x7];
	[sflag:s29] =	ssyncadd.s32 $0xFFFFF000  }
0x71: {  	[spmem:s21] =	stream.linear.scatter [tilespmem:s2], [sflag:$0x7], $0x1000, $0x38;
	[tilespmem:$0x17160] =	vst v63  }
0x72: {  	_ =	swait.ge [sflag:s29], $0x1000  }
0x73: {  	[sflag:s29] =	ssyncset.done $0x0  }
0x74: {  	s22 =	rddreg [dreg:$0x8];
	[sflag:s29] =	ssyncadd.s32 $0xFFFFF000  }
0x75: {  	[spmem:s22] =	stream.linear.scatter [tilespmem:s2], [sflag:$0x7], $0x1000, $0x38;
	[tilespmem:$0x17160] =	vst v63  }
0x76: {  	_ =	swait.ge [sflag:s29], $0x1000  }
0x77: {  	[sflag:s29] =	ssyncset.done $0x0  }
0x78: {  	s23 =	rddreg [dreg:$0x9];
	[sflag:s29] =	ssyncadd.s32 $0xFFFFF000  }
0x79: {  	[spmem:s23] =	stream.linear.scatter [tilespmem:s2], [sflag:$0x7], $0x1000, $0x38;
	[tilespmem:$0x17160] =	vst v63  }
0x7a: {  	_ =	swait.ge [sflag:s29], $0x1000  }
0x7b: {  	[sflag:s29] =	ssyncset.done $0x0  }
0x7c: {  	s24 =	rddreg [dreg:$0xa];
	[sflag:s29] =	ssyncadd.s32 $0xFFFFF000  }
0x7d: {  	[spmem:s24] =	stream.linear.scatter [tilespmem:s2], [sflag:$0x7], $0x1000, $0x38;
	[tilespmem:$0x17160] =	vst v63  }
0x7e: {  	_ =	swait.ge [sflag:s29], $0x1000  }
0x7f: {  	[sflag:s29] =	ssyncset.done $0x0  }
0x80: {  	s28 =	rddreg [dreg:$0xb];
	[sflag:s29] =	ssyncadd.s32 $0xFFFFF000  }
0x81: {  	[spmem:s28] =	stream.linear.scatter [tilespmem:s2], [sflag:$0x7], $0x1000, $0x38;
	[tilespmem:$0x17160] =	vst v63  }
0x82: {  	_ =	swait.ge [sflag:s29], $0x1000  }
0x83: {  	[sflag:s29] =	ssyncset.done $0x0  }
0x84: {  	s30 =	rddreg [dreg:$0xc];
	[sflag:s29] =	ssyncadd.s32 $0xFFFFF000  }
0x85: {  	[spmem:s30] =	stream.linear.scatter [tilespmem:s2], [sflag:$0x7], $0x1000, $0x38;
	[tilespmem:$0x17160] =	vst v63  }
0x86: {  	_ =	swait.ge [sflag:s29], $0x1000  }
0x87: {  	[sflag:s29] =	ssyncset.done $0x0  }
0x88: {  	s8 =	rddreg [dreg:$0xd];
	[sflag:s29] =	ssyncadd.s32 $0xFFFFF000  }
0x89: {  	[spmem:s8] =	stream.linear.scatter [tilespmem:s2], [sflag:$0x7], $0x1000, $0x38;
	[tilespmem:$0x17160] =	vst v63  }
0x8a: {  	_ =	swait.ge [sflag:s29], $0x1000  }
0x8b: {  	[sflag:s29] =	ssyncset.done $0x0  }
0x8c: {  	s19 =	rddreg [dreg:$0xe];
	[sflag:s29] =	ssyncadd.s32 $0xFFFFF000  }
0x8d: {  	[spmem:s19] =	stream.linear.scatter [tilespmem:s2], [sflag:$0x7], $0x1000, $0x38;
	[tilespmem:$0x17160] =	vst v63  }
0x8e: {  	_ =	swait.ge [sflag:s29], $0x1000  }
0x8f: {  	[sflag:s29] =	ssyncset.done $0x0  }
0x90: {  	s20 =	rddreg [dreg:$0xf];
	[sflag:s29] =	ssyncadd.s32 $0xFFFFF000  }
0x91: {  	[spmem:s20] =	stream.linear.scatter [tilespmem:s2], [sflag:$0x7], $0x1000, $0x38;
	[tilespmem:$0x17160] =	vst v63  }
0x92: {  	_ =	swait.ge [sflag:s29], $0x1000  }
0x93: {  	[sflag:s29] =	ssyncset.done $0x0  }
0x94: {  	s21 =	rddreg [dreg:$0x10];
	[sflag:s29] =	ssyncadd.s32 $0xFFFFF000  }
0x95: {  	[spmem:s21] =	stream.linear.scatter [tilespmem:s2], [sflag:$0x7], $0x1000, $0x38;
	[tilespmem:$0x17160] =	vst v63  }
0x96: {  	_ =	swait.ge [sflag:s29], $0x1000  }
0x97: {  	[sflag:s29] =	ssyncset.done $0x0  }
0x98: {  	[sflag:s29] =	ssyncadd.s32 $0xFFFFF000  }
0x99: {  	[bflag:$0x0] =	sbarrier.arrive $0xFFFF  }
0x9a: {  	s21 =	simm.s32 $0x0;
	s22 =	rddreg [dreg:$0x11]  }
0x9b: {  	[tilespmem:s21], [sflag:$0x1] =	stream.linear.gather [hbm4b:s22+s21], $0x400, $0x38;
	[tilespmem:$0x17160] =	vst v63  }
.Ltmp3:
0x9c: {  	s24 =	simm.s32 $0x800;
	s30 =	simm.s32 $0x1000;
	(pc) =	sbr.rel .LBB2_4-.Ltmp3, $4  }
0x9d: {  	s19 =	simm.s32 $0x0;
	s20 =	simm.s32 $0x0;
	s23 =	rddreg [dreg:$0x13]  }
0x9e: {  	[tilespmem:s24], [sflag:$0x1] =	stream.linear.gather [hbm4b:s23+s21], $0x400, $0x38;
	[tilespmem:$0x17160] =	vst v63  }
0x9f: {  	s28 =	rddreg [dreg:$0x14];
	s22 =	simm.s32 $0x0;
	s23 =	simm.s32 $0x0  }
0xa0: {  	[tilespmem:s30], [sflag:$0x1] =	stream.linear.gather [hbm4b:s28+s21], $0x400, $0x38;
	[tilespmem:$0x17160] =	vst v63  }
.LBB2_34:
0xa1: {  	s23 =	sadd.s32 $0x1, s23  }
0xa2: {  	p0 =	sne.s32 s23, $0x10  }
.Ltmp4:
0xa3: {  	_ = 	snop;
	(pc) =	sbr.rel @!p0 .LBB2_35-.Ltmp4, $1  }
0xa4: {  	_ =	sdelay $0x3  }
.LBB2_4:
0xa5: {  	s24 =	sshll.u32 s23, $0xB  }
0xa6: {  	s0 =	sor.u32 s24, s25  }
0xa7: {  	s0 =	sshrl.u32 s0, $0x3  }
0xa8: {  	s0 =	sor.u32 $0x80, s0  }
0xa9: {  	s8 =	simm.s32 $0x400;
	s2 =	sadd.s32 s4, s0  }
0xaa: {  	[tilespmem:s8], [sflag:$0x2] =	stream.linear.gather [hbm4b:s2+s21], $0x400, $0x38;
	[tilespmem:$0x17160] =	vst v63  }
0xab: {  	s30 =	simm.s32 $0xC00;
	s28 =	sadd.s32 s5, s0  }
0xac: {  	[tilespmem:s30], [sflag:$0x2] =	stream.linear.gather [hbm4b:s28+s21], $0x400, $0x38;
	[tilespmem:$0x17160] =	vst v63  }
0xad: {  	s0 =	sadd.s32 s6, s0  }
0xae: {  	[tilespmem:s31], [sflag:$0x2] =	stream.linear.gather [hbm4b:s0+s21], $0x400, $0x38;
	[tilespmem:$0x17160] =	vst v63  }
0xaf: {  	_ =	swait.ge [sflag:s3], $0x400  }
0xb0: {  	[sflag:s3] =	ssyncset.done $0x0  }
0xb1: {  	[sflag:s3] =	ssyncadd.s32 $0xFFFFFC00  }
0xb2: {  	_ =	swait.ge [sflag:s3], $0x400  }
.Ltmp5:
0xb3: {  	[sflag:s3] =	ssyncset.done $0x0;
	(pc) =	sbr.rel .LBB2_5-.Ltmp5, $4  }
0xb4: {  	[sflag:s3] =	ssyncadd.s32 $0xFFFFFC00  }
0xb5: {  	_ =	swait.ge [sflag:s3], $0x400  }
0xb6: {  	[sflag:s3] =	ssyncset.done $0x0  }
0xb7: {  	s8 =	simm.s32 $0x0;
	[sflag:s3] =	ssyncadd.s32 $0xFFFFFC00  }
.LBB2_16:
0xb8: {  	v20 =	vld [tilespmem:$0x1920]  }
0xb9: {  	v21 =	vld [tilespmem:$0x1800]  }
0xba: {  	v22 =	vld [tilespmem:$0x1A40]  }
0xbb: {  	v23 =	vld [tilespmem:$0x1930]  }
0xbc: {  	v24 =	vld [tilespmem:$0x1810]  }
0xbd: {  	v30 =	vld [tilespmem:$0x1940];
	[tilespmem:$0x1F60] =	vst v20  }
0xbe: {  	v31 =	vld [tilespmem:$0x1820];
	[tilespmem:$0x1E60] =	vst v21  }
0xbf: {  	v20 =	vld [tilespmem:$0x1A50];
	[tilespmem:$0x2060] =	vst v22  }
0xc0: {  	v32 =	vld [tilespmem:$0x1A60];
	[tilespmem:$0x1F70] =	vst v23  }
0xc1: {  	v33 =	vld [tilespmem:$0x1950];
	[tilespmem:$0x1E70] =	vst v24  }
0xc2: {  	v34 =	vld [tilespmem:$0x1A70];
	[tilespmem:$0x1F80] =	vst v30  }
0xc3: {  	v35 =	vld [tilespmem:$0x1960];
	[tilespmem:$0x1E80] =	vst v31  }
0xc4: {  	[tilespmem:$0x2070] =	vst v20;
	v20 =	vld [tilespmem:$0x1830]  }
0xc5: {  	v36 =	vld [tilespmem:$0x1840];
	[tilespmem:$0x2080] =	vst v32  }
0xc6: {  	v37 =	vld [tilespmem:$0x1A80];
	[tilespmem:$0x1F90] =	vst v33  }
0xc7: {  	v38 =	vld [tilespmem:$0x1850];
	[tilespmem:$0x2090] =	vst v34  }
0xc8: {  	v39 =	vld [tilespmem:$0x1A90];
	[tilespmem:$0x1FA0] =	vst v35  }
0xc9: {  	[tilespmem:$0x1E90] =	vst v20;
	v20 =	vld [tilespmem:$0x1970]  }
0xca: {  	v40 =	vld [tilespmem:$0x1980];
	[tilespmem:$0x1EA0] =	vst v36  }
0xcb: {  	v41 =	vld [tilespmem:$0x1860];
	[tilespmem:$0x20A0] =	vst v37  }
0xcc: {  	v42 =	vld [tilespmem:$0x1990];
	[tilespmem:$0x1EB0] =	vst v38  }
0xcd: {  	v43 =	vld [tilespmem:$0x1870];
	[tilespmem:$0x20B0] =	vst v39  }
0xce: {  	[tilespmem:$0x1FB0] =	vst v20;
	v20 =	vld [tilespmem:$0x1AA0]  }
0xcf: {  	v44 =	vld [tilespmem:$0x1AB0];
	[tilespmem:$0x1FC0] =	vst v40  }
0xd0: {  	v45 =	vld [tilespmem:$0x19A0];
	[tilespmem:$0x1EC0] =	vst v41  }
0xd1: {  	v46 =	vld [tilespmem:$0x1AC0];
	[tilespmem:$0x1FD0] =	vst v42  }
0xd2: {  	v47 =	vld [tilespmem:$0x19B0];
	[tilespmem:$0x1ED0] =	vst v43  }
0xd3: {  	[tilespmem:$0x20C0] =	vst v20;
	v20 =	vld [tilespmem:$0x1880]  }
0xd4: {  	v48 =	vld [tilespmem:$0x1890];
	[tilespmem:$0x20D0] =	vst v44  }
0xd5: {  	v49 =	vld [tilespmem:$0x1AD0];
	[tilespmem:$0x1FE0] =	vst v45  }
0xd6: {  	v50 =	vld [tilespmem:$0x18A0];
	[tilespmem:$0x20E0] =	vst v46  }
0xd7: {  	v51 =	vld [tilespmem:$0x1AE0];
	[tilespmem:$0x1FF0] =	vst v47  }
0xd8: {  	[tilespmem:$0x1EE0] =	vst v20;
	v20 =	vld [tilespmem:$0x19C0]  }
0xd9: {  	v52 =	vld [tilespmem:$0x19D0];
	[tilespmem:$0x1EF0] =	vst v48  }
0xda: {  	v53 =	vld [tilespmem:$0x18B0];
	[tilespmem:$0x20F0] =	vst v49  }
0xdb: {  	v54 =	vld [tilespmem:$0x19E0];
	[tilespmem:$0x1F00] =	vst v50  }
0xdc: {  	v55 =	vld [tilespmem:$0x18C0];
	[tilespmem:$0x2100] =	vst v51  }
0xdd: {  	[tilespmem:$0x2000] =	vst v20;
	v20 =	vld [tilespmem:$0x1AF0]  }
0xde: {  	v56 =	vld [tilespmem:$0x1B00];
	[tilespmem:$0x2010] =	vst v52  }
0xdf: {  	v57 =	vld [tilespmem:$0x19F0];
	[tilespmem:$0x1F10] =	vst v53  }
0xe0: {  	v58 =	vld [tilespmem:$0x1B10];
	[tilespmem:$0x2020] =	vst v54  }
0xe1: {  	v59 =	vld [tilespmem:$0x1A00];
	[tilespmem:$0x1F20] =	vst v55  }
0xe2: {  	[tilespmem:$0x2110] =	vst v20;
	v20 =	vld [tilespmem:$0x18D0]  }
0xe3: {  	v60 =	vld [tilespmem:$0x18E0];
	[tilespmem:$0x2120] =	vst v56  }
0xe4: {  	v61 =	vld [tilespmem:$0x1B20];
	[tilespmem:$0x2030] =	vst v57  }
0xe5: {  	v62 =	vld [tilespmem:$0x18F0];
	[tilespmem:$0x2130] =	vst v58  }
0xe6: {  	v63 =	vld [tilespmem:$0x1B30];
	[tilespmem:$0x2040] =	vst v59  }
0xe7: {  	[tilespmem:$0x1F30] =	vst v20;
	v20 =	vld [tilespmem:$0x1A10]  }
0xe8: {  	[tilespmem:$0x1F40] =	vst v60  }
0xe9: {  	[tilespmem:$0x2140] =	vst v61  }
0xea: {  	[tilespmem:$0x1F50] =	vst v62  }
0xeb: {  	[tilespmem:$0x2150] =	vst v63  }
0xec: {  	[tilespmem:$0x2050] =	vst v20  }
0xed: {  	[tilespmem:s12], [sflag:$0x4] =	stream.indirect.gather [hbm4b:s7+s10], $0x40, s17, s10, $0xb8;
	[tilespmem:$0x17160] =	vst v63  }
.LBB2_17:
0xee: {  	v20 =	vld [tilespmem:$0x1900]  }
0xef: {  	v21 =	vld [tilespmem:$0x1A20]  }
0xf0: {  	v22 =	vld [tilespmem:$0x1B40];
	_ =	sdelay $0x2  }
0xf1: {  	[tilespmem:$0x1800] =	vst v20  }
0xf2: {  	[tilespmem:$0x1920] =	vst v21  }
0xf3: {  	[tilespmem:$0x1A40] =	vst v22  }
.LBB2_18:
0xf4: {  	s8 =	sadd.s32 $0x1, s8  }
0xf5: {  	p1 =	sne.s32 s8, $0x40  }
.Ltmp6:
0xf6: {  	_ = 	snop;
	(pc) =	sbr.rel @!p1 .LBB2_19-.Ltmp6, $4  }
0xf7: {  	_ = 	snop  }
0xf8: {  	p0 =	sgt.s32 s22, $0xFF;
	s2 =	simm.s32 $0x1  }
0xf9: {  	s0 =	sadd.s32 $0xFFFFFF00, s22;
	s28 =	sxor.u32 $0x1, s20;
	s2 =	simm.s32 @!p0 $0x0  }
0xfa: {  	s22 =	smov.u32 @p0 s0;
	s20 =	smov.u32 @p0 s28;
	s19 =	sadd.s32 s2, s19  }
.LBB2_5:
0xfb: {  	s0 =	sshll.u32 s8, $0x4  }
0xfc: {  	v20 =	vld [tilespmem:s0+$0x0];
	_ =	sdelay $0x4  }
0xfd: {  	vm0 =	vge.s32 v20, v0;
	vm1 =	vlt.s32 v20, v1  }
0xfe: {  	vm0 =	vmand vm0, vm1  }
0xff: {  	v21 =	vmpcnt.ones.xlane vm0;
	_ =	sdelay $0x1  }
0x100: {  	(v2sf) =	vpush v21, $0x0;
	_ =	sdelay $0x2  }
0x101: {  	v20 =	vsub.s32 v20, v0  }
0x102: {  	[tilespmem:s22+$0x1800] =	vst.msk vm0, v20  }
0x103: {  	v20 =	vld [tilespmem:s0+$0x800];
	_ =	sdelay $0x4  }
0x104: {  	[tilespmem:s22+$0x1920] =	vst.msk vm0, v20  }
0x105: {  	v20 =	vld [tilespmem:s0+$0x1000];
	_ =	sdelay $0x3  }
0x106: {  	s30 =	spop (v2sf)  }
0x107: {  	[tilespmem:s22+$0x1A40] =	vst.msk vm0, v20;
	s22 =	sadd.s32 s22, s30  }
0x108: {  	p0 =	slt.s32 s22, $0x100  }
.Ltmp7:
0x109: {  	_ = 	snop;
	(pc) =	sbr.rel @p0 .LBB2_18-.Ltmp7, $1  }
0x10a: {  	_ =	sdelay $0x3  }
0x10b: {  	p1 =	sne.s32 s20, $0x0  }
.Ltmp8:
0x10c: {  	_ = 	snop;
	(pc) =	sbr.rel @!p1 .LBB2_7-.Ltmp8, $2  }
0x10d: {  	_ =	sdelay $0x2  }
0x10e: {  	p0 =	slt.s32 s19, $0x1  }
.Ltmp9:
0x10f: {  	(pc) =	sbr.rel @p0 .LBB2_16-.Ltmp9, $1  }
0x110: {  	_ =	sdelay $0x3  }
0x111: {  	_ =	swait.ge [sflag:s15], $0x4000  }
0x112: {  	[sflag:s15] =	ssyncset.done $0x0  }
0x113: {  	s0 =	simm.s32 $0x1D62;
	[sflag:s15] =	ssyncadd.s32 $0xFFFFC000  }
0x114: {  	s28 =	simm.s32 $0x21E0;
	v20 =	vld.msk [tilespmem:s0+$0x1 ss:$0x0], $0xffff  }
0x115: {  	v23 =	vld [tilespmem:s28+$0x70]  }
0x116: {  	v21 =	vld.msk [tilespmem:s0+$0xFFFFFFFE ss:$0x0], $0xffff  }
0x117: {  	v25 =	vld.msk [tilespmem:s0+$0xFFFFFFFF ss:$0x0], $0xffff  }
0x118: {  	v24 =	vld [tilespmem:s28+$0xFFFFFF90]  }
0x119: {  	v26 =	vld [tilespmem:s28+$0xFFFFFFA0]  }
0x11a: {  	v27 =	vld [tilespmem:s28+$0xFFFFFFB0]  }
0x11b: {  	v29 =	vld [tilespmem:s28+$0xFFFFFFD0]  }
0x11c: {  	v28 =	vld [tilespmem:s28+$0xFFFFFFC0]  }
0x11d: {  	v22 =	vld.msk [tilespmem:s0+$0x0 ss:$0x0], $0xffff;
	v23 =	vmul.f32 v23, v20  }
0x11e: {  	v30 =	vld [tilespmem:s28+$0xFFFFFFE0];
	v24 =	vmul.f32 v24, v21  }
0x11f: {  	[tilespmem:s28+$0x70] =	vst v23;
	v23 =	vmul.f32 v26, v21;
	v26 =	vld [tilespmem:s28+$0xFFFFFFF0]  }
0x120: {  	v29 =	vmul.f32 v29, v25;
	[tilespmem:s28+$0xFFFFFF90] =	vst v24;
	v24 =	vmul.f32 v27, v21;
	v27 =	vld [tilespmem:s28+$0x0]  }
0x121: {  	[tilespmem:s28+$0xFFFFFFA0] =	vst v23;
	v23 =	vmul.f32 v25, v28;
	v28 =	vld [tilespmem:s28+$0x10]  }
0x122: {  	v31 =	vld [tilespmem:s28+$0x20];
	[tilespmem:s28+$0xFFFFFFD0] =	vst v29  }
0x123: {  	v30 =	vmul.f32 v30, v25;
	[tilespmem:s28+$0xFFFFFFB0] =	vst v24;
	v24 =	vld [tilespmem:s28+$0x30]  }
0x124: {  	[tilespmem:s28+$0xFFFFFFC0] =	vst v23;
	v23 =	vld [tilespmem:s28+$0x40];
	v26 =	vmul.f32 v26, v25  }
0x125: {  	[tilespmem:s28+$0xFFFFFFE0] =	vst v30;
	v29 =	vmul.f32 v22, v27;
	v25 =	vld [tilespmem:s28+$0x50]  }
0x126: {  	[tilespmem:s28+$0xFFFFFFF0] =	vst v26;
	v26 =	vld [tilespmem:s28+$0x60];
	v28 =	vmul.f32 v28, v22  }
0x127: {  	s2 =	simm.s32 $0x0;
	s30 =	simm.s32 $0x21E0;
	s0 =	simm.s32 $0x1D66;
	v27 =	vld [tilespmem:s28+$0xFFFFFF80];
	[tilespmem:s28+$0x0] =	vst v29;
	v29 =	vmul.f32 v31, v22  }
.LBB2_14:
0x128: {  	v30 =	vld.msk [tilespmem:s0+$0x1 ss:$0x0], $0xffff;
	s2 =	sadd.s32 $0x4, s2;
	[tilespmem:s28+$0x10] =	vst v28;
	v22 =	vmul.f32 v24, v22;
	s30 =	sadd.s32 $0x100, s30  }
0x129: {  	v24 =	vld [tilespmem:s30+$0x70];
	p0 =	slt.u32 s2, $0xFC;
	[tilespmem:s28+$0x20] =	vst v29;
	v23 =	vmul.f32 v20, v23  }
0x12a: {  	v28 =	vld.msk [tilespmem:s0+$0xFFFFFFFE ss:$0x0], $0xffff;
	[tilespmem:s28+$0x30] =	vst v22;
	v25 =	vmul.f32 v25, v20  }
0x12b: {  	v29 =	vld.msk [tilespmem:s0+$0xFFFFFFFF ss:$0x0], $0xffff;
	[tilespmem:s28+$0x40] =	vst v23;
	v26 =	vmul.f32 v26, v20  }
0x12c: {  	v22 =	vld.msk [tilespmem:s0+$0x0 ss:$0x0], $0xffff;
	v21 =	vmul.f32 v21, v27;
	[tilespmem:s28+$0x50] =	vst v25  }
0x12d: {  	v23 =	vld [tilespmem:s30+$0xFFFFFF90];
	[tilespmem:s28+$0x60] =	vst v26  }
0x12e: {  	v20 =	vmov v30;
	v25 =	vld [tilespmem:s30+$0xFFFFFFA0];
	v24 =	vmul.f32 v24, v30;
	[tilespmem:s28+$0xFFFFFF80] =	vst v21;
	s28 =	smov.u32 s30  }
0x12f: {  	v26 =	vld [tilespmem:s30+$0xFFFFFFB0]  }
0x130: {  	v27 =	vld [tilespmem:s30+$0xFFFFFFC0];
	[tilespmem:s30+$0x70] =	vst v24;
	v21 =	vmov v28  }
0x131: {  	v24 =	vld [tilespmem:s30+$0xFFFFFFD0]  }
0x132: {  	v23 =	vmul.f32 v23, v21;
	v28 =	vld [tilespmem:s30+$0xFFFFFFE0]  }
0x133: {  	v25 =	vmul.f32 v25, v21;
	v30 =	vld [tilespmem:s30+$0xFFFFFFF0]  }
0x134: {  	[tilespmem:s30+$0xFFFFFF90] =	vst v23;
	v23 =	vmul.f32 v26, v21;
	v26 =	vld [tilespmem:s30+$0x0]  }
0x135: {  	[tilespmem:s30+$0xFFFFFFA0] =	vst v25;
	v25 =	vmul.f32 v29, v27;
	v27 =	vld [tilespmem:s30+$0x10]  }
0x136: {  	[tilespmem:s30+$0xFFFFFFB0] =	vst v23;
	v23 =	vmul.f32 v24, v29;
	v31 =	vld [tilespmem:s30+$0x20]  }
.Ltmp10:
0x137: {  	[tilespmem:s30+$0xFFFFFFC0] =	vst v25;
	v25 =	vmul.f32 v28, v29;
	v24 =	vld [tilespmem:s30+$0x30];
	(pc) =	sbr.rel @p0 .LBB2_14-.Ltmp10, $4  }
0x138: {  	[tilespmem:s30+$0xFFFFFFD0] =	vst v23;
	v28 =	vmul.f32 v30, v29;
	v23 =	vld [tilespmem:s30+$0x40]  }
0x139: {  	[tilespmem:s30+$0xFFFFFFE0] =	vst v25;
	v29 =	vmul.f32 v22, v26;
	v25 =	vld [tilespmem:s30+$0x50]  }
0x13a: {  	[tilespmem:s30+$0xFFFFFFF0] =	vst v28;
	v28 =	vmul.f32 v27, v22;
	v26 =	vld [tilespmem:s30+$0x60]  }
0x13b: {  	s0 =	sadd.s32 $0x4, s0;
	v27 =	vld [tilespmem:s30+$0xFFFFFF80];
	[tilespmem:s30+$0x0] =	vst v29;
	v29 =	vmul.f32 v31, v22  }
0x13c: {  	[tilespmem:s28+$0x10] =	vst v28;
	v22 =	vmul.f32 v24, v22  }
0x13d: {  	[tilespmem:s28+$0x20] =	vst v29;
	v23 =	vmul.f32 v20, v23  }
0x13e: {  	[tilespmem:s28+$0x30] =	vst v22;
	v63 =	vmul.f32 v25, v20  }
0x13f: {  	[tilespmem:s28+$0x40] =	vst v23;
	v20 =	vmul.f32 v26, v20  }
0x140: {  	v21 =	vmul.f32 v21, v27;
	[tilespmem:s28+$0x50] =	vst v63  }
0x141: {  	p0 =	seq.s32 s19, $0x1;
	[tilespmem:s28+$0x60] =	vst v20  }
.Ltmp11:
0x142: {  	s0 =	simm.s32 @!p0 $0x6;
	[tilespmem:s28+$0xFFFFFF80] =	vst v21;
	(pc) =	sbr.rel .LBB2_16-.Ltmp11, $4  }
0x143: {  	[spmem:s1] =	stream.indirect.scatter.add.f32 [tilespmem:s14], [sflag:$0x5], $0x40, s16, s10, $0xb8;
	[tilespmem:$0x17160] =	vst v63  }
0x144: {  	_ =	swait.ge @!p0 [sflag:s0], $0x4000  }
0x145: {  	[sflag:s0] =	ssyncset.done @!p0 $0x0  }
0x146: {  	[sflag:s0] =	ssyncadd.s32 @!p0 $0xFFFFC000  }
.LBB2_7:
.Ltmp12:
0x147: {  	(pc) =	sbr.rel @p0 .LBB2_11-.Ltmp12, $1  }
0x148: {  	_ =	sdelay $0x3  }
0x149: {  	_ =	swait.ge [sflag:s9], $0x4000  }
0x14a: {  	[sflag:s9] =	ssyncset.done $0x0  }
0x14b: {  	s0 =	simm.s32 $0x2062;
	[sflag:s9] =	ssyncadd.s32 $0xFFFFC000  }
0x14c: {  	s28 =	simm.s32 $0x61E0;
	v20 =	vld.msk [tilespmem:s0+$0x1 ss:$0x0], $0xffff  }
0x14d: {  	v23 =	vld [tilespmem:s28+$0x70]  }
0x14e: {  	v21 =	vld.msk [tilespmem:s0+$0xFFFFFFFE ss:$0x0], $0xffff  }
0x14f: {  	v25 =	vld.msk [tilespmem:s0+$0xFFFFFFFF ss:$0x0], $0xffff  }
0x150: {  	v24 =	vld [tilespmem:s28+$0xFFFFFF90]  }
0x151: {  	v26 =	vld [tilespmem:s28+$0xFFFFFFA0]  }
0x152: {  	v27 =	vld [tilespmem:s28+$0xFFFFFFB0]  }
0x153: {  	v29 =	vld [tilespmem:s28+$0xFFFFFFD0]  }
0x154: {  	v28 =	vld [tilespmem:s28+$0xFFFFFFC0]  }
0x155: {  	v22 =	vld.msk [tilespmem:s0+$0x0 ss:$0x0], $0xffff;
	v23 =	vmul.f32 v23, v20  }
0x156: {  	v30 =	vld [tilespmem:s28+$0xFFFFFFE0];
	v24 =	vmul.f32 v24, v21  }
0x157: {  	[tilespmem:s28+$0x70] =	vst v23;
	v23 =	vmul.f32 v26, v21;
	v26 =	vld [tilespmem:s28+$0xFFFFFFF0]  }
0x158: {  	v29 =	vmul.f32 v29, v25;
	[tilespmem:s28+$0xFFFFFF90] =	vst v24;
	v24 =	vmul.f32 v27, v21;
	v27 =	vld [tilespmem:s28+$0x0]  }
0x159: {  	[tilespmem:s28+$0xFFFFFFA0] =	vst v23;
	v23 =	vmul.f32 v25, v28;
	v28 =	vld [tilespmem:s28+$0x10]  }
0x15a: {  	v31 =	vld [tilespmem:s28+$0x20];
	[tilespmem:s28+$0xFFFFFFD0] =	vst v29  }
0x15b: {  	v30 =	vmul.f32 v30, v25;
	[tilespmem:s28+$0xFFFFFFB0] =	vst v24;
	v24 =	vld [tilespmem:s28+$0x30]  }
0x15c: {  	[tilespmem:s28+$0xFFFFFFC0] =	vst v23;
	v23 =	vld [tilespmem:s28+$0x40];
	v26 =	vmul.f32 v26, v25  }
0x15d: {  	[tilespmem:s28+$0xFFFFFFE0] =	vst v30;
	v29 =	vmul.f32 v22, v27;
	v25 =	vld [tilespmem:s28+$0x50]  }
0x15e: {  	[tilespmem:s28+$0xFFFFFFF0] =	vst v26;
	v26 =	vld [tilespmem:s28+$0x60];
	v28 =	vmul.f32 v28, v22  }
0x15f: {  	s2 =	simm.s32 $0x0;
	s30 =	simm.s32 $0x61E0;
	s0 =	simm.s32 $0x2066;
	v27 =	vld [tilespmem:s28+$0xFFFFFF80];
	[tilespmem:s28+$0x0] =	vst v29;
	v29 =	vmul.f32 v31, v22  }
.LBB2_9:
0x160: {  	v30 =	vld.msk [tilespmem:s0+$0x1 ss:$0x0], $0xffff;
	s2 =	sadd.s32 $0x4, s2;
	[tilespmem:s28+$0x10] =	vst v28;
	v22 =	vmul.f32 v24, v22;
	s30 =	sadd.s32 $0x100, s30  }
0x161: {  	v24 =	vld [tilespmem:s30+$0x70];
	p0 =	slt.u32 s2, $0xFC;
	[tilespmem:s28+$0x20] =	vst v29;
	v23 =	vmul.f32 v20, v23  }
0x162: {  	v28 =	vld.msk [tilespmem:s0+$0xFFFFFFFE ss:$0x0], $0xffff;
	[tilespmem:s28+$0x30] =	vst v22;
	v25 =	vmul.f32 v25, v20  }
0x163: {  	v29 =	vld.msk [tilespmem:s0+$0xFFFFFFFF ss:$0x0], $0xffff;
	[tilespmem:s28+$0x40] =	vst v23;
	v26 =	vmul.f32 v26, v20  }
0x164: {  	v22 =	vld.msk [tilespmem:s0+$0x0 ss:$0x0], $0xffff;
	v21 =	vmul.f32 v21, v27;
	[tilespmem:s28+$0x50] =	vst v25  }
0x165: {  	v23 =	vld [tilespmem:s30+$0xFFFFFF90];
	[tilespmem:s28+$0x60] =	vst v26  }
0x166: {  	v20 =	vmov v30;
	v25 =	vld [tilespmem:s30+$0xFFFFFFA0];
	v24 =	vmul.f32 v24, v30;
	[tilespmem:s28+$0xFFFFFF80] =	vst v21;
	s28 =	smov.u32 s30  }
0x167: {  	v26 =	vld [tilespmem:s30+$0xFFFFFFB0]  }
0x168: {  	v27 =	vld [tilespmem:s30+$0xFFFFFFC0];
	[tilespmem:s30+$0x70] =	vst v24;
	v21 =	vmov v28  }
0x169: {  	v24 =	vld [tilespmem:s30+$0xFFFFFFD0]  }
0x16a: {  	v23 =	vmul.f32 v23, v21;
	v28 =	vld [tilespmem:s30+$0xFFFFFFE0]  }
0x16b: {  	v25 =	vmul.f32 v25, v21;
	v30 =	vld [tilespmem:s30+$0xFFFFFFF0]  }
0x16c: {  	[tilespmem:s30+$0xFFFFFF90] =	vst v23;
	v23 =	vmul.f32 v26, v21;
	v26 =	vld [tilespmem:s30+$0x0]  }
0x16d: {  	[tilespmem:s30+$0xFFFFFFA0] =	vst v25;
	v25 =	vmul.f32 v29, v27;
	v27 =	vld [tilespmem:s30+$0x10]  }
0x16e: {  	[tilespmem:s30+$0xFFFFFFB0] =	vst v23;
	v23 =	vmul.f32 v24, v29;
	v31 =	vld [tilespmem:s30+$0x20]  }
.Ltmp13:
0x16f: {  	[tilespmem:s30+$0xFFFFFFC0] =	vst v25;
	v25 =	vmul.f32 v28, v29;
	v24 =	vld [tilespmem:s30+$0x30];
	(pc) =	sbr.rel @p0 .LBB2_9-.Ltmp13, $4  }
0x170: {  	[tilespmem:s30+$0xFFFFFFD0] =	vst v23;
	v28 =	vmul.f32 v30, v29;
	v23 =	vld [tilespmem:s30+$0x40]  }
0x171: {  	[tilespmem:s30+$0xFFFFFFE0] =	vst v25;
	v29 =	vmul.f32 v22, v26;
	v25 =	vld [tilespmem:s30+$0x50]  }
0x172: {  	[tilespmem:s30+$0xFFFFFFF0] =	vst v28;
	v28 =	vmul.f32 v27, v22;
	v26 =	vld [tilespmem:s30+$0x60]  }
0x173: {  	s0 =	sadd.s32 $0x4, s0;
	v27 =	vld [tilespmem:s30+$0xFFFFFF80];
	[tilespmem:s30+$0x0] =	vst v29;
	v29 =	vmul.f32 v31, v22  }
0x174: {  	[tilespmem:s28+$0x10] =	vst v28;
	v22 =	vmul.f32 v24, v22  }
0x175: {  	[tilespmem:s28+$0x20] =	vst v29;
	v23 =	vmul.f32 v20, v23  }
0x176: {  	[tilespmem:s28+$0x30] =	vst v22;
	v63 =	vmul.f32 v25, v20  }
0x177: {  	[tilespmem:s28+$0x40] =	vst v23;
	v20 =	vmul.f32 v26, v20  }
0x178: {  	v21 =	vmul.f32 v21, v27;
	[tilespmem:s28+$0x50] =	vst v63  }
0x179: {  	p0 =	seq.s32 s19, $0x1;
	[tilespmem:s28+$0x60] =	vst v20  }
0x17a: {  	s0 =	simm.s32 @!p0 $0x5;
	[tilespmem:s28+$0xFFFFFF80] =	vst v21  }
0x17b: {  	[spmem:s1] =	stream.indirect.scatter.add.f32 [tilespmem:s12], [sflag:$0x6], $0x40, s11, s10, $0xb8;
	[tilespmem:$0x17160] =	vst v63  }
0x17c: {  	_ =	swait.ge @!p0 [sflag:s0], $0x4000  }
0x17d: {  	[sflag:s0] =	ssyncset.done @!p0 $0x0  }
0x17e: {  	[sflag:s0] =	ssyncadd.s32 @!p0 $0xFFFFC000  }
.LBB2_11:
0x17f: {  	v20 =	vld [tilespmem:$0x1920]  }
0x180: {  	v21 =	vld [tilespmem:$0x1800]  }
0x181: {  	v22 =	vld [tilespmem:$0x1A40]  }
0x182: {  	v23 =	vld [tilespmem:$0x1930]  }
0x183: {  	v24 =	vld [tilespmem:$0x1810]  }
0x184: {  	v30 =	vld [tilespmem:$0x1940];
	[tilespmem:$0x1C60] =	vst v20  }
0x185: {  	v31 =	vld [tilespmem:$0x1820];
	[tilespmem:$0x1B60] =	vst v21  }
0x186: {  	v20 =	vld [tilespmem:$0x1A50];
	[tilespmem:$0x1D60] =	vst v22  }
0x187: {  	v32 =	vld [tilespmem:$0x1A60];
	[tilespmem:$0x1C70] =	vst v23  }
0x188: {  	v33 =	vld [tilespmem:$0x1950];
	[tilespmem:$0x1B70] =	vst v24  }
0x189: {  	v34 =	vld [tilespmem:$0x1A70];
	[tilespmem:$0x1C80] =	vst v30  }
0x18a: {  	v35 =	vld [tilespmem:$0x1960];
	[tilespmem:$0x1B80] =	vst v31  }
0x18b: {  	[tilespmem:$0x1D70] =	vst v20;
	v20 =	vld [tilespmem:$0x1830]  }
0x18c: {  	v36 =	vld [tilespmem:$0x1840];
	[tilespmem:$0x1D80] =	vst v32  }
0x18d: {  	v37 =	vld [tilespmem:$0x1A80];
	[tilespmem:$0x1C90] =	vst v33  }
0x18e: {  	v38 =	vld [tilespmem:$0x1850];
	[tilespmem:$0x1D90] =	vst v34  }
0x18f: {  	v39 =	vld [tilespmem:$0x1A90];
	[tilespmem:$0x1CA0] =	vst v35  }
0x190: {  	[tilespmem:$0x1B90] =	vst v20;
	v20 =	vld [tilespmem:$0x1970]  }
0x191: {  	v40 =	vld [tilespmem:$0x1980];
	[tilespmem:$0x1BA0] =	vst v36  }
0x192: {  	v41 =	vld [tilespmem:$0x1860];
	[tilespmem:$0x1DA0] =	vst v37  }
0x193: {  	v42 =	vld [tilespmem:$0x1990];
	[tilespmem:$0x1BB0] =	vst v38  }
0x194: {  	v43 =	vld [tilespmem:$0x1870];
	[tilespmem:$0x1DB0] =	vst v39  }
0x195: {  	[tilespmem:$0x1CB0] =	vst v20;
	v20 =	vld [tilespmem:$0x1AA0]  }
0x196: {  	v44 =	vld [tilespmem:$0x1AB0];
	[tilespmem:$0x1CC0] =	vst v40  }
0x197: {  	v45 =	vld [tilespmem:$0x19A0];
	[tilespmem:$0x1BC0] =	vst v41  }
0x198: {  	v46 =	vld [tilespmem:$0x1AC0];
	[tilespmem:$0x1CD0] =	vst v42  }
0x199: {  	v47 =	vld [tilespmem:$0x19B0];
	[tilespmem:$0x1BD0] =	vst v43  }
0x19a: {  	[tilespmem:$0x1DC0] =	vst v20;
	v20 =	vld [tilespmem:$0x1880]  }
0x19b: {  	v48 =	vld [tilespmem:$0x1890];
	[tilespmem:$0x1DD0] =	vst v44  }
0x19c: {  	v49 =	vld [tilespmem:$0x1AD0];
	[tilespmem:$0x1CE0] =	vst v45  }
0x19d: {  	v50 =	vld [tilespmem:$0x18A0];
	[tilespmem:$0x1DE0] =	vst v46  }
0x19e: {  	v51 =	vld [tilespmem:$0x1AE0];
	[tilespmem:$0x1CF0] =	vst v47  }
0x19f: {  	[tilespmem:$0x1BE0] =	vst v20;
	v20 =	vld [tilespmem:$0x19C0]  }
0x1a0: {  	v52 =	vld [tilespmem:$0x19D0];
	[tilespmem:$0x1BF0] =	vst v48  }
0x1a1: {  	v53 =	vld [tilespmem:$0x18B0];
	[tilespmem:$0x1DF0] =	vst v49  }
0x1a2: {  	v54 =	vld [tilespmem:$0x19E0];
	[tilespmem:$0x1C00] =	vst v50  }
0x1a3: {  	v55 =	vld [tilespmem:$0x18C0];
	[tilespmem:$0x1E00] =	vst v51  }
0x1a4: {  	[tilespmem:$0x1D00] =	vst v20;
	v20 =	vld [tilespmem:$0x1AF0]  }
0x1a5: {  	v56 =	vld [tilespmem:$0x1B00];
	[tilespmem:$0x1D10] =	vst v52  }
0x1a6: {  	v57 =	vld [tilespmem:$0x19F0];
	[tilespmem:$0x1C10] =	vst v53  }
0x1a7: {  	v58 =	vld [tilespmem:$0x1B10];
	[tilespmem:$0x1D20] =	vst v54  }
0x1a8: {  	v59 =	vld [tilespmem:$0x1A00];
	[tilespmem:$0x1C20] =	vst v55  }
0x1a9: {  	[tilespmem:$0x1E10] =	vst v20;
	v20 =	vld [tilespmem:$0x18D0]  }
0x1aa: {  	v60 =	vld [tilespmem:$0x18E0];
	[tilespmem:$0x1E20] =	vst v56  }
0x1ab: {  	v61 =	vld [tilespmem:$0x1B20];
	[tilespmem:$0x1D30] =	vst v57  }
0x1ac: {  	v62 =	vld [tilespmem:$0x18F0];
	[tilespmem:$0x1E30] =	vst v58  }
0x1ad: {  	v63 =	vld [tilespmem:$0x1B30];
	[tilespmem:$0x1D40] =	vst v59  }
0x1ae: {  	[tilespmem:$0x1C30] =	vst v20;
	v20 =	vld [tilespmem:$0x1A10]  }
0x1af: {  	[tilespmem:$0x1C40] =	vst v60  }
.Ltmp14:
0x1b0: {  	[tilespmem:$0x1E40] =	vst v61;
	(pc) =	sbr.rel .LBB2_17-.Ltmp14, $4  }
0x1b1: {  	[tilespmem:$0x1C50] =	vst v62  }
0x1b2: {  	[tilespmem:$0x1E50] =	vst v63  }
0x1b3: {  	[tilespmem:$0x1D50] =	vst v20  }
0x1b4: {  	[tilespmem:s14], [sflag:$0x3] =	stream.indirect.gather [hbm4b:s7+s10], $0x40, s13, s10, $0xb8;
	[tilespmem:$0x17160] =	vst v63  }
.LBB2_19:
0x1b5: {  	p0 =	seq.s32 s23, $0xF  }
0x1b6: {  	s0 =	sadd.s32 @!p0 s24, s26  }
0x1b7: {  	s0 =	sshrl.u32 @!p0 s0, $0x3  }
0x1b8: {  	s8 =	simm.s32 @!p0 $0x0;
	s2 =	sadd.s32 @!p0 s4, s0  }
0x1b9: {  	[tilespmem:s8], [sflag:$0x1] =	stream.linear.gather @!p0 [hbm4b:s2+s8], $0x400, $0x38;
	[tilespmem:$0x17160] =	vst v63  }
0x1ba: {  	s24 =	simm.s32 @!p0 $0x800;
	s2 =	sadd.s32 @!p0 s5, s0  }
0x1bb: {  	[tilespmem:s24], [sflag:$0x1] =	stream.linear.gather @!p0 [hbm4b:s2+s8], $0x400, $0x38;
	[tilespmem:$0x17160] =	vst v63  }
0x1bc: {  	s0 =	sadd.s32 @!p0 s6, s0;
	s2 =	simm.s32 @!p0 $0x1000  }
0x1bd: {  	[tilespmem:s2], [sflag:$0x1] =	stream.linear.gather @!p0 [hbm4b:s0+s8], $0x400, $0x38;
	[tilespmem:$0x17160] =	vst v63  }
0x1be: {  	_ =	swait.ge [sflag:s18], $0x400  }
0x1bf: {  	[sflag:s18] =	ssyncset.done $0x0  }
0x1c0: {  	[sflag:s18] =	ssyncadd.s32 $0xFFFFFC00  }
0x1c1: {  	_ =	swait.ge [sflag:s18], $0x400  }
.Ltmp15:
0x1c2: {  	[sflag:s18] =	ssyncset.done $0x0;
	(pc) =	sbr.rel .LBB2_20-.Ltmp15, $4  }
0x1c3: {  	[sflag:s18] =	ssyncadd.s32 $0xFFFFFC00  }
0x1c4: {  	_ =	swait.ge [sflag:s18], $0x400  }
0x1c5: {  	[sflag:s18] =	ssyncset.done $0x0  }
0x1c6: {  	s8 =	simm.s32 $0x0;
	[sflag:s18] =	ssyncadd.s32 $0xFFFFFC00  }
.LBB2_31:
0x1c7: {  	v20 =	vld [tilespmem:$0x1920]  }
0x1c8: {  	v21 =	vld [tilespmem:$0x1800]  }
0x1c9: {  	v22 =	vld [tilespmem:$0x1A40]  }
0x1ca: {  	v23 =	vld [tilespmem:$0x1930]  }
0x1cb: {  	v24 =	vld [tilespmem:$0x1810]  }
0x1cc: {  	v30 =	vld [tilespmem:$0x1940];
	[tilespmem:$0x1F60] =	vst v20  }
0x1cd: {  	v31 =	vld [tilespmem:$0x1820];
	[tilespmem:$0x1E60] =	vst v21  }
0x1ce: {  	v20 =	vld [tilespmem:$0x1A50];
	[tilespmem:$0x2060] =	vst v22  }
0x1cf: {  	v32 =	vld [tilespmem:$0x1A60];
	[tilespmem:$0x1F70] =	vst v23  }
0x1d0: {  	v33 =	vld [tilespmem:$0x1950];
	[tilespmem:$0x1E70] =	vst v24  }
0x1d1: {  	v34 =	vld [tilespmem:$0x1A70];
	[tilespmem:$0x1F80] =	vst v30  }
0x1d2: {  	v35 =	vld [tilespmem:$0x1960];
	[tilespmem:$0x1E80] =	vst v31  }
0x1d3: {  	[tilespmem:$0x2070] =	vst v20;
	v20 =	vld [tilespmem:$0x1830]  }
0x1d4: {  	v36 =	vld [tilespmem:$0x1840];
	[tilespmem:$0x2080] =	vst v32  }
0x1d5: {  	v37 =	vld [tilespmem:$0x1A80];
	[tilespmem:$0x1F90] =	vst v33  }
0x1d6: {  	v38 =	vld [tilespmem:$0x1850];
	[tilespmem:$0x2090] =	vst v34  }
0x1d7: {  	v39 =	vld [tilespmem:$0x1A90];
	[tilespmem:$0x1FA0] =	vst v35  }
0x1d8: {  	[tilespmem:$0x1E90] =	vst v20;
	v20 =	vld [tilespmem:$0x1970]  }
0x1d9: {  	v40 =	vld [tilespmem:$0x1980];
	[tilespmem:$0x1EA0] =	vst v36  }
0x1da: {  	v41 =	vld [tilespmem:$0x1860];
	[tilespmem:$0x20A0] =	vst v37  }
0x1db: {  	v42 =	vld [tilespmem:$0x1990];
	[tilespmem:$0x1EB0] =	vst v38  }
0x1dc: {  	v43 =	vld [tilespmem:$0x1870];
	[tilespmem:$0x20B0] =	vst v39  }
0x1dd: {  	[tilespmem:$0x1FB0] =	vst v20;
	v20 =	vld [tilespmem:$0x1AA0]  }
0x1de: {  	v44 =	vld [tilespmem:$0x1AB0];
	[tilespmem:$0x1FC0] =	vst v40  }
0x1df: {  	v45 =	vld [tilespmem:$0x19A0];
	[tilespmem:$0x1EC0] =	vst v41  }
0x1e0: {  	v46 =	vld [tilespmem:$0x1AC0];
	[tilespmem:$0x1FD0] =	vst v42  }
0x1e1: {  	v47 =	vld [tilespmem:$0x19B0];
	[tilespmem:$0x1ED0] =	vst v43  }
0x1e2: {  	[tilespmem:$0x20C0] =	vst v20;
	v20 =	vld [tilespmem:$0x1880]  }
0x1e3: {  	v48 =	vld [tilespmem:$0x1890];
	[tilespmem:$0x20D0] =	vst v44  }
0x1e4: {  	v49 =	vld [tilespmem:$0x1AD0];
	[tilespmem:$0x1FE0] =	vst v45  }
0x1e5: {  	v50 =	vld [tilespmem:$0x18A0];
	[tilespmem:$0x20E0] =	vst v46  }
0x1e6: {  	v51 =	vld [tilespmem:$0x1AE0];
	[tilespmem:$0x1FF0] =	vst v47  }
0x1e7: {  	[tilespmem:$0x1EE0] =	vst v20;
	v20 =	vld [tilespmem:$0x19C0]  }
0x1e8: {  	v52 =	vld [tilespmem:$0x19D0];
	[tilespmem:$0x1EF0] =	vst v48  }
0x1e9: {  	v53 =	vld [tilespmem:$0x18B0];
	[tilespmem:$0x20F0] =	vst v49  }
0x1ea: {  	v54 =	vld [tilespmem:$0x19E0];
	[tilespmem:$0x1F00] =	vst v50  }
0x1eb: {  	v55 =	vld [tilespmem:$0x18C0];
	[tilespmem:$0x2100] =	vst v51  }
0x1ec: {  	[tilespmem:$0x2000] =	vst v20;
	v20 =	vld [tilespmem:$0x1AF0]  }
0x1ed: {  	v56 =	vld [tilespmem:$0x1B00];
	[tilespmem:$0x2010] =	vst v52  }
0x1ee: {  	v57 =	vld [tilespmem:$0x19F0];
	[tilespmem:$0x1F10] =	vst v53  }
0x1ef: {  	v58 =	vld [tilespmem:$0x1B10];
	[tilespmem:$0x2020] =	vst v54  }
0x1f0: {  	v59 =	vld [tilespmem:$0x1A00];
	[tilespmem:$0x1F20] =	vst v55  }
0x1f1: {  	[tilespmem:$0x2110] =	vst v20;
	v20 =	vld [tilespmem:$0x18D0]  }
0x1f2: {  	v60 =	vld [tilespmem:$0x18E0];
	[tilespmem:$0x2120] =	vst v56  }
0x1f3: {  	v61 =	vld [tilespmem:$0x1B20];
	[tilespmem:$0x2030] =	vst v57  }
0x1f4: {  	v62 =	vld [tilespmem:$0x18F0];
	[tilespmem:$0x2130] =	vst v58  }
0x1f5: {  	v63 =	vld [tilespmem:$0x1B30];
	[tilespmem:$0x2040] =	vst v59  }
0x1f6: {  	[tilespmem:$0x1F30] =	vst v20;
	v20 =	vld [tilespmem:$0x1A10]  }
0x1f7: {  	[tilespmem:$0x1F40] =	vst v60  }
0x1f8: {  	[tilespmem:$0x2140] =	vst v61  }
0x1f9: {  	[tilespmem:$0x1F50] =	vst v62  }
0x1fa: {  	[tilespmem:$0x2150] =	vst v63  }
0x1fb: {  	[tilespmem:$0x2050] =	vst v20  }
0x1fc: {  	[tilespmem:s12], [sflag:$0x4] =	stream.indirect.gather [hbm4b:s7+s10], $0x40, s17, s10, $0xb8;
	[tilespmem:$0x17160] =	vst v63  }
.LBB2_32:
0x1fd: {  	v20 =	vld [tilespmem:$0x1900]  }
0x1fe: {  	v21 =	vld [tilespmem:$0x1A20]  }
0x1ff: {  	v22 =	vld [tilespmem:$0x1B40];
	_ =	sdelay $0x2  }
0x200: {  	[tilespmem:$0x1800] =	vst v20  }
0x201: {  	[tilespmem:$0x1920] =	vst v21  }
0x202: {  	[tilespmem:$0x1A40] =	vst v22  }
.LBB2_33:
0x203: {  	s8 =	sadd.s32 $0x1, s8  }
0x204: {  	p1 =	sne.s32 s8, $0x40  }
.Ltmp16:
0x205: {  	_ = 	snop;
	(pc) =	sbr.rel @!p1 .LBB2_34-.Ltmp16, $4  }
0x206: {  	_ = 	snop  }
0x207: {  	p0 =	sgt.s32 s22, $0xFF;
	s2 =	simm.s32 $0x1  }
0x208: {  	s0 =	sadd.s32 $0xFFFFFF00, s22;
	s24 =	sxor.u32 $0x1, s20;
	s2 =	simm.s32 @!p0 $0x0  }
0x209: {  	s22 =	smov.u32 @p0 s0;
	s20 =	smov.u32 @p0 s24;
	s19 =	sadd.s32 s2, s19  }
.LBB2_20:
0x20a: {  	s0 =	sshll.u32 s8, $0x4  }
0x20b: {  	v20 =	vld [tilespmem:s0+$0x400];
	_ =	sdelay $0x4  }
0x20c: {  	vm0 =	vge.s32 v20, v0;
	vm1 =	vlt.s32 v20, v1  }
0x20d: {  	vm0 =	vmand vm0, vm1  }
0x20e: {  	v21 =	vmpcnt.ones.xlane vm0;
	_ =	sdelay $0x1  }
0x20f: {  	(v2sf) =	vpush v21, $0x0;
	_ =	sdelay $0x2  }
0x210: {  	v20 =	vsub.s32 v20, v0  }
0x211: {  	[tilespmem:s22+$0x1800] =	vst.msk vm0, v20  }
0x212: {  	v20 =	vld [tilespmem:s0+$0xC00];
	_ =	sdelay $0x4  }
0x213: {  	[tilespmem:s22+$0x1920] =	vst.msk vm0, v20  }
0x214: {  	v20 =	vld [tilespmem:s0+$0x1400];
	_ =	sdelay $0x3  }
0x215: {  	s30 =	spop (v2sf)  }
0x216: {  	[tilespmem:s22+$0x1A40] =	vst.msk vm0, v20;
	s22 =	sadd.s32 s22, s30  }
0x217: {  	p0 =	slt.s32 s22, $0x100  }
.Ltmp17:
0x218: {  	_ = 	snop;
	(pc) =	sbr.rel @p0 .LBB2_33-.Ltmp17, $1  }
0x219: {  	_ =	sdelay $0x3  }
0x21a: {  	p1 =	sne.s32 s20, $0x0  }
.Ltmp18:
0x21b: {  	_ = 	snop;
	(pc) =	sbr.rel @!p1 .LBB2_22-.Ltmp18, $2  }
0x21c: {  	_ =	sdelay $0x2  }
0x21d: {  	p0 =	slt.s32 s19, $0x1  }
.Ltmp19:
0x21e: {  	(pc) =	sbr.rel @p0 .LBB2_31-.Ltmp19, $1  }
0x21f: {  	_ =	sdelay $0x3  }
0x220: {  	_ =	swait.ge [sflag:s15], $0x4000  }
0x221: {  	[sflag:s15] =	ssyncset.done $0x0  }
0x222: {  	s0 =	simm.s32 $0x1D62;
	[sflag:s15] =	ssyncadd.s32 $0xFFFFC000  }
0x223: {  	s24 =	simm.s32 $0x21E0;
	v20 =	vld.msk [tilespmem:s0+$0x1 ss:$0x0], $0xffff  }
0x224: {  	v23 =	vld [tilespmem:s24+$0x70]  }
0x225: {  	v21 =	vld.msk [tilespmem:s0+$0xFFFFFFFE ss:$0x0], $0xffff  }
0x226: {  	v25 =	vld.msk [tilespmem:s0+$0xFFFFFFFF ss:$0x0], $0xffff  }
0x227: {  	v24 =	vld [tilespmem:s24+$0xFFFFFF90]  }
0x228: {  	v26 =	vld [tilespmem:s24+$0xFFFFFFA0]  }
0x229: {  	v27 =	vld [tilespmem:s24+$0xFFFFFFB0]  }
0x22a: {  	v29 =	vld [tilespmem:s24+$0xFFFFFFD0]  }
0x22b: {  	v28 =	vld [tilespmem:s24+$0xFFFFFFC0]  }
0x22c: {  	v22 =	vld.msk [tilespmem:s0+$0x0 ss:$0x0], $0xffff;
	v23 =	vmul.f32 v23, v20  }
0x22d: {  	v30 =	vld [tilespmem:s24+$0xFFFFFFE0];
	v24 =	vmul.f32 v24, v21  }
0x22e: {  	[tilespmem:s24+$0x70] =	vst v23;
	v23 =	vmul.f32 v26, v21;
	v26 =	vld [tilespmem:s24+$0xFFFFFFF0]  }
0x22f: {  	v29 =	vmul.f32 v29, v25;
	[tilespmem:s24+$0xFFFFFF90] =	vst v24;
	v24 =	vmul.f32 v27, v21;
	v27 =	vld [tilespmem:s24+$0x0]  }
0x230: {  	[tilespmem:s24+$0xFFFFFFA0] =	vst v23;
	v23 =	vmul.f32 v25, v28;
	v28 =	vld [tilespmem:s24+$0x10]  }
0x231: {  	v31 =	vld [tilespmem:s24+$0x20];
	[tilespmem:s24+$0xFFFFFFD0] =	vst v29  }
0x232: {  	v30 =	vmul.f32 v30, v25;
	[tilespmem:s24+$0xFFFFFFB0] =	vst v24;
	v24 =	vld [tilespmem:s24+$0x30]  }
0x233: {  	[tilespmem:s24+$0xFFFFFFC0] =	vst v23;
	v23 =	vld [tilespmem:s24+$0x40];
	v26 =	vmul.f32 v26, v25  }
0x234: {  	[tilespmem:s24+$0xFFFFFFE0] =	vst v30;
	v29 =	vmul.f32 v22, v27;
	v25 =	vld [tilespmem:s24+$0x50]  }
0x235: {  	[tilespmem:s24+$0xFFFFFFF0] =	vst v26;
	v26 =	vld [tilespmem:s24+$0x60];
	v28 =	vmul.f32 v28, v22  }
0x236: {  	s2 =	simm.s32 $0x0;
	s28 =	simm.s32 $0x21E0;
	s0 =	simm.s32 $0x1D66;
	v27 =	vld [tilespmem:s24+$0xFFFFFF80];
	[tilespmem:s24+$0x0] =	vst v29;
	v29 =	vmul.f32 v31, v22  }
.LBB2_29:
0x237: {  	v30 =	vld.msk [tilespmem:s0+$0x1 ss:$0x0], $0xffff;
	s2 =	sadd.s32 $0x4, s2;
	[tilespmem:s24+$0x10] =	vst v28;
	v22 =	vmul.f32 v24, v22;
	s28 =	sadd.s32 $0x100, s28  }
0x238: {  	v24 =	vld [tilespmem:s28+$0x70];
	p0 =	slt.u32 s2, $0xFC;
	[tilespmem:s24+$0x20] =	vst v29;
	v23 =	vmul.f32 v20, v23  }
0x239: {  	v28 =	vld.msk [tilespmem:s0+$0xFFFFFFFE ss:$0x0], $0xffff;
	[tilespmem:s24+$0x30] =	vst v22;
	v25 =	vmul.f32 v25, v20  }
0x23a: {  	v29 =	vld.msk [tilespmem:s0+$0xFFFFFFFF ss:$0x0], $0xffff;
	[tilespmem:s24+$0x40] =	vst v23;
	v26 =	vmul.f32 v26, v20  }
0x23b: {  	v22 =	vld.msk [tilespmem:s0+$0x0 ss:$0x0], $0xffff;
	v21 =	vmul.f32 v21, v27;
	[tilespmem:s24+$0x50] =	vst v25  }
0x23c: {  	v23 =	vld [tilespmem:s28+$0xFFFFFF90];
	[tilespmem:s24+$0x60] =	vst v26  }
0x23d: {  	v20 =	vmov v30;
	v25 =	vld [tilespmem:s28+$0xFFFFFFA0];
	v24 =	vmul.f32 v24, v30;
	[tilespmem:s24+$0xFFFFFF80] =	vst v21;
	s24 =	smov.u32 s28  }
0x23e: {  	v26 =	vld [tilespmem:s28+$0xFFFFFFB0]  }
0x23f: {  	v27 =	vld [tilespmem:s28+$0xFFFFFFC0];
	[tilespmem:s28+$0x70] =	vst v24;
	v21 =	vmov v28  }
0x240: {  	v24 =	vld [tilespmem:s28+$0xFFFFFFD0]  }
0x241: {  	v23 =	vmul.f32 v23, v21;
	v28 =	vld [tilespmem:s28+$0xFFFFFFE0]  }
0x242: {  	v25 =	vmul.f32 v25, v21;
	v30 =	vld [tilespmem:s28+$0xFFFFFFF0]  }
0x243: {  	[tilespmem:s28+$0xFFFFFF90] =	vst v23;
	v23 =	vmul.f32 v26, v21;
	v26 =	vld [tilespmem:s28+$0x0]  }
0x244: {  	[tilespmem:s28+$0xFFFFFFA0] =	vst v25;
	v25 =	vmul.f32 v29, v27;
	v27 =	vld [tilespmem:s28+$0x10]  }
0x245: {  	[tilespmem:s28+$0xFFFFFFB0] =	vst v23;
	v23 =	vmul.f32 v24, v29;
	v31 =	vld [tilespmem:s28+$0x20]  }
.Ltmp20:
0x246: {  	[tilespmem:s28+$0xFFFFFFC0] =	vst v25;
	v25 =	vmul.f32 v28, v29;
	v24 =	vld [tilespmem:s28+$0x30];
	(pc) =	sbr.rel @p0 .LBB2_29-.Ltmp20, $4  }
0x247: {  	[tilespmem:s28+$0xFFFFFFD0] =	vst v23;
	v28 =	vmul.f32 v30, v29;
	v23 =	vld [tilespmem:s28+$0x40]  }
0x248: {  	[tilespmem:s28+$0xFFFFFFE0] =	vst v25;
	v29 =	vmul.f32 v22, v26;
	v25 =	vld [tilespmem:s28+$0x50]  }
0x249: {  	[tilespmem:s28+$0xFFFFFFF0] =	vst v28;
	v28 =	vmul.f32 v27, v22;
	v26 =	vld [tilespmem:s28+$0x60]  }
0x24a: {  	s0 =	sadd.s32 $0x4, s0;
	v27 =	vld [tilespmem:s28+$0xFFFFFF80];
	[tilespmem:s28+$0x0] =	vst v29;
	v29 =	vmul.f32 v31, v22  }
0x24b: {  	[tilespmem:s24+$0x10] =	vst v28;
	v22 =	vmul.f32 v24, v22  }
0x24c: {  	[tilespmem:s24+$0x20] =	vst v29;
	v23 =	vmul.f32 v20, v23  }
0x24d: {  	[tilespmem:s24+$0x30] =	vst v22;
	v63 =	vmul.f32 v25, v20  }
0x24e: {  	[tilespmem:s24+$0x40] =	vst v23;
	v20 =	vmul.f32 v26, v20  }
0x24f: {  	v21 =	vmul.f32 v21, v27;
	[tilespmem:s24+$0x50] =	vst v63  }
0x250: {  	p0 =	seq.s32 s19, $0x1;
	[tilespmem:s24+$0x60] =	vst v20  }
.Ltmp21:
0x251: {  	s0 =	simm.s32 @!p0 $0x6;
	[tilespmem:s24+$0xFFFFFF80] =	vst v21;
	(pc) =	sbr.rel .LBB2_31-.Ltmp21, $4  }
0x252: {  	[spmem:s1] =	stream.indirect.scatter.add.f32 [tilespmem:s14], [sflag:$0x5], $0x40, s16, s10, $0xb8;
	[tilespmem:$0x17160] =	vst v63  }
0x253: {  	_ =	swait.ge @!p0 [sflag:s0], $0x4000  }
0x254: {  	[sflag:s0] =	ssyncset.done @!p0 $0x0  }
0x255: {  	[sflag:s0] =	ssyncadd.s32 @!p0 $0xFFFFC000  }
.LBB2_22:
.Ltmp22:
0x256: {  	(pc) =	sbr.rel @p0 .LBB2_26-.Ltmp22, $1  }
0x257: {  	_ =	sdelay $0x3  }
0x258: {  	_ =	swait.ge [sflag:s9], $0x4000  }
0x259: {  	[sflag:s9] =	ssyncset.done $0x0  }
0x25a: {  	s0 =	simm.s32 $0x2062;
	[sflag:s9] =	ssyncadd.s32 $0xFFFFC000  }
0x25b: {  	s24 =	simm.s32 $0x61E0;
	v20 =	vld.msk [tilespmem:s0+$0x1 ss:$0x0], $0xffff  }
0x25c: {  	v23 =	vld [tilespmem:s24+$0x70]  }
0x25d: {  	v21 =	vld.msk [tilespmem:s0+$0xFFFFFFFE ss:$0x0], $0xffff  }
0x25e: {  	v25 =	vld.msk [tilespmem:s0+$0xFFFFFFFF ss:$0x0], $0xffff  }
0x25f: {  	v24 =	vld [tilespmem:s24+$0xFFFFFF90]  }
0x260: {  	v26 =	vld [tilespmem:s24+$0xFFFFFFA0]  }
0x261: {  	v27 =	vld [tilespmem:s24+$0xFFFFFFB0]  }
0x262: {  	v29 =	vld [tilespmem:s24+$0xFFFFFFD0]  }
0x263: {  	v28 =	vld [tilespmem:s24+$0xFFFFFFC0]  }
0x264: {  	v22 =	vld.msk [tilespmem:s0+$0x0 ss:$0x0], $0xffff;
	v23 =	vmul.f32 v23, v20  }
0x265: {  	v30 =	vld [tilespmem:s24+$0xFFFFFFE0];
	v24 =	vmul.f32 v24, v21  }
0x266: {  	[tilespmem:s24+$0x70] =	vst v23;
	v23 =	vmul.f32 v26, v21;
	v26 =	vld [tilespmem:s24+$0xFFFFFFF0]  }
0x267: {  	v29 =	vmul.f32 v29, v25;
	[tilespmem:s24+$0xFFFFFF90] =	vst v24;
	v24 =	vmul.f32 v27, v21;
	v27 =	vld [tilespmem:s24+$0x0]  }
0x268: {  	[tilespmem:s24+$0xFFFFFFA0] =	vst v23;
	v23 =	vmul.f32 v25, v28;
	v28 =	vld [tilespmem:s24+$0x10]  }
0x269: {  	v31 =	vld [tilespmem:s24+$0x20];
	[tilespmem:s24+$0xFFFFFFD0] =	vst v29  }
0x26a: {  	v30 =	vmul.f32 v30, v25;
	[tilespmem:s24+$0xFFFFFFB0] =	vst v24;
	v24 =	vld [tilespmem:s24+$0x30]  }
0x26b: {  	[tilespmem:s24+$0xFFFFFFC0] =	vst v23;
	v23 =	vld [tilespmem:s24+$0x40];
	v26 =	vmul.f32 v26, v25  }
0x26c: {  	[tilespmem:s24+$0xFFFFFFE0] =	vst v30;
	v29 =	vmul.f32 v22, v27;
	v25 =	vld [tilespmem:s24+$0x50]  }
0x26d: {  	[tilespmem:s24+$0xFFFFFFF0] =	vst v26;
	v26 =	vld [tilespmem:s24+$0x60];
	v28 =	vmul.f32 v28, v22  }
0x26e: {  	s2 =	simm.s32 $0x0;
	s28 =	simm.s32 $0x61E0;
	s0 =	simm.s32 $0x2066;
	v27 =	vld [tilespmem:s24+$0xFFFFFF80];
	[tilespmem:s24+$0x0] =	vst v29;
	v29 =	vmul.f32 v31, v22  }
.LBB2_24:
0x26f: {  	v30 =	vld.msk [tilespmem:s0+$0x1 ss:$0x0], $0xffff;
	s2 =	sadd.s32 $0x4, s2;
	[tilespmem:s24+$0x10] =	vst v28;
	v22 =	vmul.f32 v24, v22;
	s28 =	sadd.s32 $0x100, s28  }
0x270: {  	v24 =	vld [tilespmem:s28+$0x70];
	p0 =	slt.u32 s2, $0xFC;
	[tilespmem:s24+$0x20] =	vst v29;
	v23 =	vmul.f32 v20, v23  }
0x271: {  	v28 =	vld.msk [tilespmem:s0+$0xFFFFFFFE ss:$0x0], $0xffff;
	[tilespmem:s24+$0x30] =	vst v22;
	v25 =	vmul.f32 v25, v20  }
0x272: {  	v29 =	vld.msk [tilespmem:s0+$0xFFFFFFFF ss:$0x0], $0xffff;
	[tilespmem:s24+$0x40] =	vst v23;
	v26 =	vmul.f32 v26, v20  }
0x273: {  	v22 =	vld.msk [tilespmem:s0+$0x0 ss:$0x0], $0xffff;
	v21 =	vmul.f32 v21, v27;
	[tilespmem:s24+$0x50] =	vst v25  }
0x274: {  	v23 =	vld [tilespmem:s28+$0xFFFFFF90];
	[tilespmem:s24+$0x60] =	vst v26  }
0x275: {  	v20 =	vmov v30;
	v25 =	vld [tilespmem:s28+$0xFFFFFFA0];
	v24 =	vmul.f32 v24, v30;
	[tilespmem:s24+$0xFFFFFF80] =	vst v21;
	s24 =	smov.u32 s28  }
0x276: {  	v26 =	vld [tilespmem:s28+$0xFFFFFFB0]  }
0x277: {  	v27 =	vld [tilespmem:s28+$0xFFFFFFC0];
	[tilespmem:s28+$0x70] =	vst v24;
	v21 =	vmov v28  }
0x278: {  	v24 =	vld [tilespmem:s28+$0xFFFFFFD0]  }
0x279: {  	v23 =	vmul.f32 v23, v21;
	v28 =	vld [tilespmem:s28+$0xFFFFFFE0]  }
0x27a: {  	v25 =	vmul.f32 v25, v21;
	v30 =	vld [tilespmem:s28+$0xFFFFFFF0]  }
0x27b: {  	[tilespmem:s28+$0xFFFFFF90] =	vst v23;
	v23 =	vmul.f32 v26, v21;
	v26 =	vld [tilespmem:s28+$0x0]  }
0x27c: {  	[tilespmem:s28+$0xFFFFFFA0] =	vst v25;
	v25 =	vmul.f32 v29, v27;
	v27 =	vld [tilespmem:s28+$0x10]  }
0x27d: {  	[tilespmem:s28+$0xFFFFFFB0] =	vst v23;
	v23 =	vmul.f32 v24, v29;
	v31 =	vld [tilespmem:s28+$0x20]  }
.Ltmp23:
0x27e: {  	[tilespmem:s28+$0xFFFFFFC0] =	vst v25;
	v25 =	vmul.f32 v28, v29;
	v24 =	vld [tilespmem:s28+$0x30];
	(pc) =	sbr.rel @p0 .LBB2_24-.Ltmp23, $4  }
0x27f: {  	[tilespmem:s28+$0xFFFFFFD0] =	vst v23;
	v28 =	vmul.f32 v30, v29;
	v23 =	vld [tilespmem:s28+$0x40]  }
0x280: {  	[tilespmem:s28+$0xFFFFFFE0] =	vst v25;
	v29 =	vmul.f32 v22, v26;
	v25 =	vld [tilespmem:s28+$0x50]  }
0x281: {  	[tilespmem:s28+$0xFFFFFFF0] =	vst v28;
	v28 =	vmul.f32 v27, v22;
	v26 =	vld [tilespmem:s28+$0x60]  }
0x282: {  	s0 =	sadd.s32 $0x4, s0;
	v27 =	vld [tilespmem:s28+$0xFFFFFF80];
	[tilespmem:s28+$0x0] =	vst v29;
	v29 =	vmul.f32 v31, v22  }
0x283: {  	[tilespmem:s24+$0x10] =	vst v28;
	v22 =	vmul.f32 v24, v22  }
0x284: {  	[tilespmem:s24+$0x20] =	vst v29;
	v23 =	vmul.f32 v20, v23  }
0x285: {  	[tilespmem:s24+$0x30] =	vst v22;
	v63 =	vmul.f32 v25, v20  }
0x286: {  	[tilespmem:s24+$0x40] =	vst v23;
	v20 =	vmul.f32 v26, v20  }
0x287: {  	v21 =	vmul.f32 v21, v27;
	[tilespmem:s24+$0x50] =	vst v63  }
0x288: {  	p0 =	seq.s32 s19, $0x1;
	[tilespmem:s24+$0x60] =	vst v20  }
0x289: {  	s0 =	simm.s32 @!p0 $0x5;
	[tilespmem:s24+$0xFFFFFF80] =	vst v21  }
0x28a: {  	[spmem:s1] =	stream.indirect.scatter.add.f32 [tilespmem:s12], [sflag:$0x6], $0x40, s11, s10, $0xb8;
	[tilespmem:$0x17160] =	vst v63  }
0x28b: {  	_ =	swait.ge @!p0 [sflag:s0], $0x4000  }
0x28c: {  	[sflag:s0] =	ssyncset.done @!p0 $0x0  }
0x28d: {  	[sflag:s0] =	ssyncadd.s32 @!p0 $0xFFFFC000  }
.LBB2_26:
0x28e: {  	v20 =	vld [tilespmem:$0x1920]  }
0x28f: {  	v21 =	vld [tilespmem:$0x1800]  }
0x290: {  	v22 =	vld [tilespmem:$0x1A40]  }
0x291: {  	v23 =	vld [tilespmem:$0x1930]  }
0x292: {  	v24 =	vld [tilespmem:$0x1810]  }
0x293: {  	v30 =	vld [tilespmem:$0x1940];
	[tilespmem:$0x1C60] =	vst v20  }
0x294: {  	v31 =	vld [tilespmem:$0x1820];
	[tilespmem:$0x1B60] =	vst v21  }
0x295: {  	v20 =	vld [tilespmem:$0x1A50];
	[tilespmem:$0x1D60] =	vst v22  }
0x296: {  	v32 =	vld [tilespmem:$0x1A60];
	[tilespmem:$0x1C70] =	vst v23  }
0x297: {  	v33 =	vld [tilespmem:$0x1950];
	[tilespmem:$0x1B70] =	vst v24  }
0x298: {  	v34 =	vld [tilespmem:$0x1A70];
	[tilespmem:$0x1C80] =	vst v30  }
0x299: {  	v35 =	vld [tilespmem:$0x1960];
	[tilespmem:$0x1B80] =	vst v31  }
0x29a: {  	[tilespmem:$0x1D70] =	vst v20;
	v20 =	vld [tilespmem:$0x1830]  }
0x29b: {  	v36 =	vld [tilespmem:$0x1840];
	[tilespmem:$0x1D80] =	vst v32  }
0x29c: {  	v37 =	vld [tilespmem:$0x1A80];
	[tilespmem:$0x1C90] =	vst v33  }
0x29d: {  	v38 =	vld [tilespmem:$0x1850];
	[tilespmem:$0x1D90] =	vst v34  }
0x29e: {  	v39 =	vld [tilespmem:$0x1A90];
	[tilespmem:$0x1CA0] =	vst v35  }
0x29f: {  	[tilespmem:$0x1B90] =	vst v20;
	v20 =	vld [tilespmem:$0x1970]  }
0x2a0: {  	v40 =	vld [tilespmem:$0x1980];
	[tilespmem:$0x1BA0] =	vst v36  }
0x2a1: {  	v41 =	vld [tilespmem:$0x1860];
	[tilespmem:$0x1DA0] =	vst v37  }
0x2a2: {  	v42 =	vld [tilespmem:$0x1990];
	[tilespmem:$0x1BB0] =	vst v38  }
0x2a3: {  	v43 =	vld [tilespmem:$0x1870];
	[tilespmem:$0x1DB0] =	vst v39  }
0x2a4: {  	[tilespmem:$0x1CB0] =	vst v20;
	v20 =	vld [tilespmem:$0x1AA0]  }
0x2a5: {  	v44 =	vld [tilespmem:$0x1AB0];
	[tilespmem:$0x1CC0] =	vst v40  }
0x2a6: {  	v45 =	vld [tilespmem:$0x19A0];
	[tilespmem:$0x1BC0] =	vst v41  }
0x2a7: {  	v46 =	vld [tilespmem:$0x1AC0];
	[tilespmem:$0x1CD0] =	vst v42  }
0x2a8: {  	v47 =	vld [tilespmem:$0x19B0];
	[tilespmem:$0x1BD0] =	vst v43  }
0x2a9: {  	[tilespmem:$0x1DC0] =	vst v20;
	v20 =	vld [tilespmem:$0x1880]  }
0x2aa: {  	v48 =	vld [tilespmem:$0x1890];
	[tilespmem:$0x1DD0] =	vst v44  }
0x2ab: {  	v49 =	vld [tilespmem:$0x1AD0];
	[tilespmem:$0x1CE0] =	vst v45  }
0x2ac: {  	v50 =	vld [tilespmem:$0x18A0];
	[tilespmem:$0x1DE0] =	vst v46  }
0x2ad: {  	v51 =	vld [tilespmem:$0x1AE0];
	[tilespmem:$0x1CF0] =	vst v47  }
0x2ae: {  	[tilespmem:$0x1BE0] =	vst v20;
	v20 =	vld [tilespmem:$0x19C0]  }
0x2af: {  	v52 =	vld [tilespmem:$0x19D0];
	[tilespmem:$0x1BF0] =	vst v48  }
0x2b0: {  	v53 =	vld [tilespmem:$0x18B0];
	[tilespmem:$0x1DF0] =	vst v49  }
0x2b1: {  	v54 =	vld [tilespmem:$0x19E0];
	[tilespmem:$0x1C00] =	vst v50  }
0x2b2: {  	v55 =	vld [tilespmem:$0x18C0];
	[tilespmem:$0x1E00] =	vst v51  }
0x2b3: {  	[tilespmem:$0x1D00] =	vst v20;
	v20 =	vld [tilespmem:$0x1AF0]  }
0x2b4: {  	v56 =	vld [tilespmem:$0x1B00];
	[tilespmem:$0x1D10] =	vst v52  }
0x2b5: {  	v57 =	vld [tilespmem:$0x19F0];
	[tilespmem:$0x1C10] =	vst v53  }
0x2b6: {  	v58 =	vld [tilespmem:$0x1B10];
	[tilespmem:$0x1D20] =	vst v54  }
0x2b7: {  	v59 =	vld [tilespmem:$0x1A00];
	[tilespmem:$0x1C20] =	vst v55  }
0x2b8: {  	[tilespmem:$0x1E10] =	vst v20;
	v20 =	vld [tilespmem:$0x18D0]  }
0x2b9: {  	v60 =	vld [tilespmem:$0x18E0];
	[tilespmem:$0x1E20] =	vst v56  }
0x2ba: {  	v61 =	vld [tilespmem:$0x1B20];
	[tilespmem:$0x1D30] =	vst v57  }
0x2bb: {  	v62 =	vld [tilespmem:$0x18F0];
	[tilespmem:$0x1E30] =	vst v58  }
0x2bc: {  	v63 =	vld [tilespmem:$0x1B30];
	[tilespmem:$0x1D40] =	vst v59  }
0x2bd: {  	[tilespmem:$0x1C30] =	vst v20;
	v20 =	vld [tilespmem:$0x1A10]  }
0x2be: {  	[tilespmem:$0x1C40] =	vst v60  }
.Ltmp24:
0x2bf: {  	[tilespmem:$0x1E40] =	vst v61;
	(pc) =	sbr.rel .LBB2_32-.Ltmp24, $4  }
0x2c0: {  	[tilespmem:$0x1C50] =	vst v62  }
0x2c1: {  	[tilespmem:$0x1E50] =	vst v63  }
0x2c2: {  	[tilespmem:$0x1D50] =	vst v20  }
0x2c3: {  	[tilespmem:s14], [sflag:$0x3] =	stream.indirect.gather [hbm4b:s7+s10], $0x40, s13, s10, $0xb8;
	[tilespmem:$0x17160] =	vst v63  }
.LBB2_35:
0x2c4: {  	v20 =	vld [tilespmem:$0x1A40]  }
0x2c5: {  	v21 =	vld [tilespmem:$0x1A50]  }
0x2c6: {  	v22 =	vld [tilespmem:$0x1A60]  }
0x2c7: {  	v23 =	vmov s22;
	v24 =	vld [tilespmem:$0x1A70]  }
0x2c8: {  	v25 =	vld [tilespmem:$0x1A80];
	vm0 =	vgt.s32 v23, v4  }
0x2c9: {  	v26 =	vld [tilespmem:$0x1A90];
	vm13 =	vgt.s32 v23, v5;
	v20 =	vnsel vm0, $0x0, v20  }
0x2ca: {  	v54 =	vld [tilespmem:$0x1AA0];
	vm14 =	vgt.s32 v23, v6;
	[tilespmem:$0x1A40] =	vst v20;
	v20 =	vnsel vm13, $0x0, v21  }
0x2cb: {  	v55 =	vld [tilespmem:$0x1AB0];
	vm15 =	vgt.s32 v23, v7;
	[tilespmem:$0x1A50] =	vst v20;
	v20 =	vnsel vm14, $0x0, v22  }
0x2cc: {  	v56 =	vld [tilespmem:$0x1AC0];
	vm4 =	vgt.s32 v23, v8;
	[tilespmem:$0x1A60] =	vst v20;
	v20 =	vnsel vm15, $0x0, v24  }
0x2cd: {  	v57 =	vld [tilespmem:$0x1AD0];
	vm5 =	vgt.s32 v23, v9;
	[tilespmem:$0x1A70] =	vst v20;
	v20 =	vnsel vm4, $0x0, v25  }
0x2ce: {  	v58 =	vld [tilespmem:$0x1AE0];
	vm6 =	vgt.s32 v23, v10;
	[tilespmem:$0x1A80] =	vst v20;
	v20 =	vnsel vm5, $0x0, v26  }
0x2cf: {  	v59 =	vld [tilespmem:$0x1AF0];
	vm7 =	vgt.s32 v23, v11;
	[tilespmem:$0x1A90] =	vst v20;
	v20 =	vnsel vm6, $0x0, v54  }
0x2d0: {  	v60 =	vld [tilespmem:$0x1B00];
	vm8 =	vgt.s32 v23, v12;
	[tilespmem:$0x1AA0] =	vst v20;
	v20 =	vnsel vm7, $0x0, v55  }
0x2d1: {  	v61 =	vld [tilespmem:$0x1B10];
	vm9 =	vgt.s32 v23, v13;
	[tilespmem:$0x1AB0] =	vst v20;
	v20 =	vnsel vm8, $0x0, v56  }
0x2d2: {  	v62 =	vld [tilespmem:$0x1B20];
	vm10 =	vgt.s32 v23, v14;
	[tilespmem:$0x1AC0] =	vst v20;
	v20 =	vnsel vm9, $0x0, v57  }
0x2d3: {  	v63 =	vld [tilespmem:$0x1B30];
	vm11 =	vgt.s32 v23, v15;
	[tilespmem:$0x1AD0] =	vst v20;
	v20 =	vnsel vm10, $0x0, v58  }
0x2d4: {  	p0 =	sne.s32 s20, $0x0;
	vm12 =	vgt.s32 v23, v16;
	[tilespmem:$0x1AE0] =	vst v20;
	v20 =	vnsel vm11, $0x0, v59  }
.Ltmp25:
0x2d5: {  	vm13 =	vgt.s32 v23, v17;
	[tilespmem:$0x1AF0] =	vst v20;
	v20 =	vnsel vm12, $0x0, v60;
	(pc) =	sbr.rel @!p0 .LBB2_36-.Ltmp25, $4  }
0x2d6: {  	vm14 =	vgt.s32 v23, v18;
	[tilespmem:$0x1B00] =	vst v20;
	v20 =	vnsel vm13, $0x0, v61  }
0x2d7: {  	vm15 =	vgt.s32 v23, v19;
	[tilespmem:$0x1B10] =	vst v20;
	v20 =	vnsel vm14, $0x0, v62  }
0x2d8: {  	[tilespmem:$0x1B20] =	vst v20;
	v20 =	vnsel vm15, $0x0, v63  }
0x2d9: {  	[tilespmem:$0x1B30] =	vst v20  }
0x2da: {  	p0 =	slt.s32 s19, $0x1  }
.Ltmp26:
0x2db: {  	_ = 	snop;
	(pc) =	sbr.rel @p0 .LBB2_49-.Ltmp26, $2  }
0x2dc: {  	_ =	sdelay $0x2  }
0x2dd: {  	s22 =	rddreg [dreg:$0x5]  }
0x2de: {  	_ =	swait.ge [sflag:s15], $0x4000  }
0x2df: {  	[sflag:s15] =	ssyncset.done $0x0  }
0x2e0: {  	s0 =	simm.s32 $0x1D62;
	[sflag:s15] =	ssyncadd.s32 $0xFFFFC000  }
0x2e1: {  	s8 =	simm.s32 $0x21E0;
	v20 =	vld.msk [tilespmem:s0+$0x1 ss:$0x0], $0xffff  }
0x2e2: {  	v23 =	vld [tilespmem:s8+$0x70]  }
0x2e3: {  	v21 =	vld.msk [tilespmem:s0+$0xFFFFFFFE ss:$0x0], $0xffff  }
0x2e4: {  	v25 =	vld.msk [tilespmem:s0+$0xFFFFFFFF ss:$0x0], $0xffff  }
0x2e5: {  	v24 =	vld [tilespmem:s8+$0xFFFFFF90]  }
0x2e6: {  	v26 =	vld [tilespmem:s8+$0xFFFFFFA0]  }
0x2e7: {  	v27 =	vld [tilespmem:s8+$0xFFFFFFB0]  }
0x2e8: {  	v29 =	vld [tilespmem:s8+$0xFFFFFFD0]  }
0x2e9: {  	v28 =	vld [tilespmem:s8+$0xFFFFFFC0]  }
0x2ea: {  	v22 =	vld.msk [tilespmem:s0+$0x0 ss:$0x0], $0xffff;
	v23 =	vmul.f32 v23, v20  }
0x2eb: {  	v30 =	vld [tilespmem:s8+$0xFFFFFFE0];
	v24 =	vmul.f32 v24, v21  }
0x2ec: {  	[tilespmem:s8+$0x70] =	vst v23;
	v23 =	vmul.f32 v26, v21;
	v26 =	vld [tilespmem:s8+$0xFFFFFFF0]  }
0x2ed: {  	v29 =	vmul.f32 v29, v25;
	[tilespmem:s8+$0xFFFFFF90] =	vst v24;
	v24 =	vmul.f32 v27, v21;
	v27 =	vld [tilespmem:s8+$0x0]  }
0x2ee: {  	[tilespmem:s8+$0xFFFFFFA0] =	vst v23;
	v23 =	vmul.f32 v25, v28;
	v28 =	vld [tilespmem:s8+$0x10]  }
0x2ef: {  	v31 =	vld [tilespmem:s8+$0x20];
	[tilespmem:s8+$0xFFFFFFD0] =	vst v29  }
0x2f0: {  	v30 =	vmul.f32 v30, v25;
	[tilespmem:s8+$0xFFFFFFB0] =	vst v24;
	v24 =	vld [tilespmem:s8+$0x30]  }
0x2f1: {  	[tilespmem:s8+$0xFFFFFFC0] =	vst v23;
	v23 =	vld [tilespmem:s8+$0x40];
	v26 =	vmul.f32 v26, v25  }
0x2f2: {  	[tilespmem:s8+$0xFFFFFFE0] =	vst v30;
	v29 =	vmul.f32 v22, v27;
	v25 =	vld [tilespmem:s8+$0x50]  }
0x2f3: {  	[tilespmem:s8+$0xFFFFFFF0] =	vst v26;
	v26 =	vld [tilespmem:s8+$0x60];
	v28 =	vmul.f32 v28, v22  }
0x2f4: {  	s2 =	simm.s32 $0x0;
	s21 =	simm.s32 $0x21E0;
	s0 =	simm.s32 $0x1D66;
	v27 =	vld [tilespmem:s8+$0xFFFFFF80];
	[tilespmem:s8+$0x0] =	vst v29;
	v29 =	vmul.f32 v31, v22  }
.LBB2_47:
0x2f5: {  	v30 =	vld.msk [tilespmem:s0+$0x1 ss:$0x0], $0xffff;
	s2 =	sadd.s32 $0x4, s2;
	[tilespmem:s8+$0x10] =	vst v28;
	v22 =	vmul.f32 v24, v22;
	s21 =	sadd.s32 $0x100, s21  }
0x2f6: {  	v24 =	vld [tilespmem:s21+$0x70];
	p0 =	slt.u32 s2, $0xFC;
	[tilespmem:s8+$0x20] =	vst v29;
	v23 =	vmul.f32 v20, v23  }
0x2f7: {  	v28 =	vld.msk [tilespmem:s0+$0xFFFFFFFE ss:$0x0], $0xffff;
	[tilespmem:s8+$0x30] =	vst v22;
	v25 =	vmul.f32 v25, v20  }
0x2f8: {  	v29 =	vld.msk [tilespmem:s0+$0xFFFFFFFF ss:$0x0], $0xffff;
	[tilespmem:s8+$0x40] =	vst v23;
	v26 =	vmul.f32 v26, v20  }
0x2f9: {  	v22 =	vld.msk [tilespmem:s0+$0x0 ss:$0x0], $0xffff;
	v21 =	vmul.f32 v21, v27;
	[tilespmem:s8+$0x50] =	vst v25  }
0x2fa: {  	v23 =	vld [tilespmem:s21+$0xFFFFFF90];
	[tilespmem:s8+$0x60] =	vst v26  }
0x2fb: {  	v20 =	vmov v30;
	v25 =	vld [tilespmem:s21+$0xFFFFFFA0];
	v24 =	vmul.f32 v24, v30;
	[tilespmem:s8+$0xFFFFFF80] =	vst v21;
	s8 =	smov.u32 s21  }
0x2fc: {  	v26 =	vld [tilespmem:s21+$0xFFFFFFB0]  }
0x2fd: {  	v27 =	vld [tilespmem:s21+$0xFFFFFFC0];
	[tilespmem:s21+$0x70] =	vst v24;
	v21 =	vmov v28  }
0x2fe: {  	v24 =	vld [tilespmem:s21+$0xFFFFFFD0]  }
0x2ff: {  	v23 =	vmul.f32 v23, v21;
	v28 =	vld [tilespmem:s21+$0xFFFFFFE0]  }
0x300: {  	v25 =	vmul.f32 v25, v21;
	v30 =	vld [tilespmem:s21+$0xFFFFFFF0]  }
0x301: {  	[tilespmem:s21+$0xFFFFFF90] =	vst v23;
	v23 =	vmul.f32 v26, v21;
	v26 =	vld [tilespmem:s21+$0x0]  }
0x302: {  	[tilespmem:s21+$0xFFFFFFA0] =	vst v25;
	v25 =	vmul.f32 v29, v27;
	v27 =	vld [tilespmem:s21+$0x10]  }
0x303: {  	[tilespmem:s21+$0xFFFFFFB0] =	vst v23;
	v23 =	vmul.f32 v24, v29;
	v31 =	vld [tilespmem:s21+$0x20]  }
.Ltmp27:
0x304: {  	[tilespmem:s21+$0xFFFFFFC0] =	vst v25;
	v25 =	vmul.f32 v28, v29;
	v24 =	vld [tilespmem:s21+$0x30];
	(pc) =	sbr.rel @p0 .LBB2_47-.Ltmp27, $4  }
0x305: {  	[tilespmem:s21+$0xFFFFFFD0] =	vst v23;
	v28 =	vmul.f32 v30, v29;
	v23 =	vld [tilespmem:s21+$0x40]  }
0x306: {  	[tilespmem:s21+$0xFFFFFFE0] =	vst v25;
	v29 =	vmul.f32 v22, v26;
	v25 =	vld [tilespmem:s21+$0x50]  }
0x307: {  	[tilespmem:s21+$0xFFFFFFF0] =	vst v28;
	v28 =	vmul.f32 v27, v22;
	v26 =	vld [tilespmem:s21+$0x60]  }
0x308: {  	s0 =	sadd.s32 $0x4, s0;
	v27 =	vld [tilespmem:s21+$0xFFFFFF80];
	[tilespmem:s21+$0x0] =	vst v29;
	v29 =	vmul.f32 v31, v22  }
0x309: {  	[tilespmem:s8+$0x10] =	vst v28;
	v22 =	vmul.f32 v24, v22  }
0x30a: {  	[tilespmem:s8+$0x20] =	vst v29;
	v23 =	vmul.f32 v20, v23  }
0x30b: {  	[tilespmem:s8+$0x30] =	vst v22;
	v63 =	vmul.f32 v25, v20  }
0x30c: {  	[tilespmem:s8+$0x40] =	vst v23;
	v20 =	vmul.f32 v26, v20  }
0x30d: {  	v21 =	vmul.f32 v21, v27;
	[tilespmem:s8+$0x50] =	vst v63  }
0x30e: {  	p0 =	seq.s32 s19, $0x1;
	[tilespmem:s8+$0x60] =	vst v20  }
0x30f: {  	s0 =	simm.s32 @!p0 $0x6;
	[tilespmem:s8+$0xFFFFFF80] =	vst v21  }
0x310: {  	[spmem:s1] =	stream.indirect.scatter.add.f32 [tilespmem:s14], [sflag:$0x5], $0x40, s16, s10, $0xb8;
	[tilespmem:$0x17160] =	vst v63  }
0x311: {  	_ =	swait.ge @!p0 [sflag:s0], $0x4000  }
0x312: {  	[sflag:s0] =	ssyncset.done @!p0 $0x0  }
0x313: {  	[sflag:s0] =	ssyncadd.s32 @!p0 $0xFFFFC000  }
.LBB2_49:
0x314: {  	v20 =	vld [tilespmem:$0x1920]  }
0x315: {  	v21 =	vld [tilespmem:$0x1800]  }
0x316: {  	v22 =	vld [tilespmem:$0x1A40]  }
0x317: {  	v23 =	vld [tilespmem:$0x1930]  }
0x318: {  	v24 =	vld [tilespmem:$0x1810]  }
0x319: {  	v30 =	vld [tilespmem:$0x1940];
	[tilespmem:$0x1F60] =	vst v20  }
0x31a: {  	v31 =	vld [tilespmem:$0x1820];
	[tilespmem:$0x1E60] =	vst v21  }
0x31b: {  	v20 =	vld [tilespmem:$0x1A50];
	[tilespmem:$0x2060] =	vst v22  }
0x31c: {  	v32 =	vld [tilespmem:$0x1A60];
	[tilespmem:$0x1F70] =	vst v23  }
0x31d: {  	v33 =	vld [tilespmem:$0x1950];
	[tilespmem:$0x1E70] =	vst v24  }
0x31e: {  	v34 =	vld [tilespmem:$0x1A70];
	[tilespmem:$0x1F80] =	vst v30  }
0x31f: {  	v35 =	vld [tilespmem:$0x1960];
	[tilespmem:$0x1E80] =	vst v31  }
0x320: {  	[tilespmem:$0x2070] =	vst v20;
	v20 =	vld [tilespmem:$0x1830]  }
0x321: {  	v36 =	vld [tilespmem:$0x1840];
	[tilespmem:$0x2080] =	vst v32  }
0x322: {  	v37 =	vld [tilespmem:$0x1A80];
	[tilespmem:$0x1F90] =	vst v33  }
0x323: {  	v38 =	vld [tilespmem:$0x1850];
	[tilespmem:$0x2090] =	vst v34  }
0x324: {  	v39 =	vld [tilespmem:$0x1A90];
	[tilespmem:$0x1FA0] =	vst v35  }
0x325: {  	[tilespmem:$0x1E90] =	vst v20;
	v20 =	vld [tilespmem:$0x1970]  }
0x326: {  	v40 =	vld [tilespmem:$0x1980];
	[tilespmem:$0x1EA0] =	vst v36  }
0x327: {  	v41 =	vld [tilespmem:$0x1860];
	[tilespmem:$0x20A0] =	vst v37  }
0x328: {  	v42 =	vld [tilespmem:$0x1990];
	[tilespmem:$0x1EB0] =	vst v38  }
0x329: {  	v43 =	vld [tilespmem:$0x1870];
	[tilespmem:$0x20B0] =	vst v39  }
0x32a: {  	[tilespmem:$0x1FB0] =	vst v20;
	v20 =	vld [tilespmem:$0x1AA0]  }
0x32b: {  	v44 =	vld [tilespmem:$0x1AB0];
	[tilespmem:$0x1FC0] =	vst v40  }
0x32c: {  	v45 =	vld [tilespmem:$0x19A0];
	[tilespmem:$0x1EC0] =	vst v41  }
0x32d: {  	v46 =	vld [tilespmem:$0x1AC0];
	[tilespmem:$0x1FD0] =	vst v42  }
0x32e: {  	v47 =	vld [tilespmem:$0x19B0];
	[tilespmem:$0x1ED0] =	vst v43  }
0x32f: {  	[tilespmem:$0x20C0] =	vst v20;
	v20 =	vld [tilespmem:$0x1880]  }
0x330: {  	v48 =	vld [tilespmem:$0x1890];
	[tilespmem:$0x20D0] =	vst v44  }
0x331: {  	v49 =	vld [tilespmem:$0x1AD0];
	[tilespmem:$0x1FE0] =	vst v45  }
0x332: {  	v50 =	vld [tilespmem:$0x18A0];
	[tilespmem:$0x20E0] =	vst v46  }
0x333: {  	v51 =	vld [tilespmem:$0x1AE0];
	[tilespmem:$0x1FF0] =	vst v47  }
0x334: {  	[tilespmem:$0x1EE0] =	vst v20;
	v20 =	vld [tilespmem:$0x19C0]  }
0x335: {  	v52 =	vld [tilespmem:$0x19D0];
	[tilespmem:$0x1EF0] =	vst v48  }
0x336: {  	v53 =	vld [tilespmem:$0x18B0];
	[tilespmem:$0x20F0] =	vst v49  }
0x337: {  	v54 =	vld [tilespmem:$0x19E0];
	[tilespmem:$0x1F00] =	vst v50  }
0x338: {  	v55 =	vld [tilespmem:$0x18C0];
	[tilespmem:$0x2100] =	vst v51  }
0x339: {  	[tilespmem:$0x2000] =	vst v20;
	v20 =	vld [tilespmem:$0x1AF0]  }
0x33a: {  	v56 =	vld [tilespmem:$0x1B00];
	[tilespmem:$0x2010] =	vst v52  }
0x33b: {  	v57 =	vld [tilespmem:$0x19F0];
	[tilespmem:$0x1F10] =	vst v53  }
0x33c: {  	v58 =	vld [tilespmem:$0x1B10];
	[tilespmem:$0x2020] =	vst v54  }
0x33d: {  	v59 =	vld [tilespmem:$0x1A00];
	[tilespmem:$0x1F20] =	vst v55  }
0x33e: {  	[tilespmem:$0x2110] =	vst v20;
	v20 =	vld [tilespmem:$0x18D0]  }
0x33f: {  	v60 =	vld [tilespmem:$0x18E0];
	[tilespmem:$0x2120] =	vst v56  }
0x340: {  	v61 =	vld [tilespmem:$0x1B20];
	[tilespmem:$0x2030] =	vst v57  }
0x341: {  	v62 =	vld [tilespmem:$0x18F0];
	[tilespmem:$0x2130] =	vst v58  }
0x342: {  	v63 =	vld [tilespmem:$0x1B30];
	[tilespmem:$0x2040] =	vst v59  }
0x343: {  	[tilespmem:$0x1F30] =	vst v20;
	v20 =	vld [tilespmem:$0x1A10]  }
0x344: {  	p0 =	sne.s32 s20, $0x1;
	[tilespmem:$0x1F40] =	vst v60  }
.Ltmp28:
0x345: {  	[tilespmem:$0x2140] =	vst v61;
	(pc) =	sbr.rel @p0 .LBB2_50-.Ltmp28, $4  }
0x346: {  	[tilespmem:$0x1F50] =	vst v62  }
0x347: {  	[tilespmem:$0x2150] =	vst v63  }
0x348: {  	s8 =	sadd.s32 $0x1, s19;
	[tilespmem:$0x2050] =	vst v20  }
0x349: {  	[tilespmem:s12], [sflag:$0x4] =	stream.indirect.gather [hbm4b:s7+s10], $0x40, s17, s10, $0xb8;
	[tilespmem:$0x17160] =	vst v63  }
0x34a: {  	p0 =	sgt.u32 s19, $0x7FFFFFFE  }
.Ltmp29:
0x34b: {  	_ = 	snop;
	(pc) =	sbr.rel @p0 .LBB2_56-.Ltmp29, $2  }
0x34c: {  	_ =	sdelay $0x2  }
0x34d: {  	s21 =	rddreg [dreg:$0x4]  }
0x34e: {  	_ =	swait.ge [sflag:s9], $0x4000  }
0x34f: {  	[sflag:s9] =	ssyncset.done $0x0  }
0x350: {  	s0 =	simm.s32 $0x2062;
	[sflag:s9] =	ssyncadd.s32 $0xFFFFC000  }
0x351: {  	s19 =	simm.s32 $0x61E0;
	v20 =	vld.msk [tilespmem:s0+$0x1 ss:$0x0], $0xffff  }
0x352: {  	v23 =	vld [tilespmem:s19+$0x70]  }
0x353: {  	v21 =	vld.msk [tilespmem:s0+$0xFFFFFFFE ss:$0x0], $0xffff  }
0x354: {  	v25 =	vld.msk [tilespmem:s0+$0xFFFFFFFF ss:$0x0], $0xffff  }
0x355: {  	v24 =	vld [tilespmem:s19+$0xFFFFFF90]  }
0x356: {  	v26 =	vld [tilespmem:s19+$0xFFFFFFA0]  }
0x357: {  	v27 =	vld [tilespmem:s19+$0xFFFFFFB0]  }
0x358: {  	v29 =	vld [tilespmem:s19+$0xFFFFFFD0]  }
0x359: {  	v28 =	vld [tilespmem:s19+$0xFFFFFFC0]  }
0x35a: {  	v22 =	vld.msk [tilespmem:s0+$0x0 ss:$0x0], $0xffff;
	v23 =	vmul.f32 v23, v20  }
0x35b: {  	v30 =	vld [tilespmem:s19+$0xFFFFFFE0];
	v24 =	vmul.f32 v24, v21  }
0x35c: {  	[tilespmem:s19+$0x70] =	vst v23;
	v23 =	vmul.f32 v26, v21;
	v26 =	vld [tilespmem:s19+$0xFFFFFFF0]  }
0x35d: {  	v29 =	vmul.f32 v29, v25;
	[tilespmem:s19+$0xFFFFFF90] =	vst v24;
	v24 =	vmul.f32 v27, v21;
	v27 =	vld [tilespmem:s19+$0x0]  }
0x35e: {  	[tilespmem:s19+$0xFFFFFFA0] =	vst v23;
	v23 =	vmul.f32 v25, v28;
	v28 =	vld [tilespmem:s19+$0x10]  }
0x35f: {  	v31 =	vld [tilespmem:s19+$0x20];
	[tilespmem:s19+$0xFFFFFFD0] =	vst v29  }
0x360: {  	v30 =	vmul.f32 v30, v25;
	[tilespmem:s19+$0xFFFFFFB0] =	vst v24;
	v24 =	vld [tilespmem:s19+$0x30]  }
0x361: {  	[tilespmem:s19+$0xFFFFFFC0] =	vst v23;
	v23 =	vld [tilespmem:s19+$0x40];
	v26 =	vmul.f32 v26, v25  }
0x362: {  	[tilespmem:s19+$0xFFFFFFE0] =	vst v30;
	v29 =	vmul.f32 v22, v27;
	v25 =	vld [tilespmem:s19+$0x50]  }
0x363: {  	[tilespmem:s19+$0xFFFFFFF0] =	vst v26;
	v26 =	vld [tilespmem:s19+$0x60];
	v28 =	vmul.f32 v28, v22  }
0x364: {  	s2 =	simm.s32 $0x0;
	s20 =	simm.s32 $0x61E0;
	s0 =	simm.s32 $0x2066;
	v27 =	vld [tilespmem:s19+$0xFFFFFF80];
	[tilespmem:s19+$0x0] =	vst v29;
	v29 =	vmul.f32 v31, v22  }
.LBB2_53:
0x365: {  	v30 =	vld.msk [tilespmem:s0+$0x1 ss:$0x0], $0xffff;
	s2 =	sadd.s32 $0x4, s2;
	[tilespmem:s19+$0x10] =	vst v28;
	v22 =	vmul.f32 v24, v22;
	s20 =	sadd.s32 $0x100, s20  }
0x366: {  	v24 =	vld [tilespmem:s20+$0x70];
	p0 =	slt.u32 s2, $0xFC;
	[tilespmem:s19+$0x20] =	vst v29;
	v23 =	vmul.f32 v20, v23  }
0x367: {  	v28 =	vld.msk [tilespmem:s0+$0xFFFFFFFE ss:$0x0], $0xffff;
	[tilespmem:s19+$0x30] =	vst v22;
	v25 =	vmul.f32 v25, v20  }
0x368: {  	v29 =	vld.msk [tilespmem:s0+$0xFFFFFFFF ss:$0x0], $0xffff;
	[tilespmem:s19+$0x40] =	vst v23;
	v26 =	vmul.f32 v26, v20  }
0x369: {  	v22 =	vld.msk [tilespmem:s0+$0x0 ss:$0x0], $0xffff;
	v21 =	vmul.f32 v21, v27;
	[tilespmem:s19+$0x50] =	vst v25  }
0x36a: {  	v23 =	vld [tilespmem:s20+$0xFFFFFF90];
	[tilespmem:s19+$0x60] =	vst v26  }
0x36b: {  	v20 =	vmov v30;
	v25 =	vld [tilespmem:s20+$0xFFFFFFA0];
	v24 =	vmul.f32 v24, v30;
	[tilespmem:s19+$0xFFFFFF80] =	vst v21;
	s19 =	smov.u32 s20  }
0x36c: {  	v26 =	vld [tilespmem:s20+$0xFFFFFFB0]  }
0x36d: {  	v27 =	vld [tilespmem:s20+$0xFFFFFFC0];
	[tilespmem:s20+$0x70] =	vst v24;
	v21 =	vmov v28  }
0x36e: {  	v24 =	vld [tilespmem:s20+$0xFFFFFFD0]  }
0x36f: {  	v23 =	vmul.f32 v23, v21;
	v28 =	vld [tilespmem:s20+$0xFFFFFFE0]  }
0x370: {  	v25 =	vmul.f32 v25, v21;
	v30 =	vld [tilespmem:s20+$0xFFFFFFF0]  }
0x371: {  	[tilespmem:s20+$0xFFFFFF90] =	vst v23;
	v23 =	vmul.f32 v26, v21;
	v26 =	vld [tilespmem:s20+$0x0]  }
0x372: {  	[tilespmem:s20+$0xFFFFFFA0] =	vst v25;
	v25 =	vmul.f32 v29, v27;
	v27 =	vld [tilespmem:s20+$0x10]  }
0x373: {  	[tilespmem:s20+$0xFFFFFFB0] =	vst v23;
	v23 =	vmul.f32 v24, v29;
	v31 =	vld [tilespmem:s20+$0x20]  }
.Ltmp30:
0x374: {  	[tilespmem:s20+$0xFFFFFFC0] =	vst v25;
	v25 =	vmul.f32 v28, v29;
	v24 =	vld [tilespmem:s20+$0x30];
	(pc) =	sbr.rel @p0 .LBB2_53-.Ltmp30, $4  }
0x375: {  	[tilespmem:s20+$0xFFFFFFD0] =	vst v23;
	v28 =	vmul.f32 v30, v29;
	v23 =	vld [tilespmem:s20+$0x40]  }
0x376: {  	[tilespmem:s20+$0xFFFFFFE0] =	vst v25;
	v29 =	vmul.f32 v22, v26;
	v25 =	vld [tilespmem:s20+$0x50]  }
0x377: {  	[tilespmem:s20+$0xFFFFFFF0] =	vst v28;
	v28 =	vmul.f32 v27, v22;
	v26 =	vld [tilespmem:s20+$0x60]  }
0x378: {  	s0 =	sadd.s32 $0x4, s0;
	v27 =	vld [tilespmem:s20+$0xFFFFFF80];
	[tilespmem:s20+$0x0] =	vst v29;
	v29 =	vmul.f32 v31, v22  }
0x379: {  	[tilespmem:s19+$0x10] =	vst v28;
	v22 =	vmul.f32 v24, v22  }
0x37a: {  	[tilespmem:s19+$0x20] =	vst v29;
	v23 =	vmul.f32 v20, v23  }
0x37b: {  	[tilespmem:s19+$0x30] =	vst v22;
	v63 =	vmul.f32 v25, v20  }
0x37c: {  	[tilespmem:s19+$0x40] =	vst v23;
	v20 =	vmul.f32 v26, v20  }
0x37d: {  	v21 =	vmul.f32 v21, v27;
	[tilespmem:s19+$0x50] =	vst v63  }
0x37e: {  	[tilespmem:s19+$0x60] =	vst v20  }
0x37f: {  	p0 =	sgt.u32 s8, $0x1;
	[tilespmem:s19+$0xFFFFFF80] =	vst v21  }
0x380: {  	[spmem:s1] =	stream.indirect.scatter.add.f32 [tilespmem:s12], [sflag:$0x6], $0x40, s11, s10, $0xb8;
	[tilespmem:$0x17160] =	vst v63  }
.Ltmp31:
0x381: {  	_ = 	snop;
	(pc) =	sbr.rel @!p0 .LBB2_56-.Ltmp31, $4  }
.Ltmp32:
0x382: {  	s0 =	simm.s32 $0x6;
	(pc) =	sbr.rel @p0 .LBB2_55-.Ltmp32, $4  }
0x383: {  	_ =	swait.ge [sflag:s0], $0x4000  }
0x384: {  	[sflag:s0] =	ssyncset.done $0x0  }
0x385: {  	[sflag:s0] =	ssyncadd.s32 $0xFFFFC000;
	s0 =	simm.s32 $0x5  }
0x386: {  	_ = 	snop  }
.LBB2_36:
0x387: {  	p0 =	slt.s32 s19, $0x1  }
.Ltmp33:
0x388: {  	_ = 	snop;
	(pc) =	sbr.rel @p0 .LBB2_40-.Ltmp33, $3  }
0x389: {  	_ =	sdelay $0x1  }
0x38a: {  	s21 =	rddreg [dreg:$0x4]  }
0x38b: {  	s22 =	rddreg [dreg:$0x5]  }
0x38c: {  	_ =	swait.ge [sflag:s9], $0x4000  }
0x38d: {  	[sflag:s9] =	ssyncset.done $0x0  }
0x38e: {  	s0 =	simm.s32 $0x2062;
	[sflag:s9] =	ssyncadd.s32 $0xFFFFC000  }
0x38f: {  	s8 =	simm.s32 $0x61E0;
	v20 =	vld.msk [tilespmem:s0+$0x1 ss:$0x0], $0xffff  }
0x390: {  	v23 =	vld [tilespmem:s8+$0x70]  }
0x391: {  	v21 =	vld.msk [tilespmem:s0+$0xFFFFFFFE ss:$0x0], $0xffff  }
0x392: {  	v25 =	vld.msk [tilespmem:s0+$0xFFFFFFFF ss:$0x0], $0xffff  }
0x393: {  	v24 =	vld [tilespmem:s8+$0xFFFFFF90]  }
0x394: {  	v26 =	vld [tilespmem:s8+$0xFFFFFFA0]  }
0x395: {  	v27 =	vld [tilespmem:s8+$0xFFFFFFB0]  }
0x396: {  	v29 =	vld [tilespmem:s8+$0xFFFFFFD0]  }
0x397: {  	v28 =	vld [tilespmem:s8+$0xFFFFFFC0]  }
0x398: {  	v22 =	vld.msk [tilespmem:s0+$0x0 ss:$0x0], $0xffff;
	v23 =	vmul.f32 v23, v20  }
0x399: {  	v30 =	vld [tilespmem:s8+$0xFFFFFFE0];
	v24 =	vmul.f32 v24, v21  }
0x39a: {  	[tilespmem:s8+$0x70] =	vst v23;
	v23 =	vmul.f32 v26, v21;
	v26 =	vld [tilespmem:s8+$0xFFFFFFF0]  }
0x39b: {  	v29 =	vmul.f32 v29, v25;
	[tilespmem:s8+$0xFFFFFF90] =	vst v24;
	v24 =	vmul.f32 v27, v21;
	v27 =	vld [tilespmem:s8+$0x0]  }
0x39c: {  	[tilespmem:s8+$0xFFFFFFA0] =	vst v23;
	v23 =	vmul.f32 v25, v28;
	v28 =	vld [tilespmem:s8+$0x10]  }
0x39d: {  	v31 =	vld [tilespmem:s8+$0x20];
	[tilespmem:s8+$0xFFFFFFD0] =	vst v29  }
0x39e: {  	v30 =	vmul.f32 v30, v25;
	[tilespmem:s8+$0xFFFFFFB0] =	vst v24;
	v24 =	vld [tilespmem:s8+$0x30]  }
0x39f: {  	[tilespmem:s8+$0xFFFFFFC0] =	vst v23;
	v23 =	vld [tilespmem:s8+$0x40];
	v26 =	vmul.f32 v26, v25  }
0x3a0: {  	[tilespmem:s8+$0xFFFFFFE0] =	vst v30;
	v29 =	vmul.f32 v22, v27;
	v25 =	vld [tilespmem:s8+$0x50]  }
0x3a1: {  	[tilespmem:s8+$0xFFFFFFF0] =	vst v26;
	v26 =	vld [tilespmem:s8+$0x60];
	v28 =	vmul.f32 v28, v22  }
0x3a2: {  	s2 =	simm.s32 $0x0;
	s20 =	simm.s32 $0x61E0;
	s0 =	simm.s32 $0x2066;
	v27 =	vld [tilespmem:s8+$0xFFFFFF80];
	[tilespmem:s8+$0x0] =	vst v29;
	v29 =	vmul.f32 v31, v22  }
.LBB2_38:
0x3a3: {  	v30 =	vld.msk [tilespmem:s0+$0x1 ss:$0x0], $0xffff;
	s2 =	sadd.s32 $0x4, s2;
	[tilespmem:s8+$0x10] =	vst v28;
	v22 =	vmul.f32 v24, v22;
	s20 =	sadd.s32 $0x100, s20  }
0x3a4: {  	v24 =	vld [tilespmem:s20+$0x70];
	p0 =	slt.u32 s2, $0xFC;
	[tilespmem:s8+$0x20] =	vst v29;
	v23 =	vmul.f32 v20, v23  }
0x3a5: {  	v28 =	vld.msk [tilespmem:s0+$0xFFFFFFFE ss:$0x0], $0xffff;
	[tilespmem:s8+$0x30] =	vst v22;
	v25 =	vmul.f32 v25, v20  }
0x3a6: {  	v29 =	vld.msk [tilespmem:s0+$0xFFFFFFFF ss:$0x0], $0xffff;
	[tilespmem:s8+$0x40] =	vst v23;
	v26 =	vmul.f32 v26, v20  }
0x3a7: {  	v22 =	vld.msk [tilespmem:s0+$0x0 ss:$0x0], $0xffff;
	v21 =	vmul.f32 v21, v27;
	[tilespmem:s8+$0x50] =	vst v25  }
0x3a8: {  	v23 =	vld [tilespmem:s20+$0xFFFFFF90];
	[tilespmem:s8+$0x60] =	vst v26  }
0x3a9: {  	v20 =	vmov v30;
	v25 =	vld [tilespmem:s20+$0xFFFFFFA0];
	v24 =	vmul.f32 v24, v30;
	[tilespmem:s8+$0xFFFFFF80] =	vst v21;
	s8 =	smov.u32 s20  }
0x3aa: {  	v26 =	vld [tilespmem:s20+$0xFFFFFFB0]  }
0x3ab: {  	v27 =	vld [tilespmem:s20+$0xFFFFFFC0];
	[tilespmem:s20+$0x70] =	vst v24;
	v21 =	vmov v28  }
0x3ac: {  	v24 =	vld [tilespmem:s20+$0xFFFFFFD0]  }
0x3ad: {  	v23 =	vmul.f32 v23, v21;
	v28 =	vld [tilespmem:s20+$0xFFFFFFE0]  }
0x3ae: {  	v25 =	vmul.f32 v25, v21;
	v30 =	vld [tilespmem:s20+$0xFFFFFFF0]  }
0x3af: {  	[tilespmem:s20+$0xFFFFFF90] =	vst v23;
	v23 =	vmul.f32 v26, v21;
	v26 =	vld [tilespmem:s20+$0x0]  }
0x3b0: {  	[tilespmem:s20+$0xFFFFFFA0] =	vst v25;
	v25 =	vmul.f32 v29, v27;
	v27 =	vld [tilespmem:s20+$0x10]  }
0x3b1: {  	[tilespmem:s20+$0xFFFFFFB0] =	vst v23;
	v23 =	vmul.f32 v24, v29;
	v31 =	vld [tilespmem:s20+$0x20]  }
.Ltmp34:
0x3b2: {  	[tilespmem:s20+$0xFFFFFFC0] =	vst v25;
	v25 =	vmul.f32 v28, v29;
	v24 =	vld [tilespmem:s20+$0x30];
	(pc) =	sbr.rel @p0 .LBB2_38-.Ltmp34, $4  }
0x3b3: {  	[tilespmem:s20+$0xFFFFFFD0] =	vst v23;
	v28 =	vmul.f32 v30, v29;
	v23 =	vld [tilespmem:s20+$0x40]  }
0x3b4: {  	[tilespmem:s20+$0xFFFFFFE0] =	vst v25;
	v29 =	vmul.f32 v22, v26;
	v25 =	vld [tilespmem:s20+$0x50]  }
0x3b5: {  	[tilespmem:s20+$0xFFFFFFF0] =	vst v28;
	v28 =	vmul.f32 v27, v22;
	v26 =	vld [tilespmem:s20+$0x60]  }
0x3b6: {  	s0 =	sadd.s32 $0x4, s0;
	v27 =	vld [tilespmem:s20+$0xFFFFFF80];
	[tilespmem:s20+$0x0] =	vst v29;
	v29 =	vmul.f32 v31, v22  }
0x3b7: {  	[tilespmem:s8+$0x10] =	vst v28;
	v22 =	vmul.f32 v24, v22  }
0x3b8: {  	[tilespmem:s8+$0x20] =	vst v29;
	v23 =	vmul.f32 v20, v23  }
0x3b9: {  	[tilespmem:s8+$0x30] =	vst v22;
	v63 =	vmul.f32 v25, v20  }
0x3ba: {  	[tilespmem:s8+$0x40] =	vst v23;
	v20 =	vmul.f32 v26, v20  }
0x3bb: {  	v21 =	vmul.f32 v21, v27;
	[tilespmem:s8+$0x50] =	vst v63  }
0x3bc: {  	p0 =	seq.s32 s19, $0x1;
	[tilespmem:s8+$0x60] =	vst v20  }
0x3bd: {  	s0 =	simm.s32 @!p0 $0x5;
	[tilespmem:s8+$0xFFFFFF80] =	vst v21  }
0x3be: {  	[spmem:s1] =	stream.indirect.scatter.add.f32 [tilespmem:s12], [sflag:$0x6], $0x40, s11, s10, $0xb8;
	[tilespmem:$0x17160] =	vst v63  }
0x3bf: {  	_ =	swait.ge @!p0 [sflag:s0], $0x4000  }
0x3c0: {  	[sflag:s0] =	ssyncset.done @!p0 $0x0  }
0x3c1: {  	[sflag:s0] =	ssyncadd.s32 @!p0 $0xFFFFC000  }
.LBB2_40:
0x3c2: {  	v20 =	vld [tilespmem:$0x1920]  }
0x3c3: {  	v21 =	vld [tilespmem:$0x1800]  }
0x3c4: {  	v22 =	vld [tilespmem:$0x1A40]  }
0x3c5: {  	v23 =	vld [tilespmem:$0x1930]  }
0x3c6: {  	v24 =	vld [tilespmem:$0x1810]  }
0x3c7: {  	v30 =	vld [tilespmem:$0x1940];
	[tilespmem:$0x1C60] =	vst v20  }
0x3c8: {  	v31 =	vld [tilespmem:$0x1820];
	[tilespmem:$0x1B60] =	vst v21  }
0x3c9: {  	v20 =	vld [tilespmem:$0x1A50];
	[tilespmem:$0x1D60] =	vst v22  }
0x3ca: {  	v32 =	vld [tilespmem:$0x1A60];
	[tilespmem:$0x1C70] =	vst v23  }
0x3cb: {  	v33 =	vld [tilespmem:$0x1950];
	[tilespmem:$0x1B70] =	vst v24  }
0x3cc: {  	v34 =	vld [tilespmem:$0x1A70];
	[tilespmem:$0x1C80] =	vst v30  }
0x3cd: {  	v35 =	vld [tilespmem:$0x1960];
	[tilespmem:$0x1B80] =	vst v31  }
0x3ce: {  	[tilespmem:$0x1D70] =	vst v20;
	v20 =	vld [tilespmem:$0x1830]  }
0x3cf: {  	v36 =	vld [tilespmem:$0x1840];
	[tilespmem:$0x1D80] =	vst v32  }
0x3d0: {  	v37 =	vld [tilespmem:$0x1A80];
	[tilespmem:$0x1C90] =	vst v33  }
0x3d1: {  	v38 =	vld [tilespmem:$0x1850];
	[tilespmem:$0x1D90] =	vst v34  }
0x3d2: {  	v39 =	vld [tilespmem:$0x1A90];
	[tilespmem:$0x1CA0] =	vst v35  }
0x3d3: {  	[tilespmem:$0x1B90] =	vst v20;
	v20 =	vld [tilespmem:$0x1970]  }
0x3d4: {  	v40 =	vld [tilespmem:$0x1980];
	[tilespmem:$0x1BA0] =	vst v36  }
0x3d5: {  	v41 =	vld [tilespmem:$0x1860];
	[tilespmem:$0x1DA0] =	vst v37  }
0x3d6: {  	v42 =	vld [tilespmem:$0x1990];
	[tilespmem:$0x1BB0] =	vst v38  }
0x3d7: {  	v43 =	vld [tilespmem:$0x1870];
	[tilespmem:$0x1DB0] =	vst v39  }
0x3d8: {  	[tilespmem:$0x1CB0] =	vst v20;
	v20 =	vld [tilespmem:$0x1AA0]  }
0x3d9: {  	v44 =	vld [tilespmem:$0x1AB0];
	[tilespmem:$0x1CC0] =	vst v40  }
0x3da: {  	v45 =	vld [tilespmem:$0x19A0];
	[tilespmem:$0x1BC0] =	vst v41  }
0x3db: {  	v46 =	vld [tilespmem:$0x1AC0];
	[tilespmem:$0x1CD0] =	vst v42  }
0x3dc: {  	v47 =	vld [tilespmem:$0x19B0];
	[tilespmem:$0x1BD0] =	vst v43  }
0x3dd: {  	[tilespmem:$0x1DC0] =	vst v20;
	v20 =	vld [tilespmem:$0x1880]  }
0x3de: {  	v48 =	vld [tilespmem:$0x1890];
	[tilespmem:$0x1DD0] =	vst v44  }
0x3df: {  	v49 =	vld [tilespmem:$0x1AD0];
	[tilespmem:$0x1CE0] =	vst v45  }
0x3e0: {  	v50 =	vld [tilespmem:$0x18A0];
	[tilespmem:$0x1DE0] =	vst v46  }
0x3e1: {  	v51 =	vld [tilespmem:$0x1AE0];
	[tilespmem:$0x1CF0] =	vst v47  }
0x3e2: {  	[tilespmem:$0x1BE0] =	vst v20;
	v20 =	vld [tilespmem:$0x19C0]  }
0x3e3: {  	v52 =	vld [tilespmem:$0x19D0];
	[tilespmem:$0x1BF0] =	vst v48  }
0x3e4: {  	v53 =	vld [tilespmem:$0x18B0];
	[tilespmem:$0x1DF0] =	vst v49  }
0x3e5: {  	v54 =	vld [tilespmem:$0x19E0];
	[tilespmem:$0x1C00] =	vst v50  }
0x3e6: {  	v55 =	vld [tilespmem:$0x18C0];
	[tilespmem:$0x1E00] =	vst v51  }
0x3e7: {  	[tilespmem:$0x1D00] =	vst v20;
	v20 =	vld [tilespmem:$0x1AF0]  }
0x3e8: {  	v56 =	vld [tilespmem:$0x1B00];
	[tilespmem:$0x1D10] =	vst v52  }
0x3e9: {  	v57 =	vld [tilespmem:$0x19F0];
	[tilespmem:$0x1C10] =	vst v53  }
0x3ea: {  	v58 =	vld [tilespmem:$0x1B10];
	[tilespmem:$0x1D20] =	vst v54  }
0x3eb: {  	v59 =	vld [tilespmem:$0x1A00];
	[tilespmem:$0x1C20] =	vst v55  }
0x3ec: {  	[tilespmem:$0x1E10] =	vst v20;
	v20 =	vld [tilespmem:$0x18D0]  }
0x3ed: {  	v60 =	vld [tilespmem:$0x18E0];
	[tilespmem:$0x1E20] =	vst v56  }
0x3ee: {  	v61 =	vld [tilespmem:$0x1B20];
	[tilespmem:$0x1D30] =	vst v57  }
0x3ef: {  	v62 =	vld [tilespmem:$0x18F0];
	[tilespmem:$0x1E30] =	vst v58  }
0x3f0: {  	v63 =	vld [tilespmem:$0x1B30];
	[tilespmem:$0x1D40] =	vst v59  }
0x3f1: {  	[tilespmem:$0x1C30] =	vst v20;
	v20 =	vld [tilespmem:$0x1A10]  }
0x3f2: {  	[tilespmem:$0x1C40] =	vst v60  }
.Ltmp35:
0x3f3: {  	[tilespmem:$0x1E40] =	vst v61;
	(pc) =	sbr.rel .LBB2_41-.Ltmp35, $4  }
0x3f4: {  	[tilespmem:$0x1C50] =	vst v62  }
0x3f5: {  	[tilespmem:$0x1E50] =	vst v63  }
0x3f6: {  	s8 =	sadd.s32 $0x1, s19;
	[tilespmem:$0x1D50] =	vst v20  }
0x3f7: {  	[tilespmem:s14], [sflag:$0x3] =	stream.indirect.gather [hbm4b:s7+s10], $0x40, s13, s10, $0xb8;
	[tilespmem:$0x17160] =	vst v63  }
.LBB2_50:
0x3f8: {  	s21 =	rddreg [dreg:$0x4]  }
.LBB2_41:
0x3f9: {  	p0 =	sgt.u32 s19, $0x7FFFFFFE  }
.Ltmp36:
0x3fa: {  	_ = 	snop;
	(pc) =	sbr.rel @p0 .LBB2_56-.Ltmp36, $1  }
0x3fb: {  	_ =	sdelay $0x3  }
0x3fc: {  	_ =	swait.ge [sflag:s15], $0x4000  }
0x3fd: {  	[sflag:s15] =	ssyncset.done $0x0  }
0x3fe: {  	s0 =	simm.s32 $0x1D62;
	[sflag:s15] =	ssyncadd.s32 $0xFFFFC000  }
0x3ff: {  	s19 =	simm.s32 $0x21E0;
	v20 =	vld.msk [tilespmem:s0+$0x1 ss:$0x0], $0xffff  }
0x400: {  	v23 =	vld [tilespmem:s19+$0x70]  }
0x401: {  	v21 =	vld.msk [tilespmem:s0+$0xFFFFFFFE ss:$0x0], $0xffff  }
0x402: {  	v25 =	vld.msk [tilespmem:s0+$0xFFFFFFFF ss:$0x0], $0xffff  }
0x403: {  	v24 =	vld [tilespmem:s19+$0xFFFFFF90]  }
0x404: {  	v26 =	vld [tilespmem:s19+$0xFFFFFFA0]  }
0x405: {  	v27 =	vld [tilespmem:s19+$0xFFFFFFB0]  }
0x406: {  	v29 =	vld [tilespmem:s19+$0xFFFFFFD0]  }
0x407: {  	v28 =	vld [tilespmem:s19+$0xFFFFFFC0]  }
0x408: {  	v22 =	vld.msk [tilespmem:s0+$0x0 ss:$0x0], $0xffff;
	v23 =	vmul.f32 v23, v20  }
0x409: {  	v30 =	vld [tilespmem:s19+$0xFFFFFFE0];
	v24 =	vmul.f32 v24, v21  }
0x40a: {  	[tilespmem:s19+$0x70] =	vst v23;
	v23 =	vmul.f32 v26, v21;
	v26 =	vld [tilespmem:s19+$0xFFFFFFF0]  }
0x40b: {  	v29 =	vmul.f32 v29, v25;
	[tilespmem:s19+$0xFFFFFF90] =	vst v24;
	v24 =	vmul.f32 v27, v21;
	v27 =	vld [tilespmem:s19+$0x0]  }
0x40c: {  	[tilespmem:s19+$0xFFFFFFA0] =	vst v23;
	v23 =	vmul.f32 v25, v28;
	v28 =	vld [tilespmem:s19+$0x10]  }
0x40d: {  	v31 =	vld [tilespmem:s19+$0x20];
	[tilespmem:s19+$0xFFFFFFD0] =	vst v29  }
0x40e: {  	v30 =	vmul.f32 v30, v25;
	[tilespmem:s19+$0xFFFFFFB0] =	vst v24;
	v24 =	vld [tilespmem:s19+$0x30]  }
0x40f: {  	[tilespmem:s19+$0xFFFFFFC0] =	vst v23;
	v23 =	vld [tilespmem:s19+$0x40];
	v26 =	vmul.f32 v26, v25  }
0x410: {  	[tilespmem:s19+$0xFFFFFFE0] =	vst v30;
	v29 =	vmul.f32 v22, v27;
	v25 =	vld [tilespmem:s19+$0x50]  }
0x411: {  	[tilespmem:s19+$0xFFFFFFF0] =	vst v26;
	v26 =	vld [tilespmem:s19+$0x60];
	v28 =	vmul.f32 v28, v22  }
0x412: {  	s2 =	simm.s32 $0x0;
	s20 =	simm.s32 $0x21E0;
	s0 =	simm.s32 $0x1D66;
	v27 =	vld [tilespmem:s19+$0xFFFFFF80];
	[tilespmem:s19+$0x0] =	vst v29;
	v29 =	vmul.f32 v31, v22  }
.LBB2_43:
0x413: {  	v30 =	vld.msk [tilespmem:s0+$0x1 ss:$0x0], $0xffff;
	s2 =	sadd.s32 $0x4, s2;
	[tilespmem:s19+$0x10] =	vst v28;
	v22 =	vmul.f32 v24, v22;
	s20 =	sadd.s32 $0x100, s20  }
0x414: {  	v24 =	vld [tilespmem:s20+$0x70];
	p0 =	slt.u32 s2, $0xFC;
	[tilespmem:s19+$0x20] =	vst v29;
	v23 =	vmul.f32 v20, v23  }
0x415: {  	v28 =	vld.msk [tilespmem:s0+$0xFFFFFFFE ss:$0x0], $0xffff;
	[tilespmem:s19+$0x30] =	vst v22;
	v25 =	vmul.f32 v25, v20  }
0x416: {  	v29 =	vld.msk [tilespmem:s0+$0xFFFFFFFF ss:$0x0], $0xffff;
	[tilespmem:s19+$0x40] =	vst v23;
	v26 =	vmul.f32 v26, v20  }
0x417: {  	v22 =	vld.msk [tilespmem:s0+$0x0 ss:$0x0], $0xffff;
	v21 =	vmul.f32 v21, v27;
	[tilespmem:s19+$0x50] =	vst v25  }
0x418: {  	v23 =	vld [tilespmem:s20+$0xFFFFFF90];
	[tilespmem:s19+$0x60] =	vst v26  }
0x419: {  	v20 =	vmov v30;
	v25 =	vld [tilespmem:s20+$0xFFFFFFA0];
	v24 =	vmul.f32 v24, v30;
	[tilespmem:s19+$0xFFFFFF80] =	vst v21;
	s19 =	smov.u32 s20  }
0x41a: {  	v26 =	vld [tilespmem:s20+$0xFFFFFFB0]  }
0x41b: {  	v27 =	vld [tilespmem:s20+$0xFFFFFFC0];
	[tilespmem:s20+$0x70] =	vst v24;
	v21 =	vmov v28  }
0x41c: {  	v24 =	vld [tilespmem:s20+$0xFFFFFFD0]  }
0x41d: {  	v23 =	vmul.f32 v23, v21;
	v28 =	vld [tilespmem:s20+$0xFFFFFFE0]  }
0x41e: {  	v25 =	vmul.f32 v25, v21;
	v30 =	vld [tilespmem:s20+$0xFFFFFFF0]  }
0x41f: {  	[tilespmem:s20+$0xFFFFFF90] =	vst v23;
	v23 =	vmul.f32 v26, v21;
	v26 =	vld [tilespmem:s20+$0x0]  }
0x420: {  	[tilespmem:s20+$0xFFFFFFA0] =	vst v25;
	v25 =	vmul.f32 v29, v27;
	v27 =	vld [tilespmem:s20+$0x10]  }
0x421: {  	[tilespmem:s20+$0xFFFFFFB0] =	vst v23;
	v23 =	vmul.f32 v24, v29;
	v31 =	vld [tilespmem:s20+$0x20]  }
.Ltmp37:
0x422: {  	[tilespmem:s20+$0xFFFFFFC0] =	vst v25;
	v25 =	vmul.f32 v28, v29;
	v24 =	vld [tilespmem:s20+$0x30];
	(pc) =	sbr.rel @p0 .LBB2_43-.Ltmp37, $4  }
0x423: {  	[tilespmem:s20+$0xFFFFFFD0] =	vst v23;
	v28 =	vmul.f32 v30, v29;
	v23 =	vld [tilespmem:s20+$0x40]  }
0x424: {  	[tilespmem:s20+$0xFFFFFFE0] =	vst v25;
	v29 =	vmul.f32 v22, v26;
	v25 =	vld [tilespmem:s20+$0x50]  }
0x425: {  	[tilespmem:s20+$0xFFFFFFF0] =	vst v28;
	v28 =	vmul.f32 v27, v22;
	v26 =	vld [tilespmem:s20+$0x60]  }
0x426: {  	s0 =	sadd.s32 $0x4, s0;
	v27 =	vld [tilespmem:s20+$0xFFFFFF80];
	[tilespmem:s20+$0x0] =	vst v29;
	v29 =	vmul.f32 v31, v22  }
0x427: {  	[tilespmem:s19+$0x10] =	vst v28;
	v22 =	vmul.f32 v24, v22  }
0x428: {  	[tilespmem:s19+$0x20] =	vst v29;
	v23 =	vmul.f32 v20, v23  }
0x429: {  	[tilespmem:s19+$0x30] =	vst v22;
	v63 =	vmul.f32 v25, v20  }
0x42a: {  	[tilespmem:s19+$0x40] =	vst v23;
	v20 =	vmul.f32 v26, v20  }
0x42b: {  	v21 =	vmul.f32 v21, v27;
	[tilespmem:s19+$0x50] =	vst v63  }
0x42c: {  	[tilespmem:s19+$0x60] =	vst v20  }
0x42d: {  	p0 =	slt.s32 s8, $0x2;
	[tilespmem:s19+$0xFFFFFF80] =	vst v21  }
0x42e: {  	[spmem:s1] =	stream.indirect.scatter.add.f32 [tilespmem:s14], [sflag:$0x5], $0x40, s16, s10, $0xb8;
	[tilespmem:$0x17160] =	vst v63  }
.Ltmp38:
0x42f: {  	_ = 	snop;
	(pc) =	sbr.rel @p0 .LBB2_56-.Ltmp38, $4  }
.Ltmp39:
0x430: {  	s0 =	simm.s32 $0x5;
	(pc) =	sbr.rel @!p0 .LBB2_55-.Ltmp39, $4  }
0x431: {  	_ =	swait.ge [sflag:s0], $0x4000  }
0x432: {  	[sflag:s0] =	ssyncset.done $0x0  }
0x433: {  	[sflag:s0] =	ssyncadd.s32 $0xFFFFC000;
	s0 =	simm.s32 $0x6  }
0x434: {  	_ = 	snop  }
.LBB2_57:
0x435: {  	_ =	sfence.sel $0x180000  }
0x436: {  	[bflag:$0x0] =	sbarrier.arrive $0xFFFF  }
0x437: {  	_ =	strace $0x90000047  }
0x438: {  	s0 =	stileid.u32;
	[bflag:$0x2] =	sbarrier.arrive $0xFFFF  }
0x439: {  	p0 =	sne.s32 s0, $0x0;
	s0 =	rddreg [dreg:$0x3]  }
0x43a: {  	s0 =	sadd.s32 @!p0 $0x100000, s0  }
0x43b: {  	[sflag:s0] =	ssyncadd.tile.s32 @!p0 $0x1;
	_ =	shalt  }
.Lfunc_end2:
_tile_overlayer_lowered:
.L_overlay_start_2:
0x43c: {  	(tag) =	ssettag $0x2  }
0x43d: {  	s0 =	rddreg [dreg:$0x0];
	s2 =	stileid.u32  }
0x43e: {  	s1 =	rddreg [dreg:$0x1];
	p0 =	sne.s32 s2, $0x0  }
0x43f: {  	s3 =	rddreg [dreg:$0x2];
	[bflag:$0x3] =	sbarrier.arrive $0xFFFF;
	s2 =	simm.s32 @!p0 $0x1C07  }
0x440: {  	[timem:s3], [sflag:s2] =	dma.local @!p0 [hbm:s0], s1  }
0x441: {  	s0 =	simm.s32 @!p0 $0x7  }
0x442: {  	_ =	swait.ge @!p0 [sflag:s0], s1  }
0x443: {  	s1 =	ssub.s32 @!p0 $0x0, s1;
	[sflag:s0] =	ssyncset.done @!p0 $0x0  }
0x444: {  	[sflag:s0] =	ssyncadd.s32 @!p0 s1  }
0x445: {  	[bflag:$0x3] =	sbarrier.arrive $0xFFFF  }
0x446: {  	_ =	shalt  }

</sc_bundles>
